<compile_context>
chip_gen: v7x
topology: tpu7x:2x2x1
jax: 0.10.2.dev20260603
libtpu: 0.0.44.dev20260713+nightly
codegen_flags: <defaults>
</compile_context>

<pallas_src>
import functools

import jax
import jax.numpy as jnp
from jax import lax
from jax.experimental import pallas as pl
from jax.experimental.pallas import tpu as pltpu
from jax.experimental.pallas import tpu_sc as plsc

N = 10000
E = 320000
D_IN = 128
D_OUT = 64
DH = D_OUT // 2

NP = 10240
NTILES = 16
NSC = 2
CHUNK = 128
NCH = 160
EPT = NCH * CHUNK
EPS = EPT * NTILES
ROWS_PER_TILE = NP // NTILES
NBUF = 5

_MESH = plsc.VectorSubcoreMesh(core_axis_name="c", subcore_axis_name="s")


@functools.partial(
    pl.kernel,
    out_type=jax.ShapeDtypeStruct((NSC * NTILES, NP), jnp.float32),
    mesh=_MESH,
    scratch_types=[
        pltpu.VMEM((EPT,), jnp.int32),
        pltpu.VMEM((NP,), jnp.float32),
    ],
    compiler_params=pltpu.CompilerParams(needs_layout_passes=False),
)
def _deg_kernel(dst_hbm, deg_out, idx_v, deg_v):
    c = lax.axis_index("c").astype(jnp.int32)
    s = lax.axis_index("s").astype(jnp.int32)
    wid = c * jnp.int32(NTILES) + s
    pltpu.sync_copy(dst_hbm.at[wid], idx_v)

    zeros16 = jnp.zeros((16,), jnp.float32)

    @pl.loop(jnp.int32(0), jnp.int32(NP // 16))
    def _zero(i):
        deg_v[pl.ds(pl.multiple_of(i * 16, 16), 16)] = zeros16

    ones16 = jnp.ones((16,), jnp.float32)

    @pl.loop(jnp.int32(0), jnp.int32(EPT // 64))
    def _count(i):
        for j in range(4):
            idx = idx_v[pl.ds(pl.multiple_of(i * 64 + j * 16, 16), 16)]
            plsc.addupdate_scatter(deg_v, [idx], ones16)

    pltpu.sync_copy(deg_v, deg_out.at[wid])


@functools.partial(
    pl.kernel,
    out_type=jax.ShapeDtypeStruct((NSC * 2 * NP, DH), jnp.float32),
    mesh=_MESH,
    scratch_types=[
        pltpu.VMEM((NCH, CHUNK), jnp.int32),
        pltpu.VMEM((NCH, CHUNK), jnp.int32),
        [pltpu.VMEM((CHUNK, DH), jnp.float32) for _ in range(NBUF)],
        pltpu.VMEM((ROWS_PER_TILE, DH), jnp.float32),
        pltpu.VMEM((2, DH), jnp.float32),
        pltpu.VMEM_SHARED((NP, DH), jnp.float32),
        pltpu.VMEM_SHARED((NP, DH), jnp.float32),
        [pltpu.SemaphoreType.DMA for _ in range(NBUF)],
        [pltpu.SemaphoreType.DMA for _ in range(NBUF)],
    ],
    compiler_params=pltpu.CompilerParams(use_tc_tiling_on_sc=False),
)
def _scatter_kernel(hn_hbm, src_hbm, dst_hbm, dinvb_hbm, bias_hbm, s_out,
                    src_v, dst_v, bufs, dinvb_v, bias_v,
                    s_sh, hn_sh, gsems, ssems):
    c = lax.axis_index("c").astype(jnp.int32)
    s = lax.axis_index("s").astype(jnp.int32)
    wid = c * jnp.int32(NTILES) + s
    tile0 = pl.multiple_of(s * jnp.int32(ROWS_PER_TILE), CHUNK)

    pltpu.sync_copy(src_hbm.at[wid], src_v)
    pltpu.sync_copy(dst_hbm.at[wid], dst_v)
    pltpu.sync_copy(dinvb_hbm.at[pl.ds(c * jnp.int32(NP) + tile0,
                                       ROWS_PER_TILE)], dinvb_v)
    pltpu.sync_copy(bias_hbm, bias_v)

    zeros16 = jnp.zeros((16,), jnp.float32)

    def _gather(ch, b):
        return pltpu.make_async_copy(hn_sh.at[src_v.at[ch]], bufs[b], gsems[b])

    def _scat(ch, b):
        return pltpu.make_async_copy(bufs[b], s_sh.at[dst_v.at[ch]], ssems[b])

    for half in range(2):
        @pl.loop(jnp.int32(0), jnp.int32(CHUNK))
        def _zrow(i):
            for j in range(DH // 16):
                bufs[0][i, pl.ds(j * 16, 16)] = zeros16

        half_base = pl.multiple_of((c * jnp.int32(2) + jnp.int32(half))
                                   * jnp.int32(NP) + tile0, CHUNK)
        pltpu.sync_copy(hn_hbm.at[pl.ds(half_base, ROWS_PER_TILE)],
                        hn_sh.at[pl.ds(tile0, ROWS_PER_TILE)])
        for k in range(ROWS_PER_TILE // CHUNK):
            row0 = pl.multiple_of(tile0 + jnp.int32(k * CHUNK), CHUNK)
            pltpu.sync_copy(bufs[0], s_sh.at[pl.ds(row0, CHUNK)])

        plsc.subcore_barrier()

        for b in range(NBUF):
            _gather(jnp.int32(b), b).start()

        @pl.loop(jnp.int32(0), jnp.int32(NCH), step=jnp.int32(NBUF))
        def _main(g0):
            for b in range(NBUF):
                ch = g0 + b
                _gather(ch, b).wait()
                pltpu.async_copy(bufs[b], s_sh.at[dst_v.at[ch]], ssems[b],
                                 add=True)
                nxt = ch + NBUF

                @pl.when(nxt < NCH)
                def _start_next():
                    _scat(ch, b).wait()
                    _gather(nxt, b).start()

            @pl.when(g0 + jnp.int32(NBUF) >= jnp.int32(NCH))
            def _drain():
                for b in range(NBUF):
                    _scat(g0 + b, b).wait()

        plsc.subcore_barrier()

        for k in range(ROWS_PER_TILE // CHUNK):
            blk = pl.ds(tile0 + jnp.int32(k * CHUNK), CHUNK)
            pltpu.sync_copy(s_sh.at[blk], bufs[1])
            pltpu.sync_copy(hn_sh.at[blk], bufs[3])

            @pl.loop(jnp.int32(0), jnp.int32(CHUNK))
            def _fin(i):
                row = jnp.int32(k * CHUNK) + i
                for j in range(DH // 16):
                    sv = bufs[1][i, pl.ds(j * 16, 16)]
                    hv = bufs[3][i, pl.ds(j * 16, 16)]
                    dv = dinvb_v[row, pl.ds(j * 16, 16)]
                    bv = bias_v[half, pl.ds(j * 16, 16)]
                    bufs[2][i, pl.ds(j * 16, 16)] = dv * (sv + hv) + bv

            pltpu.sync_copy(
                bufs[2],
                s_out.at[pl.ds(half_base + jnp.int32(k * CHUNK), CHUNK)])

        if half == 0:
            plsc.subcore_barrier()


def _tc1a_body(x_ref, w_ref, h_ref):
    h_ref[...] = jnp.dot(x_ref[...], w_ref[...],
                         preferred_element_type=jnp.float32)


def _tc1a(x_pad, w):
    return pl.pallas_call(
        _tc1a_body,
        out_shape=jax.ShapeDtypeStruct((NP, D_OUT), jnp.float32),
    )(x_pad, w)


def _tc1b_body(h_ref, deg_ref, hn_ref, dinvb_ref):
    h = h_ref[...]
    deg = deg_ref[...].reshape(NSC, NTILES, NP).sum(axis=1) + 1.0
    rows = lax.broadcasted_iota(jnp.int32, (NSC, NP), 1)
    dinv = jnp.where(rows < N, lax.rsqrt(deg), 0.0)
    for e in range(NSC):
        dinvb_ref[e * NP:(e + 1) * NP, :] = jnp.broadcast_to(
            dinv[e][:, None], (NP, DH))
        hne = h * dinv[e][:, None]
        for q in range(2):
            base = (e * 2 + q) * NP
            hn_ref[base:base + NP, :] = hne[:, q * DH:(q + 1) * DH]


def _tc1b(h, deg_parts):
    return pl.pallas_call(
        _tc1b_body,
        out_shape=(
            jax.ShapeDtypeStruct((NSC * 2 * NP, DH), jnp.float32),
            jax.ShapeDtypeStruct((NSC * NP, DH), jnp.float32),
        ),
    )(h, deg_parts)


def kernel(x, edges, W, b):
    e32 = edges.astype(jnp.int32)
    src = e32[:, 0, :]
    dst = e32[:, 1, :]

    pad = EPS - E
    srcp = jnp.pad(src, ((0, 0), (0, pad))).reshape(NSC * NTILES, NCH, CHUNK)
    dstp = jnp.pad(dst, ((0, 0), (0, pad)), constant_values=NP - 1)
    dstp = dstp.reshape(NSC * NTILES, NCH, CHUNK)

    x_pad = jnp.pad(x, ((0, NP - N), (0, 0)))
    h = _tc1a(x_pad, W)
    deg_parts = _deg_kernel(dstp.reshape(NSC * NTILES, EPT))
    hn, dinvb = _tc1b(h, deg_parts)

    o_halves = _scatter_kernel(hn, srcp, dstp, dinvb,
                               b.astype(jnp.float32).reshape(2, DH))
    o = o_halves.reshape(NSC * 2, NP, DH)
    return jnp.concatenate([o[0], o[1], o[2], o[3]], axis=1)[:N]

# --- scband reference (transcript-rebuilt; emitter-appended) ---
"""Pipeline reference for scband-two-gnn-2791728742616 (READ-ONLY COPY).

The authoritative reference and input builder live on the scoring server;
editing this copy changes nothing except your own understanding.
"""

import jax
jax.config.update("jax_enable_x64", True)
import jax.numpy as jnp
import numpy as np

N = 10000
E = 320000
D_IN = 128
D_OUT = 64  # output_size // 2


def setup_inputs(seed: int = 0) -> dict:
    key = jax.random.key(seed)
    k1, k2, k3, k4 = jax.random.split(key, 4)
    x = jax.random.normal(k1, (N, D_IN), dtype=jnp.float32)
    # edges[0] and edges[1] are two independent edge_index tensors of shape [2, E]
    edges = jax.random.randint(k2, (2, 2, E), 0, N, dtype=jnp.int64)
    # GCNConv learned parameters (glorot-style weight, zero bias like PyG defaults)
    limit = float(np.sqrt(6.0 / (D_IN + D_OUT)))
    W = jax.random.uniform(k3, (D_IN, D_OUT), dtype=jnp.float32, minval=-limit, maxval=limit)
    b = jnp.zeros((D_OUT,), dtype=jnp.float32)
    return {"x": x, "edges": edges, "W": W, "b": b}


def gcn_conv(x, edge_index, W, b):
    # Faithful GCNConv: add self-loops, symmetric D^{-1/2}(A+I)D^{-1/2} normalization,
    # linear transform, scatter-add aggregation at destination nodes, plus bias.
    n = x.shape[0]
    loop = jnp.arange(n, dtype=edge_index.dtype)
    src = jnp.concatenate([edge_index[0], loop])
    dst = jnp.concatenate([edge_index[1], loop])
    deg = jnp.zeros((n,), dtype=x.dtype).at[dst].add(jnp.ones_like(src, dtype=x.dtype))
    dinv = jnp.where(deg > 0, jax.lax.rsqrt(deg), 0.0)
    norm = dinv[src] * dinv[dst]
    h = x @ W
    msg = jnp.take(h, src, axis=0) * norm[:, None]
    out = jnp.zeros((n, W.shape[1]), dtype=x.dtype).at[dst].add(msg)
    return out + b


def reference(x, edges, W, b):
    # TwoGNN.forward: args[0] is a plain tensor -> x tuple becomes (x, x);
    # edges has len 2 -> edges[0], edges[1] are two edge_index tensors.
    out0 = gcn_conv(x, edges[0], W, b)
    out1 = gcn_conv(x, edges[1], W, b)
    return jnp.concatenate((out0, out1), axis=1)

if __name__ == "__main__":
    import jax
    _d = setup_inputs()
    print(jax.jit(kernel)(*tuple(_d.values())))

</pallas_src>

<mosaic_0001>
#map = affine_map<(d0, d1) -> (0, 0)>
module attributes {stable_mosaic.version = 14 : i64} {
  func.func @_deg_kernel(%arg0: i32, %arg1: i32, %arg2: memref<32x20480xi32, #tpu.memory_space<hbm>>, %arg3: memref<32x10240xf32, #tpu.memory_space<hbm>>, %arg4: memref<20480xi32, #tpu.memory_space<vmem>>, %arg5: memref<10240xf32, #tpu.memory_space<vmem>>) attributes {dimension_semantics = [#tpu.dimension_semantics<core_parallel>, #tpu.dimension_semantics<subcore_parallel>], iteration_bounds = array<i64: 2, 16>, scalar_prefetch = 0 : i64, scratch_operands = 2 : i64, tpu.core_type = #tpu.core_type<sc_vector_subcore>, window_params = [{transform_indices = #map}, {transform_indices = #map}]} {
    %mul3A = arith.constant 16 : i32
    %mul3A_0 = arith.muli %arg0, %mul3A : i32
    %add3A = arith.addi %mul3A_0, %arg1 : i32
    "tpu.region"() ({
      %run_scoped3A = tpu.sem_alloc : memref<!tpu.dma_semaphore, #tpu.memory_space<semaphore_mem>>
      %dma_start3A = arith.constant 0 : i32
      %dma_start3A_41 = tpu.memref_slice %arg2[%add3A, %dma_start3A] : memref<32x20480xi32, #tpu.memory_space<hbm>> -> memref<1x20480xi32, #tpu.memory_space<hbm>>
      %dma_start3A_42 = tpu.memref_squeeze %dma_start3A_41 : memref<1x20480xi32, #tpu.memory_space<hbm>> -> memref<20480xi32, #tpu.memory_space<hbm>>
      %dma_start3A_43 = arith.constant 0 : i32
      %dma_start3A_44 = tpu.memref_slice %arg2[%add3A, %dma_start3A_43] : memref<32x20480xi32, #tpu.memory_space<hbm>> -> memref<1x20480xi32, #tpu.memory_space<hbm>>
      %dma_start3A_45 = tpu.memref_squeeze %dma_start3A_44 : memref<1x20480xi32, #tpu.memory_space<hbm>> -> memref<20480xi32, #tpu.memory_space<hbm>>
      tpu.enqueue_dma source(%dma_start3A_45 : memref<20480xi32, #tpu.memory_space<hbm>>) target(%arg4 : memref<20480xi32, #tpu.memory_space<vmem>>) target_semaphore(%run_scoped3A : memref<!tpu.dma_semaphore, #tpu.memory_space<semaphore_mem>>)
      %dma_wait3A = arith.constant 0 : i32
      %dma_wait3A_46 = tpu.memref_slice %arg2[%add3A, %dma_wait3A] : memref<32x20480xi32, #tpu.memory_space<hbm>> -> memref<1x20480xi32, #tpu.memory_space<hbm>>
      %dma_wait3A_47 = tpu.memref_squeeze %dma_wait3A_46 : memref<1x20480xi32, #tpu.memory_space<hbm>> -> memref<20480xi32, #tpu.memory_space<hbm>>
      %dma_wait3A_48 = arith.constant 0 : i32
      %dma_wait3A_49 = tpu.memref_slice %arg2[%add3A, %dma_wait3A_48] : memref<32x20480xi32, #tpu.memory_space<hbm>> -> memref<1x20480xi32, #tpu.memory_space<hbm>>
      %dma_wait3A_50 = tpu.memref_squeeze %dma_wait3A_49 : memref<1x20480xi32, #tpu.memory_space<hbm>> -> memref<20480xi32, #tpu.memory_space<hbm>>
      tpu.wait_dma2 semaphore(%run_scoped3A : memref<!tpu.dma_semaphore, #tpu.memory_space<semaphore_mem>>) src(%dma_wait3A_50 : memref<20480xi32, #tpu.memory_space<hbm>>) dst(%arg4 : memref<20480xi32, #tpu.memory_space<vmem>>)
      tpu.yield
    }) : () -> ()
    %broadcast_in_dim3A = arith.constant 0.000000e+00 : f32
    %broadcast_in_dim3A_1 = vector.broadcast %broadcast_in_dim3A : f32 to vector<16xf32>
    %sub3A = arith.constant 640 : i32
    %sub3A_2 = arith.constant 0 : i32
    %sub3A_3 = arith.subi %sub3A, %sub3A_2 : i32
    %sub3A_4 = arith.constant 1 : i32
    %sub3A_5 = arith.constant 1 : i32
    %sub3A_6 = arith.subi %sub3A_4, %sub3A_5 : i32
    %add3A_7 = arith.addi %sub3A_3, %sub3A_6 : i32
    %div3A = arith.constant 1 : i32
    %div3A_8 = arith.divsi %add3A_7, %div3A : i32
    %while3A = arith.constant 1 : i32
    %while3A_9 = arith.constant 0 : i32
    %while3A_10 = arith.constant 0 : i32
    %while3A_11 = arith.subi %div3A_8, %while3A_10 : i32
    %while3A_12 = arith.addi %while3A_10, %while3A_11 : i32
    %while3A_13 = arith.constant 1 : i32
    %while3A_14 = arith.divsi %while3A_11, %while3A_13 : i32
    %while3A_15 = arith.muli %while3A_14, %while3A_13 : i32
    %while3A_16 = arith.addi %while3A_10, %while3A_15 : i32
    %while3A_17 = arith.constant 1 : i32
    scf.for %while3A_41 = %while3A_10 to %while3A_16 step %while3A_17  : i32 {
      %mul3A_42 = arith.muli %while3A_41, %while3A : i32
      %add3A_43 = arith.addi %while3A_9, %mul3A_42 : i32
      %mul3A_44 = arith.constant 16 : i32
      %mul3A_45 = arith.muli %add3A_43, %mul3A_44 : i32
      %multiple_of3A = tpu.assume_multiple %mul3A_45, 16 : i32
      %swap3A = arith.index_cast %multiple_of3A : i32 to index
      %swap3A_46 = tpu.vector_load %arg5[%swap3A] {strides = array<i32>} : memref<10240xf32, #tpu.memory_space<vmem>>, vector<16xf32>,
      tpu.vector_store %arg5[%swap3A], %broadcast_in_dim3A_1 {strides = array<i32>} : memref<10240xf32, #tpu.memory_space<vmem>>, vector<16xf32>,
    }
    %while3A_18 = arith.constant 1 : i32
    scf.for %while3A_41 = %while3A_16 to %while3A_12 step %while3A_18  : i32 {
      %mul3A_42 = arith.muli %while3A_41, %while3A : i32
      %add3A_43 = arith.addi %while3A_9, %mul3A_42 : i32
      %mul3A_44 = arith.constant 16 : i32
      %mul3A_45 = arith.muli %add3A_43, %mul3A_44 : i32
      %multiple_of3A = tpu.assume_multiple %mul3A_45, 16 : i32
      %swap3A = arith.index_cast %multiple_of3A : i32 to index
      %swap3A_46 = tpu.vector_load %arg5[%swap3A] {strides = array<i32>} : memref<10240xf32, #tpu.memory_space<vmem>>, vector<16xf32>,
      tpu.vector_store %arg5[%swap3A], %broadcast_in_dim3A_1 {strides = array<i32>} : memref<10240xf32, #tpu.memory_space<vmem>>, vector<16xf32>,
    }
    %broadcast_in_dim3A_19 = arith.constant 1.000000e+00 : f32
    %broadcast_in_dim3A_20 = vector.broadcast %broadcast_in_dim3A_19 : f32 to vector<16xf32>
    %sub3A_21 = arith.constant 320 : i32
    %sub3A_22 = arith.constant 0 : i32
    %sub3A_23 = arith.subi %sub3A_21, %sub3A_22 : i32
    %sub3A_24 = arith.constant 1 : i32
    %sub3A_25 = arith.constant 1 : i32
    %sub3A_26 = arith.subi %sub3A_24, %sub3A_25 : i32
    %add3A_27 = arith.addi %sub3A_23, %sub3A_26 : i32
    %div3A_28 = arith.constant 1 : i32
    %div3A_29 = arith.divsi %add3A_27, %div3A_28 : i32
    %while3A_30 = arith.constant 1 : i32
    %while3A_31 = arith.constant 0 : i32
    %while3A_32 = arith.constant 0 : i32
    %while3A_33 = arith.subi %div3A_29, %while3A_32 : i32
    %while3A_34 = arith.addi %while3A_32, %while3A_33 : i32
    %while3A_35 = arith.constant 1 : i32
    %while3A_36 = arith.divsi %while3A_33, %while3A_35 : i32
    %while3A_37 = arith.muli %while3A_36, %while3A_35 : i32
    %while3A_38 = arith.addi %while3A_32, %while3A_37 : i32
    %while3A_39 = arith.constant 1 : i32
    scf.for %while3A_41 = %while3A_32 to %while3A_38 step %while3A_39  : i32 {
      %mul3A_42 = arith.muli %while3A_41, %while3A_30 : i32
      %add3A_43 = arith.addi %while3A_31, %mul3A_42 : i32
      %mul3A_44 = arith.constant 64 : i32
      %mul3A_45 = arith.muli %add3A_43, %mul3A_44 : i32
      %add3A_46 = arith.constant 0 : i32
      %add3A_47 = arith.addi %mul3A_45, %add3A_46 : i32
      %multiple_of3A = tpu.assume_multiple %add3A_47, 16 : i32
      %get3A = arith.index_cast %multiple_of3A : i32 to index
      %get3A_48 = tpu.vector_load %arg4[%get3A] {strides = array<i32>} : memref<20480xi32, #tpu.memory_space<vmem>>, vector<16xi32>,
      tpu.vector_store_idx %arg5[%get3A_48], %broadcast_in_dim3A_20 {add = true} : memref<10240xf32, #tpu.memory_space<vmem>>[vector<16xi32>], vector<16xf32>,
      %mul3A_49 = arith.constant 64 : i32
      %mul3A_50 = arith.muli %add3A_43, %mul3A_49 : i32
      %add3A_51 = arith.constant 16 : i32
      %add3A_52 = arith.addi %mul3A_50, %add3A_51 : i32
      %multiple_of3A_53 = tpu.assume_multiple %add3A_52, 16 : i32
      %get3A_54 = arith.index_cast %multiple_of3A_53 : i32 to index
      %get3A_55 = tpu.vector_load %arg4[%get3A_54] {strides = array<i32>} : memref<20480xi32, #tpu.memory_space<vmem>>, vector<16xi32>,
      tpu.vector_store_idx %arg5[%get3A_55], %broadcast_in_dim3A_20 {add = true} : memref<10240xf32, #tpu.memory_space<vmem>>[vector<16xi32>], vector<16xf32>,
      %mul3A_56 = arith.constant 64 : i32
      %mul3A_57 = arith.muli %add3A_43, %mul3A_56 : i32
      %add3A_58 = arith.constant 32 : i32
      %add3A_59 = arith.addi %mul3A_57, %add3A_58 : i32
      %multiple_of3A_60 = tpu.assume_multiple %add3A_59, 16 : i32
      %get3A_61 = arith.index_cast %multiple_of3A_60 : i32 to index
      %get3A_62 = tpu.vector_load %arg4[%get3A_61] {strides = array<i32>} : memref<20480xi32, #tpu.memory_space<vmem>>, vector<16xi32>,
      tpu.vector_store_idx %arg5[%get3A_62], %broadcast_in_dim3A_20 {add = true} : memref<10240xf32, #tpu.memory_space<vmem>>[vector<16xi32>], vector<16xf32>,
      %mul3A_63 = arith.constant 64 : i32
      %mul3A_64 = arith.muli %add3A_43, %mul3A_63 : i32
      %add3A_65 = arith.constant 48 : i32
      %add3A_66 = arith.addi %mul3A_64, %add3A_65 : i32
      %multiple_of3A_67 = tpu.assume_multiple %add3A_66, 16 : i32
      %get3A_68 = arith.index_cast %multiple_of3A_67 : i32 to index
      %get3A_69 = tpu.vector_load %arg4[%get3A_68] {strides = array<i32>} : memref<20480xi32, #tpu.memory_space<vmem>>, vector<16xi32>,
      tpu.vector_store_idx %arg5[%get3A_69], %broadcast_in_dim3A_20 {add = true} : memref<10240xf32, #tpu.memory_space<vmem>>[vector<16xi32>], vector<16xf32>,
    }
    %while3A_40 = arith.constant 1 : i32
    scf.for %while3A_41 = %while3A_38 to %while3A_34 step %while3A_40  : i32 {
      %mul3A_42 = arith.muli %while3A_41, %while3A_30 : i32
      %add3A_43 = arith.addi %while3A_31, %mul3A_42 : i32
      %mul3A_44 = arith.constant 64 : i32
      %mul3A_45 = arith.muli %add3A_43, %mul3A_44 : i32
      %add3A_46 = arith.constant 0 : i32
      %add3A_47 = arith.addi %mul3A_45, %add3A_46 : i32
      %multiple_of3A = tpu.assume_multiple %add3A_47, 16 : i32
      %get3A = arith.index_cast %multiple_of3A : i32 to index
      %get3A_48 = tpu.vector_load %arg4[%get3A] {strides = array<i32>} : memref<20480xi32, #tpu.memory_space<vmem>>, vector<16xi32>,
      tpu.vector_store_idx %arg5[%get3A_48], %broadcast_in_dim3A_20 {add = true} : memref<10240xf32, #tpu.memory_space<vmem>>[vector<16xi32>], vector<16xf32>,
      %mul3A_49 = arith.constant 64 : i32
      %mul3A_50 = arith.muli %add3A_43, %mul3A_49 : i32
      %add3A_51 = arith.constant 16 : i32
      %add3A_52 = arith.addi %mul3A_50, %add3A_51 : i32
      %multiple_of3A_53 = tpu.assume_multiple %add3A_52, 16 : i32
      %get3A_54 = arith.index_cast %multiple_of3A_53 : i32 to index
      %get3A_55 = tpu.vector_load %arg4[%get3A_54] {strides = array<i32>} : memref<20480xi32, #tpu.memory_space<vmem>>, vector<16xi32>,
      tpu.vector_store_idx %arg5[%get3A_55], %broadcast_in_dim3A_20 {add = true} : memref<10240xf32, #tpu.memory_space<vmem>>[vector<16xi32>], vector<16xf32>,
      %mul3A_56 = arith.constant 64 : i32
      %mul3A_57 = arith.muli %add3A_43, %mul3A_56 : i32
      %add3A_58 = arith.constant 32 : i32
      %add3A_59 = arith.addi %mul3A_57, %add3A_58 : i32
      %multiple_of3A_60 = tpu.assume_multiple %add3A_59, 16 : i32
      %get3A_61 = arith.index_cast %multiple_of3A_60 : i32 to index
      %get3A_62 = tpu.vector_load %arg4[%get3A_61] {strides = array<i32>} : memref<20480xi32, #tpu.memory_space<vmem>>, vector<16xi32>,
      tpu.vector_store_idx %arg5[%get3A_62], %broadcast_in_dim3A_20 {add = true} : memref<10240xf32, #tpu.memory_space<vmem>>[vector<16xi32>], vector<16xf32>,
      %mul3A_63 = arith.constant 64 : i32
      %mul3A_64 = arith.muli %add3A_43, %mul3A_63 : i32
      %add3A_65 = arith.constant 48 : i32
      %add3A_66 = arith.addi %mul3A_64, %add3A_65 : i32
      %multiple_of3A_67 = tpu.assume_multiple %add3A_66, 16 : i32
      %get3A_68 = arith.index_cast %multiple_of3A_67 : i32 to index
      %get3A_69 = tpu.vector_load %arg4[%get3A_68] {strides = array<i32>} : memref<20480xi32, #tpu.memory_space<vmem>>, vector<16xi32>,
      tpu.vector_store_idx %arg5[%get3A_69], %broadcast_in_dim3A_20 {add = true} : memref<10240xf32, #tpu.memory_space<vmem>>[vector<16xi32>], vector<16xf32>,
    }
    "tpu.region"() ({
      %run_scoped3A = tpu.sem_alloc : memref<!tpu.dma_semaphore, #tpu.memory_space<semaphore_mem>>
      %dma_start3A = arith.constant 0 : i32
      %dma_start3A_41 = tpu.memref_slice %arg3[%add3A, %dma_start3A] : memref<32x10240xf32, #tpu.memory_space<hbm>> -> memref<1x10240xf32, #tpu.memory_space<hbm>>
      %dma_start3A_42 = tpu.memref_squeeze %dma_start3A_41 : memref<1x10240xf32, #tpu.memory_space<hbm>> -> memref<10240xf32, #tpu.memory_space<hbm>>
      %dma_start3A_43 = arith.constant 0 : i32
      %dma_start3A_44 = tpu.memref_slice %arg3[%add3A, %dma_start3A_43] : memref<32x10240xf32, #tpu.memory_space<hbm>> -> memref<1x10240xf32, #tpu.memory_space<hbm>>
      %dma_start3A_45 = tpu.memref_squeeze %dma_start3A_44 : memref<1x10240xf32, #tpu.memory_space<hbm>> -> memref<10240xf32, #tpu.memory_space<hbm>>
      tpu.enqueue_dma source(%arg5 : memref<10240xf32, #tpu.memory_space<vmem>>) target(%dma_start3A_45 : memref<10240xf32, #tpu.memory_space<hbm>>) target_semaphore(%run_scoped3A : memref<!tpu.dma_semaphore, #tpu.memory_space<semaphore_mem>>)
      %dma_wait3A = arith.constant 0 : i32
      %dma_wait3A_46 = tpu.memref_slice %arg3[%add3A, %dma_wait3A] : memref<32x10240xf32, #tpu.memory_space<hbm>> -> memref<1x10240xf32, #tpu.memory_space<hbm>>
      %dma_wait3A_47 = tpu.memref_squeeze %dma_wait3A_46 : memref<1x10240xf32, #tpu.memory_space<hbm>> -> memref<10240xf32, #tpu.memory_space<hbm>>
      %dma_wait3A_48 = arith.constant 0 : i32
      %dma_wait3A_49 = tpu.memref_slice %arg3[%add3A, %dma_wait3A_48] : memref<32x10240xf32, #tpu.memory_space<hbm>> -> memref<1x10240xf32, #tpu.memory_space<hbm>>
      %dma_wait3A_50 = tpu.memref_squeeze %dma_wait3A_49 : memref<1x10240xf32, #tpu.memory_space<hbm>> -> memref<10240xf32, #tpu.memory_space<hbm>>
      tpu.wait_dma2 semaphore(%run_scoped3A : memref<!tpu.dma_semaphore, #tpu.memory_space<semaphore_mem>>) src(%arg5 : memref<10240xf32, #tpu.memory_space<vmem>>) dst(%dma_wait3A_50 : memref<10240xf32, #tpu.memory_space<hbm>>)
      tpu.yield
    }) : () -> ()
    return
  }
}

#map = affine_map<(d0, d1) -> (0, 0)>
#map1 = affine_map<(d0, d1) -> (0, 0, 0)>
module attributes {stable_mosaic.version = 14 : i64} {
  func.func @_scatter_kernel(%arg0: i32, %arg1: i32, %arg2: memref<40960x32xf32, #tpu.memory_space<hbm>>, %arg3: memref<32x160x128xi32, #tpu.memory_space<hbm>>, %arg4: memref<32x160x128xi32, #tpu.memory_space<hbm>>, %arg5: memref<20480x32xf32, #tpu.memory_space<hbm>>, %arg6: memref<2x32xf32, #tpu.memory_space<hbm>>, %arg7: memref<40960x32xf32, #tpu.memory_space<hbm>>, %arg8: memref<160x128xi32, #tpu.memory_space<vmem>>, %arg9: memref<160x128xi32, #tpu.memory_space<vmem>>, %arg10: memref<128x32xf32, #tpu.memory_space<vmem>>, %arg11: memref<128x32xf32, #tpu.memory_space<vmem>>, %arg12: memref<128x32xf32, #tpu.memory_space<vmem>>, %arg13: memref<128x32xf32, #tpu.memory_space<vmem>>, %arg14: memref<128x32xf32, #tpu.memory_space<vmem>>, %arg15: memref<640x32xf32, #tpu.memory_space<vmem>>, %arg16: memref<2x32xf32, #tpu.memory_space<vmem>>, %arg17: memref<10240x32xf32, #tpu.memory_space<vmem_shared>>, %arg18: memref<10240x32xf32, #tpu.memory_space<vmem_shared>>, %arg19: memref<!tpu.dma_semaphore, #tpu.memory_space<semaphore_mem>>, %arg20: memref<!tpu.dma_semaphore, #tpu.memory_space<semaphore_mem>>, %arg21: memref<!tpu.dma_semaphore, #tpu.memory_space<semaphore_mem>>, %arg22: memref<!tpu.dma_semaphore, #tpu.memory_space<semaphore_mem>>, %arg23: memref<!tpu.dma_semaphore, #tpu.memory_space<semaphore_mem>>, %arg24: memref<!tpu.dma_semaphore, #tpu.memory_space<semaphore_mem>>, %arg25: memref<!tpu.dma_semaphore, #tpu.memory_space<semaphore_mem>>, %arg26: memref<!tpu.dma_semaphore, #tpu.memory_space<semaphore_mem>>, %arg27: memref<!tpu.dma_semaphore, #tpu.memory_space<semaphore_mem>>, %arg28: memref<!tpu.dma_semaphore, #tpu.memory_space<semaphore_mem>>) attributes {dimension_semantics = [#tpu.dimension_semantics<core_parallel>, #tpu.dimension_semantics<subcore_parallel>], iteration_bounds = array<i64: 2, 16>, scalar_prefetch = 0 : i64, scratch_operands = 21 : i64, tpu.core_type = #tpu.core_type<sc_vector_subcore>, window_params = [{transform_indices = #map}, {transform_indices = #map1}, {transform_indices = #map1}, {transform_indices = #map}, {transform_indices = #map}, {transform_indices = #map}]} {
    %mul3A = arith.constant 16 : i32
    %mul3A_0 = arith.muli %arg0, %mul3A : i32
    %add3A = arith.addi %mul3A_0, %arg1 : i32
    %mul3A_1 = arith.constant 640 : i32
    %mul3A_2 = arith.muli %arg1, %mul3A_1 : i32
    %multiple_of3A = tpu.assume_multiple %mul3A_2, 128 : i32
    "tpu.region"() ({
      %run_scoped3A = tpu.sem_alloc : memref<!tpu.dma_semaphore, #tpu.memory_space<semaphore_mem>>
      %dma_start3A_443 = arith.constant 0 : i32
      %dma_start3A_444 = arith.constant 0 : i32
      %dma_start3A_445 = tpu.memref_slice %arg3[%add3A, %dma_start3A_443, %dma_start3A_444] : memref<32x160x128xi32, #tpu.memory_space<hbm>> -> memref<1x160x128xi32, #tpu.memory_space<hbm>>
      %dma_start3A_446 = tpu.memref_squeeze %dma_start3A_445 : memref<1x160x128xi32, #tpu.memory_space<hbm>> -> memref<160x128xi32, #tpu.memory_space<hbm>>
      %dma_start3A_447 = arith.constant 0 : i32
      %dma_start3A_448 = arith.constant 0 : i32
      %dma_start3A_449 = tpu.memref_slice %arg3[%add3A, %dma_start3A_447, %dma_start3A_448] : memref<32x160x128xi32, #tpu.memory_space<hbm>> -> memref<1x160x128xi32, #tpu.memory_space<hbm>>
      %dma_start3A_450 = tpu.memref_squeeze %dma_start3A_449 : memref<1x160x128xi32, #tpu.memory_space<hbm>> -> memref<160x128xi32, #tpu.memory_space<hbm>>
      tpu.enqueue_dma source(%dma_start3A_450 : memref<160x128xi32, #tpu.memory_space<hbm>>) target(%arg8 : memref<160x128xi32, #tpu.memory_space<vmem>>) target_semaphore(%run_scoped3A : memref<!tpu.dma_semaphore, #tpu.memory_space<semaphore_mem>>)
      %dma_wait3A = arith.constant 0 : i32
      %dma_wait3A_451 = arith.constant 0 : i32
      %dma_wait3A_452 = tpu.memref_slice %arg3[%add3A, %dma_wait3A, %dma_wait3A_451] : memref<32x160x128xi32, #tpu.memory_space<hbm>> -> memref<1x160x128xi32, #tpu.memory_space<hbm>>
      %dma_wait3A_453 = tpu.memref_squeeze %dma_wait3A_452 : memref<1x160x128xi32, #tpu.memory_space<hbm>> -> memref<160x128xi32, #tpu.memory_space<hbm>>
      %dma_wait3A_454 = arith.constant 0 : i32
      %dma_wait3A_455 = arith.constant 0 : i32
      %dma_wait3A_456 = tpu.memref_slice %arg3[%add3A, %dma_wait3A_454, %dma_wait3A_455] : memref<32x160x128xi32, #tpu.memory_space<hbm>> -> memref<1x160x128xi32, #tpu.memory_space<hbm>>
      %dma_wait3A_457 = tpu.memref_squeeze %dma_wait3A_456 : memref<1x160x128xi32, #tpu.memory_space<hbm>> -> memref<160x128xi32, #tpu.memory_space<hbm>>
      tpu.wait_dma2 semaphore(%run_scoped3A : memref<!tpu.dma_semaphore, #tpu.memory_space<semaphore_mem>>) src(%dma_wait3A_457 : memref<160x128xi32, #tpu.memory_space<hbm>>) dst(%arg8 : memref<160x128xi32, #tpu.memory_space<vmem>>)
      tpu.yield
    }) : () -> ()
    "tpu.region"() ({
      %run_scoped3A = tpu.sem_alloc : memref<!tpu.dma_semaphore, #tpu.memory_space<semaphore_mem>>
      %dma_start3A_443 = arith.constant 0 : i32
      %dma_start3A_444 = arith.constant 0 : i32
      %dma_start3A_445 = tpu.memref_slice %arg4[%add3A, %dma_start3A_443, %dma_start3A_444] : memref<32x160x128xi32, #tpu.memory_space<hbm>> -> memref<1x160x128xi32, #tpu.memory_space<hbm>>
      %dma_start3A_446 = tpu.memref_squeeze %dma_start3A_445 : memref<1x160x128xi32, #tpu.memory_space<hbm>> -> memref<160x128xi32, #tpu.memory_space<hbm>>
      %dma_start3A_447 = arith.constant 0 : i32
      %dma_start3A_448 = arith.constant 0 : i32
      %dma_start3A_449 = tpu.memref_slice %arg4[%add3A, %dma_start3A_447, %dma_start3A_448] : memref<32x160x128xi32, #tpu.memory_space<hbm>> -> memref<1x160x128xi32, #tpu.memory_space<hbm>>
      %dma_start3A_450 = tpu.memref_squeeze %dma_start3A_449 : memref<1x160x128xi32, #tpu.memory_space<hbm>> -> memref<160x128xi32, #tpu.memory_space<hbm>>
      tpu.enqueue_dma source(%dma_start3A_450 : memref<160x128xi32, #tpu.memory_space<hbm>>) target(%arg9 : memref<160x128xi32, #tpu.memory_space<vmem>>) target_semaphore(%run_scoped3A : memref<!tpu.dma_semaphore, #tpu.memory_space<semaphore_mem>>)
      %dma_wait3A = arith.constant 0 : i32
      %dma_wait3A_451 = arith.constant 0 : i32
      %dma_wait3A_452 = tpu.memref_slice %arg4[%add3A, %dma_wait3A, %dma_wait3A_451] : memref<32x160x128xi32, #tpu.memory_space<hbm>> -> memref<1x160x128xi32, #tpu.memory_space<hbm>>
      %dma_wait3A_453 = tpu.memref_squeeze %dma_wait3A_452 : memref<1x160x128xi32, #tpu.memory_space<hbm>> -> memref<160x128xi32, #tpu.memory_space<hbm>>
      %dma_wait3A_454 = arith.constant 0 : i32
      %dma_wait3A_455 = arith.constant 0 : i32
      %dma_wait3A_456 = tpu.memref_slice %arg4[%add3A, %dma_wait3A_454, %dma_wait3A_455] : memref<32x160x128xi32, #tpu.memory_space<hbm>> -> memref<1x160x128xi32, #tpu.memory_space<hbm>>
      %dma_wait3A_457 = tpu.memref_squeeze %dma_wait3A_456 : memref<1x160x128xi32, #tpu.memory_space<hbm>> -> memref<160x128xi32, #tpu.memory_space<hbm>>
      tpu.wait_dma2 semaphore(%run_scoped3A : memref<!tpu.dma_semaphore, #tpu.memory_space<semaphore_mem>>) src(%dma_wait3A_457 : memref<160x128xi32, #tpu.memory_space<hbm>>) dst(%arg9 : memref<160x128xi32, #tpu.memory_space<vmem>>)
      tpu.yield
    }) : () -> ()
    %mul3A_3 = arith.constant 10240 : i32
    %mul3A_4 = arith.muli %arg0, %mul3A_3 : i32
    %add3A_5 = arith.addi %mul3A_4, %multiple_of3A : i32
    "tpu.region"() ({
      %run_scoped3A = tpu.sem_alloc : memref<!tpu.dma_semaphore, #tpu.memory_space<semaphore_mem>>
      %dma_start3A_443 = arith.constant 0 : i32
      %dma_start3A_444 = tpu.memref_slice %arg5[%add3A_5, %dma_start3A_443] : memref<20480x32xf32, #tpu.memory_space<hbm>> -> memref<640x32xf32, #tpu.memory_space<hbm>>
      %dma_start3A_445 = arith.constant 0 : i32
      %dma_start3A_446 = tpu.memref_slice %arg5[%add3A_5, %dma_start3A_445] : memref<20480x32xf32, #tpu.memory_space<hbm>> -> memref<640x32xf32, #tpu.memory_space<hbm>>
      tpu.enqueue_dma source(%dma_start3A_446 : memref<640x32xf32, #tpu.memory_space<hbm>>) target(%arg15 : memref<640x32xf32, #tpu.memory_space<vmem>>) target_semaphore(%run_scoped3A : memref<!tpu.dma_semaphore, #tpu.memory_space<semaphore_mem>>)
      %dma_wait3A = arith.constant 0 : i32
      %dma_wait3A_447 = tpu.memref_slice %arg5[%add3A_5, %dma_wait3A] : memref<20480x32xf32, #tpu.memory_space<hbm>> -> memref<640x32xf32, #tpu.memory_space<hbm>>
      %dma_wait3A_448 = arith.constant 0 : i32
      %dma_wait3A_449 = tpu.memref_slice %arg5[%add3A_5, %dma_wait3A_448] : memref<20480x32xf32, #tpu.memory_space<hbm>> -> memref<640x32xf32, #tpu.memory_space<hbm>>
      tpu.wait_dma2 semaphore(%run_scoped3A : memref<!tpu.dma_semaphore, #tpu.memory_space<semaphore_mem>>) src(%dma_wait3A_449 : memref<640x32xf32, #tpu.memory_space<hbm>>) dst(%arg15 : memref<640x32xf32, #tpu.memory_space<vmem>>)
      tpu.yield
    }) : () -> ()
    "tpu.region"() ({
      %run_scoped3A = tpu.sem_alloc : memref<!tpu.dma_semaphore, #tpu.memory_space<semaphore_mem>>
      tpu.enqueue_dma source(%arg6 : memref<2x32xf32, #tpu.memory_space<hbm>>) target(%arg16 : memref<2x32xf32, #tpu.memory_space<vmem>>) target_semaphore(%run_scoped3A : memref<!tpu.dma_semaphore, #tpu.memory_space<semaphore_mem>>)
      tpu.wait_dma2 semaphore(%run_scoped3A : memref<!tpu.dma_semaphore, #tpu.memory_space<semaphore_mem>>) src(%arg6 : memref<2x32xf32, #tpu.memory_space<hbm>>) dst(%arg16 : memref<2x32xf32, #tpu.memory_space<vmem>>)
      tpu.yield
    }) : () -> ()
    %broadcast_in_dim3A = arith.constant 0.000000e+00 : f32
    %broadcast_in_dim3A_6 = vector.broadcast %broadcast_in_dim3A : f32 to vector<16xf32>
    %sub3A = arith.constant 128 : i32
    %sub3A_7 = arith.constant 0 : i32
    %sub3A_8 = arith.subi %sub3A, %sub3A_7 : i32
    %sub3A_9 = arith.constant 1 : i32
    %sub3A_10 = arith.constant 1 : i32
    %sub3A_11 = arith.subi %sub3A_9, %sub3A_10 : i32
    %add3A_12 = arith.addi %sub3A_8, %sub3A_11 : i32
    %div3A = arith.constant 1 : i32
    %div3A_13 = arith.divsi %add3A_12, %div3A : i32
    %while3A = arith.constant 1 : i32
    %while3A_14 = arith.constant 0 : i32
    %while3A_15 = arith.constant 0 : i32
    %while3A_16 = arith.subi %div3A_13, %while3A_15 : i32
    %while3A_17 = arith.addi %while3A_15, %while3A_16 : i32
    %while3A_18 = arith.constant 1 : i32
    %while3A_19 = arith.divsi %while3A_16, %while3A_18 : i32
    %while3A_20 = arith.muli %while3A_19, %while3A_18 : i32
    %while3A_21 = arith.addi %while3A_15, %while3A_20 : i32
    %while3A_22 = arith.constant 1 : i32
    scf.for %while3A_443 = %while3A_15 to %while3A_21 step %while3A_22  : i32 {
      %mul3A_444 = arith.muli %while3A_443, %while3A : i32
      %add3A_445 = arith.addi %while3A_14, %mul3A_444 : i32
      %swap3A = arith.index_cast %add3A_445 : i32 to index
      %swap3A_446 = arith.constant 0 : index
      %swap3A_447 = tpu.vector_load %arg10[%swap3A, %swap3A_446] {strides = array<i32>} : memref<128x32xf32, #tpu.memory_space<vmem>>, vector<1x16xf32>,
      %swap3A_448 = vector.shape_cast %swap3A_447 : vector<1x16xf32> to vector<16xf32>
      %swap3A_449 = vector.shape_cast %broadcast_in_dim3A_6 : vector<16xf32> to vector<1x16xf32>
      tpu.vector_store %arg10[%swap3A, %swap3A_446], %swap3A_449 {strides = array<i32>} : memref<128x32xf32, #tpu.memory_space<vmem>>, vector<1x16xf32>,
      %swap3A_450 = arith.index_cast %add3A_445 : i32 to index
      %swap3A_451 = arith.constant 16 : index
      %swap3A_452 = tpu.vector_load %arg10[%swap3A_450, %swap3A_451] {strides = array<i32>} : memref<128x32xf32, #tpu.memory_space<vmem>>, vector<1x16xf32>,
      %swap3A_453 = vector.shape_cast %swap3A_452 : vector<1x16xf32> to vector<16xf32>
      %swap3A_454 = vector.shape_cast %broadcast_in_dim3A_6 : vector<16xf32> to vector<1x16xf32>
      tpu.vector_store %arg10[%swap3A_450, %swap3A_451], %swap3A_454 {strides = array<i32>} : memref<128x32xf32, #tpu.memory_space<vmem>>, vector<1x16xf32>,
    }
    %while3A_23 = arith.constant 1 : i32
    scf.for %while3A_443 = %while3A_21 to %while3A_17 step %while3A_23  : i32 {
      %mul3A_444 = arith.muli %while3A_443, %while3A : i32
      %add3A_445 = arith.addi %while3A_14, %mul3A_444 : i32
      %swap3A = arith.index_cast %add3A_445 : i32 to index
      %swap3A_446 = arith.constant 0 : index
      %swap3A_447 = tpu.vector_load %arg10[%swap3A, %swap3A_446] {strides = array<i32>} : memref<128x32xf32, #tpu.memory_space<vmem>>, vector<1x16xf32>,
      %swap3A_448 = vector.shape_cast %swap3A_447 : vector<1x16xf32> to vector<16xf32>
      %swap3A_449 = vector.shape_cast %broadcast_in_dim3A_6 : vector<16xf32> to vector<1x16xf32>
      tpu.vector_store %arg10[%swap3A, %swap3A_446], %swap3A_449 {strides = array<i32>} : memref<128x32xf32, #tpu.memory_space<vmem>>, vector<1x16xf32>,
      %swap3A_450 = arith.index_cast %add3A_445 : i32 to index
      %swap3A_451 = arith.constant 16 : index
      %swap3A_452 = tpu.vector_load %arg10[%swap3A_450, %swap3A_451] {strides = array<i32>} : memref<128x32xf32, #tpu.memory_space<vmem>>, vector<1x16xf32>,
      %swap3A_453 = vector.shape_cast %swap3A_452 : vector<1x16xf32> to vector<16xf32>
      %swap3A_454 = vector.shape_cast %broadcast_in_dim3A_6 : vector<16xf32> to vector<1x16xf32>
      tpu.vector_store %arg10[%swap3A_450, %swap3A_451], %swap3A_454 {strides = array<i32>} : memref<128x32xf32, #tpu.memory_space<vmem>>, vector<1x16xf32>,
    }
    %mul3A_24 = arith.constant 2 : i32
    %mul3A_25 = arith.muli %arg0, %mul3A_24 : i32
    %add3A_26 = arith.constant 0 : i32
    %add3A_27 = arith.addi %mul3A_25, %add3A_26 : i32
    %mul3A_28 = arith.constant 10240 : i32
    %mul3A_29 = arith.muli %add3A_27, %mul3A_28 : i32
    %add3A_30 = arith.addi %mul3A_29, %multiple_of3A : i32
    %multiple_of3A_31 = tpu.assume_multiple %add3A_30, 128 : i32
    "tpu.region"() ({
      %run_scoped3A = tpu.sem_alloc : memref<!tpu.dma_semaphore, #tpu.memory_space<semaphore_mem>>
      %dma_start3A_443 = arith.constant 0 : i32
      %dma_start3A_444 = tpu.memref_slice %arg18[%multiple_of3A, %dma_start3A_443] : memref<10240x32xf32, #tpu.memory_space<vmem_shared>> -> memref<640x32xf32, #tpu.memory_space<vmem_shared>>
      %dma_start3A_445 = arith.constant 0 : i32
      %dma_start3A_446 = tpu.memref_slice %arg2[%multiple_of3A_31, %dma_start3A_445] : memref<40960x32xf32, #tpu.memory_space<hbm>> -> memref<640x32xf32, #tpu.memory_space<hbm>>
      tpu.enqueue_dma source(%dma_start3A_446 : memref<640x32xf32, #tpu.memory_space<hbm>>) target(%dma_start3A_444 : memref<640x32xf32, #tpu.memory_space<vmem_shared>>) target_semaphore(%run_scoped3A : memref<!tpu.dma_semaphore, #tpu.memory_space<semaphore_mem>>)
      %dma_wait3A = arith.constant 0 : i32
      %dma_wait3A_447 = tpu.memref_slice %arg18[%multiple_of3A, %dma_wait3A] : memref<10240x32xf32, #tpu.memory_space<vmem_shared>> -> memref<640x32xf32, #tpu.memory_space<vmem_shared>>
      %dma_wait3A_448 = arith.constant 0 : i32
      %dma_wait3A_449 = tpu.memref_slice %arg2[%multiple_of3A_31, %dma_wait3A_448] : memref<40960x32xf32, #tpu.memory_space<hbm>> -> memref<640x32xf32, #tpu.memory_space<hbm>>
      tpu.wait_dma2 semaphore(%run_scoped3A : memref<!tpu.dma_semaphore, #tpu.memory_space<semaphore_mem>>) src(%dma_wait3A_449 : memref<640x32xf32, #tpu.memory_space<hbm>>) dst(%dma_wait3A_447 : memref<640x32xf32, #tpu.memory_space<vmem_shared>>)
      tpu.yield
    }) : () -> ()
    %add3A_32 = arith.constant 0 : i32
    %add3A_33 = arith.addi %multiple_of3A, %add3A_32 : i32
    %multiple_of3A_34 = tpu.assume_multiple %add3A_33, 128 : i32
    "tpu.region"() ({
      %run_scoped3A = tpu.sem_alloc : memref<!tpu.dma_semaphore, #tpu.memory_space<semaphore_mem>>
      %dma_start3A_443 = arith.constant 0 : i32
      %dma_start3A_444 = tpu.memref_slice %arg17[%multiple_of3A_34, %dma_start3A_443] : memref<10240x32xf32, #tpu.memory_space<vmem_shared>> -> memref<128x32xf32, #tpu.memory_space<vmem_shared>>
      %dma_start3A_445 = arith.constant 0 : i32
      %dma_start3A_446 = tpu.memref_slice %arg17[%multiple_of3A_34, %dma_start3A_445] : memref<10240x32xf32, #tpu.memory_space<vmem_shared>> -> memref<128x32xf32, #tpu.memory_space<vmem_shared>>
      tpu.enqueue_dma source(%arg10 : memref<128x32xf32, #tpu.memory_space<vmem>>) target(%dma_start3A_446 : memref<128x32xf32, #tpu.memory_space<vmem_shared>>) target_semaphore(%run_scoped3A : memref<!tpu.dma_semaphore, #tpu.memory_space<semaphore_mem>>)
      %dma_wait3A = arith.constant 0 : i32
      %dma_wait3A_447 = tpu.memref_slice %arg17[%multiple_of3A_34, %dma_wait3A] : memref<10240x32xf32, #tpu.memory_space<vmem_shared>> -> memref<128x32xf32, #tpu.memory_space<vmem_shared>>
      %dma_wait3A_448 = arith.constant 0 : i32
      %dma_wait3A_449 = tpu.memref_slice %arg17[%multiple_of3A_34, %dma_wait3A_448] : memref<10240x32xf32, #tpu.memory_space<vmem_shared>> -> memref<128x32xf32, #tpu.memory_space<vmem_shared>>
      tpu.wait_dma2 semaphore(%run_scoped3A : memref<!tpu.dma_semaphore, #tpu.memory_space<semaphore_mem>>) src(%arg10 : memref<128x32xf32, #tpu.memory_space<vmem>>) dst(%dma_wait3A_449 : memref<128x32xf32, #tpu.memory_space<vmem_shared>>)
      tpu.yield
    }) : () -> ()
    %add3A_35 = arith.constant 128 : i32
    %add3A_36 = arith.addi %multiple_of3A, %add3A_35 : i32
    %multiple_of3A_37 = tpu.assume_multiple %add3A_36, 128 : i32
    "tpu.region"() ({
      %run_scoped3A = tpu.sem_alloc : memref<!tpu.dma_semaphore, #tpu.memory_space<semaphore_mem>>
      %dma_start3A_443 = arith.constant 0 : i32
      %dma_start3A_444 = tpu.memref_slice %arg17[%multiple_of3A_37, %dma_start3A_443] : memref<10240x32xf32, #tpu.memory_space<vmem_shared>> -> memref<128x32xf32, #tpu.memory_space<vmem_shared>>
      %dma_start3A_445 = arith.constant 0 : i32
      %dma_start3A_446 = tpu.memref_slice %arg17[%multiple_of3A_37, %dma_start3A_445] : memref<10240x32xf32, #tpu.memory_space<vmem_shared>> -> memref<128x32xf32, #tpu.memory_space<vmem_shared>>
      tpu.enqueue_dma source(%arg10 : memref<128x32xf32, #tpu.memory_space<vmem>>) target(%dma_start3A_446 : memref<128x32xf32, #tpu.memory_space<vmem_shared>>) target_semaphore(%run_scoped3A : memref<!tpu.dma_semaphore, #tpu.memory_space<semaphore_mem>>)
      %dma_wait3A = arith.constant 0 : i32
      %dma_wait3A_447 = tpu.memref_slice %arg17[%multiple_of3A_37, %dma_wait3A] : memref<10240x32xf32, #tpu.memory_space<vmem_shared>> -> memref<128x32xf32, #tpu.memory_space<vmem_shared>>
      %dma_wait3A_448 = arith.constant 0 : i32
      %dma_wait3A_449 = tpu.memref_slice %arg17[%multiple_of3A_37, %dma_wait3A_448] : memref<10240x32xf32, #tpu.memory_space<vmem_shared>> -> memref<128x32xf32, #tpu.memory_space<vmem_shared>>
      tpu.wait_dma2 semaphore(%run_scoped3A : memref<!tpu.dma_semaphore, #tpu.memory_space<semaphore_mem>>) src(%arg10 : memref<128x32xf32, #tpu.memory_space<vmem>>) dst(%dma_wait3A_449 : memref<128x32xf32, #tpu.memory_space<vmem_shared>>)
      tpu.yield
    }) : () -> ()
    %add3A_38 = arith.constant 256 : i32
    %add3A_39 = arith.addi %multiple_of3A, %add3A_38 : i32
    %multiple_of3A_40 = tpu.assume_multiple %add3A_39, 128 : i32
    "tpu.region"() ({
      %run_scoped3A = tpu.sem_alloc : memref<!tpu.dma_semaphore, #tpu.memory_space<semaphore_mem>>
      %dma_start3A_443 = arith.constant 0 : i32
      %dma_start3A_444 = tpu.memref_slice %arg17[%multiple_of3A_40, %dma_start3A_443] : memref<10240x32xf32, #tpu.memory_space<vmem_shared>> -> memref<128x32xf32, #tpu.memory_space<vmem_shared>>
      %dma_start3A_445 = arith.constant 0 : i32
      %dma_start3A_446 = tpu.memref_slice %arg17[%multiple_of3A_40, %dma_start3A_445] : memref<10240x32xf32, #tpu.memory_space<vmem_shared>> -> memref<128x32xf32, #tpu.memory_space<vmem_shared>>
      tpu.enqueue_dma source(%arg10 : memref<128x32xf32, #tpu.memory_space<vmem>>) target(%dma_start3A_446 : memref<128x32xf32, #tpu.memory_space<vmem_shared>>) target_semaphore(%run_scoped3A : memref<!tpu.dma_semaphore, #tpu.memory_space<semaphore_mem>>)
      %dma_wait3A = arith.constant 0 : i32
      %dma_wait3A_447 = tpu.memref_slice %arg17[%multiple_of3A_40, %dma_wait3A] : memref<10240x32xf32, #tpu.memory_space<vmem_shared>> -> memref<128x32xf32, #tpu.memory_space<vmem_shared>>
      %dma_wait3A_448 = arith.constant 0 : i32
      %dma_wait3A_449 = tpu.memref_slice %arg17[%multiple_of3A_40, %dma_wait3A_448] : memref<10240x32xf32, #tpu.memory_space<vmem_shared>> -> memref<128x32xf32, #tpu.memory_space<vmem_shared>>
      tpu.wait_dma2 semaphore(%run_scoped3A : memref<!tpu.dma_semaphore, #tpu.memory_space<semaphore_mem>>) src(%arg10 : memref<128x32xf32, #tpu.memory_space<vmem>>) dst(%dma_wait3A_449 : memref<128x32xf32, #tpu.memory_space<vmem_shared>>)
      tpu.yield
    }) : () -> ()
    %add3A_41 = arith.constant 384 : i32
    %add3A_42 = arith.addi %multiple_of3A, %add3A_41 : i32
    %multiple_of3A_43 = tpu.assume_multiple %add3A_42, 128 : i32
    "tpu.region"() ({
      %run_scoped3A = tpu.sem_alloc : memref<!tpu.dma_semaphore, #tpu.memory_space<semaphore_mem>>
      %dma_start3A_443 = arith.constant 0 : i32
      %dma_start3A_444 = tpu.memref_slice %arg17[%multiple_of3A_43, %dma_start3A_443] : memref<10240x32xf32, #tpu.memory_space<vmem_shared>> -> memref<128x32xf32, #tpu.memory_space<vmem_shared>>
      %dma_start3A_445 = arith.constant 0 : i32
      %dma_start3A_446 = tpu.memref_slice %arg17[%multiple_of3A_43, %dma_start3A_445] : memref<10240x32xf32, #tpu.memory_space<vmem_shared>> -> memref<128x32xf32, #tpu.memory_space<vmem_shared>>
      tpu.enqueue_dma source(%arg10 : memref<128x32xf32, #tpu.memory_space<vmem>>) target(%dma_start3A_446 : memref<128x32xf32, #tpu.memory_space<vmem_shared>>) target_semaphore(%run_scoped3A : memref<!tpu.dma_semaphore, #tpu.memory_space<semaphore_mem>>)
      %dma_wait3A = arith.constant 0 : i32
      %dma_wait3A_447 = tpu.memref_slice %arg17[%multiple_of3A_43, %dma_wait3A] : memref<10240x32xf32, #tpu.memory_space<vmem_shared>> -> memref<128x32xf32, #tpu.memory_space<vmem_shared>>
      %dma_wait3A_448 = arith.constant 0 : i32
      %dma_wait3A_449 = tpu.memref_slice %arg17[%multiple_of3A_43, %dma_wait3A_448] : memref<10240x32xf32, #tpu.memory_space<vmem_shared>> -> memref<128x32xf32, #tpu.memory_space<vmem_shared>>
      tpu.wait_dma2 semaphore(%run_scoped3A : memref<!tpu.dma_semaphore, #tpu.memory_space<semaphore_mem>>) src(%arg10 : memref<128x32xf32, #tpu.memory_space<vmem>>) dst(%dma_wait3A_449 : memref<128x32xf32, #tpu.memory_space<vmem_shared>>)
      tpu.yield
    }) : () -> ()
    %add3A_44 = arith.constant 512 : i32
    %add3A_45 = arith.addi %multiple_of3A, %add3A_44 : i32
    %multiple_of3A_46 = tpu.assume_multiple %add3A_45, 128 : i32
    "tpu.region"() ({
      %run_scoped3A = tpu.sem_alloc : memref<!tpu.dma_semaphore, #tpu.memory_space<semaphore_mem>>
      %dma_start3A_443 = arith.constant 0 : i32
      %dma_start3A_444 = tpu.memref_slice %arg17[%multiple_of3A_46, %dma_start3A_443] : memref<10240x32xf32, #tpu.memory_space<vmem_shared>> -> memref<128x32xf32, #tpu.memory_space<vmem_shared>>
      %dma_start3A_445 = arith.constant 0 : i32
      %dma_start3A_446 = tpu.memref_slice %arg17[%multiple_of3A_46, %dma_start3A_445] : memref<10240x32xf32, #tpu.memory_space<vmem_shared>> -> memref<128x32xf32, #tpu.memory_space<vmem_shared>>
      tpu.enqueue_dma source(%arg10 : memref<128x32xf32, #tpu.memory_space<vmem>>) target(%dma_start3A_446 : memref<128x32xf32, #tpu.memory_space<vmem_shared>>) target_semaphore(%run_scoped3A : memref<!tpu.dma_semaphore, #tpu.memory_space<semaphore_mem>>)
      %dma_wait3A = arith.constant 0 : i32
      %dma_wait3A_447 = tpu.memref_slice %arg17[%multiple_of3A_46, %dma_wait3A] : memref<10240x32xf32, #tpu.memory_space<vmem_shared>> -> memref<128x32xf32, #tpu.memory_space<vmem_shared>>
      %dma_wait3A_448 = arith.constant 0 : i32
      %dma_wait3A_449 = tpu.memref_slice %arg17[%multiple_of3A_46, %dma_wait3A_448] : memref<10240x32xf32, #tpu.memory_space<vmem_shared>> -> memref<128x32xf32, #tpu.memory_space<vmem_shared>>
      tpu.wait_dma2 semaphore(%run_scoped3A : memref<!tpu.dma_semaphore, #tpu.memory_space<semaphore_mem>>) src(%arg10 : memref<128x32xf32, #tpu.memory_space<vmem>>) dst(%dma_wait3A_449 : memref<128x32xf32, #tpu.memory_space<vmem_shared>>)
      tpu.yield
    }) : () -> ()
    %barrier3A = arith.constant 0 : index
    tpu.barrier barrier_id(%barrier3A)
    %dma_start3A = arith.constant 0 : i32
    %dma_start3A_47 = arith.constant 0 : i32
    %dma_start3A_48 = tpu.memref_slice %arg8[%dma_start3A, %dma_start3A_47] : memref<160x128xi32, #tpu.memory_space<vmem>> -> memref<1x128xi32, #tpu.memory_space<vmem>>
    %dma_start3A_49 = tpu.memref_squeeze %dma_start3A_48 : memref<1x128xi32, #tpu.memory_space<vmem>> -> memref<128xi32, #tpu.memory_space<vmem>>
    %dma_start3A_50 = arith.constant 0 : i32
    %dma_start3A_51 = arith.constant 0 : i32
    %dma_start3A_52 = tpu.memref_slice %arg18[%dma_start3A_50, %dma_start3A_51] : memref<10240x32xf32, #tpu.memory_space<vmem_shared>> -> memref<10240x32xf32, #tpu.memory_space<vmem_shared>>
    tpu.enqueue_indirect_dma source(%dma_start3A_52 : memref<10240x32xf32, #tpu.memory_space<vmem_shared>>) target(%arg10 : memref<128x32xf32, #tpu.memory_space<vmem>>) offsets(%dma_start3A_49 : memref<128xi32, #tpu.memory_space<vmem>>) semaphore(%arg19 : memref<!tpu.dma_semaphore, #tpu.memory_space<semaphore_mem>>)
    %dma_start3A_53 = arith.constant 1 : i32
    %dma_start3A_54 = arith.constant 0 : i32
    %dma_start3A_55 = tpu.memref_slice %arg8[%dma_start3A_53, %dma_start3A_54] : memref<160x128xi32, #tpu.memory_space<vmem>> -> memref<1x128xi32, #tpu.memory_space<vmem>>
    %dma_start3A_56 = tpu.memref_squeeze %dma_start3A_55 : memref<1x128xi32, #tpu.memory_space<vmem>> -> memref<128xi32, #tpu.memory_space<vmem>>
    %dma_start3A_57 = arith.constant 0 : i32
    %dma_start3A_58 = arith.constant 0 : i32
    %dma_start3A_59 = tpu.memref_slice %arg18[%dma_start3A_57, %dma_start3A_58] : memref<10240x32xf32, #tpu.memory_space<vmem_shared>> -> memref<10240x32xf32, #tpu.memory_space<vmem_shared>>
    tpu.enqueue_indirect_dma source(%dma_start3A_59 : memref<10240x32xf32, #tpu.memory_space<vmem_shared>>) target(%arg11 : memref<128x32xf32, #tpu.memory_space<vmem>>) offsets(%dma_start3A_56 : memref<128xi32, #tpu.memory_space<vmem>>) semaphore(%arg20 : memref<!tpu.dma_semaphore, #tpu.memory_space<semaphore_mem>>)
    %dma_start3A_60 = arith.constant 2 : i32
    %dma_start3A_61 = arith.constant 0 : i32
    %dma_start3A_62 = tpu.memref_slice %arg8[%dma_start3A_60, %dma_start3A_61] : memref<160x128xi32, #tpu.memory_space<vmem>> -> memref<1x128xi32, #tpu.memory_space<vmem>>
    %dma_start3A_63 = tpu.memref_squeeze %dma_start3A_62 : memref<1x128xi32, #tpu.memory_space<vmem>> -> memref<128xi32, #tpu.memory_space<vmem>>
    %dma_start3A_64 = arith.constant 0 : i32
    %dma_start3A_65 = arith.constant 0 : i32
    %dma_start3A_66 = tpu.memref_slice %arg18[%dma_start3A_64, %dma_start3A_65] : memref<10240x32xf32, #tpu.memory_space<vmem_shared>> -> memref<10240x32xf32, #tpu.memory_space<vmem_shared>>
    tpu.enqueue_indirect_dma source(%dma_start3A_66 : memref<10240x32xf32, #tpu.memory_space<vmem_shared>>) target(%arg12 : memref<128x32xf32, #tpu.memory_space<vmem>>) offsets(%dma_start3A_63 : memref<128xi32, #tpu.memory_space<vmem>>) semaphore(%arg21 : memref<!tpu.dma_semaphore, #tpu.memory_space<semaphore_mem>>)
    %dma_start3A_67 = arith.constant 3 : i32
    %dma_start3A_68 = arith.constant 0 : i32
    %dma_start3A_69 = tpu.memref_slice %arg8[%dma_start3A_67, %dma_start3A_68] : memref<160x128xi32, #tpu.memory_space<vmem>> -> memref<1x128xi32, #tpu.memory_space<vmem>>
    %dma_start3A_70 = tpu.memref_squeeze %dma_start3A_69 : memref<1x128xi32, #tpu.memory_space<vmem>> -> memref<128xi32, #tpu.memory_space<vmem>>
    %dma_start3A_71 = arith.constant 0 : i32
    %dma_start3A_72 = arith.constant 0 : i32
    %dma_start3A_73 = tpu.memref_slice %arg18[%dma_start3A_71, %dma_start3A_72] : memref<10240x32xf32, #tpu.memory_space<vmem_shared>> -> memref<10240x32xf32, #tpu.memory_space<vmem_shared>>
    tpu.enqueue_indirect_dma source(%dma_start3A_73 : memref<10240x32xf32, #tpu.memory_space<vmem_shared>>) target(%arg13 : memref<128x32xf32, #tpu.memory_space<vmem>>) offsets(%dma_start3A_70 : memref<128xi32, #tpu.memory_space<vmem>>) semaphore(%arg22 : memref<!tpu.dma_semaphore, #tpu.memory_space<semaphore_mem>>)
    %dma_start3A_74 = arith.constant 4 : i32
    %dma_start3A_75 = arith.constant 0 : i32
    %dma_start3A_76 = tpu.memref_slice %arg8[%dma_start3A_74, %dma_start3A_75] : memref<160x128xi32, #tpu.memory_space<vmem>> -> memref<1x128xi32, #tpu.memory_space<vmem>>
    %dma_start3A_77 = tpu.memref_squeeze %dma_start3A_76 : memref<1x128xi32, #tpu.memory_space<vmem>> -> memref<128xi32, #tpu.memory_space<vmem>>
    %dma_start3A_78 = arith.constant 0 : i32
    %dma_start3A_79 = arith.constant 0 : i32
    %dma_start3A_80 = tpu.memref_slice %arg18[%dma_start3A_78, %dma_start3A_79] : memref<10240x32xf32, #tpu.memory_space<vmem_shared>> -> memref<10240x32xf32, #tpu.memory_space<vmem_shared>>
    tpu.enqueue_indirect_dma source(%dma_start3A_80 : memref<10240x32xf32, #tpu.memory_space<vmem_shared>>) target(%arg14 : memref<128x32xf32, #tpu.memory_space<vmem>>) offsets(%dma_start3A_77 : memref<128xi32, #tpu.memory_space<vmem>>) semaphore(%arg23 : memref<!tpu.dma_semaphore, #tpu.memory_space<semaphore_mem>>)
    %sub3A_81 = arith.constant 160 : i32
    %sub3A_82 = arith.constant 0 : i32
    %sub3A_83 = arith.subi %sub3A_81, %sub3A_82 : i32
    %sub3A_84 = arith.constant 5 : i32
    %sub3A_85 = arith.constant 1 : i32
    %sub3A_86 = arith.subi %sub3A_84, %sub3A_85 : i32
    %add3A_87 = arith.addi %sub3A_83, %sub3A_86 : i32
    %div3A_88 = arith.constant 5 : i32
    %div3A_89 = arith.divsi %add3A_87, %div3A_88 : i32
    %while3A_90 = arith.constant 5 : i32
    %while3A_91 = arith.constant 0 : i32
    %while3A_92 = arith.constant 0 : i32
    %while3A_93 = arith.subi %div3A_89, %while3A_92 : i32
    %while3A_94 = arith.addi %while3A_92, %while3A_93 : i32
    %while3A_95 = arith.constant 1 : i32
    %while3A_96 = arith.divsi %while3A_93, %while3A_95 : i32
    %while3A_97 = arith.muli %while3A_96, %while3A_95 : i32
    %while3A_98 = arith.addi %while3A_92, %while3A_97 : i32
    %while3A_99 = arith.constant 1 : i32
    scf.for %while3A_443 = %while3A_92 to %while3A_98 step %while3A_99  : i32 {
      %mul3A_444 = arith.muli %while3A_443, %while3A_90 : i32
      %add3A_445 = arith.addi %while3A_91, %mul3A_444 : i32
      %add3A_446 = arith.constant 0 : i32
      %add3A_447 = arith.addi %add3A_445, %add3A_446 : i32
      %dma_wait3A = arith.constant 0 : i32
      %dma_wait3A_448 = tpu.memref_slice %arg8[%add3A_447, %dma_wait3A] : memref<160x128xi32, #tpu.memory_space<vmem>> -> memref<1x128xi32, #tpu.memory_space<vmem>>
      %dma_wait3A_449 = tpu.memref_squeeze %dma_wait3A_448 : memref<1x128xi32, #tpu.memory_space<vmem>> -> memref<128xi32, #tpu.memory_space<vmem>>
      %dma_wait3A_450 = arith.constant 0 : i32
      %dma_wait3A_451 = arith.constant 0 : i32
      %dma_wait3A_452 = tpu.memref_slice %arg18[%dma_wait3A_450, %dma_wait3A_451] : memref<10240x32xf32, #tpu.memory_space<vmem_shared>> -> memref<10240x32xf32, #tpu.memory_space<vmem_shared>>
      tpu.wait_indirect_dma semaphore(%arg19 : memref<!tpu.dma_semaphore, #tpu.memory_space<semaphore_mem>>) src(%dma_wait3A_452 : memref<10240x32xf32, #tpu.memory_space<vmem_shared>>) dst(%arg10 : memref<128x32xf32, #tpu.memory_space<vmem>>)
      %dma_start3A_453 = arith.constant 0 : i32
      %dma_start3A_454 = tpu.memref_slice %arg9[%add3A_447, %dma_start3A_453] : memref<160x128xi32, #tpu.memory_space<vmem>> -> memref<1x128xi32, #tpu.memory_space<vmem>>
      %dma_start3A_455 = tpu.memref_squeeze %dma_start3A_454 : memref<1x128xi32, #tpu.memory_space<vmem>> -> memref<128xi32, #tpu.memory_space<vmem>>
      %dma_start3A_456 = arith.constant 0 : i32
      %dma_start3A_457 = arith.constant 0 : i32
      %dma_start3A_458 = tpu.memref_slice %arg17[%dma_start3A_456, %dma_start3A_457] : memref<10240x32xf32, #tpu.memory_space<vmem_shared>> -> memref<10240x32xf32, #tpu.memory_space<vmem_shared>>
      tpu.enqueue_indirect_dma source(%arg10 : memref<128x32xf32, #tpu.memory_space<vmem>>) target(%dma_start3A_458 : memref<10240x32xf32, #tpu.memory_space<vmem_shared>>) offsets(%dma_start3A_455 : memref<128xi32, #tpu.memory_space<vmem>>) semaphore(%arg24 : memref<!tpu.dma_semaphore, #tpu.memory_space<semaphore_mem>>) {add = true}
      %add3A_459 = arith.constant 5 : i32
      %add3A_460 = arith.addi %add3A_447, %add3A_459 : i32
      %lt3A = arith.constant 160 : i32
      %lt3A_461 = arith.cmpi slt, %add3A_460, %lt3A : i32
      %convert_element_type3A = arith.extui %lt3A_461 : i1 to i32
      %cond3A = arith.constant 0 : i32
      %cond3A_462 = arith.cmpi ne, %convert_element_type3A, %cond3A : i32
      scf.if %cond3A_462 {
        %dma_wait3A_553 = arith.constant 0 : i32
        %dma_wait3A_554 = tpu.memref_slice %arg9[%add3A_447, %dma_wait3A_553] : memref<160x128xi32, #tpu.memory_space<vmem>> -> memref<1x128xi32, #tpu.memory_space<vmem>>
        %dma_wait3A_555 = tpu.memref_squeeze %dma_wait3A_554 : memref<1x128xi32, #tpu.memory_space<vmem>> -> memref<128xi32, #tpu.memory_space<vmem>>
        %dma_wait3A_556 = arith.constant 0 : i32
        %dma_wait3A_557 = arith.constant 0 : i32
        %dma_wait3A_558 = tpu.memref_slice %arg17[%dma_wait3A_556, %dma_wait3A_557] : memref<10240x32xf32, #tpu.memory_space<vmem_shared>> -> memref<10240x32xf32, #tpu.memory_space<vmem_shared>>
        tpu.wait_indirect_dma semaphore(%arg24 : memref<!tpu.dma_semaphore, #tpu.memory_space<semaphore_mem>>) src(%arg10 : memref<128x32xf32, #tpu.memory_space<vmem>>) dst(%dma_wait3A_558 : memref<10240x32xf32, #tpu.memory_space<vmem_shared>>)
        %dma_start3A_559 = arith.constant 0 : i32
        %dma_start3A_560 = tpu.memref_slice %arg8[%add3A_460, %dma_start3A_559] : memref<160x128xi32, #tpu.memory_space<vmem>> -> memref<1x128xi32, #tpu.memory_space<vmem>>
        %dma_start3A_561 = tpu.memref_squeeze %dma_start3A_560 : memref<1x128xi32, #tpu.memory_space<vmem>> -> memref<128xi32, #tpu.memory_space<vmem>>
        %dma_start3A_562 = arith.constant 0 : i32
        %dma_start3A_563 = arith.constant 0 : i32
        %dma_start3A_564 = tpu.memref_slice %arg18[%dma_start3A_562, %dma_start3A_563] : memref<10240x32xf32, #tpu.memory_space<vmem_shared>> -> memref<10240x32xf32, #tpu.memory_space<vmem_shared>>
        tpu.enqueue_indirect_dma source(%dma_start3A_564 : memref<10240x32xf32, #tpu.memory_space<vmem_shared>>) target(%arg10 : memref<128x32xf32, #tpu.memory_space<vmem>>) offsets(%dma_start3A_561 : memref<128xi32, #tpu.memory_space<vmem>>) semaphore(%arg19 : memref<!tpu.dma_semaphore, #tpu.memory_space<semaphore_mem>>)
      } else {
      }
      %add3A_463 = arith.constant 1 : i32
      %add3A_464 = arith.addi %add3A_445, %add3A_463 : i32
      %dma_wait3A_465 = arith.constant 0 : i32
      %dma_wait3A_466 = tpu.memref_slice %arg8[%add3A_464, %dma_wait3A_465] : memref<160x128xi32, #tpu.memory_space<vmem>> -> memref<1x128xi32, #tpu.memory_space<vmem>>
      %dma_wait3A_467 = tpu.memref_squeeze %dma_wait3A_466 : memref<1x128xi32, #tpu.memory_space<vmem>> -> memref<128xi32, #tpu.memory_space<vmem>>
      %dma_wait3A_468 = arith.constant 0 : i32
      %dma_wait3A_469 = arith.constant 0 : i32
      %dma_wait3A_470 = tpu.memref_slice %arg18[%dma_wait3A_468, %dma_wait3A_469] : memref<10240x32xf32, #tpu.memory_space<vmem_shared>> -> memref<10240x32xf32, #tpu.memory_space<vmem_shared>>
      tpu.wait_indirect_dma semaphore(%arg20 : memref<!tpu.dma_semaphore, #tpu.memory_space<semaphore_mem>>) src(%dma_wait3A_470 : memref<10240x32xf32, #tpu.memory_space<vmem_shared>>) dst(%arg11 : memref<128x32xf32, #tpu.memory_space<vmem>>)
      %dma_start3A_471 = arith.constant 0 : i32
      %dma_start3A_472 = tpu.memref_slice %arg9[%add3A_464, %dma_start3A_471] : memref<160x128xi32, #tpu.memory_space<vmem>> -> memref<1x128xi32, #tpu.memory_space<vmem>>
      %dma_start3A_473 = tpu.memref_squeeze %dma_start3A_472 : memref<1x128xi32, #tpu.memory_space<vmem>> -> memref<128xi32, #tpu.memory_space<vmem>>
      %dma_start3A_474 = arith.constant 0 : i32
      %dma_start3A_475 = arith.constant 0 : i32
      %dma_start3A_476 = tpu.memref_slice %arg17[%dma_start3A_474, %dma_start3A_475] : memref<10240x32xf32, #tpu.memory_space<vmem_shared>> -> memref<10240x32xf32, #tpu.memory_space<vmem_shared>>
      tpu.enqueue_indirect_dma source(%arg11 : memref<128x32xf32, #tpu.memory_space<vmem>>) target(%dma_start3A_476 : memref<10240x32xf32, #tpu.memory_space<vmem_shared>>) offsets(%dma_start3A_473 : memref<128xi32, #tpu.memory_space<vmem>>) semaphore(%arg25 : memref<!tpu.dma_semaphore, #tpu.memory_space<semaphore_mem>>) {add = true}
      %add3A_477 = arith.constant 5 : i32
      %add3A_478 = arith.addi %add3A_464, %add3A_477 : i32
      %lt3A_479 = arith.constant 160 : i32
      %lt3A_480 = arith.cmpi slt, %add3A_478, %lt3A_479 : i32
      %convert_element_type3A_481 = arith.extui %lt3A_480 : i1 to i32
      %cond3A_482 = arith.constant 0 : i32
      %cond3A_483 = arith.cmpi ne, %convert_element_type3A_481, %cond3A_482 : i32
      scf.if %cond3A_483 {
        %dma_wait3A_553 = arith.constant 0 : i32
        %dma_wait3A_554 = tpu.memref_slice %arg9[%add3A_464, %dma_wait3A_553] : memref<160x128xi32, #tpu.memory_space<vmem>> -> memref<1x128xi32, #tpu.memory_space<vmem>>
        %dma_wait3A_555 = tpu.memref_squeeze %dma_wait3A_554 : memref<1x128xi32, #tpu.memory_space<vmem>> -> memref<128xi32, #tpu.memory_space<vmem>>
        %dma_wait3A_556 = arith.constant 0 : i32
        %dma_wait3A_557 = arith.constant 0 : i32
        %dma_wait3A_558 = tpu.memref_slice %arg17[%dma_wait3A_556, %dma_wait3A_557] : memref<10240x32xf32, #tpu.memory_space<vmem_shared>> -> memref<10240x32xf32, #tpu.memory_space<vmem_shared>>
        tpu.wait_indirect_dma semaphore(%arg25 : memref<!tpu.dma_semaphore, #tpu.memory_space<semaphore_mem>>) src(%arg11 : memref<128x32xf32, #tpu.memory_space<vmem>>) dst(%dma_wait3A_558 : memref<10240x32xf32, #tpu.memory_space<vmem_shared>>)
        %dma_start3A_559 = arith.constant 0 : i32
        %dma_start3A_560 = tpu.memref_slice %arg8[%add3A_478, %dma_start3A_559] : memref<160x128xi32, #tpu.memory_space<vmem>> -> memref<1x128xi32, #tpu.memory_space<vmem>>
        %dma_start3A_561 = tpu.memref_squeeze %dma_start3A_560 : memref<1x128xi32, #tpu.memory_space<vmem>> -> memref<128xi32, #tpu.memory_space<vmem>>
        %dma_start3A_562 = arith.constant 0 : i32
        %dma_start3A_563 = arith.constant 0 : i32
        %dma_start3A_564 = tpu.memref_slice %arg18[%dma_start3A_562, %dma_start3A_563] : memref<10240x32xf32, #tpu.memory_space<vmem_shared>> -> memref<10240x32xf32, #tpu.memory_space<vmem_shared>>
        tpu.enqueue_indirect_dma source(%dma_start3A_564 : memref<10240x32xf32, #tpu.memory_space<vmem_shared>>) target(%arg11 : memref<128x32xf32, #tpu.memory_space<vmem>>) offsets(%dma_start3A_561 : memref<128xi32, #tpu.memory_space<vmem>>) semaphore(%arg20 : memref<!tpu.dma_semaphore, #tpu.memory_space<semaphore_mem>>)
      } else {
      }
      %add3A_484 = arith.constant 2 : i32
      %add3A_485 = arith.addi %add3A_445, %add3A_484 : i32
      %dma_wait3A_486 = arith.constant 0 : i32
      %dma_wait3A_487 = tpu.memref_slice %arg8[%add3A_485, %dma_wait3A_486] : memref<160x128xi32, #tpu.memory_space<vmem>> -> memref<1x128xi32, #tpu.memory_space<vmem>>
      %dma_wait3A_488 = tpu.memref_squeeze %dma_wait3A_487 : memref<1x128xi32, #tpu.memory_space<vmem>> -> memref<128xi32, #tpu.memory_space<vmem>>
      %dma_wait3A_489 = arith.constant 0 : i32
      %dma_wait3A_490 = arith.constant 0 : i32
      %dma_wait3A_491 = tpu.memref_slice %arg18[%dma_wait3A_489, %dma_wait3A_490] : memref<10240x32xf32, #tpu.memory_space<vmem_shared>> -> memref<10240x32xf32, #tpu.memory_space<vmem_shared>>
      tpu.wait_indirect_dma semaphore(%arg21 : memref<!tpu.dma_semaphore, #tpu.memory_space<semaphore_mem>>) src(%dma_wait3A_491 : memref<10240x32xf32, #tpu.memory_space<vmem_shared>>) dst(%arg12 : memref<128x32xf32, #tpu.memory_space<vmem>>)
      %dma_start3A_492 = arith.constant 0 : i32
      %dma_start3A_493 = tpu.memref_slice %arg9[%add3A_485, %dma_start3A_492] : memref<160x128xi32, #tpu.memory_space<vmem>> -> memref<1x128xi32, #tpu.memory_space<vmem>>
      %dma_start3A_494 = tpu.memref_squeeze %dma_start3A_493 : memref<1x128xi32, #tpu.memory_space<vmem>> -> memref<128xi32, #tpu.memory_space<vmem>>
      %dma_start3A_495 = arith.constant 0 : i32
      %dma_start3A_496 = arith.constant 0 : i32
      %dma_start3A_497 = tpu.memref_slice %arg17[%dma_start3A_495, %dma_start3A_496] : memref<10240x32xf32, #tpu.memory_space<vmem_shared>> -> memref<10240x32xf32, #tpu.memory_space<vmem_shared>>
      tpu.enqueue_indirect_dma source(%arg12 : memref<128x32xf32, #tpu.memory_space<vmem>>) target(%dma_start3A_497 : memref<10240x32xf32, #tpu.memory_space<vmem_shared>>) offsets(%dma_start3A_494 : memref<128xi32, #tpu.memory_space<vmem>>) semaphore(%arg26 : memref<!tpu.dma_semaphore, #tpu.memory_space<semaphore_mem>>) {add = true}
      %add3A_498 = arith.constant 5 : i32
      %add3A_499 = arith.addi %add3A_485, %add3A_498 : i32
      %lt3A_500 = arith.constant 160 : i32
      %lt3A_501 = arith.cmpi slt, %add3A_499, %lt3A_500 : i32
      %convert_element_type3A_502 = arith.extui %lt3A_501 : i1 to i32
      %cond3A_503 = arith.constant 0 : i32
      %cond3A_504 = arith.cmpi ne, %convert_element_type3A_502, %cond3A_503 : i32
      scf.if %cond3A_504 {
        %dma_wait3A_553 = arith.constant 0 : i32
        %dma_wait3A_554 = tpu.memref_slice %arg9[%add3A_485, %dma_wait3A_553] : memref<160x128xi32, #tpu.memory_space<vmem>> -> memref<1x128xi32, #tpu.memory_space<vmem>>
        %dma_wait3A_555 = tpu.memref_squeeze %dma_wait3A_554 : memref<1x128xi32, #tpu.memory_space<vmem>> -> memref<128xi32, #tpu.memory_space<vmem>>
        %dma_wait3A_556 = arith.constant 0 : i32
        %dma_wait3A_557 = arith.constant 0 : i32
        %dma_wait3A_558 = tpu.memref_slice %arg17[%dma_wait3A_556, %dma_wait3A_557] : memref<10240x32xf32, #tpu.memory_space<vmem_shared>> -> memref<10240x32xf32, #tpu.memory_space<vmem_shared>>
        tpu.wait_indirect_dma semaphore(%arg26 : memref<!tpu.dma_semaphore, #tpu.memory_space<semaphore_mem>>) src(%arg12 : memref<128x32xf32, #tpu.memory_space<vmem>>) dst(%dma_wait3A_558 : memref<10240x32xf32, #tpu.memory_space<vmem_shared>>)
        %dma_start3A_559 = arith.constant 0 : i32
        %dma_start3A_560 = tpu.memref_slice %arg8[%add3A_499, %dma_start3A_559] : memref<160x128xi32, #tpu.memory_space<vmem>> -> memref<1x128xi32, #tpu.memory_space<vmem>>
        %dma_start3A_561 = tpu.memref_squeeze %dma_start3A_560 : memref<1x128xi32, #tpu.memory_space<vmem>> -> memref<128xi32, #tpu.memory_space<vmem>>
        %dma_start3A_562 = arith.constant 0 : i32
        %dma_start3A_563 = arith.constant 0 : i32
        %dma_start3A_564 = tpu.memref_slice %arg18[%dma_start3A_562, %dma_start3A_563] : memref<10240x32xf32, #tpu.memory_space<vmem_shared>> -> memref<10240x32xf32, #tpu.memory_space<vmem_shared>>
        tpu.enqueue_indirect_dma source(%dma_start3A_564 : memref<10240x32xf32, #tpu.memory_space<vmem_shared>>) target(%arg12 : memref<128x32xf32, #tpu.memory_space<vmem>>) offsets(%dma_start3A_561 : memref<128xi32, #tpu.memory_space<vmem>>) semaphore(%arg21 : memref<!tpu.dma_semaphore, #tpu.memory_space<semaphore_mem>>)
      } else {
      }
      %add3A_505 = arith.constant 3 : i32
      %add3A_506 = arith.addi %add3A_445, %add3A_505 : i32
      %dma_wait3A_507 = arith.constant 0 : i32
      %dma_wait3A_508 = tpu.memref_slice %arg8[%add3A_506, %dma_wait3A_507] : memref<160x128xi32, #tpu.memory_space<vmem>> -> memref<1x128xi32, #tpu.memory_space<vmem>>
      %dma_wait3A_509 = tpu.memref_squeeze %dma_wait3A_508 : memref<1x128xi32, #tpu.memory_space<vmem>> -> memref<128xi32, #tpu.memory_space<vmem>>
      %dma_wait3A_510 = arith.constant 0 : i32
      %dma_wait3A_511 = arith.constant 0 : i32
      %dma_wait3A_512 = tpu.memref_slice %arg18[%dma_wait3A_510, %dma_wait3A_511] : memref<10240x32xf32, #tpu.memory_space<vmem_shared>> -> memref<10240x32xf32, #tpu.memory_space<vmem_shared>>
      tpu.wait_indirect_dma semaphore(%arg22 : memref<!tpu.dma_semaphore, #tpu.memory_space<semaphore_mem>>) src(%dma_wait3A_512 : memref<10240x32xf32, #tpu.memory_space<vmem_shared>>) dst(%arg13 : memref<128x32xf32, #tpu.memory_space<vmem>>)
      %dma_start3A_513 = arith.constant 0 : i32
      %dma_start3A_514 = tpu.memref_slice %arg9[%add3A_506, %dma_start3A_513] : memref<160x128xi32, #tpu.memory_space<vmem>> -> memref<1x128xi32, #tpu.memory_space<vmem>>
      %dma_start3A_515 = tpu.memref_squeeze %dma_start3A_514 : memref<1x128xi32, #tpu.memory_space<vmem>> -> memref<128xi32, #tpu.memory_space<vmem>>
      %dma_start3A_516 = arith.constant 0 : i32
      %dma_start3A_517 = arith.constant 0 : i32
      %dma_start3A_518 = tpu.memref_slice %arg17[%dma_start3A_516, %dma_start3A_517] : memref<10240x32xf32, #tpu.memory_space<vmem_shared>> -> memref<10240x32xf32, #tpu.memory_space<vmem_shared>>
      tpu.enqueue_indirect_dma source(%arg13 : memref<128x32xf32, #tpu.memory_space<vmem>>) target(%dma_start3A_518 : memref<10240x32xf32, #tpu.memory_space<vmem_shared>>) offsets(%dma_start3A_515 : memref<128xi32, #tpu.memory_space<vmem>>) semaphore(%arg27 : memref<!tpu.dma_semaphore, #tpu.memory_space<semaphore_mem>>) {add = true}
      %add3A_519 = arith.constant 5 : i32
      %add3A_520 = arith.addi %add3A_506, %add3A_519 : i32
      %lt3A_521 = arith.constant 160 : i32
      %lt3A_522 = arith.cmpi slt, %add3A_520, %lt3A_521 : i32
      %convert_element_type3A_523 = arith.extui %lt3A_522 : i1 to i32
      %cond3A_524 = arith.constant 0 : i32
      %cond3A_525 = arith.cmpi ne, %convert_element_type3A_523, %cond3A_524 : i32
      scf.if %cond3A_525 {
        %dma_wait3A_553 = arith.constant 0 : i32
        %dma_wait3A_554 = tpu.memref_slice %arg9[%add3A_506, %dma_wait3A_553] : memref<160x128xi32, #tpu.memory_space<vmem>> -> memref<1x128xi32, #tpu.memory_space<vmem>>
        %dma_wait3A_555 = tpu.memref_squeeze %dma_wait3A_554 : memref<1x128xi32, #tpu.memory_space<vmem>> -> memref<128xi32, #tpu.memory_space<vmem>>
        %dma_wait3A_556 = arith.constant 0 : i32
        %dma_wait3A_557 = arith.constant 0 : i32
        %dma_wait3A_558 = tpu.memref_slice %arg17[%dma_wait3A_556, %dma_wait3A_557] : memref<10240x32xf32, #tpu.memory_space<vmem_shared>> -> memref<10240x32xf32, #tpu.memory_space<vmem_shared>>
        tpu.wait_indirect_dma semaphore(%arg27 : memref<!tpu.dma_semaphore, #tpu.memory_space<semaphore_mem>>) src(%arg13 : memref<128x32xf32, #tpu.memory_space<vmem>>) dst(%dma_wait3A_558 : memref<10240x32xf32, #tpu.memory_space<vmem_shared>>)
        %dma_start3A_559 = arith.constant 0 : i32
        %dma_start3A_560 = tpu.memref_slice %arg8[%add3A_520, %dma_start3A_559] : memref<160x128xi32, #tpu.memory_space<vmem>> -> memref<1x128xi32, #tpu.memory_space<vmem>>
        %dma_start3A_561 = tpu.memref_squeeze %dma_start3A_560 : memref<1x128xi32, #tpu.memory_space<vmem>> -> memref<128xi32, #tpu.memory_space<vmem>>
        %dma_start3A_562 = arith.constant 0 : i32
        %dma_start3A_563 = arith.constant 0 : i32
        %dma_start3A_564 = tpu.memref_slice %arg18[%dma_start3A_562, %dma_start3A_563] : memref<10240x32xf32, #tpu.memory_space<vmem_shared>> -> memref<10240x32xf32, #tpu.memory_space<vmem_shared>>
        tpu.enqueue_indirect_dma source(%dma_start3A_564 : memref<10240x32xf32, #tpu.memory_space<vmem_shared>>) target(%arg13 : memref<128x32xf32, #tpu.memory_space<vmem>>) offsets(%dma_start3A_561 : memref<128xi32, #tpu.memory_space<vmem>>) semaphore(%arg22 : memref<!tpu.dma_semaphore, #tpu.memory_space<semaphore_mem>>)
      } else {
      }
      %add3A_526 = arith.constant 4 : i32
      %add3A_527 = arith.addi %add3A_445, %add3A_526 : i32
      %dma_wait3A_528 = arith.constant 0 : i32
      %dma_wait3A_529 = tpu.memref_slice %arg8[%add3A_527, %dma_wait3A_528] : memref<160x128xi32, #tpu.memory_space<vmem>> -> memref<1x128xi32, #tpu.memory_space<vmem>>
      %dma_wait3A_530 = tpu.memref_squeeze %dma_wait3A_529 : memref<1x128xi32, #tpu.memory_space<vmem>> -> memref<128xi32, #tpu.memory_space<vmem>>
      %dma_wait3A_531 = arith.constant 0 : i32
      %dma_wait3A_532 = arith.constant 0 : i32
      %dma_wait3A_533 = tpu.memref_slice %arg18[%dma_wait3A_531, %dma_wait3A_532] : memref<10240x32xf32, #tpu.memory_space<vmem_shared>> -> memref<10240x32xf32, #tpu.memory_space<vmem_shared>>
      tpu.wait_indirect_dma semaphore(%arg23 : memref<!tpu.dma_semaphore, #tpu.memory_space<semaphore_mem>>) src(%dma_wait3A_533 : memref<10240x32xf32, #tpu.memory_space<vmem_shared>>) dst(%arg14 : memref<128x32xf32, #tpu.memory_space<vmem>>)
      %dma_start3A_534 = arith.constant 0 : i32
      %dma_start3A_535 = tpu.memref_slice %arg9[%add3A_527, %dma_start3A_534] : memref<160x128xi32, #tpu.memory_space<vmem>> -> memref<1x128xi32, #tpu.memory_space<vmem>>
      %dma_start3A_536 = tpu.memref_squeeze %dma_start3A_535 : memref<1x128xi32, #tpu.memory_space<vmem>> -> memref<128xi32, #tpu.memory_space<vmem>>
      %dma_start3A_537 = arith.constant 0 : i32
      %dma_start3A_538 = arith.constant 0 : i32
      %dma_start3A_539 = tpu.memref_slice %arg17[%dma_start3A_537, %dma_start3A_538] : memref<10240x32xf32, #tpu.memory_space<vmem_shared>> -> memref<10240x32xf32, #tpu.memory_space<vmem_shared>>
      tpu.enqueue_indirect_dma source(%arg14 : memref<128x32xf32, #tpu.memory_space<vmem>>) target(%dma_start3A_539 : memref<10240x32xf32, #tpu.memory_space<vmem_shared>>) offsets(%dma_start3A_536 : memref<128xi32, #tpu.memory_space<vmem>>) semaphore(%arg28 : memref<!tpu.dma_semaphore, #tpu.memory_space<semaphore_mem>>) {add = true}
      %add3A_540 = arith.constant 5 : i32
      %add3A_541 = arith.addi %add3A_527, %add3A_540 : i32
      %lt3A_542 = arith.constant 160 : i32
      %lt3A_543 = arith.cmpi slt, %add3A_541, %lt3A_542 : i32
      %convert_element_type3A_544 = arith.extui %lt3A_543 : i1 to i32
      %cond3A_545 = arith.constant 0 : i32
      %cond3A_546 = arith.cmpi ne, %convert_element_type3A_544, %cond3A_545 : i32
      scf.if %cond3A_546 {
        %dma_wait3A_553 = arith.constant 0 : i32
        %dma_wait3A_554 = tpu.memref_slice %arg9[%add3A_527, %dma_wait3A_553] : memref<160x128xi32, #tpu.memory_space<vmem>> -> memref<1x128xi32, #tpu.memory_space<vmem>>
        %dma_wait3A_555 = tpu.memref_squeeze %dma_wait3A_554 : memref<1x128xi32, #tpu.memory_space<vmem>> -> memref<128xi32, #tpu.memory_space<vmem>>
        %dma_wait3A_556 = arith.constant 0 : i32
        %dma_wait3A_557 = arith.constant 0 : i32
        %dma_wait3A_558 = tpu.memref_slice %arg17[%dma_wait3A_556, %dma_wait3A_557] : memref<10240x32xf32, #tpu.memory_space<vmem_shared>> -> memref<10240x32xf32, #tpu.memory_space<vmem_shared>>
        tpu.wait_indirect_dma semaphore(%arg28 : memref<!tpu.dma_semaphore, #tpu.memory_space<semaphore_mem>>) src(%arg14 : memref<128x32xf32, #tpu.memory_space<vmem>>) dst(%dma_wait3A_558 : memref<10240x32xf32, #tpu.memory_space<vmem_shared>>)
        %dma_start3A_559 = arith.constant 0 : i32
        %dma_start3A_560 = tpu.memref_slice %arg8[%add3A_541, %dma_start3A_559] : memref<160x128xi32, #tpu.memory_space<vmem>> -> memref<1x128xi32, #tpu.memory_space<vmem>>
        %dma_start3A_561 = tpu.memref_squeeze %dma_start3A_560 : memref<1x128xi32, #tpu.memory_space<vmem>> -> memref<128xi32, #tpu.memory_space<vmem>>
        %dma_start3A_562 = arith.constant 0 : i32
        %dma_start3A_563 = arith.constant 0 : i32
        %dma_start3A_564 = tpu.memref_slice %arg18[%dma_start3A_562, %dma_start3A_563] : memref<10240x32xf32, #tpu.memory_space<vmem_shared>> -> memref<10240x32xf32, #tpu.memory_space<vmem_shared>>
        tpu.enqueue_indirect_dma source(%dma_start3A_564 : memref<10240x32xf32, #tpu.memory_space<vmem_shared>>) target(%arg14 : memref<128x32xf32, #tpu.memory_space<vmem>>) offsets(%dma_start3A_561 : memref<128xi32, #tpu.memory_space<vmem>>) semaphore(%arg23 : memref<!tpu.dma_semaphore, #tpu.memory_space<semaphore_mem>>)
      } else {
      }
      %add3A_547 = arith.constant 5 : i32
      %add3A_548 = arith.addi %add3A_445, %add3A_547 : i32
      %ge3A = arith.constant 160 : i32
      %ge3A_549 = arith.cmpi sge, %add3A_548, %ge3A : i32
      %convert_element_type3A_550 = arith.extui %ge3A_549 : i1 to i32
      %cond3A_551 = arith.constant 0 : i32
      %cond3A_552 = arith.cmpi ne, %convert_element_type3A_550, %cond3A_551 : i32
      scf.if %cond3A_552 {
        %add3A_553 = arith.constant 0 : i32
        %add3A_554 = arith.addi %add3A_445, %add3A_553 : i32
        %dma_wait3A_555 = arith.constant 0 : i32
        %dma_wait3A_556 = tpu.memref_slice %arg9[%add3A_554, %dma_wait3A_555] : memref<160x128xi32, #tpu.memory_space<vmem>> -> memref<1x128xi32, #tpu.memory_space<vmem>>
        %dma_wait3A_557 = tpu.memref_squeeze %dma_wait3A_556 : memref<1x128xi32, #tpu.memory_space<vmem>> -> memref<128xi32, #tpu.memory_space<vmem>>
        %dma_wait3A_558 = arith.constant 0 : i32
        %dma_wait3A_559 = arith.constant 0 : i32
        %dma_wait3A_560 = tpu.memref_slice %arg17[%dma_wait3A_558, %dma_wait3A_559] : memref<10240x32xf32, #tpu.memory_space<vmem_shared>> -> memref<10240x32xf32, #tpu.memory_space<vmem_shared>>
        tpu.wait_indirect_dma semaphore(%arg24 : memref<!tpu.dma_semaphore, #tpu.memory_space<semaphore_mem>>) src(%arg10 : memref<128x32xf32, #tpu.memory_space<vmem>>) dst(%dma_wait3A_560 : memref<10240x32xf32, #tpu.memory_space<vmem_shared>>)
        %add3A_561 = arith.constant 1 : i32
        %add3A_562 = arith.addi %add3A_445, %add3A_561 : i32
        %dma_wait3A_563 = arith.constant 0 : i32
        %dma_wait3A_564 = tpu.memref_slice %arg9[%add3A_562, %dma_wait3A_563] : memref<160x128xi32, #tpu.memory_space<vmem>> -> memref<1x128xi32, #tpu.memory_space<vmem>>
        %dma_wait3A_565 = tpu.memref_squeeze %dma_wait3A_564 : memref<1x128xi32, #tpu.memory_space<vmem>> -> memref<128xi32, #tpu.memory_space<vmem>>
        %dma_wait3A_566 = arith.constant 0 : i32
        %dma_wait3A_567 = arith.constant 0 : i32
        %dma_wait3A_568 = tpu.memref_slice %arg17[%dma_wait3A_566, %dma_wait3A_567] : memref<10240x32xf32, #tpu.memory_space<vmem_shared>> -> memref<10240x32xf32, #tpu.memory_space<vmem_shared>>
        tpu.wait_indirect_dma semaphore(%arg25 : memref<!tpu.dma_semaphore, #tpu.memory_space<semaphore_mem>>) src(%arg11 : memref<128x32xf32, #tpu.memory_space<vmem>>) dst(%dma_wait3A_568 : memref<10240x32xf32, #tpu.memory_space<vmem_shared>>)
        %add3A_569 = arith.constant 2 : i32
        %add3A_570 = arith.addi %add3A_445, %add3A_569 : i32
        %dma_wait3A_571 = arith.constant 0 : i32
        %dma_wait3A_572 = tpu.memref_slice %arg9[%add3A_570, %dma_wait3A_571] : memref<160x128xi32, #tpu.memory_space<vmem>> -> memref<1x128xi32, #tpu.memory_space<vmem>>
        %dma_wait3A_573 = tpu.memref_squeeze %dma_wait3A_572 : memref<1x128xi32, #tpu.memory_space<vmem>> -> memref<128xi32, #tpu.memory_space<vmem>>
        %dma_wait3A_574 = arith.constant 0 : i32
        %dma_wait3A_575 = arith.constant 0 : i32
        %dma_wait3A_576 = tpu.memref_slice %arg17[%dma_wait3A_574, %dma_wait3A_575] : memref<10240x32xf32, #tpu.memory_space<vmem_shared>> -> memref<10240x32xf32, #tpu.memory_space<vmem_shared>>
        tpu.wait_indirect_dma semaphore(%arg26 : memref<!tpu.dma_semaphore, #tpu.memory_space<semaphore_mem>>) src(%arg12 : memref<128x32xf32, #tpu.memory_space<vmem>>) dst(%dma_wait3A_576 : memref<10240x32xf32, #tpu.memory_space<vmem_shared>>)
        %add3A_577 = arith.constant 3 : i32
        %add3A_578 = arith.addi %add3A_445, %add3A_577 : i32
        %dma_wait3A_579 = arith.constant 0 : i32
        %dma_wait3A_580 = tpu.memref_slice %arg9[%add3A_578, %dma_wait3A_579] : memref<160x128xi32, #tpu.memory_space<vmem>> -> memref<1x128xi32, #tpu.memory_space<vmem>>
        %dma_wait3A_581 = tpu.memref_squeeze %dma_wait3A_580 : memref<1x128xi32, #tpu.memory_space<vmem>> -> memref<128xi32, #tpu.memory_space<vmem>>
        %dma_wait3A_582 = arith.constant 0 : i32
        %dma_wait3A_583 = arith.constant 0 : i32
        %dma_wait3A_584 = tpu.memref_slice %arg17[%dma_wait3A_582, %dma_wait3A_583] : memref<10240x32xf32, #tpu.memory_space<vmem_shared>> -> memref<10240x32xf32, #tpu.memory_space<vmem_shared>>
        tpu.wait_indirect_dma semaphore(%arg27 : memref<!tpu.dma_semaphore, #tpu.memory_space<semaphore_mem>>) src(%arg13 : memref<128x32xf32, #tpu.memory_space<vmem>>) dst(%dma_wait3A_584 : memref<10240x32xf32, #tpu.memory_space<vmem_shared>>)
        %add3A_585 = arith.constant 4 : i32
        %add3A_586 = arith.addi %add3A_445, %add3A_585 : i32
        %dma_wait3A_587 = arith.constant 0 : i32
        %dma_wait3A_588 = tpu.memref_slice %arg9[%add3A_586, %dma_wait3A_587] : memref<160x128xi32, #tpu.memory_space<vmem>> -> memref<1x128xi32, #tpu.memory_space<vmem>>
        %dma_wait3A_589 = tpu.memref_squeeze %dma_wait3A_588 : memref<1x128xi32, #tpu.memory_space<vmem>> -> memref<128xi32, #tpu.memory_space<vmem>>
        %dma_wait3A_590 = arith.constant 0 : i32
        %dma_wait3A_591 = arith.constant 0 : i32
        %dma_wait3A_592 = tpu.memref_slice %arg17[%dma_wait3A_590, %dma_wait3A_591] : memref<10240x32xf32, #tpu.memory_space<vmem_shared>> -> memref<10240x32xf32, #tpu.memory_space<vmem_shared>>
        tpu.wait_indirect_dma semaphore(%arg28 : memref<!tpu.dma_semaphore, #tpu.memory_space<semaphore_mem>>) src(%arg14 : memref<128x32xf32, #tpu.memory_space<vmem>>) dst(%dma_wait3A_592 : memref<10240x32xf32, #tpu.memory_space<vmem_shared>>)
      } else {
      }
    }
    %while3A_100 = arith.constant 1 : i32
    scf.for %while3A_443 = %while3A_98 to %while3A_94 step %while3A_100  : i32 {
      %mul3A_444 = arith.muli %while3A_443, %while3A_90 : i32
      %add3A_445 = arith.addi %while3A_91, %mul3A_444 : i32
      %add3A_446 = arith.constant 0 : i32
      %add3A_447 = arith.addi %add3A_445, %add3A_446 : i32
      %dma_wait3A = arith.constant 0 : i32
      %dma_wait3A_448 = tpu.memref_slice %arg8[%add3A_447, %dma_wait3A] : memref<160x128xi32, #tpu.memory_space<vmem>> -> memref<1x128xi32, #tpu.memory_space<vmem>>
      %dma_wait3A_449 = tpu.memref_squeeze %dma_wait3A_448 : memref<1x128xi32, #tpu.memory_space<vmem>> -> memref<128xi32, #tpu.memory_space<vmem>>
      %dma_wait3A_450 = arith.constant 0 : i32
      %dma_wait3A_451 = arith.constant 0 : i32
      %dma_wait3A_452 = tpu.memref_slice %arg18[%dma_wait3A_450, %dma_wait3A_451] : memref<10240x32xf32, #tpu.memory_space<vmem_shared>> -> memref<10240x32xf32, #tpu.memory_space<vmem_shared>>
      tpu.wait_indirect_dma semaphore(%arg19 : memref<!tpu.dma_semaphore, #tpu.memory_space<semaphore_mem>>) src(%dma_wait3A_452 : memref<10240x32xf32, #tpu.memory_space<vmem_shared>>) dst(%arg10 : memref<128x32xf32, #tpu.memory_space<vmem>>)
      %dma_start3A_453 = arith.constant 0 : i32
      %dma_start3A_454 = tpu.memref_slice %arg9[%add3A_447, %dma_start3A_453] : memref<160x128xi32, #tpu.memory_space<vmem>> -> memref<1x128xi32, #tpu.memory_space<vmem>>
      %dma_start3A_455 = tpu.memref_squeeze %dma_start3A_454 : memref<1x128xi32, #tpu.memory_space<vmem>> -> memref<128xi32, #tpu.memory_space<vmem>>
      %dma_start3A_456 = arith.constant 0 : i32
      %dma_start3A_457 = arith.constant 0 : i32
      %dma_start3A_458 = tpu.memref_slice %arg17[%dma_start3A_456, %dma_start3A_457] : memref<10240x32xf32, #tpu.memory_space<vmem_shared>> -> memref<10240x32xf32, #tpu.memory_space<vmem_shared>>
      tpu.enqueue_indirect_dma source(%arg10 : memref<128x32xf32, #tpu.memory_space<vmem>>) target(%dma_start3A_458 : memref<10240x32xf32, #tpu.memory_space<vmem_shared>>) offsets(%dma_start3A_455 : memref<128xi32, #tpu.memory_space<vmem>>) semaphore(%arg24 : memref<!tpu.dma_semaphore, #tpu.memory_space<semaphore_mem>>) {add = true}
      %add3A_459 = arith.constant 5 : i32
      %add3A_460 = arith.addi %add3A_447, %add3A_459 : i32
      %lt3A = arith.constant 160 : i32
      %lt3A_461 = arith.cmpi slt, %add3A_460, %lt3A : i32
      %convert_element_type3A = arith.extui %lt3A_461 : i1 to i32
      %cond3A = arith.constant 0 : i32
      %cond3A_462 = arith.cmpi ne, %convert_element_type3A, %cond3A : i32
      scf.if %cond3A_462 {
        %dma_wait3A_553 = arith.constant 0 : i32
        %dma_wait3A_554 = tpu.memref_slice %arg9[%add3A_447, %dma_wait3A_553] : memref<160x128xi32, #tpu.memory_space<vmem>> -> memref<1x128xi32, #tpu.memory_space<vmem>>
        %dma_wait3A_555 = tpu.memref_squeeze %dma_wait3A_554 : memref<1x128xi32, #tpu.memory_space<vmem>> -> memref<128xi32, #tpu.memory_space<vmem>>
        %dma_wait3A_556 = arith.constant 0 : i32
        %dma_wait3A_557 = arith.constant 0 : i32
        %dma_wait3A_558 = tpu.memref_slice %arg17[%dma_wait3A_556, %dma_wait3A_557] : memref<10240x32xf32, #tpu.memory_space<vmem_shared>> -> memref<10240x32xf32, #tpu.memory_space<vmem_shared>>
        tpu.wait_indirect_dma semaphore(%arg24 : memref<!tpu.dma_semaphore, #tpu.memory_space<semaphore_mem>>) src(%arg10 : memref<128x32xf32, #tpu.memory_space<vmem>>) dst(%dma_wait3A_558 : memref<10240x32xf32, #tpu.memory_space<vmem_shared>>)
        %dma_start3A_559 = arith.constant 0 : i32
        %dma_start3A_560 = tpu.memref_slice %arg8[%add3A_460, %dma_start3A_559] : memref<160x128xi32, #tpu.memory_space<vmem>> -> memref<1x128xi32, #tpu.memory_space<vmem>>
        %dma_start3A_561 = tpu.memref_squeeze %dma_start3A_560 : memref<1x128xi32, #tpu.memory_space<vmem>> -> memref<128xi32, #tpu.memory_space<vmem>>
        %dma_start3A_562 = arith.constant 0 : i32
        %dma_start3A_563 = arith.constant 0 : i32
        %dma_start3A_564 = tpu.memref_slice %arg18[%dma_start3A_562, %dma_start3A_563] : memref<10240x32xf32, #tpu.memory_space<vmem_shared>> -> memref<10240x32xf32, #tpu.memory_space<vmem_shared>>
        tpu.enqueue_indirect_dma source(%dma_start3A_564 : memref<10240x32xf32, #tpu.memory_space<vmem_shared>>) target(%arg10 : memref<128x32xf32, #tpu.memory_space<vmem>>) offsets(%dma_start3A_561 : memref<128xi32, #tpu.memory_space<vmem>>) semaphore(%arg19 : memref<!tpu.dma_semaphore, #tpu.memory_space<semaphore_mem>>)
      } else {
      }
      %add3A_463 = arith.constant 1 : i32
      %add3A_464 = arith.addi %add3A_445, %add3A_463 : i32
      %dma_wait3A_465 = arith.constant 0 : i32
      %dma_wait3A_466 = tpu.memref_slice %arg8[%add3A_464, %dma_wait3A_465] : memref<160x128xi32, #tpu.memory_space<vmem>> -> memref<1x128xi32, #tpu.memory_space<vmem>>
      %dma_wait3A_467 = tpu.memref_squeeze %dma_wait3A_466 : memref<1x128xi32, #tpu.memory_space<vmem>> -> memref<128xi32, #tpu.memory_space<vmem>>
      %dma_wait3A_468 = arith.constant 0 : i32
      %dma_wait3A_469 = arith.constant 0 : i32
      %dma_wait3A_470 = tpu.memref_slice %arg18[%dma_wait3A_468, %dma_wait3A_469] : memref<10240x32xf32, #tpu.memory_space<vmem_shared>> -> memref<10240x32xf32, #tpu.memory_space<vmem_shared>>
      tpu.wait_indirect_dma semaphore(%arg20 : memref<!tpu.dma_semaphore, #tpu.memory_space<semaphore_mem>>) src(%dma_wait3A_470 : memref<10240x32xf32, #tpu.memory_space<vmem_shared>>) dst(%arg11 : memref<128x32xf32, #tpu.memory_space<vmem>>)
      %dma_start3A_471 = arith.constant 0 : i32
      %dma_start3A_472 = tpu.memref_slice %arg9[%add3A_464, %dma_start3A_471] : memref<160x128xi32, #tpu.memory_space<vmem>> -> memref<1x128xi32, #tpu.memory_space<vmem>>
      %dma_start3A_473 = tpu.memref_squeeze %dma_start3A_472 : memref<1x128xi32, #tpu.memory_space<vmem>> -> memref<128xi32, #tpu.memory_space<vmem>>
      %dma_start3A_474 = arith.constant 0 : i32
      %dma_start3A_475 = arith.constant 0 : i32
      %dma_start3A_476 = tpu.memref_slice %arg17[%dma_start3A_474, %dma_start3A_475] : memref<10240x32xf32, #tpu.memory_space<vmem_shared>> -> memref<10240x32xf32, #tpu.memory_space<vmem_shared>>
      tpu.enqueue_indirect_dma source(%arg11 : memref<128x32xf32, #tpu.memory_space<vmem>>) target(%dma_start3A_476 : memref<10240x32xf32, #tpu.memory_space<vmem_shared>>) offsets(%dma_start3A_473 : memref<128xi32, #tpu.memory_space<vmem>>) semaphore(%arg25 : memref<!tpu.dma_semaphore, #tpu.memory_space<semaphore_mem>>) {add = true}
      %add3A_477 = arith.constant 5 : i32
      %add3A_478 = arith.addi %add3A_464, %add3A_477 : i32
      %lt3A_479 = arith.constant 160 : i32
      %lt3A_480 = arith.cmpi slt, %add3A_478, %lt3A_479 : i32
      %convert_element_type3A_481 = arith.extui %lt3A_480 : i1 to i32
      %cond3A_482 = arith.constant 0 : i32
      %cond3A_483 = arith.cmpi ne, %convert_element_type3A_481, %cond3A_482 : i32
      scf.if %cond3A_483 {
        %dma_wait3A_553 = arith.constant 0 : i32
        %dma_wait3A_554 = tpu.memref_slice %arg9[%add3A_464, %dma_wait3A_553] : memref<160x128xi32, #tpu.memory_space<vmem>> -> memref<1x128xi32, #tpu.memory_space<vmem>>
        %dma_wait3A_555 = tpu.memref_squeeze %dma_wait3A_554 : memref<1x128xi32, #tpu.memory_space<vmem>> -> memref<128xi32, #tpu.memory_space<vmem>>
        %dma_wait3A_556 = arith.constant 0 : i32
        %dma_wait3A_557 = arith.constant 0 : i32
        %dma_wait3A_558 = tpu.memref_slice %arg17[%dma_wait3A_556, %dma_wait3A_557] : memref<10240x32xf32, #tpu.memory_space<vmem_shared>> -> memref<10240x32xf32, #tpu.memory_space<vmem_shared>>
        tpu.wait_indirect_dma semaphore(%arg25 : memref<!tpu.dma_semaphore, #tpu.memory_space<semaphore_mem>>) src(%arg11 : memref<128x32xf32, #tpu.memory_space<vmem>>) dst(%dma_wait3A_558 : memref<10240x32xf32, #tpu.memory_space<vmem_shared>>)
        %dma_start3A_559 = arith.constant 0 : i32
        %dma_start3A_560 = tpu.memref_slice %arg8[%add3A_478, %dma_start3A_559] : memref<160x128xi32, #tpu.memory_space<vmem>> -> memref<1x128xi32, #tpu.memory_space<vmem>>
        %dma_start3A_561 = tpu.memref_squeeze %dma_start3A_560 : memref<1x128xi32, #tpu.memory_space<vmem>> -> memref<128xi32, #tpu.memory_space<vmem>>
        %dma_start3A_562 = arith.constant 0 : i32
        %dma_start3A_563 = arith.constant 0 : i32
        %dma_start3A_564 = tpu.memref_slice %arg18[%dma_start3A_562, %dma_start3A_563] : memref<10240x32xf32, #tpu.memory_space<vmem_shared>> -> memref<10240x32xf32, #tpu.memory_space<vmem_shared>>
        tpu.enqueue_indirect_dma source(%dma_start3A_564 : memref<10240x32xf32, #tpu.memory_space<vmem_shared>>) target(%arg11 : memref<128x32xf32, #tpu.memory_space<vmem>>) offsets(%dma_start3A_561 : memref<128xi32, #tpu.memory_space<vmem>>) semaphore(%arg20 : memref<!tpu.dma_semaphore, #tpu.memory_space<semaphore_mem>>)
      } else {
      }
      %add3A_484 = arith.constant 2 : i32
      %add3A_485 = arith.addi %add3A_445, %add3A_484 : i32
      %dma_wait3A_486 = arith.constant 0 : i32
      %dma_wait3A_487 = tpu.memref_slice %arg8[%add3A_485, %dma_wait3A_486] : memref<160x128xi32, #tpu.memory_space<vmem>> -> memref<1x128xi32, #tpu.memory_space<vmem>>
      %dma_wait3A_488 = tpu.memref_squeeze %dma_wait3A_487 : memref<1x128xi32, #tpu.memory_space<vmem>> -> memref<128xi32, #tpu.memory_space<vmem>>
      %dma_wait3A_489 = arith.constant 0 : i32
      %dma_wait3A_490 = arith.constant 0 : i32
      %dma_wait3A_491 = tpu.memref_slice %arg18[%dma_wait3A_489, %dma_wait3A_490] : memref<10240x32xf32, #tpu.memory_space<vmem_shared>> -> memref<10240x32xf32, #tpu.memory_space<vmem_shared>>
      tpu.wait_indirect_dma semaphore(%arg21 : memref<!tpu.dma_semaphore, #tpu.memory_space<semaphore_mem>>) src(%dma_wait3A_491 : memref<10240x32xf32, #tpu.memory_space<vmem_shared>>) dst(%arg12 : memref<128x32xf32, #tpu.memory_space<vmem>>)
      %dma_start3A_492 = arith.constant 0 : i32
      %dma_start3A_493 = tpu.memref_slice %arg9[%add3A_485, %dma_start3A_492] : memref<160x128xi32, #tpu.memory_space<vmem>> -> memref<1x128xi32, #tpu.memory_space<vmem>>
      %dma_start3A_494 = tpu.memref_squeeze %dma_start3A_493 : memref<1x128xi32, #tpu.memory_space<vmem>> -> memref<128xi32, #tpu.memory_space<vmem>>
      %dma_start3A_495 = arith.constant 0 : i32
      %dma_start3A_496 = arith.constant 0 : i32
      %dma_start3A_497 = tpu.memref_slice %arg17[%dma_start3A_495, %dma_start3A_496] : memref<10240x32xf32, #tpu.memory_space<vmem_shared>> -> memref<10240x32xf32, #tpu.memory_space<vmem_shared>>
      tpu.enqueue_indirect_dma source(%arg12 : memref<128x32xf32, #tpu.memory_space<vmem>>) target(%dma_start3A_497 : memref<10240x32xf32, #tpu.memory_space<vmem_shared>>) offsets(%dma_start3A_494 : memref<128xi32, #tpu.memory_space<vmem>>) semaphore(%arg26 : memref<!tpu.dma_semaphore, #tpu.memory_space<semaphore_mem>>) {add = true}
      %add3A_498 = arith.constant 5 : i32
      %add3A_499 = arith.addi %add3A_485, %add3A_498 : i32
      %lt3A_500 = arith.constant 160 : i32
      %lt3A_501 = arith.cmpi slt, %add3A_499, %lt3A_500 : i32
      %convert_element_type3A_502 = arith.extui %lt3A_501 : i1 to i32
      %cond3A_503 = arith.constant 0 : i32
      %cond3A_504 = arith.cmpi ne, %convert_element_type3A_502, %cond3A_503 : i32
      scf.if %cond3A_504 {
        %dma_wait3A_553 = arith.constant 0 : i32
        %dma_wait3A_554 = tpu.memref_slice %arg9[%add3A_485, %dma_wait3A_553] : memref<160x128xi32, #tpu.memory_space<vmem>> -> memref<1x128xi32, #tpu.memory_space<vmem>>
        %dma_wait3A_555 = tpu.memref_squeeze %dma_wait3A_554 : memref<1x128xi32, #tpu.memory_space<vmem>> -> memref<128xi32, #tpu.memory_space<vmem>>
        %dma_wait3A_556 = arith.constant 0 : i32
        %dma_wait3A_557 = arith.constant 0 : i32
        %dma_wait3A_558 = tpu.memref_slice %arg17[%dma_wait3A_556, %dma_wait3A_557] : memref<10240x32xf32, #tpu.memory_space<vmem_shared>> -> memref<10240x32xf32, #tpu.memory_space<vmem_shared>>
        tpu.wait_indirect_dma semaphore(%arg26 : memref<!tpu.dma_semaphore, #tpu.memory_space<semaphore_mem>>) src(%arg12 : memref<128x32xf32, #tpu.memory_space<vmem>>) dst(%dma_wait3A_558 : memref<10240x32xf32, #tpu.memory_space<vmem_shared>>)
        %dma_start3A_559 = arith.constant 0 : i32
        %dma_start3A_560 = tpu.memref_slice %arg8[%add3A_499, %dma_start3A_559] : memref<160x128xi32, #tpu.memory_space<vmem>> -> memref<1x128xi32, #tpu.memory_space<vmem>>
        %dma_start3A_561 = tpu.memref_squeeze %dma_start3A_560 : memref<1x128xi32, #tpu.memory_space<vmem>> -> memref<128xi32, #tpu.memory_space<vmem>>
        %dma_start3A_562 = arith.constant 0 : i32
        %dma_start3A_563 = arith.constant 0 : i32
        %dma_start3A_564 = tpu.memref_slice %arg18[%dma_start3A_562, %dma_start3A_563] : memref<10240x32xf32, #tpu.memory_space<vmem_shared>> -> memref<10240x32xf32, #tpu.memory_space<vmem_shared>>
        tpu.enqueue_indirect_dma source(%dma_start3A_564 : memref<10240x32xf32, #tpu.memory_space<vmem_shared>>) target(%arg12 : memref<128x32xf32, #tpu.memory_space<vmem>>) offsets(%dma_start3A_561 : memref<128xi32, #tpu.memory_space<vmem>>) semaphore(%arg21 : memref<!tpu.dma_semaphore, #tpu.memory_space<semaphore_mem>>)
      } else {
      }
      %add3A_505 = arith.constant 3 : i32
      %add3A_506 = arith.addi %add3A_445, %add3A_505 : i32
      %dma_wait3A_507 = arith.constant 0 : i32
      %dma_wait3A_508 = tpu.memref_slice %arg8[%add3A_506, %dma_wait3A_507] : memref<160x128xi32, #tpu.memory_space<vmem>> -> memref<1x128xi32, #tpu.memory_space<vmem>>
      %dma_wait3A_509 = tpu.memref_squeeze %dma_wait3A_508 : memref<1x128xi32, #tpu.memory_space<vmem>> -> memref<128xi32, #tpu.memory_space<vmem>>
      %dma_wait3A_510 = arith.constant 0 : i32
      %dma_wait3A_511 = arith.constant 0 : i32
      %dma_wait3A_512 = tpu.memref_slice %arg18[%dma_wait3A_510, %dma_wait3A_511] : memref<10240x32xf32, #tpu.memory_space<vmem_shared>> -> memref<10240x32xf32, #tpu.memory_space<vmem_shared>>
      tpu.wait_indirect_dma semaphore(%arg22 : memref<!tpu.dma_semaphore, #tpu.memory_space<semaphore_mem>>) src(%dma_wait3A_512 : memref<10240x32xf32, #tpu.memory_space<vmem_shared>>) dst(%arg13 : memref<128x32xf32, #tpu.memory_space<vmem>>)
      %dma_start3A_513 = arith.constant 0 : i32
      %dma_start3A_514 = tpu.memref_slice %arg9[%add3A_506, %dma_start3A_513] : memref<160x128xi32, #tpu.memory_space<vmem>> -> memref<1x128xi32, #tpu.memory_space<vmem>>
      %dma_start3A_515 = tpu.memref_squeeze %dma_start3A_514 : memref<1x128xi32, #tpu.memory_space<vmem>> -> memref<128xi32, #tpu.memory_space<vmem>>
      %dma_start3A_516 = arith.constant 0 : i32
      %dma_start3A_517 = arith.constant 0 : i32
      %dma_start3A_518 = tpu.memref_slice %arg17[%dma_start3A_516, %dma_start3A_517] : memref<10240x32xf32, #tpu.memory_space<vmem_shared>> -> memref<10240x32xf32, #tpu.memory_space<vmem_shared>>
      tpu.enqueue_indirect_dma source(%arg13 : memref<128x32xf32, #tpu.memory_space<vmem>>) target(%dma_start3A_518 : memref<10240x32xf32, #tpu.memory_space<vmem_shared>>) offsets(%dma_start3A_515 : memref<128xi32, #tpu.memory_space<vmem>>) semaphore(%arg27 : memref<!tpu.dma_semaphore, #tpu.memory_space<semaphore_mem>>) {add = true}
      %add3A_519 = arith.constant 5 : i32
      %add3A_520 = arith.addi %add3A_506, %add3A_519 : i32
      %lt3A_521 = arith.constant 160 : i32
      %lt3A_522 = arith.cmpi slt, %add3A_520, %lt3A_521 : i32
      %convert_element_type3A_523 = arith.extui %lt3A_522 : i1 to i32
      %cond3A_524 = arith.constant 0 : i32
      %cond3A_525 = arith.cmpi ne, %convert_element_type3A_523, %cond3A_524 : i32
      scf.if %cond3A_525 {
        %dma_wait3A_553 = arith.constant 0 : i32
        %dma_wait3A_554 = tpu.memref_slice %arg9[%add3A_506, %dma_wait3A_553] : memref<160x128xi32, #tpu.memory_space<vmem>> -> memref<1x128xi32, #tpu.memory_space<vmem>>
        %dma_wait3A_555 = tpu.memref_squeeze %dma_wait3A_554 : memref<1x128xi32, #tpu.memory_space<vmem>> -> memref<128xi32, #tpu.memory_space<vmem>>
        %dma_wait3A_556 = arith.constant 0 : i32
        %dma_wait3A_557 = arith.constant 0 : i32
        %dma_wait3A_558 = tpu.memref_slice %arg17[%dma_wait3A_556, %dma_wait3A_557] : memref<10240x32xf32, #tpu.memory_space<vmem_shared>> -> memref<10240x32xf32, #tpu.memory_space<vmem_shared>>
        tpu.wait_indirect_dma semaphore(%arg27 : memref<!tpu.dma_semaphore, #tpu.memory_space<semaphore_mem>>) src(%arg13 : memref<128x32xf32, #tpu.memory_space<vmem>>) dst(%dma_wait3A_558 : memref<10240x32xf32, #tpu.memory_space<vmem_shared>>)
        %dma_start3A_559 = arith.constant 0 : i32
        %dma_start3A_560 = tpu.memref_slice %arg8[%add3A_520, %dma_start3A_559] : memref<160x128xi32, #tpu.memory_space<vmem>> -> memref<1x128xi32, #tpu.memory_space<vmem>>
        %dma_start3A_561 = tpu.memref_squeeze %dma_start3A_560 : memref<1x128xi32, #tpu.memory_space<vmem>> -> memref<128xi32, #tpu.memory_space<vmem>>
        %dma_start3A_562 = arith.constant 0 : i32
        %dma_start3A_563 = arith.constant 0 : i32
        %dma_start3A_564 = tpu.memref_slice %arg18[%dma_start3A_562, %dma_start3A_563] : memref<10240x32xf32, #tpu.memory_space<vmem_shared>> -> memref<10240x32xf32, #tpu.memory_space<vmem_shared>>
        tpu.enqueue_indirect_dma source(%dma_start3A_564 : memref<10240x32xf32, #tpu.memory_space<vmem_shared>>) target(%arg13 : memref<128x32xf32, #tpu.memory_space<vmem>>) offsets(%dma_start3A_561 : memref<128xi32, #tpu.memory_space<vmem>>) semaphore(%arg22 : memref<!tpu.dma_semaphore, #tpu.memory_space<semaphore_mem>>)
      } else {
      }
      %add3A_526 = arith.constant 4 : i32
      %add3A_527 = arith.addi %add3A_445, %add3A_526 : i32
      %dma_wait3A_528 = arith.constant 0 : i32
      %dma_wait3A_529 = tpu.memref_slice %arg8[%add3A_527, %dma_wait3A_528] : memref<160x128xi32, #tpu.memory_space<vmem>> -> memref<1x128xi32, #tpu.memory_space<vmem>>
      %dma_wait3A_530 = tpu.memref_squeeze %dma_wait3A_529 : memref<1x128xi32, #tpu.memory_space<vmem>> -> memref<128xi32, #tpu.memory_space<vmem>>
      %dma_wait3A_531 = arith.constant 0 : i32
      %dma_wait3A_532 = arith.constant 0 : i32
      %dma_wait3A_533 = tpu.memref_slice %arg18[%dma_wait3A_531, %dma_wait3A_532] : memref<10240x32xf32, #tpu.memory_space<vmem_shared>> -> memref<10240x32xf32, #tpu.memory_space<vmem_shared>>
      tpu.wait_indirect_dma semaphore(%arg23 : memref<!tpu.dma_semaphore, #tpu.memory_space<semaphore_mem>>) src(%dma_wait3A_533 : memref<10240x32xf32, #tpu.memory_space<vmem_shared>>) dst(%arg14 : memref<128x32xf32, #tpu.memory_space<vmem>>)
      %dma_start3A_534 = arith.constant 0 : i32
      %dma_start3A_535 = tpu.memref_slice %arg9[%add3A_527, %dma_start3A_534] : memref<160x128xi32, #tpu.memory_space<vmem>> -> memref<1x128xi32, #tpu.memory_space<vmem>>
      %dma_start3A_536 = tpu.memref_squeeze %dma_start3A_535 : memref<1x128xi32, #tpu.memory_space<vmem>> -> memref<128xi32, #tpu.memory_space<vmem>>
      %dma_start3A_537 = arith.constant 0 : i32
      %dma_start3A_538 = arith.constant 0 : i32
      %dma_start3A_539 = tpu.memref_slice %arg17[%dma_start3A_537, %dma_start3A_538] : memref<10240x32xf32, #tpu.memory_space<vmem_shared>> -> memref<10240x32xf32, #tpu.memory_space<vmem_shared>>
      tpu.enqueue_indirect_dma source(%arg14 : memref<128x32xf32, #tpu.memory_space<vmem>>) target(%dma_start3A_539 : memref<10240x32xf32, #tpu.memory_space<vmem_shared>>) offsets(%dma_start3A_536 : memref<128xi32, #tpu.memory_space<vmem>>) semaphore(%arg28 : memref<!tpu.dma_semaphore, #tpu.memory_space<semaphore_mem>>) {add = true}
      %add3A_540 = arith.constant 5 : i32
      %add3A_541 = arith.addi %add3A_527, %add3A_540 : i32
      %lt3A_542 = arith.constant 160 : i32
      %lt3A_543 = arith.cmpi slt, %add3A_541, %lt3A_542 : i32
      %convert_element_type3A_544 = arith.extui %lt3A_543 : i1 to i32
      %cond3A_545 = arith.constant 0 : i32
      %cond3A_546 = arith.cmpi ne, %convert_element_type3A_544, %cond3A_545 : i32
      scf.if %cond3A_546 {
        %dma_wait3A_553 = arith.constant 0 : i32
        %dma_wait3A_554 = tpu.memref_slice %arg9[%add3A_527, %dma_wait3A_553] : memref<160x128xi32, #tpu.memory_space<vmem>> -> memref<1x128xi32, #tpu.memory_space<vmem>>
        %dma_wait3A_555 = tpu.memref_squeeze %dma_wait3A_554 : memref<1x128xi32, #tpu.memory_space<vmem>> -> memref<128xi32, #tpu.memory_space<vmem>>
        %dma_wait3A_556 = arith.constant 0 : i32
        %dma_wait3A_557 = arith.constant 0 : i32
        %dma_wait3A_558 = tpu.memref_slice %arg17[%dma_wait3A_556, %dma_wait3A_557] : memref<10240x32xf32, #tpu.memory_space<vmem_shared>> -> memref<10240x32xf32, #tpu.memory_space<vmem_shared>>
        tpu.wait_indirect_dma semaphore(%arg28 : memref<!tpu.dma_semaphore, #tpu.memory_space<semaphore_mem>>) src(%arg14 : memref<128x32xf32, #tpu.memory_space<vmem>>) dst(%dma_wait3A_558 : memref<10240x32xf32, #tpu.memory_space<vmem_shared>>)
        %dma_start3A_559 = arith.constant 0 : i32
        %dma_start3A_560 = tpu.memref_slice %arg8[%add3A_541, %dma_start3A_559] : memref<160x128xi32, #tpu.memory_space<vmem>> -> memref<1x128xi32, #tpu.memory_space<vmem>>
        %dma_start3A_561 = tpu.memref_squeeze %dma_start3A_560 : memref<1x128xi32, #tpu.memory_space<vmem>> -> memref<128xi32, #tpu.memory_space<vmem>>
        %dma_start3A_562 = arith.constant 0 : i32
        %dma_start3A_563 = arith.constant 0 : i32
        %dma_start3A_564 = tpu.memref_slice %arg18[%dma_start3A_562, %dma_start3A_563] : memref<10240x32xf32, #tpu.memory_space<vmem_shared>> -> memref<10240x32xf32, #tpu.memory_space<vmem_shared>>
        tpu.enqueue_indirect_dma source(%dma_start3A_564 : memref<10240x32xf32, #tpu.memory_space<vmem_shared>>) target(%arg14 : memref<128x32xf32, #tpu.memory_space<vmem>>) offsets(%dma_start3A_561 : memref<128xi32, #tpu.memory_space<vmem>>) semaphore(%arg23 : memref<!tpu.dma_semaphore, #tpu.memory_space<semaphore_mem>>)
      } else {
      }
      %add3A_547 = arith.constant 5 : i32
      %add3A_548 = arith.addi %add3A_445, %add3A_547 : i32
      %ge3A = arith.constant 160 : i32
      %ge3A_549 = arith.cmpi sge, %add3A_548, %ge3A : i32
      %convert_element_type3A_550 = arith.extui %ge3A_549 : i1 to i32
      %cond3A_551 = arith.constant 0 : i32
      %cond3A_552 = arith.cmpi ne, %convert_element_type3A_550, %cond3A_551 : i32
      scf.if %cond3A_552 {
        %add3A_553 = arith.constant 0 : i32
        %add3A_554 = arith.addi %add3A_445, %add3A_553 : i32
        %dma_wait3A_555 = arith.constant 0 : i32
        %dma_wait3A_556 = tpu.memref_slice %arg9[%add3A_554, %dma_wait3A_555] : memref<160x128xi32, #tpu.memory_space<vmem>> -> memref<1x128xi32, #tpu.memory_space<vmem>>
        %dma_wait3A_557 = tpu.memref_squeeze %dma_wait3A_556 : memref<1x128xi32, #tpu.memory_space<vmem>> -> memref<128xi32, #tpu.memory_space<vmem>>
        %dma_wait3A_558 = arith.constant 0 : i32
        %dma_wait3A_559 = arith.constant 0 : i32
        %dma_wait3A_560 = tpu.memref_slice %arg17[%dma_wait3A_558, %dma_wait3A_559] : memref<10240x32xf32, #tpu.memory_space<vmem_shared>> -> memref<10240x32xf32, #tpu.memory_space<vmem_shared>>
        tpu.wait_indirect_dma semaphore(%arg24 : memref<!tpu.dma_semaphore, #tpu.memory_space<semaphore_mem>>) src(%arg10 : memref<128x32xf32, #tpu.memory_space<vmem>>) dst(%dma_wait3A_560 : memref<10240x32xf32, #tpu.memory_space<vmem_shared>>)
        %add3A_561 = arith.constant 1 : i32
        %add3A_562 = arith.addi %add3A_445, %add3A_561 : i32
        %dma_wait3A_563 = arith.constant 0 : i32
        %dma_wait3A_564 = tpu.memref_slice %arg9[%add3A_562, %dma_wait3A_563] : memref<160x128xi32, #tpu.memory_space<vmem>> -> memref<1x128xi32, #tpu.memory_space<vmem>>
        %dma_wait3A_565 = tpu.memref_squeeze %dma_wait3A_564 : memref<1x128xi32, #tpu.memory_space<vmem>> -> memref<128xi32, #tpu.memory_space<vmem>>
        %dma_wait3A_566 = arith.constant 0 : i32
        %dma_wait3A_567 = arith.constant 0 : i32
        %dma_wait3A_568 = tpu.memref_slice %arg17[%dma_wait3A_566, %dma_wait3A_567] : memref<10240x32xf32, #tpu.memory_space<vmem_shared>> -> memref<10240x32xf32, #tpu.memory_space<vmem_shared>>
        tpu.wait_indirect_dma semaphore(%arg25 : memref<!tpu.dma_semaphore, #tpu.memory_space<semaphore_mem>>) src(%arg11 : memref<128x32xf32, #tpu.memory_space<vmem>>) dst(%dma_wait3A_568 : memref<10240x32xf32, #tpu.memory_space<vmem_shared>>)
        %add3A_569 = arith.constant 2 : i32
        %add3A_570 = arith.addi %add3A_445, %add3A_569 : i32
        %dma_wait3A_571 = arith.constant 0 : i32
        %dma_wait3A_572 = tpu.memref_slice %arg9[%add3A_570, %dma_wait3A_571] : memref<160x128xi32, #tpu.memory_space<vmem>> -> memref<1x128xi32, #tpu.memory_space<vmem>>
        %dma_wait3A_573 = tpu.memref_squeeze %dma_wait3A_572 : memref<1x128xi32, #tpu.memory_space<vmem>> -> memref<128xi32, #tpu.memory_space<vmem>>
        %dma_wait3A_574 = arith.constant 0 : i32
        %dma_wait3A_575 = arith.constant 0 : i32
        %dma_wait3A_576 = tpu.memref_slice %arg17[%dma_wait3A_574, %dma_wait3A_575] : memref<10240x32xf32, #tpu.memory_space<vmem_shared>> -> memref<10240x32xf32, #tpu.memory_space<vmem_shared>>
        tpu.wait_indirect_dma semaphore(%arg26 : memref<!tpu.dma_semaphore, #tpu.memory_space<semaphore_mem>>) src(%arg12 : memref<128x32xf32, #tpu.memory_space<vmem>>) dst(%dma_wait3A_576 : memref<10240x32xf32, #tpu.memory_space<vmem_shared>>)
        %add3A_577 = arith.constant 3 : i32
        %add3A_578 = arith.addi %add3A_445, %add3A_577 : i32
        %dma_wait3A_579 = arith.constant 0 : i32
        %dma_wait3A_580 = tpu.memref_slice %arg9[%add3A_578, %dma_wait3A_579] : memref<160x128xi32, #tpu.memory_space<vmem>> -> memref<1x128xi32, #tpu.memory_space<vmem>>
        %dma_wait3A_581 = tpu.memref_squeeze %dma_wait3A_580 : memref<1x128xi32, #tpu.memory_space<vmem>> -> memref<128xi32, #tpu.memory_space<vmem>>
        %dma_wait3A_582 = arith.constant 0 : i32
        %dma_wait3A_583 = arith.constant 0 : i32
        %dma_wait3A_584 = tpu.memref_slice %arg17[%dma_wait3A_582, %dma_wait3A_583] : memref<10240x32xf32, #tpu.memory_space<vmem_shared>> -> memref<10240x32xf32, #tpu.memory_space<vmem_shared>>
        tpu.wait_indirect_dma semaphore(%arg27 : memref<!tpu.dma_semaphore, #tpu.memory_space<semaphore_mem>>) src(%arg13 : memref<128x32xf32, #tpu.memory_space<vmem>>) dst(%dma_wait3A_584 : memref<10240x32xf32, #tpu.memory_space<vmem_shared>>)
        %add3A_585 = arith.constant 4 : i32
        %add3A_586 = arith.addi %add3A_445, %add3A_585 : i32
        %dma_wait3A_587 = arith.constant 0 : i32
        %dma_wait3A_588 = tpu.memref_slice %arg9[%add3A_586, %dma_wait3A_587] : memref<160x128xi32, #tpu.memory_space<vmem>> -> memref<1x128xi32, #tpu.memory_space<vmem>>
        %dma_wait3A_589 = tpu.memref_squeeze %dma_wait3A_588 : memref<1x128xi32, #tpu.memory_space<vmem>> -> memref<128xi32, #tpu.memory_space<vmem>>
        %dma_wait3A_590 = arith.constant 0 : i32
        %dma_wait3A_591 = arith.constant 0 : i32
        %dma_wait3A_592 = tpu.memref_slice %arg17[%dma_wait3A_590, %dma_wait3A_591] : memref<10240x32xf32, #tpu.memory_space<vmem_shared>> -> memref<10240x32xf32, #tpu.memory_space<vmem_shared>>
        tpu.wait_indirect_dma semaphore(%arg28 : memref<!tpu.dma_semaphore, #tpu.memory_space<semaphore_mem>>) src(%arg14 : memref<128x32xf32, #tpu.memory_space<vmem>>) dst(%dma_wait3A_592 : memref<10240x32xf32, #tpu.memory_space<vmem_shared>>)
      } else {
      }
    }
    %barrier3A_101 = arith.constant 0 : index
    tpu.barrier barrier_id(%barrier3A_101)
    %add3A_102 = arith.constant 0 : i32
    %add3A_103 = arith.addi %multiple_of3A, %add3A_102 : i32
    "tpu.region"() ({
      %run_scoped3A = tpu.sem_alloc : memref<!tpu.dma_semaphore, #tpu.memory_space<semaphore_mem>>
      %dma_start3A_443 = arith.constant 0 : i32
      %dma_start3A_444 = tpu.memref_slice %arg17[%add3A_103, %dma_start3A_443] : memref<10240x32xf32, #tpu.memory_space<vmem_shared>> -> memref<128x32xf32, #tpu.memory_space<vmem_shared>>
      %dma_start3A_445 = arith.constant 0 : i32
      %dma_start3A_446 = tpu.memref_slice %arg17[%add3A_103, %dma_start3A_445] : memref<10240x32xf32, #tpu.memory_space<vmem_shared>> -> memref<128x32xf32, #tpu.memory_space<vmem_shared>>
      tpu.enqueue_dma source(%dma_start3A_446 : memref<128x32xf32, #tpu.memory_space<vmem_shared>>) target(%arg11 : memref<128x32xf32, #tpu.memory_space<vmem>>) target_semaphore(%run_scoped3A : memref<!tpu.dma_semaphore, #tpu.memory_space<semaphore_mem>>)
      %dma_wait3A = arith.constant 0 : i32
      %dma_wait3A_447 = tpu.memref_slice %arg17[%add3A_103, %dma_wait3A] : memref<10240x32xf32, #tpu.memory_space<vmem_shared>> -> memref<128x32xf32, #tpu.memory_space<vmem_shared>>
      %dma_wait3A_448 = arith.constant 0 : i32
      %dma_wait3A_449 = tpu.memref_slice %arg17[%add3A_103, %dma_wait3A_448] : memref<10240x32xf32, #tpu.memory_space<vmem_shared>> -> memref<128x32xf32, #tpu.memory_space<vmem_shared>>
      tpu.wait_dma2 semaphore(%run_scoped3A : memref<!tpu.dma_semaphore, #tpu.memory_space<semaphore_mem>>) src(%dma_wait3A_449 : memref<128x32xf32, #tpu.memory_space<vmem_shared>>) dst(%arg11 : memref<128x32xf32, #tpu.memory_space<vmem>>)
      tpu.yield
    }) : () -> ()
    "tpu.region"() ({
      %run_scoped3A = tpu.sem_alloc : memref<!tpu.dma_semaphore, #tpu.memory_space<semaphore_mem>>
      %dma_start3A_443 = arith.constant 0 : i32
      %dma_start3A_444 = tpu.memref_slice %arg18[%add3A_103, %dma_start3A_443] : memref<10240x32xf32, #tpu.memory_space<vmem_shared>> -> memref<128x32xf32, #tpu.memory_space<vmem_shared>>
      %dma_start3A_445 = arith.constant 0 : i32
      %dma_start3A_446 = tpu.memref_slice %arg18[%add3A_103, %dma_start3A_445] : memref<10240x32xf32, #tpu.memory_space<vmem_shared>> -> memref<128x32xf32, #tpu.memory_space<vmem_shared>>
      tpu.enqueue_dma source(%dma_start3A_446 : memref<128x32xf32, #tpu.memory_space<vmem_shared>>) target(%arg13 : memref<128x32xf32, #tpu.memory_space<vmem>>) target_semaphore(%run_scoped3A : memref<!tpu.dma_semaphore, #tpu.memory_space<semaphore_mem>>)
      %dma_wait3A = arith.constant 0 : i32
      %dma_wait3A_447 = tpu.memref_slice %arg18[%add3A_103, %dma_wait3A] : memref<10240x32xf32, #tpu.memory_space<vmem_shared>> -> memref<128x32xf32, #tpu.memory_space<vmem_shared>>
      %dma_wait3A_448 = arith.constant 0 : i32
      %dma_wait3A_449 = tpu.memref_slice %arg18[%add3A_103, %dma_wait3A_448] : memref<10240x32xf32, #tpu.memory_space<vmem_shared>> -> memref<128x32xf32, #tpu.memory_space<vmem_shared>>
      tpu.wait_dma2 semaphore(%run_scoped3A : memref<!tpu.dma_semaphore, #tpu.memory_space<semaphore_mem>>) src(%dma_wait3A_449 : memref<128x32xf32, #tpu.memory_space<vmem_shared>>) dst(%arg13 : memref<128x32xf32, #tpu.memory_space<vmem>>)
      tpu.yield
    }) : () -> ()
    %sub3A_104 = arith.constant 128 : i32
    %sub3A_105 = arith.constant 0 : i32
    %sub3A_106 = arith.subi %sub3A_104, %sub3A_105 : i32
    %sub3A_107 = arith.constant 1 : i32
    %sub3A_108 = arith.constant 1 : i32
    %sub3A_109 = arith.subi %sub3A_107, %sub3A_108 : i32
    %add3A_110 = arith.addi %sub3A_106, %sub3A_109 : i32
    %div3A_111 = arith.constant 1 : i32
    %div3A_112 = arith.divsi %add3A_110, %div3A_111 : i32
    %while3A_113 = arith.constant 1 : i32
    %while3A_114 = arith.constant 0 : i32
    %while3A_115 = arith.constant 0 : i32
    %while3A_116 = arith.subi %div3A_112, %while3A_115 : i32
    %while3A_117 = arith.addi %while3A_115, %while3A_116 : i32
    %while3A_118 = arith.constant 1 : i32
    %while3A_119 = arith.divsi %while3A_116, %while3A_118 : i32
    %while3A_120 = arith.muli %while3A_119, %while3A_118 : i32
    %while3A_121 = arith.addi %while3A_115, %while3A_120 : i32
    %while3A_122 = arith.constant 1 : i32
    scf.for %while3A_443 = %while3A_115 to %while3A_121 step %while3A_122  : i32 {
      %mul3A_444 = arith.muli %while3A_443, %while3A_113 : i32
      %add3A_445 = arith.addi %while3A_114, %mul3A_444 : i32
      %add3A_446 = arith.constant 0 : i32
      %add3A_447 = arith.addi %add3A_446, %add3A_445 : i32
      %get3A = arith.index_cast %add3A_445 : i32 to index
      %get3A_448 = arith.constant 0 : index
      %get3A_449 = tpu.vector_load %arg11[%get3A, %get3A_448] {strides = array<i32>} : memref<128x32xf32, #tpu.memory_space<vmem>>, vector<1x16xf32>,
      %get3A_450 = vector.shape_cast %get3A_449 : vector<1x16xf32> to vector<16xf32>
      %get3A_451 = arith.index_cast %add3A_445 : i32 to index
      %get3A_452 = arith.constant 0 : index
      %get3A_453 = tpu.vector_load %arg13[%get3A_451, %get3A_452] {strides = array<i32>} : memref<128x32xf32, #tpu.memory_space<vmem>>, vector<1x16xf32>,
      %get3A_454 = vector.shape_cast %get3A_453 : vector<1x16xf32> to vector<16xf32>
      %get3A_455 = arith.index_cast %add3A_447 : i32 to index
      %get3A_456 = arith.constant 0 : index
      %get3A_457 = tpu.vector_load %arg15[%get3A_455, %get3A_456] {strides = array<i32>} : memref<640x32xf32, #tpu.memory_space<vmem>>, vector<1x16xf32>,
      %get3A_458 = vector.shape_cast %get3A_457 : vector<1x16xf32> to vector<16xf32>
      %get3A_459 = arith.constant 0 : i64
      %get3A_460 = arith.index_cast %get3A_459 : i64 to index
      %get3A_461 = arith.constant 0 : index
      %get3A_462 = tpu.vector_load %arg16[%get3A_460, %get3A_461] {strides = array<i32>} : memref<2x32xf32, #tpu.memory_space<vmem>>, vector<1x16xf32>,
      %get3A_463 = vector.shape_cast %get3A_462 : vector<1x16xf32> to vector<16xf32>
      %add3A_464 = arith.addf %get3A_450, %get3A_454 : vector<16xf32>
      %mul3A_465 = arith.mulf %get3A_458, %add3A_464 : vector<16xf32>
      %add3A_466 = arith.addf %mul3A_465, %get3A_463 : vector<16xf32>
      %swap3A = arith.index_cast %add3A_445 : i32 to index
      %swap3A_467 = arith.constant 0 : index
      %swap3A_468 = tpu.vector_load %arg12[%swap3A, %swap3A_467] {strides = array<i32>} : memref<128x32xf32, #tpu.memory_space<vmem>>, vector<1x16xf32>,
      %swap3A_469 = vector.shape_cast %swap3A_468 : vector<1x16xf32> to vector<16xf32>
      %swap3A_470 = vector.shape_cast %add3A_466 : vector<16xf32> to vector<1x16xf32>
      tpu.vector_store %arg12[%swap3A, %swap3A_467], %swap3A_470 {strides = array<i32>} : memref<128x32xf32, #tpu.memory_space<vmem>>, vector<1x16xf32>,
      %get3A_471 = arith.index_cast %add3A_445 : i32 to index
      %get3A_472 = arith.constant 16 : index
      %get3A_473 = tpu.vector_load %arg11[%get3A_471, %get3A_472] {strides = array<i32>} : memref<128x32xf32, #tpu.memory_space<vmem>>, vector<1x16xf32>,
      %get3A_474 = vector.shape_cast %get3A_473 : vector<1x16xf32> to vector<16xf32>
      %get3A_475 = arith.index_cast %add3A_445 : i32 to index
      %get3A_476 = arith.constant 16 : index
      %get3A_477 = tpu.vector_load %arg13[%get3A_475, %get3A_476] {strides = array<i32>} : memref<128x32xf32, #tpu.memory_space<vmem>>, vector<1x16xf32>,
      %get3A_478 = vector.shape_cast %get3A_477 : vector<1x16xf32> to vector<16xf32>
      %get3A_479 = arith.index_cast %add3A_447 : i32 to index
      %get3A_480 = arith.constant 16 : index
      %get3A_481 = tpu.vector_load %arg15[%get3A_479, %get3A_480] {strides = array<i32>} : memref<640x32xf32, #tpu.memory_space<vmem>>, vector<1x16xf32>,
      %get3A_482 = vector.shape_cast %get3A_481 : vector<1x16xf32> to vector<16xf32>
      %get3A_483 = arith.constant 0 : i64
      %get3A_484 = arith.index_cast %get3A_483 : i64 to index
      %get3A_485 = arith.constant 16 : index
      %get3A_486 = tpu.vector_load %arg16[%get3A_484, %get3A_485] {strides = array<i32>} : memref<2x32xf32, #tpu.memory_space<vmem>>, vector<1x16xf32>,
      %get3A_487 = vector.shape_cast %get3A_486 : vector<1x16xf32> to vector<16xf32>
      %add3A_488 = arith.addf %get3A_474, %get3A_478 : vector<16xf32>
      %mul3A_489 = arith.mulf %get3A_482, %add3A_488 : vector<16xf32>
      %add3A_490 = arith.addf %mul3A_489, %get3A_487 : vector<16xf32>
      %swap3A_491 = arith.index_cast %add3A_445 : i32 to index
      %swap3A_492 = arith.constant 16 : index
      %swap3A_493 = tpu.vector_load %arg12[%swap3A_491, %swap3A_492] {strides = array<i32>} : memref<128x32xf32, #tpu.memory_space<vmem>>, vector<1x16xf32>,
      %swap3A_494 = vector.shape_cast %swap3A_493 : vector<1x16xf32> to vector<16xf32>
      %swap3A_495 = vector.shape_cast %add3A_490 : vector<16xf32> to vector<1x16xf32>
      tpu.vector_store %arg12[%swap3A_491, %swap3A_492], %swap3A_495 {strides = array<i32>} : memref<128x32xf32, #tpu.memory_space<vmem>>, vector<1x16xf32>,
    }
    %while3A_123 = arith.constant 1 : i32
    scf.for %while3A_443 = %while3A_121 to %while3A_117 step %while3A_123  : i32 {
      %mul3A_444 = arith.muli %while3A_443, %while3A_113 : i32
      %add3A_445 = arith.addi %while3A_114, %mul3A_444 : i32
      %add3A_446 = arith.constant 0 : i32
      %add3A_447 = arith.addi %add3A_446, %add3A_445 : i32
      %get3A = arith.index_cast %add3A_445 : i32 to index
      %get3A_448 = arith.constant 0 : index
      %get3A_449 = tpu.vector_load %arg11[%get3A, %get3A_448] {strides = array<i32>} : memref<128x32xf32, #tpu.memory_space<vmem>>, vector<1x16xf32>,
      %get3A_450 = vector.shape_cast %get3A_449 : vector<1x16xf32> to vector<16xf32>
      %get3A_451 = arith.index_cast %add3A_445 : i32 to index
      %get3A_452 = arith.constant 0 : index
      %get3A_453 = tpu.vector_load %arg13[%get3A_451, %get3A_452] {strides = array<i32>} : memref<128x32xf32, #tpu.memory_space<vmem>>, vector<1x16xf32>,
      %get3A_454 = vector.shape_cast %get3A_453 : vector<1x16xf32> to vector<16xf32>
      %get3A_455 = arith.index_cast %add3A_447 : i32 to index
      %get3A_456 = arith.constant 0 : index
      %get3A_457 = tpu.vector_load %arg15[%get3A_455, %get3A_456] {strides = array<i32>} : memref<640x32xf32, #tpu.memory_space<vmem>>, vector<1x16xf32>,
      %get3A_458 = vector.shape_cast %get3A_457 : vector<1x16xf32> to vector<16xf32>
      %get3A_459 = arith.constant 0 : i64
      %get3A_460 = arith.index_cast %get3A_459 : i64 to index
      %get3A_461 = arith.constant 0 : index
      %get3A_462 = tpu.vector_load %arg16[%get3A_460, %get3A_461] {strides = array<i32>} : memref<2x32xf32, #tpu.memory_space<vmem>>, vector<1x16xf32>,
      %get3A_463 = vector.shape_cast %get3A_462 : vector<1x16xf32> to vector<16xf32>
      %add3A_464 = arith.addf %get3A_450, %get3A_454 : vector<16xf32>
      %mul3A_465 = arith.mulf %get3A_458, %add3A_464 : vector<16xf32>
      %add3A_466 = arith.addf %mul3A_465, %get3A_463 : vector<16xf32>
      %swap3A = arith.index_cast %add3A_445 : i32 to index
      %swap3A_467 = arith.constant 0 : index
      %swap3A_468 = tpu.vector_load %arg12[%swap3A, %swap3A_467] {strides = array<i32>} : memref<128x32xf32, #tpu.memory_space<vmem>>, vector<1x16xf32>,
      %swap3A_469 = vector.shape_cast %swap3A_468 : vector<1x16xf32> to vector<16xf32>
      %swap3A_470 = vector.shape_cast %add3A_466 : vector<16xf32> to vector<1x16xf32>
      tpu.vector_store %arg12[%swap3A, %swap3A_467], %swap3A_470 {strides = array<i32>} : memref<128x32xf32, #tpu.memory_space<vmem>>, vector<1x16xf32>,
      %get3A_471 = arith.index_cast %add3A_445 : i32 to index
      %get3A_472 = arith.constant 16 : index
      %get3A_473 = tpu.vector_load %arg11[%get3A_471, %get3A_472] {strides = array<i32>} : memref<128x32xf32, #tpu.memory_space<vmem>>, vector<1x16xf32>,
      %get3A_474 = vector.shape_cast %get3A_473 : vector<1x16xf32> to vector<16xf32>
      %get3A_475 = arith.index_cast %add3A_445 : i32 to index
      %get3A_476 = arith.constant 16 : index
      %get3A_477 = tpu.vector_load %arg13[%get3A_475, %get3A_476] {strides = array<i32>} : memref<128x32xf32, #tpu.memory_space<vmem>>, vector<1x16xf32>,
      %get3A_478 = vector.shape_cast %get3A_477 : vector<1x16xf32> to vector<16xf32>
      %get3A_479 = arith.index_cast %add3A_447 : i32 to index
      %get3A_480 = arith.constant 16 : index
      %get3A_481 = tpu.vector_load %arg15[%get3A_479, %get3A_480] {strides = array<i32>} : memref<640x32xf32, #tpu.memory_space<vmem>>, vector<1x16xf32>,
      %get3A_482 = vector.shape_cast %get3A_481 : vector<1x16xf32> to vector<16xf32>
      %get3A_483 = arith.constant 0 : i64
      %get3A_484 = arith.index_cast %get3A_483 : i64 to index
      %get3A_485 = arith.constant 16 : index
      %get3A_486 = tpu.vector_load %arg16[%get3A_484, %get3A_485] {strides = array<i32>} : memref<2x32xf32, #tpu.memory_space<vmem>>, vector<1x16xf32>,
      %get3A_487 = vector.shape_cast %get3A_486 : vector<1x16xf32> to vector<16xf32>
      %add3A_488 = arith.addf %get3A_474, %get3A_478 : vector<16xf32>
      %mul3A_489 = arith.mulf %get3A_482, %add3A_488 : vector<16xf32>
      %add3A_490 = arith.addf %mul3A_489, %get3A_487 : vector<16xf32>
      %swap3A_491 = arith.index_cast %add3A_445 : i32 to index
      %swap3A_492 = arith.constant 16 : index
      %swap3A_493 = tpu.vector_load %arg12[%swap3A_491, %swap3A_492] {strides = array<i32>} : memref<128x32xf32, #tpu.memory_space<vmem>>, vector<1x16xf32>,
      %swap3A_494 = vector.shape_cast %swap3A_493 : vector<1x16xf32> to vector<16xf32>
      %swap3A_495 = vector.shape_cast %add3A_490 : vector<16xf32> to vector<1x16xf32>
      tpu.vector_store %arg12[%swap3A_491, %swap3A_492], %swap3A_495 {strides = array<i32>} : memref<128x32xf32, #tpu.memory_space<vmem>>, vector<1x16xf32>,
    }
    %add3A_124 = arith.constant 0 : i32
    %add3A_125 = arith.addi %multiple_of3A_31, %add3A_124 : i32
    "tpu.region"() ({
      %run_scoped3A = tpu.sem_alloc : memref<!tpu.dma_semaphore, #tpu.memory_space<semaphore_mem>>
      %dma_start3A_443 = arith.constant 0 : i32
      %dma_start3A_444 = tpu.memref_slice %arg7[%add3A_125, %dma_start3A_443] : memref<40960x32xf32, #tpu.memory_space<hbm>> -> memref<128x32xf32, #tpu.memory_space<hbm>>
      %dma_start3A_445 = arith.constant 0 : i32
      %dma_start3A_446 = tpu.memref_slice %arg7[%add3A_125, %dma_start3A_445] : memref<40960x32xf32, #tpu.memory_space<hbm>> -> memref<128x32xf32, #tpu.memory_space<hbm>>
      tpu.enqueue_dma source(%arg12 : memref<128x32xf32, #tpu.memory_space<vmem>>) target(%dma_start3A_446 : memref<128x32xf32, #tpu.memory_space<hbm>>) target_semaphore(%run_scoped3A : memref<!tpu.dma_semaphore, #tpu.memory_space<semaphore_mem>>)
      %dma_wait3A = arith.constant 0 : i32
      %dma_wait3A_447 = tpu.memref_slice %arg7[%add3A_125, %dma_wait3A] : memref<40960x32xf32, #tpu.memory_space<hbm>> -> memref<128x32xf32, #tpu.memory_space<hbm>>
      %dma_wait3A_448 = arith.constant 0 : i32
      %dma_wait3A_449 = tpu.memref_slice %arg7[%add3A_125, %dma_wait3A_448] : memref<40960x32xf32, #tpu.memory_space<hbm>> -> memref<128x32xf32, #tpu.memory_space<hbm>>
      tpu.wait_dma2 semaphore(%run_scoped3A : memref<!tpu.dma_semaphore, #tpu.memory_space<semaphore_mem>>) src(%arg12 : memref<128x32xf32, #tpu.memory_space<vmem>>) dst(%dma_wait3A_449 : memref<128x32xf32, #tpu.memory_space<hbm>>)
      tpu.yield
    }) : () -> ()
    %add3A_126 = arith.constant 128 : i32
    %add3A_127 = arith.addi %multiple_of3A, %add3A_126 : i32
    "tpu.region"() ({
      %run_scoped3A = tpu.sem_alloc : memref<!tpu.dma_semaphore, #tpu.memory_space<semaphore_mem>>
      %dma_start3A_443 = arith.constant 0 : i32
      %dma_start3A_444 = tpu.memref_slice %arg17[%add3A_127, %dma_start3A_443] : memref<10240x32xf32, #tpu.memory_space<vmem_shared>> -> memref<128x32xf32, #tpu.memory_space<vmem_shared>>
      %dma_start3A_445 = arith.constant 0 : i32
      %dma_start3A_446 = tpu.memref_slice %arg17[%add3A_127, %dma_start3A_445] : memref<10240x32xf32, #tpu.memory_space<vmem_shared>> -> memref<128x32xf32, #tpu.memory_space<vmem_shared>>
      tpu.enqueue_dma source(%dma_start3A_446 : memref<128x32xf32, #tpu.memory_space<vmem_shared>>) target(%arg11 : memref<128x32xf32, #tpu.memory_space<vmem>>) target_semaphore(%run_scoped3A : memref<!tpu.dma_semaphore, #tpu.memory_space<semaphore_mem>>)
      %dma_wait3A = arith.constant 0 : i32
      %dma_wait3A_447 = tpu.memref_slice %arg17[%add3A_127, %dma_wait3A] : memref<10240x32xf32, #tpu.memory_space<vmem_shared>> -> memref<128x32xf32, #tpu.memory_space<vmem_shared>>
      %dma_wait3A_448 = arith.constant 0 : i32
      %dma_wait3A_449 = tpu.memref_slice %arg17[%add3A_127, %dma_wait3A_448] : memref<10240x32xf32, #tpu.memory_space<vmem_shared>> -> memref<128x32xf32, #tpu.memory_space<vmem_shared>>
      tpu.wait_dma2 semaphore(%run_scoped3A : memref<!tpu.dma_semaphore, #tpu.memory_space<semaphore_mem>>) src(%dma_wait3A_449 : memref<128x32xf32, #tpu.memory_space<vmem_shared>>) dst(%arg11 : memref<128x32xf32, #tpu.memory_space<vmem>>)
      tpu.yield
    }) : () -> ()
    "tpu.region"() ({
      %run_scoped3A = tpu.sem_alloc : memref<!tpu.dma_semaphore, #tpu.memory_space<semaphore_mem>>
      %dma_start3A_443 = arith.constant 0 : i32
      %dma_start3A_444 = tpu.memref_slice %arg18[%add3A_127, %dma_start3A_443] : memref<10240x32xf32, #tpu.memory_space<vmem_shared>> -> memref<128x32xf32, #tpu.memory_space<vmem_shared>>
      %dma_start3A_445 = arith.constant 0 : i32
      %dma_start3A_446 = tpu.memref_slice %arg18[%add3A_127, %dma_start3A_445] : memref<10240x32xf32, #tpu.memory_space<vmem_shared>> -> memref<128x32xf32, #tpu.memory_space<vmem_shared>>
      tpu.enqueue_dma source(%dma_start3A_446 : memref<128x32xf32, #tpu.memory_space<vmem_shared>>) target(%arg13 : memref<128x32xf32, #tpu.memory_space<vmem>>) target_semaphore(%run_scoped3A : memref<!tpu.dma_semaphore, #tpu.memory_space<semaphore_mem>>)
      %dma_wait3A = arith.constant 0 : i32
      %dma_wait3A_447 = tpu.memref_slice %arg18[%add3A_127, %dma_wait3A] : memref<10240x32xf32, #tpu.memory_space<vmem_shared>> -> memref<128x32xf32, #tpu.memory_space<vmem_shared>>
      %dma_wait3A_448 = arith.constant 0 : i32
      %dma_wait3A_449 = tpu.memref_slice %arg18[%add3A_127, %dma_wait3A_448] : memref<10240x32xf32, #tpu.memory_space<vmem_shared>> -> memref<128x32xf32, #tpu.memory_space<vmem_shared>>
      tpu.wait_dma2 semaphore(%run_scoped3A : memref<!tpu.dma_semaphore, #tpu.memory_space<semaphore_mem>>) src(%dma_wait3A_449 : memref<128x32xf32, #tpu.memory_space<vmem_shared>>) dst(%arg13 : memref<128x32xf32, #tpu.memory_space<vmem>>)
      tpu.yield
    }) : () -> ()
    %sub3A_128 = arith.constant 128 : i32
    %sub3A_129 = arith.constant 0 : i32
    %sub3A_130 = arith.subi %sub3A_128, %sub3A_129 : i32
    %sub3A_131 = arith.constant 1 : i32
    %sub3A_132 = arith.constant 1 : i32
    %sub3A_133 = arith.subi %sub3A_131, %sub3A_132 : i32
    %add3A_134 = arith.addi %sub3A_130, %sub3A_133 : i32
    %div3A_135 = arith.constant 1 : i32
    %div3A_136 = arith.divsi %add3A_134, %div3A_135 : i32
    %while3A_137 = arith.constant 1 : i32
    %while3A_138 = arith.constant 0 : i32
    %while3A_139 = arith.constant 0 : i32
    %while3A_140 = arith.subi %div3A_136, %while3A_139 : i32
    %while3A_141 = arith.addi %while3A_139, %while3A_140 : i32
    %while3A_142 = arith.constant 1 : i32
    %while3A_143 = arith.divsi %while3A_140, %while3A_142 : i32
    %while3A_144 = arith.muli %while3A_143, %while3A_142 : i32
    %while3A_145 = arith.addi %while3A_139, %while3A_144 : i32
    %while3A_146 = arith.constant 1 : i32
    scf.for %while3A_443 = %while3A_139 to %while3A_145 step %while3A_146  : i32 {
      %mul3A_444 = arith.muli %while3A_443, %while3A_137 : i32
      %add3A_445 = arith.addi %while3A_138, %mul3A_444 : i32
      %add3A_446 = arith.constant 128 : i32
      %add3A_447 = arith.addi %add3A_446, %add3A_445 : i32
      %get3A = arith.index_cast %add3A_445 : i32 to index
      %get3A_448 = arith.constant 0 : index
      %get3A_449 = tpu.vector_load %arg11[%get3A, %get3A_448] {strides = array<i32>} : memref<128x32xf32, #tpu.memory_space<vmem>>, vector<1x16xf32>,
      %get3A_450 = vector.shape_cast %get3A_449 : vector<1x16xf32> to vector<16xf32>
      %get3A_451 = arith.index_cast %add3A_445 : i32 to index
      %get3A_452 = arith.constant 0 : index
      %get3A_453 = tpu.vector_load %arg13[%get3A_451, %get3A_452] {strides = array<i32>} : memref<128x32xf32, #tpu.memory_space<vmem>>, vector<1x16xf32>,
      %get3A_454 = vector.shape_cast %get3A_453 : vector<1x16xf32> to vector<16xf32>
      %get3A_455 = arith.index_cast %add3A_447 : i32 to index
      %get3A_456 = arith.constant 0 : index
      %get3A_457 = tpu.vector_load %arg15[%get3A_455, %get3A_456] {strides = array<i32>} : memref<640x32xf32, #tpu.memory_space<vmem>>, vector<1x16xf32>,
      %get3A_458 = vector.shape_cast %get3A_457 : vector<1x16xf32> to vector<16xf32>
      %get3A_459 = arith.constant 0 : i64
      %get3A_460 = arith.index_cast %get3A_459 : i64 to index
      %get3A_461 = arith.constant 0 : index
      %get3A_462 = tpu.vector_load %arg16[%get3A_460, %get3A_461] {strides = array<i32>} : memref<2x32xf32, #tpu.memory_space<vmem>>, vector<1x16xf32>,
      %get3A_463 = vector.shape_cast %get3A_462 : vector<1x16xf32> to vector<16xf32>
      %add3A_464 = arith.addf %get3A_450, %get3A_454 : vector<16xf32>
      %mul3A_465 = arith.mulf %get3A_458, %add3A_464 : vector<16xf32>
      %add3A_466 = arith.addf %mul3A_465, %get3A_463 : vector<16xf32>
      %swap3A = arith.index_cast %add3A_445 : i32 to index
      %swap3A_467 = arith.constant 0 : index
      %swap3A_468 = tpu.vector_load %arg12[%swap3A, %swap3A_467] {strides = array<i32>} : memref<128x32xf32, #tpu.memory_space<vmem>>, vector<1x16xf32>,
      %swap3A_469 = vector.shape_cast %swap3A_468 : vector<1x16xf32> to vector<16xf32>
      %swap3A_470 = vector.shape_cast %add3A_466 : vector<16xf32> to vector<1x16xf32>
      tpu.vector_store %arg12[%swap3A, %swap3A_467], %swap3A_470 {strides = array<i32>} : memref<128x32xf32, #tpu.memory_space<vmem>>, vector<1x16xf32>,
      %get3A_471 = arith.index_cast %add3A_445 : i32 to index
      %get3A_472 = arith.constant 16 : index
      %get3A_473 = tpu.vector_load %arg11[%get3A_471, %get3A_472] {strides = array<i32>} : memref<128x32xf32, #tpu.memory_space<vmem>>, vector<1x16xf32>,
      %get3A_474 = vector.shape_cast %get3A_473 : vector<1x16xf32> to vector<16xf32>
      %get3A_475 = arith.index_cast %add3A_445 : i32 to index
      %get3A_476 = arith.constant 16 : index
      %get3A_477 = tpu.vector_load %arg13[%get3A_475, %get3A_476] {strides = array<i32>} : memref<128x32xf32, #tpu.memory_space<vmem>>, vector<1x16xf32>,
      %get3A_478 = vector.shape_cast %get3A_477 : vector<1x16xf32> to vector<16xf32>
      %get3A_479 = arith.index_cast %add3A_447 : i32 to index
      %get3A_480 = arith.constant 16 : index
      %get3A_481 = tpu.vector_load %arg15[%get3A_479, %get3A_480] {strides = array<i32>} : memref<640x32xf32, #tpu.memory_space<vmem>>, vector<1x16xf32>,
      %get3A_482 = vector.shape_cast %get3A_481 : vector<1x16xf32> to vector<16xf32>
      %get3A_483 = arith.constant 0 : i64
      %get3A_484 = arith.index_cast %get3A_483 : i64 to index
      %get3A_485 = arith.constant 16 : index
      %get3A_486 = tpu.vector_load %arg16[%get3A_484, %get3A_485] {strides = array<i32>} : memref<2x32xf32, #tpu.memory_space<vmem>>, vector<1x16xf32>,
      %get3A_487 = vector.shape_cast %get3A_486 : vector<1x16xf32> to vector<16xf32>
      %add3A_488 = arith.addf %get3A_474, %get3A_478 : vector<16xf32>
      %mul3A_489 = arith.mulf %get3A_482, %add3A_488 : vector<16xf32>
      %add3A_490 = arith.addf %mul3A_489, %get3A_487 : vector<16xf32>
      %swap3A_491 = arith.index_cast %add3A_445 : i32 to index
      %swap3A_492 = arith.constant 16 : index
      %swap3A_493 = tpu.vector_load %arg12[%swap3A_491, %swap3A_492] {strides = array<i32>} : memref<128x32xf32, #tpu.memory_space<vmem>>, vector<1x16xf32>,
      %swap3A_494 = vector.shape_cast %swap3A_493 : vector<1x16xf32> to vector<16xf32>
      %swap3A_495 = vector.shape_cast %add3A_490 : vector<16xf32> to vector<1x16xf32>
      tpu.vector_store %arg12[%swap3A_491, %swap3A_492], %swap3A_495 {strides = array<i32>} : memref<128x32xf32, #tpu.memory_space<vmem>>, vector<1x16xf32>,
    }
    %while3A_147 = arith.constant 1 : i32
    scf.for %while3A_443 = %while3A_145 to %while3A_141 step %while3A_147  : i32 {
      %mul3A_444 = arith.muli %while3A_443, %while3A_137 : i32
      %add3A_445 = arith.addi %while3A_138, %mul3A_444 : i32
      %add3A_446 = arith.constant 128 : i32
      %add3A_447 = arith.addi %add3A_446, %add3A_445 : i32
      %get3A = arith.index_cast %add3A_445 : i32 to index
      %get3A_448 = arith.constant 0 : index
      %get3A_449 = tpu.vector_load %arg11[%get3A, %get3A_448] {strides = array<i32>} : memref<128x32xf32, #tpu.memory_space<vmem>>, vector<1x16xf32>,
      %get3A_450 = vector.shape_cast %get3A_449 : vector<1x16xf32> to vector<16xf32>
      %get3A_451 = arith.index_cast %add3A_445 : i32 to index
      %get3A_452 = arith.constant 0 : index
      %get3A_453 = tpu.vector_load %arg13[%get3A_451, %get3A_452] {strides = array<i32>} : memref<128x32xf32, #tpu.memory_space<vmem>>, vector<1x16xf32>,
      %get3A_454 = vector.shape_cast %get3A_453 : vector<1x16xf32> to vector<16xf32>
      %get3A_455 = arith.index_cast %add3A_447 : i32 to index
      %get3A_456 = arith.constant 0 : index
      %get3A_457 = tpu.vector_load %arg15[%get3A_455, %get3A_456] {strides = array<i32>} : memref<640x32xf32, #tpu.memory_space<vmem>>, vector<1x16xf32>,
      %get3A_458 = vector.shape_cast %get3A_457 : vector<1x16xf32> to vector<16xf32>
      %get3A_459 = arith.constant 0 : i64
      %get3A_460 = arith.index_cast %get3A_459 : i64 to index
      %get3A_461 = arith.constant 0 : index
      %get3A_462 = tpu.vector_load %arg16[%get3A_460, %get3A_461] {strides = array<i32>} : memref<2x32xf32, #tpu.memory_space<vmem>>, vector<1x16xf32>,
      %get3A_463 = vector.shape_cast %get3A_462 : vector<1x16xf32> to vector<16xf32>
      %add3A_464 = arith.addf %get3A_450, %get3A_454 : vector<16xf32>
      %mul3A_465 = arith.mulf %get3A_458, %add3A_464 : vector<16xf32>
      %add3A_466 = arith.addf %mul3A_465, %get3A_463 : vector<16xf32>
      %swap3A = arith.index_cast %add3A_445 : i32 to index
      %swap3A_467 = arith.constant 0 : index
      %swap3A_468 = tpu.vector_load %arg12[%swap3A, %swap3A_467] {strides = array<i32>} : memref<128x32xf32, #tpu.memory_space<vmem>>, vector<1x16xf32>,
      %swap3A_469 = vector.shape_cast %swap3A_468 : vector<1x16xf32> to vector<16xf32>
      %swap3A_470 = vector.shape_cast %add3A_466 : vector<16xf32> to vector<1x16xf32>
      tpu.vector_store %arg12[%swap3A, %swap3A_467], %swap3A_470 {strides = array<i32>} : memref<128x32xf32, #tpu.memory_space<vmem>>, vector<1x16xf32>,
      %get3A_471 = arith.index_cast %add3A_445 : i32 to index
      %get3A_472 = arith.constant 16 : index
      %get3A_473 = tpu.vector_load %arg11[%get3A_471, %get3A_472] {strides = array<i32>} : memref<128x32xf32, #tpu.memory_space<vmem>>, vector<1x16xf32>,
      %get3A_474 = vector.shape_cast %get3A_473 : vector<1x16xf32> to vector<16xf32>
      %get3A_475 = arith.index_cast %add3A_445 : i32 to index
      %get3A_476 = arith.constant 16 : index
      %get3A_477 = tpu.vector_load %arg13[%get3A_475, %get3A_476] {strides = array<i32>} : memref<128x32xf32, #tpu.memory_space<vmem>>, vector<1x16xf32>,
      %get3A_478 = vector.shape_cast %get3A_477 : vector<1x16xf32> to vector<16xf32>
      %get3A_479 = arith.index_cast %add3A_447 : i32 to index
      %get3A_480 = arith.constant 16 : index
      %get3A_481 = tpu.vector_load %arg15[%get3A_479, %get3A_480] {strides = array<i32>} : memref<640x32xf32, #tpu.memory_space<vmem>>, vector<1x16xf32>,
      %get3A_482 = vector.shape_cast %get3A_481 : vector<1x16xf32> to vector<16xf32>
      %get3A_483 = arith.constant 0 : i64
      %get3A_484 = arith.index_cast %get3A_483 : i64 to index
      %get3A_485 = arith.constant 16 : index
      %get3A_486 = tpu.vector_load %arg16[%get3A_484, %get3A_485] {strides = array<i32>} : memref<2x32xf32, #tpu.memory_space<vmem>>, vector<1x16xf32>,
      %get3A_487 = vector.shape_cast %get3A_486 : vector<1x16xf32> to vector<16xf32>
      %add3A_488 = arith.addf %get3A_474, %get3A_478 : vector<16xf32>
      %mul3A_489 = arith.mulf %get3A_482, %add3A_488 : vector<16xf32>
      %add3A_490 = arith.addf %mul3A_489, %get3A_487 : vector<16xf32>
      %swap3A_491 = arith.index_cast %add3A_445 : i32 to index
      %swap3A_492 = arith.constant 16 : index
      %swap3A_493 = tpu.vector_load %arg12[%swap3A_491, %swap3A_492] {strides = array<i32>} : memref<128x32xf32, #tpu.memory_space<vmem>>, vector<1x16xf32>,
      %swap3A_494 = vector.shape_cast %swap3A_493 : vector<1x16xf32> to vector<16xf32>
      %swap3A_495 = vector.shape_cast %add3A_490 : vector<16xf32> to vector<1x16xf32>
      tpu.vector_store %arg12[%swap3A_491, %swap3A_492], %swap3A_495 {strides = array<i32>} : memref<128x32xf32, #tpu.memory_space<vmem>>, vector<1x16xf32>,
    }
    %add3A_148 = arith.constant 128 : i32
    %add3A_149 = arith.addi %multiple_of3A_31, %add3A_148 : i32
    "tpu.region"() ({
      %run_scoped3A = tpu.sem_alloc : memref<!tpu.dma_semaphore, #tpu.memory_space<semaphore_mem>>
      %dma_start3A_443 = arith.constant 0 : i32
      %dma_start3A_444 = tpu.memref_slice %arg7[%add3A_149, %dma_start3A_443] : memref<40960x32xf32, #tpu.memory_space<hbm>> -> memref<128x32xf32, #tpu.memory_space<hbm>>
      %dma_start3A_445 = arith.constant 0 : i32
      %dma_start3A_446 = tpu.memref_slice %arg7[%add3A_149, %dma_start3A_445] : memref<40960x32xf32, #tpu.memory_space<hbm>> -> memref<128x32xf32, #tpu.memory_space<hbm>>
      tpu.enqueue_dma source(%arg12 : memref<128x32xf32, #tpu.memory_space<vmem>>) target(%dma_start3A_446 : memref<128x32xf32, #tpu.memory_space<hbm>>) target_semaphore(%run_scoped3A : memref<!tpu.dma_semaphore, #tpu.memory_space<semaphore_mem>>)
      %dma_wait3A = arith.constant 0 : i32
      %dma_wait3A_447 = tpu.memref_slice %arg7[%add3A_149, %dma_wait3A] : memref<40960x32xf32, #tpu.memory_space<hbm>> -> memref<128x32xf32, #tpu.memory_space<hbm>>
      %dma_wait3A_448 = arith.constant 0 : i32
      %dma_wait3A_449 = tpu.memref_slice %arg7[%add3A_149, %dma_wait3A_448] : memref<40960x32xf32, #tpu.memory_space<hbm>> -> memref<128x32xf32, #tpu.memory_space<hbm>>
      tpu.wait_dma2 semaphore(%run_scoped3A : memref<!tpu.dma_semaphore, #tpu.memory_space<semaphore_mem>>) src(%arg12 : memref<128x32xf32, #tpu.memory_space<vmem>>) dst(%dma_wait3A_449 : memref<128x32xf32, #tpu.memory_space<hbm>>)
      tpu.yield
    }) : () -> ()
    %add3A_150 = arith.constant 256 : i32
    %add3A_151 = arith.addi %multiple_of3A, %add3A_150 : i32
    "tpu.region"() ({
      %run_scoped3A = tpu.sem_alloc : memref<!tpu.dma_semaphore, #tpu.memory_space<semaphore_mem>>
      %dma_start3A_443 = arith.constant 0 : i32
      %dma_start3A_444 = tpu.memref_slice %arg17[%add3A_151, %dma_start3A_443] : memref<10240x32xf32, #tpu.memory_space<vmem_shared>> -> memref<128x32xf32, #tpu.memory_space<vmem_shared>>
      %dma_start3A_445 = arith.constant 0 : i32
      %dma_start3A_446 = tpu.memref_slice %arg17[%add3A_151, %dma_start3A_445] : memref<10240x32xf32, #tpu.memory_space<vmem_shared>> -> memref<128x32xf32, #tpu.memory_space<vmem_shared>>
      tpu.enqueue_dma source(%dma_start3A_446 : memref<128x32xf32, #tpu.memory_space<vmem_shared>>) target(%arg11 : memref<128x32xf32, #tpu.memory_space<vmem>>) target_semaphore(%run_scoped3A : memref<!tpu.dma_semaphore, #tpu.memory_space<semaphore_mem>>)
      %dma_wait3A = arith.constant 0 : i32
      %dma_wait3A_447 = tpu.memref_slice %arg17[%add3A_151, %dma_wait3A] : memref<10240x32xf32, #tpu.memory_space<vmem_shared>> -> memref<128x32xf32, #tpu.memory_space<vmem_shared>>
      %dma_wait3A_448 = arith.constant 0 : i32
      %dma_wait3A_449 = tpu.memref_slice %arg17[%add3A_151, %dma_wait3A_448] : memref<10240x32xf32, #tpu.memory_space<vmem_shared>> -> memref<128x32xf32, #tpu.memory_space<vmem_shared>>
      tpu.wait_dma2 semaphore(%run_scoped3A : memref<!tpu.dma_semaphore, #tpu.memory_space<semaphore_mem>>) src(%dma_wait3A_449 : memref<128x32xf32, #tpu.memory_space<vmem_shared>>) dst(%arg11 : memref<128x32xf32, #tpu.memory_space<vmem>>)
      tpu.yield
    }) : () -> ()
    "tpu.region"() ({
      %run_scoped3A = tpu.sem_alloc : memref<!tpu.dma_semaphore, #tpu.memory_space<semaphore_mem>>
      %dma_start3A_443 = arith.constant 0 : i32
      %dma_start3A_444 = tpu.memref_slice %arg18[%add3A_151, %dma_start3A_443] : memref<10240x32xf32, #tpu.memory_space<vmem_shared>> -> memref<128x32xf32, #tpu.memory_space<vmem_shared>>
      %dma_start3A_445 = arith.constant 0 : i32
      %dma_start3A_446 = tpu.memref_slice %arg18[%add3A_151, %dma_start3A_445] : memref<10240x32xf32, #tpu.memory_space<vmem_shared>> -> memref<128x32xf32, #tpu.memory_space<vmem_shared>>
      tpu.enqueue_dma source(%dma_start3A_446 : memref<128x32xf32, #tpu.memory_space<vmem_shared>>) target(%arg13 : memref<128x32xf32, #tpu.memory_space<vmem>>) target_semaphore(%run_scoped3A : memref<!tpu.dma_semaphore, #tpu.memory_space<semaphore_mem>>)
      %dma_wait3A = arith.constant 0 : i32
      %dma_wait3A_447 = tpu.memref_slice %arg18[%add3A_151, %dma_wait3A] : memref<10240x32xf32, #tpu.memory_space<vmem_shared>> -> memref<128x32xf32, #tpu.memory_space<vmem_shared>>
      %dma_wait3A_448 = arith.constant 0 : i32
      %dma_wait3A_449 = tpu.memref_slice %arg18[%add3A_151, %dma_wait3A_448] : memref<10240x32xf32, #tpu.memory_space<vmem_shared>> -> memref<128x32xf32, #tpu.memory_space<vmem_shared>>
      tpu.wait_dma2 semaphore(%run_scoped3A : memref<!tpu.dma_semaphore, #tpu.memory_space<semaphore_mem>>) src(%dma_wait3A_449 : memref<128x32xf32, #tpu.memory_space<vmem_shared>>) dst(%arg13 : memref<128x32xf32, #tpu.memory_space<vmem>>)
      tpu.yield
    }) : () -> ()
    %sub3A_152 = arith.constant 128 : i32
    %sub3A_153 = arith.constant 0 : i32
    %sub3A_154 = arith.subi %sub3A_152, %sub3A_153 : i32
    %sub3A_155 = arith.constant 1 : i32
    %sub3A_156 = arith.constant 1 : i32
    %sub3A_157 = arith.subi %sub3A_155, %sub3A_156 : i32
    %add3A_158 = arith.addi %sub3A_154, %sub3A_157 : i32
    %div3A_159 = arith.constant 1 : i32
    %div3A_160 = arith.divsi %add3A_158, %div3A_159 : i32
    %while3A_161 = arith.constant 1 : i32
    %while3A_162 = arith.constant 0 : i32
    %while3A_163 = arith.constant 0 : i32
    %while3A_164 = arith.subi %div3A_160, %while3A_163 : i32
    %while3A_165 = arith.addi %while3A_163, %while3A_164 : i32
    %while3A_166 = arith.constant 1 : i32
    %while3A_167 = arith.divsi %while3A_164, %while3A_166 : i32
    %while3A_168 = arith.muli %while3A_167, %while3A_166 : i32
    %while3A_169 = arith.addi %while3A_163, %while3A_168 : i32
    %while3A_170 = arith.constant 1 : i32
    scf.for %while3A_443 = %while3A_163 to %while3A_169 step %while3A_170  : i32 {
      %mul3A_444 = arith.muli %while3A_443, %while3A_161 : i32
      %add3A_445 = arith.addi %while3A_162, %mul3A_444 : i32
      %add3A_446 = arith.constant 256 : i32
      %add3A_447 = arith.addi %add3A_446, %add3A_445 : i32
      %get3A = arith.index_cast %add3A_445 : i32 to index
      %get3A_448 = arith.constant 0 : index
      %get3A_449 = tpu.vector_load %arg11[%get3A, %get3A_448] {strides = array<i32>} : memref<128x32xf32, #tpu.memory_space<vmem>>, vector<1x16xf32>,
      %get3A_450 = vector.shape_cast %get3A_449 : vector<1x16xf32> to vector<16xf32>
      %get3A_451 = arith.index_cast %add3A_445 : i32 to index
      %get3A_452 = arith.constant 0 : index
      %get3A_453 = tpu.vector_load %arg13[%get3A_451, %get3A_452] {strides = array<i32>} : memref<128x32xf32, #tpu.memory_space<vmem>>, vector<1x16xf32>,
      %get3A_454 = vector.shape_cast %get3A_453 : vector<1x16xf32> to vector<16xf32>
      %get3A_455 = arith.index_cast %add3A_447 : i32 to index
      %get3A_456 = arith.constant 0 : index
      %get3A_457 = tpu.vector_load %arg15[%get3A_455, %get3A_456] {strides = array<i32>} : memref<640x32xf32, #tpu.memory_space<vmem>>, vector<1x16xf32>,
      %get3A_458 = vector.shape_cast %get3A_457 : vector<1x16xf32> to vector<16xf32>
      %get3A_459 = arith.constant 0 : i64
      %get3A_460 = arith.index_cast %get3A_459 : i64 to index
      %get3A_461 = arith.constant 0 : index
      %get3A_462 = tpu.vector_load %arg16[%get3A_460, %get3A_461] {strides = array<i32>} : memref<2x32xf32, #tpu.memory_space<vmem>>, vector<1x16xf32>,
      %get3A_463 = vector.shape_cast %get3A_462 : vector<1x16xf32> to vector<16xf32>
      %add3A_464 = arith.addf %get3A_450, %get3A_454 : vector<16xf32>
      %mul3A_465 = arith.mulf %get3A_458, %add3A_464 : vector<16xf32>
      %add3A_466 = arith.addf %mul3A_465, %get3A_463 : vector<16xf32>
      %swap3A = arith.index_cast %add3A_445 : i32 to index
      %swap3A_467 = arith.constant 0 : index
      %swap3A_468 = tpu.vector_load %arg12[%swap3A, %swap3A_467] {strides = array<i32>} : memref<128x32xf32, #tpu.memory_space<vmem>>, vector<1x16xf32>,
      %swap3A_469 = vector.shape_cast %swap3A_468 : vector<1x16xf32> to vector<16xf32>
      %swap3A_470 = vector.shape_cast %add3A_466 : vector<16xf32> to vector<1x16xf32>
      tpu.vector_store %arg12[%swap3A, %swap3A_467], %swap3A_470 {strides = array<i32>} : memref<128x32xf32, #tpu.memory_space<vmem>>, vector<1x16xf32>,
      %get3A_471 = arith.index_cast %add3A_445 : i32 to index
      %get3A_472 = arith.constant 16 : index
      %get3A_473 = tpu.vector_load %arg11[%get3A_471, %get3A_472] {strides = array<i32>} : memref<128x32xf32, #tpu.memory_space<vmem>>, vector<1x16xf32>,
      %get3A_474 = vector.shape_cast %get3A_473 : vector<1x16xf32> to vector<16xf32>
      %get3A_475 = arith.index_cast %add3A_445 : i32 to index
      %get3A_476 = arith.constant 16 : index
      %get3A_477 = tpu.vector_load %arg13[%get3A_475, %get3A_476] {strides = array<i32>} : memref<128x32xf32, #tpu.memory_space<vmem>>, vector<1x16xf32>,
      %get3A_478 = vector.shape_cast %get3A_477 : vector<1x16xf32> to vector<16xf32>
      %get3A_479 = arith.index_cast %add3A_447 : i32 to index
      %get3A_480 = arith.constant 16 : index
      %get3A_481 = tpu.vector_load %arg15[%get3A_479, %get3A_480] {strides = array<i32>} : memref<640x32xf32, #tpu.memory_space<vmem>>, vector<1x16xf32>,
      %get3A_482 = vector.shape_cast %get3A_481 : vector<1x16xf32> to vector<16xf32>
      %get3A_483 = arith.constant 0 : i64
      %get3A_484 = arith.index_cast %get3A_483 : i64 to index
      %get3A_485 = arith.constant 16 : index
      %get3A_486 = tpu.vector_load %arg16[%get3A_484, %get3A_485] {strides = array<i32>} : memref<2x32xf32, #tpu.memory_space<vmem>>, vector<1x16xf32>,
      %get3A_487 = vector.shape_cast %get3A_486 : vector<1x16xf32> to vector<16xf32>
      %add3A_488 = arith.addf %get3A_474, %get3A_478 : vector<16xf32>
      %mul3A_489 = arith.mulf %get3A_482, %add3A_488 : vector<16xf32>
      %add3A_490 = arith.addf %mul3A_489, %get3A_487 : vector<16xf32>
      %swap3A_491 = arith.index_cast %add3A_445 : i32 to index
      %swap3A_492 = arith.constant 16 : index
      %swap3A_493 = tpu.vector_load %arg12[%swap3A_491, %swap3A_492] {strides = array<i32>} : memref<128x32xf32, #tpu.memory_space<vmem>>, vector<1x16xf32>,
      %swap3A_494 = vector.shape_cast %swap3A_493 : vector<1x16xf32> to vector<16xf32>
      %swap3A_495 = vector.shape_cast %add3A_490 : vector<16xf32> to vector<1x16xf32>
      tpu.vector_store %arg12[%swap3A_491, %swap3A_492], %swap3A_495 {strides = array<i32>} : memref<128x32xf32, #tpu.memory_space<vmem>>, vector<1x16xf32>,
    }
    %while3A_171 = arith.constant 1 : i32
    scf.for %while3A_443 = %while3A_169 to %while3A_165 step %while3A_171  : i32 {
      %mul3A_444 = arith.muli %while3A_443, %while3A_161 : i32
      %add3A_445 = arith.addi %while3A_162, %mul3A_444 : i32
      %add3A_446 = arith.constant 256 : i32
      %add3A_447 = arith.addi %add3A_446, %add3A_445 : i32
      %get3A = arith.index_cast %add3A_445 : i32 to index
      %get3A_448 = arith.constant 0 : index
      %get3A_449 = tpu.vector_load %arg11[%get3A, %get3A_448] {strides = array<i32>} : memref<128x32xf32, #tpu.memory_space<vmem>>, vector<1x16xf32>,
      %get3A_450 = vector.shape_cast %get3A_449 : vector<1x16xf32> to vector<16xf32>
      %get3A_451 = arith.index_cast %add3A_445 : i32 to index
      %get3A_452 = arith.constant 0 : index
      %get3A_453 = tpu.vector_load %arg13[%get3A_451, %get3A_452] {strides = array<i32>} : memref<128x32xf32, #tpu.memory_space<vmem>>, vector<1x16xf32>,
      %get3A_454 = vector.shape_cast %get3A_453 : vector<1x16xf32> to vector<16xf32>
      %get3A_455 = arith.index_cast %add3A_447 : i32 to index
      %get3A_456 = arith.constant 0 : index
      %get3A_457 = tpu.vector_load %arg15[%get3A_455, %get3A_456] {strides = array<i32>} : memref<640x32xf32, #tpu.memory_space<vmem>>, vector<1x16xf32>,
      %get3A_458 = vector.shape_cast %get3A_457 : vector<1x16xf32> to vector<16xf32>
      %get3A_459 = arith.constant 0 : i64
      %get3A_460 = arith.index_cast %get3A_459 : i64 to index
      %get3A_461 = arith.constant 0 : index
      %get3A_462 = tpu.vector_load %arg16[%get3A_460, %get3A_461] {strides = array<i32>} : memref<2x32xf32, #tpu.memory_space<vmem>>, vector<1x16xf32>,
      %get3A_463 = vector.shape_cast %get3A_462 : vector<1x16xf32> to vector<16xf32>
      %add3A_464 = arith.addf %get3A_450, %get3A_454 : vector<16xf32>
      %mul3A_465 = arith.mulf %get3A_458, %add3A_464 : vector<16xf32>
      %add3A_466 = arith.addf %mul3A_465, %get3A_463 : vector<16xf32>
      %swap3A = arith.index_cast %add3A_445 : i32 to index
      %swap3A_467 = arith.constant 0 : index
      %swap3A_468 = tpu.vector_load %arg12[%swap3A, %swap3A_467] {strides = array<i32>} : memref<128x32xf32, #tpu.memory_space<vmem>>, vector<1x16xf32>,
      %swap3A_469 = vector.shape_cast %swap3A_468 : vector<1x16xf32> to vector<16xf32>
      %swap3A_470 = vector.shape_cast %add3A_466 : vector<16xf32> to vector<1x16xf32>
      tpu.vector_store %arg12[%swap3A, %swap3A_467], %swap3A_470 {strides = array<i32>} : memref<128x32xf32, #tpu.memory_space<vmem>>, vector<1x16xf32>,
      %get3A_471 = arith.index_cast %add3A_445 : i32 to index
      %get3A_472 = arith.constant 16 : index
      %get3A_473 = tpu.vector_load %arg11[%get3A_471, %get3A_472] {strides = array<i32>} : memref<128x32xf32, #tpu.memory_space<vmem>>, vector<1x16xf32>,
      %get3A_474 = vector.shape_cast %get3A_473 : vector<1x16xf32> to vector<16xf32>
      %get3A_475 = arith.index_cast %add3A_445 : i32 to index
      %get3A_476 = arith.constant 16 : index
      %get3A_477 = tpu.vector_load %arg13[%get3A_475, %get3A_476] {strides = array<i32>} : memref<128x32xf32, #tpu.memory_space<vmem>>, vector<1x16xf32>,
      %get3A_478 = vector.shape_cast %get3A_477 : vector<1x16xf32> to vector<16xf32>
      %get3A_479 = arith.index_cast %add3A_447 : i32 to index
      %get3A_480 = arith.constant 16 : index
      %get3A_481 = tpu.vector_load %arg15[%get3A_479, %get3A_480] {strides = array<i32>} : memref<640x32xf32, #tpu.memory_space<vmem>>, vector<1x16xf32>,
      %get3A_482 = vector.shape_cast %get3A_481 : vector<1x16xf32> to vector<16xf32>
      %get3A_483 = arith.constant 0 : i64
      %get3A_484 = arith.index_cast %get3A_483 : i64 to index
      %get3A_485 = arith.constant 16 : index
      %get3A_486 = tpu.vector_load %arg16[%get3A_484, %get3A_485] {strides = array<i32>} : memref<2x32xf32, #tpu.memory_space<vmem>>, vector<1x16xf32>,
      %get3A_487 = vector.shape_cast %get3A_486 : vector<1x16xf32> to vector<16xf32>
      %add3A_488 = arith.addf %get3A_474, %get3A_478 : vector<16xf32>
      %mul3A_489 = arith.mulf %get3A_482, %add3A_488 : vector<16xf32>
      %add3A_490 = arith.addf %mul3A_489, %get3A_487 : vector<16xf32>
      %swap3A_491 = arith.index_cast %add3A_445 : i32 to index
      %swap3A_492 = arith.constant 16 : index
      %swap3A_493 = tpu.vector_load %arg12[%swap3A_491, %swap3A_492] {strides = array<i32>} : memref<128x32xf32, #tpu.memory_space<vmem>>, vector<1x16xf32>,
      %swap3A_494 = vector.shape_cast %swap3A_493 : vector<1x16xf32> to vector<16xf32>
      %swap3A_495 = vector.shape_cast %add3A_490 : vector<16xf32> to vector<1x16xf32>
      tpu.vector_store %arg12[%swap3A_491, %swap3A_492], %swap3A_495 {strides = array<i32>} : memref<128x32xf32, #tpu.memory_space<vmem>>, vector<1x16xf32>,
    }
    %add3A_172 = arith.constant 256 : i32
    %add3A_173 = arith.addi %multiple_of3A_31, %add3A_172 : i32
    "tpu.region"() ({
      %run_scoped3A = tpu.sem_alloc : memref<!tpu.dma_semaphore, #tpu.memory_space<semaphore_mem>>
      %dma_start3A_443 = arith.constant 0 : i32
      %dma_start3A_444 = tpu.memref_slice %arg7[%add3A_173, %dma_start3A_443] : memref<40960x32xf32, #tpu.memory_space<hbm>> -> memref<128x32xf32, #tpu.memory_space<hbm>>
      %dma_start3A_445 = arith.constant 0 : i32
      %dma_start3A_446 = tpu.memref_slice %arg7[%add3A_173, %dma_start3A_445] : memref<40960x32xf32, #tpu.memory_space<hbm>> -> memref<128x32xf32, #tpu.memory_space<hbm>>
      tpu.enqueue_dma source(%arg12 : memref<128x32xf32, #tpu.memory_space<vmem>>) target(%dma_start3A_446 : memref<128x32xf32, #tpu.memory_space<hbm>>) target_semaphore(%run_scoped3A : memref<!tpu.dma_semaphore, #tpu.memory_space<semaphore_mem>>)
      %dma_wait3A = arith.constant 0 : i32
      %dma_wait3A_447 = tpu.memref_slice %arg7[%add3A_173, %dma_wait3A] : memref<40960x32xf32, #tpu.memory_space<hbm>> -> memref<128x32xf32, #tpu.memory_space<hbm>>
      %dma_wait3A_448 = arith.constant 0 : i32
      %dma_wait3A_449 = tpu.memref_slice %arg7[%add3A_173, %dma_wait3A_448] : memref<40960x32xf32, #tpu.memory_space<hbm>> -> memref<128x32xf32, #tpu.memory_space<hbm>>
      tpu.wait_dma2 semaphore(%run_scoped3A : memref<!tpu.dma_semaphore, #tpu.memory_space<semaphore_mem>>) src(%arg12 : memref<128x32xf32, #tpu.memory_space<vmem>>) dst(%dma_wait3A_449 : memref<128x32xf32, #tpu.memory_space<hbm>>)
      tpu.yield
    }) : () -> ()
    %add3A_174 = arith.constant 384 : i32
    %add3A_175 = arith.addi %multiple_of3A, %add3A_174 : i32
    "tpu.region"() ({
      %run_scoped3A = tpu.sem_alloc : memref<!tpu.dma_semaphore, #tpu.memory_space<semaphore_mem>>
      %dma_start3A_443 = arith.constant 0 : i32
      %dma_start3A_444 = tpu.memref_slice %arg17[%add3A_175, %dma_start3A_443] : memref<10240x32xf32, #tpu.memory_space<vmem_shared>> -> memref<128x32xf32, #tpu.memory_space<vmem_shared>>
      %dma_start3A_445 = arith.constant 0 : i32
      %dma_start3A_446 = tpu.memref_slice %arg17[%add3A_175, %dma_start3A_445] : memref<10240x32xf32, #tpu.memory_space<vmem_shared>> -> memref<128x32xf32, #tpu.memory_space<vmem_shared>>
      tpu.enqueue_dma source(%dma_start3A_446 : memref<128x32xf32, #tpu.memory_space<vmem_shared>>) target(%arg11 : memref<128x32xf32, #tpu.memory_space<vmem>>) target_semaphore(%run_scoped3A : memref<!tpu.dma_semaphore, #tpu.memory_space<semaphore_mem>>)
      %dma_wait3A = arith.constant 0 : i32
      %dma_wait3A_447 = tpu.memref_slice %arg17[%add3A_175, %dma_wait3A] : memref<10240x32xf32, #tpu.memory_space<vmem_shared>> -> memref<128x32xf32, #tpu.memory_space<vmem_shared>>
      %dma_wait3A_448 = arith.constant 0 : i32
      %dma_wait3A_449 = tpu.memref_slice %arg17[%add3A_175, %dma_wait3A_448] : memref<10240x32xf32, #tpu.memory_space<vmem_shared>> -> memref<128x32xf32, #tpu.memory_space<vmem_shared>>
      tpu.wait_dma2 semaphore(%run_scoped3A : memref<!tpu.dma_semaphore, #tpu.memory_space<semaphore_mem>>) src(%dma_wait3A_449 : memref<128x32xf32, #tpu.memory_space<vmem_shared>>) dst(%arg11 : memref<128x32xf32, #tpu.memory_space<vmem>>)
      tpu.yield
    }) : () -> ()
    "tpu.region"() ({
      %run_scoped3A = tpu.sem_alloc : memref<!tpu.dma_semaphore, #tpu.memory_space<semaphore_mem>>
      %dma_start3A_443 = arith.constant 0 : i32
      %dma_start3A_444 = tpu.memref_slice %arg18[%add3A_175, %dma_start3A_443] : memref<10240x32xf32, #tpu.memory_space<vmem_shared>> -> memref<128x32xf32, #tpu.memory_space<vmem_shared>>
      %dma_start3A_445 = arith.constant 0 : i32
      %dma_start3A_446 = tpu.memref_slice %arg18[%add3A_175, %dma_start3A_445] : memref<10240x32xf32, #tpu.memory_space<vmem_shared>> -> memref<128x32xf32, #tpu.memory_space<vmem_shared>>
      tpu.enqueue_dma source(%dma_start3A_446 : memref<128x32xf32, #tpu.memory_space<vmem_shared>>) target(%arg13 : memref<128x32xf32, #tpu.memory_space<vmem>>) target_semaphore(%run_scoped3A : memref<!tpu.dma_semaphore, #tpu.memory_space<semaphore_mem>>)
      %dma_wait3A = arith.constant 0 : i32
      %dma_wait3A_447 = tpu.memref_slice %arg18[%add3A_175, %dma_wait3A] : memref<10240x32xf32, #tpu.memory_space<vmem_shared>> -> memref<128x32xf32, #tpu.memory_space<vmem_shared>>
      %dma_wait3A_448 = arith.constant 0 : i32
      %dma_wait3A_449 = tpu.memref_slice %arg18[%add3A_175, %dma_wait3A_448] : memref<10240x32xf32, #tpu.memory_space<vmem_shared>> -> memref<128x32xf32, #tpu.memory_space<vmem_shared>>
      tpu.wait_dma2 semaphore(%run_scoped3A : memref<!tpu.dma_semaphore, #tpu.memory_space<semaphore_mem>>) src(%dma_wait3A_449 : memref<128x32xf32, #tpu.memory_space<vmem_shared>>) dst(%arg13 : memref<128x32xf32, #tpu.memory_space<vmem>>)
      tpu.yield
    }) : () -> ()
    %sub3A_176 = arith.constant 128 : i32
    %sub3A_177 = arith.constant 0 : i32
    %sub3A_178 = arith.subi %sub3A_176, %sub3A_177 : i32
    %sub3A_179 = arith.constant 1 : i32
    %sub3A_180 = arith.constant 1 : i32
    %sub3A_181 = arith.subi %sub3A_179, %sub3A_180 : i32
    %add3A_182 = arith.addi %sub3A_178, %sub3A_181 : i32
    %div3A_183 = arith.constant 1 : i32
    %div3A_184 = arith.divsi %add3A_182, %div3A_183 : i32
    %while3A_185 = arith.constant 1 : i32
    %while3A_186 = arith.constant 0 : i32
    %while3A_187 = arith.constant 0 : i32
    %while3A_188 = arith.subi %div3A_184, %while3A_187 : i32
    %while3A_189 = arith.addi %while3A_187, %while3A_188 : i32
    %while3A_190 = arith.constant 1 : i32
    %while3A_191 = arith.divsi %while3A_188, %while3A_190 : i32
    %while3A_192 = arith.muli %while3A_191, %while3A_190 : i32
    %while3A_193 = arith.addi %while3A_187, %while3A_192 : i32
    %while3A_194 = arith.constant 1 : i32
    scf.for %while3A_443 = %while3A_187 to %while3A_193 step %while3A_194  : i32 {
      %mul3A_444 = arith.muli %while3A_443, %while3A_185 : i32
      %add3A_445 = arith.addi %while3A_186, %mul3A_444 : i32
      %add3A_446 = arith.constant 384 : i32
      %add3A_447 = arith.addi %add3A_446, %add3A_445 : i32
      %get3A = arith.index_cast %add3A_445 : i32 to index
      %get3A_448 = arith.constant 0 : index
      %get3A_449 = tpu.vector_load %arg11[%get3A, %get3A_448] {strides = array<i32>} : memref<128x32xf32, #tpu.memory_space<vmem>>, vector<1x16xf32>,
      %get3A_450 = vector.shape_cast %get3A_449 : vector<1x16xf32> to vector<16xf32>
      %get3A_451 = arith.index_cast %add3A_445 : i32 to index
      %get3A_452 = arith.constant 0 : index
      %get3A_453 = tpu.vector_load %arg13[%get3A_451, %get3A_452] {strides = array<i32>} : memref<128x32xf32, #tpu.memory_space<vmem>>, vector<1x16xf32>,
      %get3A_454 = vector.shape_cast %get3A_453 : vector<1x16xf32> to vector<16xf32>
      %get3A_455 = arith.index_cast %add3A_447 : i32 to index
      %get3A_456 = arith.constant 0 : index
      %get3A_457 = tpu.vector_load %arg15[%get3A_455, %get3A_456] {strides = array<i32>} : memref<640x32xf32, #tpu.memory_space<vmem>>, vector<1x16xf32>,
      %get3A_458 = vector.shape_cast %get3A_457 : vector<1x16xf32> to vector<16xf32>
      %get3A_459 = arith.constant 0 : i64
      %get3A_460 = arith.index_cast %get3A_459 : i64 to index
      %get3A_461 = arith.constant 0 : index
      %get3A_462 = tpu.vector_load %arg16[%get3A_460, %get3A_461] {strides = array<i32>} : memref<2x32xf32, #tpu.memory_space<vmem>>, vector<1x16xf32>,
      %get3A_463 = vector.shape_cast %get3A_462 : vector<1x16xf32> to vector<16xf32>
      %add3A_464 = arith.addf %get3A_450, %get3A_454 : vector<16xf32>
      %mul3A_465 = arith.mulf %get3A_458, %add3A_464 : vector<16xf32>
      %add3A_466 = arith.addf %mul3A_465, %get3A_463 : vector<16xf32>
      %swap3A = arith.index_cast %add3A_445 : i32 to index
      %swap3A_467 = arith.constant 0 : index
      %swap3A_468 = tpu.vector_load %arg12[%swap3A, %swap3A_467] {strides = array<i32>} : memref<128x32xf32, #tpu.memory_space<vmem>>, vector<1x16xf32>,
      %swap3A_469 = vector.shape_cast %swap3A_468 : vector<1x16xf32> to vector<16xf32>
      %swap3A_470 = vector.shape_cast %add3A_466 : vector<16xf32> to vector<1x16xf32>
      tpu.vector_store %arg12[%swap3A, %swap3A_467], %swap3A_470 {strides = array<i32>} : memref<128x32xf32, #tpu.memory_space<vmem>>, vector<1x16xf32>,
      %get3A_471 = arith.index_cast %add3A_445 : i32 to index
      %get3A_472 = arith.constant 16 : index
      %get3A_473 = tpu.vector_load %arg11[%get3A_471, %get3A_472] {strides = array<i32>} : memref<128x32xf32, #tpu.memory_space<vmem>>, vector<1x16xf32>,
      %get3A_474 = vector.shape_cast %get3A_473 : vector<1x16xf32> to vector<16xf32>
      %get3A_475 = arith.index_cast %add3A_445 : i32 to index
      %get3A_476 = arith.constant 16 : index
      %get3A_477 = tpu.vector_load %arg13[%get3A_475, %get3A_476] {strides = array<i32>} : memref<128x32xf32, #tpu.memory_space<vmem>>, vector<1x16xf32>,
      %get3A_478 = vector.shape_cast %get3A_477 : vector<1x16xf32> to vector<16xf32>
      %get3A_479 = arith.index_cast %add3A_447 : i32 to index
      %get3A_480 = arith.constant 16 : index
      %get3A_481 = tpu.vector_load %arg15[%get3A_479, %get3A_480] {strides = array<i32>} : memref<640x32xf32, #tpu.memory_space<vmem>>, vector<1x16xf32>,
      %get3A_482 = vector.shape_cast %get3A_481 : vector<1x16xf32> to vector<16xf32>
      %get3A_483 = arith.constant 0 : i64
      %get3A_484 = arith.index_cast %get3A_483 : i64 to index
      %get3A_485 = arith.constant 16 : index
      %get3A_486 = tpu.vector_load %arg16[%get3A_484, %get3A_485] {strides = array<i32>} : memref<2x32xf32, #tpu.memory_space<vmem>>, vector<1x16xf32>,
      %get3A_487 = vector.shape_cast %get3A_486 : vector<1x16xf32> to vector<16xf32>
      %add3A_488 = arith.addf %get3A_474, %get3A_478 : vector<16xf32>
      %mul3A_489 = arith.mulf %get3A_482, %add3A_488 : vector<16xf32>
      %add3A_490 = arith.addf %mul3A_489, %get3A_487 : vector<16xf32>
      %swap3A_491 = arith.index_cast %add3A_445 : i32 to index
      %swap3A_492 = arith.constant 16 : index
      %swap3A_493 = tpu.vector_load %arg12[%swap3A_491, %swap3A_492] {strides = array<i32>} : memref<128x32xf32, #tpu.memory_space<vmem>>, vector<1x16xf32>,
      %swap3A_494 = vector.shape_cast %swap3A_493 : vector<1x16xf32> to vector<16xf32>
      %swap3A_495 = vector.shape_cast %add3A_490 : vector<16xf32> to vector<1x16xf32>
      tpu.vector_store %arg12[%swap3A_491, %swap3A_492], %swap3A_495 {strides = array<i32>} : memref<128x32xf32, #tpu.memory_space<vmem>>, vector<1x16xf32>,
    }
    %while3A_195 = arith.constant 1 : i32
    scf.for %while3A_443 = %while3A_193 to %while3A_189 step %while3A_195  : i32 {
      %mul3A_444 = arith.muli %while3A_443, %while3A_185 : i32
      %add3A_445 = arith.addi %while3A_186, %mul3A_444 : i32
      %add3A_446 = arith.constant 384 : i32
      %add3A_447 = arith.addi %add3A_446, %add3A_445 : i32
      %get3A = arith.index_cast %add3A_445 : i32 to index
      %get3A_448 = arith.constant 0 : index
      %get3A_449 = tpu.vector_load %arg11[%get3A, %get3A_448] {strides = array<i32>} : memref<128x32xf32, #tpu.memory_space<vmem>>, vector<1x16xf32>,
      %get3A_450 = vector.shape_cast %get3A_449 : vector<1x16xf32> to vector<16xf32>
      %get3A_451 = arith.index_cast %add3A_445 : i32 to index
      %get3A_452 = arith.constant 0 : index
      %get3A_453 = tpu.vector_load %arg13[%get3A_451, %get3A_452] {strides = array<i32>} : memref<128x32xf32, #tpu.memory_space<vmem>>, vector<1x16xf32>,
      %get3A_454 = vector.shape_cast %get3A_453 : vector<1x16xf32> to vector<16xf32>
      %get3A_455 = arith.index_cast %add3A_447 : i32 to index
      %get3A_456 = arith.constant 0 : index
      %get3A_457 = tpu.vector_load %arg15[%get3A_455, %get3A_456] {strides = array<i32>} : memref<640x32xf32, #tpu.memory_space<vmem>>, vector<1x16xf32>,
      %get3A_458 = vector.shape_cast %get3A_457 : vector<1x16xf32> to vector<16xf32>
      %get3A_459 = arith.constant 0 : i64
      %get3A_460 = arith.index_cast %get3A_459 : i64 to index
      %get3A_461 = arith.constant 0 : index
      %get3A_462 = tpu.vector_load %arg16[%get3A_460, %get3A_461] {strides = array<i32>} : memref<2x32xf32, #tpu.memory_space<vmem>>, vector<1x16xf32>,
      %get3A_463 = vector.shape_cast %get3A_462 : vector<1x16xf32> to vector<16xf32>
      %add3A_464 = arith.addf %get3A_450, %get3A_454 : vector<16xf32>
      %mul3A_465 = arith.mulf %get3A_458, %add3A_464 : vector<16xf32>
      %add3A_466 = arith.addf %mul3A_465, %get3A_463 : vector<16xf32>
      %swap3A = arith.index_cast %add3A_445 : i32 to index
      %swap3A_467 = arith.constant 0 : index
      %swap3A_468 = tpu.vector_load %arg12[%swap3A, %swap3A_467] {strides = array<i32>} : memref<128x32xf32, #tpu.memory_space<vmem>>, vector<1x16xf32>,
      %swap3A_469 = vector.shape_cast %swap3A_468 : vector<1x16xf32> to vector<16xf32>
      %swap3A_470 = vector.shape_cast %add3A_466 : vector<16xf32> to vector<1x16xf32>
      tpu.vector_store %arg12[%swap3A, %swap3A_467], %swap3A_470 {strides = array<i32>} : memref<128x32xf32, #tpu.memory_space<vmem>>, vector<1x16xf32>,
      %get3A_471 = arith.index_cast %add3A_445 : i32 to index
      %get3A_472 = arith.constant 16 : index
      %get3A_473 = tpu.vector_load %arg11[%get3A_471, %get3A_472] {strides = array<i32>} : memref<128x32xf32, #tpu.memory_space<vmem>>, vector<1x16xf32>,
      %get3A_474 = vector.shape_cast %get3A_473 : vector<1x16xf32> to vector<16xf32>
      %get3A_475 = arith.index_cast %add3A_445 : i32 to index
      %get3A_476 = arith.constant 16 : index
      %get3A_477 = tpu.vector_load %arg13[%get3A_475, %get3A_476] {strides = array<i32>} : memref<128x32xf32, #tpu.memory_space<vmem>>, vector<1x16xf32>,
      %get3A_478 = vector.shape_cast %get3A_477 : vector<1x16xf32> to vector<16xf32>
      %get3A_479 = arith.index_cast %add3A_447 : i32 to index
      %get3A_480 = arith.constant 16 : index
      %get3A_481 = tpu.vector_load %arg15[%get3A_479, %get3A_480] {strides = array<i32>} : memref<640x32xf32, #tpu.memory_space<vmem>>, vector<1x16xf32>,
      %get3A_482 = vector.shape_cast %get3A_481 : vector<1x16xf32> to vector<16xf32>
      %get3A_483 = arith.constant 0 : i64
      %get3A_484 = arith.index_cast %get3A_483 : i64 to index
      %get3A_485 = arith.constant 16 : index
      %get3A_486 = tpu.vector_load %arg16[%get3A_484, %get3A_485] {strides = array<i32>} : memref<2x32xf32, #tpu.memory_space<vmem>>, vector<1x16xf32>,
      %get3A_487 = vector.shape_cast %get3A_486 : vector<1x16xf32> to vector<16xf32>
      %add3A_488 = arith.addf %get3A_474, %get3A_478 : vector<16xf32>
      %mul3A_489 = arith.mulf %get3A_482, %add3A_488 : vector<16xf32>
      %add3A_490 = arith.addf %mul3A_489, %get3A_487 : vector<16xf32>
      %swap3A_491 = arith.index_cast %add3A_445 : i32 to index
      %swap3A_492 = arith.constant 16 : index
      %swap3A_493 = tpu.vector_load %arg12[%swap3A_491, %swap3A_492] {strides = array<i32>} : memref<128x32xf32, #tpu.memory_space<vmem>>, vector<1x16xf32>,
      %swap3A_494 = vector.shape_cast %swap3A_493 : vector<1x16xf32> to vector<16xf32>
      %swap3A_495 = vector.shape_cast %add3A_490 : vector<16xf32> to vector<1x16xf32>
      tpu.vector_store %arg12[%swap3A_491, %swap3A_492], %swap3A_495 {strides = array<i32>} : memref<128x32xf32, #tpu.memory_space<vmem>>, vector<1x16xf32>,
    }
    %add3A_196 = arith.constant 384 : i32
    %add3A_197 = arith.addi %multiple_of3A_31, %add3A_196 : i32
    "tpu.region"() ({
      %run_scoped3A = tpu.sem_alloc : memref<!tpu.dma_semaphore, #tpu.memory_space<semaphore_mem>>
      %dma_start3A_443 = arith.constant 0 : i32
      %dma_start3A_444 = tpu.memref_slice %arg7[%add3A_197, %dma_start3A_443] : memref<40960x32xf32, #tpu.memory_space<hbm>> -> memref<128x32xf32, #tpu.memory_space<hbm>>
      %dma_start3A_445 = arith.constant 0 : i32
      %dma_start3A_446 = tpu.memref_slice %arg7[%add3A_197, %dma_start3A_445] : memref<40960x32xf32, #tpu.memory_space<hbm>> -> memref<128x32xf32, #tpu.memory_space<hbm>>
      tpu.enqueue_dma source(%arg12 : memref<128x32xf32, #tpu.memory_space<vmem>>) target(%dma_start3A_446 : memref<128x32xf32, #tpu.memory_space<hbm>>) target_semaphore(%run_scoped3A : memref<!tpu.dma_semaphore, #tpu.memory_space<semaphore_mem>>)
      %dma_wait3A = arith.constant 0 : i32
      %dma_wait3A_447 = tpu.memref_slice %arg7[%add3A_197, %dma_wait3A] : memref<40960x32xf32, #tpu.memory_space<hbm>> -> memref<128x32xf32, #tpu.memory_space<hbm>>
      %dma_wait3A_448 = arith.constant 0 : i32
      %dma_wait3A_449 = tpu.memref_slice %arg7[%add3A_197, %dma_wait3A_448] : memref<40960x32xf32, #tpu.memory_space<hbm>> -> memref<128x32xf32, #tpu.memory_space<hbm>>
      tpu.wait_dma2 semaphore(%run_scoped3A : memref<!tpu.dma_semaphore, #tpu.memory_space<semaphore_mem>>) src(%arg12 : memref<128x32xf32, #tpu.memory_space<vmem>>) dst(%dma_wait3A_449 : memref<128x32xf32, #tpu.memory_space<hbm>>)
      tpu.yield
    }) : () -> ()
    %add3A_198 = arith.constant 512 : i32
    %add3A_199 = arith.addi %multiple_of3A, %add3A_198 : i32
    "tpu.region"() ({
      %run_scoped3A = tpu.sem_alloc : memref<!tpu.dma_semaphore, #tpu.memory_space<semaphore_mem>>
      %dma_start3A_443 = arith.constant 0 : i32
      %dma_start3A_444 = tpu.memref_slice %arg17[%add3A_199, %dma_start3A_443] : memref<10240x32xf32, #tpu.memory_space<vmem_shared>> -> memref<128x32xf32, #tpu.memory_space<vmem_shared>>
      %dma_start3A_445 = arith.constant 0 : i32
      %dma_start3A_446 = tpu.memref_slice %arg17[%add3A_199, %dma_start3A_445] : memref<10240x32xf32, #tpu.memory_space<vmem_shared>> -> memref<128x32xf32, #tpu.memory_space<vmem_shared>>
      tpu.enqueue_dma source(%dma_start3A_446 : memref<128x32xf32, #tpu.memory_space<vmem_shared>>) target(%arg11 : memref<128x32xf32, #tpu.memory_space<vmem>>) target_semaphore(%run_scoped3A : memref<!tpu.dma_semaphore, #tpu.memory_space<semaphore_mem>>)
      %dma_wait3A = arith.constant 0 : i32
      %dma_wait3A_447 = tpu.memref_slice %arg17[%add3A_199, %dma_wait3A] : memref<10240x32xf32, #tpu.memory_space<vmem_shared>> -> memref<128x32xf32, #tpu.memory_space<vmem_shared>>
      %dma_wait3A_448 = arith.constant 0 : i32
      %dma_wait3A_449 = tpu.memref_slice %arg17[%add3A_199, %dma_wait3A_448] : memref<10240x32xf32, #tpu.memory_space<vmem_shared>> -> memref<128x32xf32, #tpu.memory_space<vmem_shared>>
      tpu.wait_dma2 semaphore(%run_scoped3A : memref<!tpu.dma_semaphore, #tpu.memory_space<semaphore_mem>>) src(%dma_wait3A_449 : memref<128x32xf32, #tpu.memory_space<vmem_shared>>) dst(%arg11 : memref<128x32xf32, #tpu.memory_space<vmem>>)
      tpu.yield
    }) : () -> ()
    "tpu.region"() ({
      %run_scoped3A = tpu.sem_alloc : memref<!tpu.dma_semaphore, #tpu.memory_space<semaphore_mem>>
      %dma_start3A_443 = arith.constant 0 : i32
      %dma_start3A_444 = tpu.memref_slice %arg18[%add3A_199, %dma_start3A_443] : memref<10240x32xf32, #tpu.memory_space<vmem_shared>> -> memref<128x32xf32, #tpu.memory_space<vmem_shared>>
      %dma_start3A_445 = arith.constant 0 : i32
      %dma_start3A_446 = tpu.memref_slice %arg18[%add3A_199, %dma_start3A_445] : memref<10240x32xf32, #tpu.memory_space<vmem_shared>> -> memref<128x32xf32, #tpu.memory_space<vmem_shared>>
      tpu.enqueue_dma source(%dma_start3A_446 : memref<128x32xf32, #tpu.memory_space<vmem_shared>>) target(%arg13 : memref<128x32xf32, #tpu.memory_space<vmem>>) target_semaphore(%run_scoped3A : memref<!tpu.dma_semaphore, #tpu.memory_space<semaphore_mem>>)
      %dma_wait3A = arith.constant 0 : i32
      %dma_wait3A_447 = tpu.memref_slice %arg18[%add3A_199, %dma_wait3A] : memref<10240x32xf32, #tpu.memory_space<vmem_shared>> -> memref<128x32xf32, #tpu.memory_space<vmem_shared>>
      %dma_wait3A_448 = arith.constant 0 : i32
      %dma_wait3A_449 = tpu.memref_slice %arg18[%add3A_199, %dma_wait3A_448] : memref<10240x32xf32, #tpu.memory_space<vmem_shared>> -> memref<128x32xf32, #tpu.memory_space<vmem_shared>>
      tpu.wait_dma2 semaphore(%run_scoped3A : memref<!tpu.dma_semaphore, #tpu.memory_space<semaphore_mem>>) src(%dma_wait3A_449 : memref<128x32xf32, #tpu.memory_space<vmem_shared>>) dst(%arg13 : memref<128x32xf32, #tpu.memory_space<vmem>>)
      tpu.yield
    }) : () -> ()
    %sub3A_200 = arith.constant 128 : i32
    %sub3A_201 = arith.constant 0 : i32
    %sub3A_202 = arith.subi %sub3A_200, %sub3A_201 : i32
    %sub3A_203 = arith.constant 1 : i32
    %sub3A_204 = arith.constant 1 : i32
    %sub3A_205 = arith.subi %sub3A_203, %sub3A_204 : i32
    %add3A_206 = arith.addi %sub3A_202, %sub3A_205 : i32
    %div3A_207 = arith.constant 1 : i32
    %div3A_208 = arith.divsi %add3A_206, %div3A_207 : i32
    %while3A_209 = arith.constant 1 : i32
    %while3A_210 = arith.constant 0 : i32
    %while3A_211 = arith.constant 0 : i32
    %while3A_212 = arith.subi %div3A_208, %while3A_211 : i32
    %while3A_213 = arith.addi %while3A_211, %while3A_212 : i32
    %while3A_214 = arith.constant 1 : i32
    %while3A_215 = arith.divsi %while3A_212, %while3A_214 : i32
    %while3A_216 = arith.muli %while3A_215, %while3A_214 : i32
    %while3A_217 = arith.addi %while3A_211, %while3A_216 : i32
    %while3A_218 = arith.constant 1 : i32
    scf.for %while3A_443 = %while3A_211 to %while3A_217 step %while3A_218  : i32 {
      %mul3A_444 = arith.muli %while3A_443, %while3A_209 : i32
      %add3A_445 = arith.addi %while3A_210, %mul3A_444 : i32
      %add3A_446 = arith.constant 512 : i32
      %add3A_447 = arith.addi %add3A_446, %add3A_445 : i32
      %get3A = arith.index_cast %add3A_445 : i32 to index
      %get3A_448 = arith.constant 0 : index
      %get3A_449 = tpu.vector_load %arg11[%get3A, %get3A_448] {strides = array<i32>} : memref<128x32xf32, #tpu.memory_space<vmem>>, vector<1x16xf32>,
      %get3A_450 = vector.shape_cast %get3A_449 : vector<1x16xf32> to vector<16xf32>
      %get3A_451 = arith.index_cast %add3A_445 : i32 to index
      %get3A_452 = arith.constant 0 : index
      %get3A_453 = tpu.vector_load %arg13[%get3A_451, %get3A_452] {strides = array<i32>} : memref<128x32xf32, #tpu.memory_space<vmem>>, vector<1x16xf32>,
      %get3A_454 = vector.shape_cast %get3A_453 : vector<1x16xf32> to vector<16xf32>
      %get3A_455 = arith.index_cast %add3A_447 : i32 to index
      %get3A_456 = arith.constant 0 : index
      %get3A_457 = tpu.vector_load %arg15[%get3A_455, %get3A_456] {strides = array<i32>} : memref<640x32xf32, #tpu.memory_space<vmem>>, vector<1x16xf32>,
      %get3A_458 = vector.shape_cast %get3A_457 : vector<1x16xf32> to vector<16xf32>
      %get3A_459 = arith.constant 0 : i64
      %get3A_460 = arith.index_cast %get3A_459 : i64 to index
      %get3A_461 = arith.constant 0 : index
      %get3A_462 = tpu.vector_load %arg16[%get3A_460, %get3A_461] {strides = array<i32>} : memref<2x32xf32, #tpu.memory_space<vmem>>, vector<1x16xf32>,
      %get3A_463 = vector.shape_cast %get3A_462 : vector<1x16xf32> to vector<16xf32>
      %add3A_464 = arith.addf %get3A_450, %get3A_454 : vector<16xf32>
      %mul3A_465 = arith.mulf %get3A_458, %add3A_464 : vector<16xf32>
      %add3A_466 = arith.addf %mul3A_465, %get3A_463 : vector<16xf32>
      %swap3A = arith.index_cast %add3A_445 : i32 to index
      %swap3A_467 = arith.constant 0 : index
      %swap3A_468 = tpu.vector_load %arg12[%swap3A, %swap3A_467] {strides = array<i32>} : memref<128x32xf32, #tpu.memory_space<vmem>>, vector<1x16xf32>,
      %swap3A_469 = vector.shape_cast %swap3A_468 : vector<1x16xf32> to vector<16xf32>
      %swap3A_470 = vector.shape_cast %add3A_466 : vector<16xf32> to vector<1x16xf32>
      tpu.vector_store %arg12[%swap3A, %swap3A_467], %swap3A_470 {strides = array<i32>} : memref<128x32xf32, #tpu.memory_space<vmem>>, vector<1x16xf32>,
      %get3A_471 = arith.index_cast %add3A_445 : i32 to index
      %get3A_472 = arith.constant 16 : index
      %get3A_473 = tpu.vector_load %arg11[%get3A_471, %get3A_472] {strides = array<i32>} : memref<128x32xf32, #tpu.memory_space<vmem>>, vector<1x16xf32>,
      %get3A_474 = vector.shape_cast %get3A_473 : vector<1x16xf32> to vector<16xf32>
      %get3A_475 = arith.index_cast %add3A_445 : i32 to index
      %get3A_476 = arith.constant 16 : index
      %get3A_477 = tpu.vector_load %arg13[%get3A_475, %get3A_476] {strides = array<i32>} : memref<128x32xf32, #tpu.memory_space<vmem>>, vector<1x16xf32>,
      %get3A_478 = vector.shape_cast %get3A_477 : vector<1x16xf32> to vector<16xf32>
      %get3A_479 = arith.index_cast %add3A_447 : i32 to index
      %get3A_480 = arith.constant 16 : index
      %get3A_481 = tpu.vector_load %arg15[%get3A_479, %get3A_480] {strides = array<i32>} : memref<640x32xf32, #tpu.memory_space<vmem>>, vector<1x16xf32>,
      %get3A_482 = vector.shape_cast %get3A_481 : vector<1x16xf32> to vector<16xf32>
      %get3A_483 = arith.constant 0 : i64
      %get3A_484 = arith.index_cast %get3A_483 : i64 to index
      %get3A_485 = arith.constant 16 : index
      %get3A_486 = tpu.vector_load %arg16[%get3A_484, %get3A_485] {strides = array<i32>} : memref<2x32xf32, #tpu.memory_space<vmem>>, vector<1x16xf32>,
      %get3A_487 = vector.shape_cast %get3A_486 : vector<1x16xf32> to vector<16xf32>
      %add3A_488 = arith.addf %get3A_474, %get3A_478 : vector<16xf32>
      %mul3A_489 = arith.mulf %get3A_482, %add3A_488 : vector<16xf32>
      %add3A_490 = arith.addf %mul3A_489, %get3A_487 : vector<16xf32>
      %swap3A_491 = arith.index_cast %add3A_445 : i32 to index
      %swap3A_492 = arith.constant 16 : index
      %swap3A_493 = tpu.vector_load %arg12[%swap3A_491, %swap3A_492] {strides = array<i32>} : memref<128x32xf32, #tpu.memory_space<vmem>>, vector<1x16xf32>,
      %swap3A_494 = vector.shape_cast %swap3A_493 : vector<1x16xf32> to vector<16xf32>
      %swap3A_495 = vector.shape_cast %add3A_490 : vector<16xf32> to vector<1x16xf32>
      tpu.vector_store %arg12[%swap3A_491, %swap3A_492], %swap3A_495 {strides = array<i32>} : memref<128x32xf32, #tpu.memory_space<vmem>>, vector<1x16xf32>,
    }
    %while3A_219 = arith.constant 1 : i32
    scf.for %while3A_443 = %while3A_217 to %while3A_213 step %while3A_219  : i32 {
      %mul3A_444 = arith.muli %while3A_443, %while3A_209 : i32
      %add3A_445 = arith.addi %while3A_210, %mul3A_444 : i32
      %add3A_446 = arith.constant 512 : i32
      %add3A_447 = arith.addi %add3A_446, %add3A_445 : i32
      %get3A = arith.index_cast %add3A_445 : i32 to index
      %get3A_448 = arith.constant 0 : index
      %get3A_449 = tpu.vector_load %arg11[%get3A, %get3A_448] {strides = array<i32>} : memref<128x32xf32, #tpu.memory_space<vmem>>, vector<1x16xf32>,
      %get3A_450 = vector.shape_cast %get3A_449 : vector<1x16xf32> to vector<16xf32>
      %get3A_451 = arith.index_cast %add3A_445 : i32 to index
      %get3A_452 = arith.constant 0 : index
      %get3A_453 = tpu.vector_load %arg13[%get3A_451, %get3A_452] {strides = array<i32>} : memref<128x32xf32, #tpu.memory_space<vmem>>, vector<1x16xf32>,
      %get3A_454 = vector.shape_cast %get3A_453 : vector<1x16xf32> to vector<16xf32>
      %get3A_455 = arith.index_cast %add3A_447 : i32 to index
      %get3A_456 = arith.constant 0 : index
      %get3A_457 = tpu.vector_load %arg15[%get3A_455, %get3A_456] {strides = array<i32>} : memref<640x32xf32, #tpu.memory_space<vmem>>, vector<1x16xf32>,
      %get3A_458 = vector.shape_cast %get3A_457 : vector<1x16xf32> to vector<16xf32>
      %get3A_459 = arith.constant 0 : i64
      %get3A_460 = arith.index_cast %get3A_459 : i64 to index
      %get3A_461 = arith.constant 0 : index
      %get3A_462 = tpu.vector_load %arg16[%get3A_460, %get3A_461] {strides = array<i32>} : memref<2x32xf32, #tpu.memory_space<vmem>>, vector<1x16xf32>,
      %get3A_463 = vector.shape_cast %get3A_462 : vector<1x16xf32> to vector<16xf32>
      %add3A_464 = arith.addf %get3A_450, %get3A_454 : vector<16xf32>
      %mul3A_465 = arith.mulf %get3A_458, %add3A_464 : vector<16xf32>
      %add3A_466 = arith.addf %mul3A_465, %get3A_463 : vector<16xf32>
      %swap3A = arith.index_cast %add3A_445 : i32 to index
      %swap3A_467 = arith.constant 0 : index
      %swap3A_468 = tpu.vector_load %arg12[%swap3A, %swap3A_467] {strides = array<i32>} : memref<128x32xf32, #tpu.memory_space<vmem>>, vector<1x16xf32>,
      %swap3A_469 = vector.shape_cast %swap3A_468 : vector<1x16xf32> to vector<16xf32>
      %swap3A_470 = vector.shape_cast %add3A_466 : vector<16xf32> to vector<1x16xf32>
      tpu.vector_store %arg12[%swap3A, %swap3A_467], %swap3A_470 {strides = array<i32>} : memref<128x32xf32, #tpu.memory_space<vmem>>, vector<1x16xf32>,
      %get3A_471 = arith.index_cast %add3A_445 : i32 to index
      %get3A_472 = arith.constant 16 : index
      %get3A_473 = tpu.vector_load %arg11[%get3A_471, %get3A_472] {strides = array<i32>} : memref<128x32xf32, #tpu.memory_space<vmem>>, vector<1x16xf32>,
      %get3A_474 = vector.shape_cast %get3A_473 : vector<1x16xf32> to vector<16xf32>
      %get3A_475 = arith.index_cast %add3A_445 : i32 to index
      %get3A_476 = arith.constant 16 : index
      %get3A_477 = tpu.vector_load %arg13[%get3A_475, %get3A_476] {strides = array<i32>} : memref<128x32xf32, #tpu.memory_space<vmem>>, vector<1x16xf32>,
      %get3A_478 = vector.shape_cast %get3A_477 : vector<1x16xf32> to vector<16xf32>
      %get3A_479 = arith.index_cast %add3A_447 : i32 to index
      %get3A_480 = arith.constant 16 : index
      %get3A_481 = tpu.vector_load %arg15[%get3A_479, %get3A_480] {strides = array<i32>} : memref<640x32xf32, #tpu.memory_space<vmem>>, vector<1x16xf32>,
      %get3A_482 = vector.shape_cast %get3A_481 : vector<1x16xf32> to vector<16xf32>
      %get3A_483 = arith.constant 0 : i64
      %get3A_484 = arith.index_cast %get3A_483 : i64 to index
      %get3A_485 = arith.constant 16 : index
      %get3A_486 = tpu.vector_load %arg16[%get3A_484, %get3A_485] {strides = array<i32>} : memref<2x32xf32, #tpu.memory_space<vmem>>, vector<1x16xf32>,
      %get3A_487 = vector.shape_cast %get3A_486 : vector<1x16xf32> to vector<16xf32>
      %add3A_488 = arith.addf %get3A_474, %get3A_478 : vector<16xf32>
      %mul3A_489 = arith.mulf %get3A_482, %add3A_488 : vector<16xf32>
      %add3A_490 = arith.addf %mul3A_489, %get3A_487 : vector<16xf32>
      %swap3A_491 = arith.index_cast %add3A_445 : i32 to index
      %swap3A_492 = arith.constant 16 : index
      %swap3A_493 = tpu.vector_load %arg12[%swap3A_491, %swap3A_492] {strides = array<i32>} : memref<128x32xf32, #tpu.memory_space<vmem>>, vector<1x16xf32>,
      %swap3A_494 = vector.shape_cast %swap3A_493 : vector<1x16xf32> to vector<16xf32>
      %swap3A_495 = vector.shape_cast %add3A_490 : vector<16xf32> to vector<1x16xf32>
      tpu.vector_store %arg12[%swap3A_491, %swap3A_492], %swap3A_495 {strides = array<i32>} : memref<128x32xf32, #tpu.memory_space<vmem>>, vector<1x16xf32>,
    }
    %add3A_220 = arith.constant 512 : i32
    %add3A_221 = arith.addi %multiple_of3A_31, %add3A_220 : i32
    "tpu.region"() ({
      %run_scoped3A = tpu.sem_alloc : memref<!tpu.dma_semaphore, #tpu.memory_space<semaphore_mem>>
      %dma_start3A_443 = arith.constant 0 : i32
      %dma_start3A_444 = tpu.memref_slice %arg7[%add3A_221, %dma_start3A_443] : memref<40960x32xf32, #tpu.memory_space<hbm>> -> memref<128x32xf32, #tpu.memory_space<hbm>>
      %dma_start3A_445 = arith.constant 0 : i32
      %dma_start3A_446 = tpu.memref_slice %arg7[%add3A_221, %dma_start3A_445] : memref<40960x32xf32, #tpu.memory_space<hbm>> -> memref<128x32xf32, #tpu.memory_space<hbm>>
      tpu.enqueue_dma source(%arg12 : memref<128x32xf32, #tpu.memory_space<vmem>>) target(%dma_start3A_446 : memref<128x32xf32, #tpu.memory_space<hbm>>) target_semaphore(%run_scoped3A : memref<!tpu.dma_semaphore, #tpu.memory_space<semaphore_mem>>)
      %dma_wait3A = arith.constant 0 : i32
      %dma_wait3A_447 = tpu.memref_slice %arg7[%add3A_221, %dma_wait3A] : memref<40960x32xf32, #tpu.memory_space<hbm>> -> memref<128x32xf32, #tpu.memory_space<hbm>>
      %dma_wait3A_448 = arith.constant 0 : i32
      %dma_wait3A_449 = tpu.memref_slice %arg7[%add3A_221, %dma_wait3A_448] : memref<40960x32xf32, #tpu.memory_space<hbm>> -> memref<128x32xf32, #tpu.memory_space<hbm>>
      tpu.wait_dma2 semaphore(%run_scoped3A : memref<!tpu.dma_semaphore, #tpu.memory_space<semaphore_mem>>) src(%arg12 : memref<128x32xf32, #tpu.memory_space<vmem>>) dst(%dma_wait3A_449 : memref<128x32xf32, #tpu.memory_space<hbm>>)
      tpu.yield
    }) : () -> ()
    %barrier3A_222 = arith.constant 0 : index
    tpu.barrier barrier_id(%barrier3A_222)
    %sub3A_223 = arith.constant 128 : i32
    %sub3A_224 = arith.constant 0 : i32
    %sub3A_225 = arith.subi %sub3A_223, %sub3A_224 : i32
    %sub3A_226 = arith.constant 1 : i32
    %sub3A_227 = arith.constant 1 : i32
    %sub3A_228 = arith.subi %sub3A_226, %sub3A_227 : i32
    %add3A_229 = arith.addi %sub3A_225, %sub3A_228 : i32
    %div3A_230 = arith.constant 1 : i32
    %div3A_231 = arith.divsi %add3A_229, %div3A_230 : i32
    %while3A_232 = arith.constant 1 : i32
    %while3A_233 = arith.constant 0 : i32
    %while3A_234 = arith.constant 0 : i32
    %while3A_235 = arith.subi %div3A_231, %while3A_234 : i32
    %while3A_236 = arith.addi %while3A_234, %while3A_235 : i32
    %while3A_237 = arith.constant 1 : i32
    %while3A_238 = arith.divsi %while3A_235, %while3A_237 : i32
    %while3A_239 = arith.muli %while3A_238, %while3A_237 : i32
    %while3A_240 = arith.addi %while3A_234, %while3A_239 : i32
    %while3A_241 = arith.constant 1 : i32
    scf.for %while3A_443 = %while3A_234 to %while3A_240 step %while3A_241  : i32 {
      %mul3A_444 = arith.muli %while3A_443, %while3A_232 : i32
      %add3A_445 = arith.addi %while3A_233, %mul3A_444 : i32
      %swap3A = arith.index_cast %add3A_445 : i32 to index
      %swap3A_446 = arith.constant 0 : index
      %swap3A_447 = tpu.vector_load %arg10[%swap3A, %swap3A_446] {strides = array<i32>} : memref<128x32xf32, #tpu.memory_space<vmem>>, vector<1x16xf32>,
      %swap3A_448 = vector.shape_cast %swap3A_447 : vector<1x16xf32> to vector<16xf32>
      %swap3A_449 = vector.shape_cast %broadcast_in_dim3A_6 : vector<16xf32> to vector<1x16xf32>
      tpu.vector_store %arg10[%swap3A, %swap3A_446], %swap3A_449 {strides = array<i32>} : memref<128x32xf32, #tpu.memory_space<vmem>>, vector<1x16xf32>,
      %swap3A_450 = arith.index_cast %add3A_445 : i32 to index
      %swap3A_451 = arith.constant 16 : index
      %swap3A_452 = tpu.vector_load %arg10[%swap3A_450, %swap3A_451] {strides = array<i32>} : memref<128x32xf32, #tpu.memory_space<vmem>>, vector<1x16xf32>,
      %swap3A_453 = vector.shape_cast %swap3A_452 : vector<1x16xf32> to vector<16xf32>
      %swap3A_454 = vector.shape_cast %broadcast_in_dim3A_6 : vector<16xf32> to vector<1x16xf32>
      tpu.vector_store %arg10[%swap3A_450, %swap3A_451], %swap3A_454 {strides = array<i32>} : memref<128x32xf32, #tpu.memory_space<vmem>>, vector<1x16xf32>,
    }
    %while3A_242 = arith.constant 1 : i32
    scf.for %while3A_443 = %while3A_240 to %while3A_236 step %while3A_242  : i32 {
      %mul3A_444 = arith.muli %while3A_443, %while3A_232 : i32
      %add3A_445 = arith.addi %while3A_233, %mul3A_444 : i32
      %swap3A = arith.index_cast %add3A_445 : i32 to index
      %swap3A_446 = arith.constant 0 : index
      %swap3A_447 = tpu.vector_load %arg10[%swap3A, %swap3A_446] {strides = array<i32>} : memref<128x32xf32, #tpu.memory_space<vmem>>, vector<1x16xf32>,
      %swap3A_448 = vector.shape_cast %swap3A_447 : vector<1x16xf32> to vector<16xf32>
      %swap3A_449 = vector.shape_cast %broadcast_in_dim3A_6 : vector<16xf32> to vector<1x16xf32>
      tpu.vector_store %arg10[%swap3A, %swap3A_446], %swap3A_449 {strides = array<i32>} : memref<128x32xf32, #tpu.memory_space<vmem>>, vector<1x16xf32>,
      %swap3A_450 = arith.index_cast %add3A_445 : i32 to index
      %swap3A_451 = arith.constant 16 : index
      %swap3A_452 = tpu.vector_load %arg10[%swap3A_450, %swap3A_451] {strides = array<i32>} : memref<128x32xf32, #tpu.memory_space<vmem>>, vector<1x16xf32>,
      %swap3A_453 = vector.shape_cast %swap3A_452 : vector<1x16xf32> to vector<16xf32>
      %swap3A_454 = vector.shape_cast %broadcast_in_dim3A_6 : vector<16xf32> to vector<1x16xf32>
      tpu.vector_store %arg10[%swap3A_450, %swap3A_451], %swap3A_454 {strides = array<i32>} : memref<128x32xf32, #tpu.memory_space<vmem>>, vector<1x16xf32>,
    }
    %mul3A_243 = arith.constant 2 : i32
    %mul3A_244 = arith.muli %arg0, %mul3A_243 : i32
    %add3A_245 = arith.constant 1 : i32
    %add3A_246 = arith.addi %mul3A_244, %add3A_245 : i32
    %mul3A_247 = arith.constant 10240 : i32
    %mul3A_248 = arith.muli %add3A_246, %mul3A_247 : i32
    %add3A_249 = arith.addi %mul3A_248, %multiple_of3A : i32
    %multiple_of3A_250 = tpu.assume_multiple %add3A_249, 128 : i32
    "tpu.region"() ({
      %run_scoped3A = tpu.sem_alloc : memref<!tpu.dma_semaphore, #tpu.memory_space<semaphore_mem>>
      %dma_start3A_443 = arith.constant 0 : i32
      %dma_start3A_444 = tpu.memref_slice %arg18[%multiple_of3A, %dma_start3A_443] : memref<10240x32xf32, #tpu.memory_space<vmem_shared>> -> memref<640x32xf32, #tpu.memory_space<vmem_shared>>
      %dma_start3A_445 = arith.constant 0 : i32
      %dma_start3A_446 = tpu.memref_slice %arg2[%multiple_of3A_250, %dma_start3A_445] : memref<40960x32xf32, #tpu.memory_space<hbm>> -> memref<640x32xf32, #tpu.memory_space<hbm>>
      tpu.enqueue_dma source(%dma_start3A_446 : memref<640x32xf32, #tpu.memory_space<hbm>>) target(%dma_start3A_444 : memref<640x32xf32, #tpu.memory_space<vmem_shared>>) target_semaphore(%run_scoped3A : memref<!tpu.dma_semaphore, #tpu.memory_space<semaphore_mem>>)
      %dma_wait3A = arith.constant 0 : i32
      %dma_wait3A_447 = tpu.memref_slice %arg18[%multiple_of3A, %dma_wait3A] : memref<10240x32xf32, #tpu.memory_space<vmem_shared>> -> memref<640x32xf32, #tpu.memory_space<vmem_shared>>
      %dma_wait3A_448 = arith.constant 0 : i32
      %dma_wait3A_449 = tpu.memref_slice %arg2[%multiple_of3A_250, %dma_wait3A_448] : memref<40960x32xf32, #tpu.memory_space<hbm>> -> memref<640x32xf32, #tpu.memory_space<hbm>>
      tpu.wait_dma2 semaphore(%run_scoped3A : memref<!tpu.dma_semaphore, #tpu.memory_space<semaphore_mem>>) src(%dma_wait3A_449 : memref<640x32xf32, #tpu.memory_space<hbm>>) dst(%dma_wait3A_447 : memref<640x32xf32, #tpu.memory_space<vmem_shared>>)
      tpu.yield
    }) : () -> ()
    %add3A_251 = arith.constant 0 : i32
    %add3A_252 = arith.addi %multiple_of3A, %add3A_251 : i32
    %multiple_of3A_253 = tpu.assume_multiple %add3A_252, 128 : i32
    "tpu.region"() ({
      %run_scoped3A = tpu.sem_alloc : memref<!tpu.dma_semaphore, #tpu.memory_space<semaphore_mem>>
      %dma_start3A_443 = arith.constant 0 : i32
      %dma_start3A_444 = tpu.memref_slice %arg17[%multiple_of3A_253, %dma_start3A_443] : memref<10240x32xf32, #tpu.memory_space<vmem_shared>> -> memref<128x32xf32, #tpu.memory_space<vmem_shared>>
      %dma_start3A_445 = arith.constant 0 : i32
      %dma_start3A_446 = tpu.memref_slice %arg17[%multiple_of3A_253, %dma_start3A_445] : memref<10240x32xf32, #tpu.memory_space<vmem_shared>> -> memref<128x32xf32, #tpu.memory_space<vmem_shared>>
      tpu.enqueue_dma source(%arg10 : memref<128x32xf32, #tpu.memory_space<vmem>>) target(%dma_start3A_446 : memref<128x32xf32, #tpu.memory_space<vmem_shared>>) target_semaphore(%run_scoped3A : memref<!tpu.dma_semaphore, #tpu.memory_space<semaphore_mem>>)
      %dma_wait3A = arith.constant 0 : i32
      %dma_wait3A_447 = tpu.memref_slice %arg17[%multiple_of3A_253, %dma_wait3A] : memref<10240x32xf32, #tpu.memory_space<vmem_shared>> -> memref<128x32xf32, #tpu.memory_space<vmem_shared>>
      %dma_wait3A_448 = arith.constant 0 : i32
      %dma_wait3A_449 = tpu.memref_slice %arg17[%multiple_of3A_253, %dma_wait3A_448] : memref<10240x32xf32, #tpu.memory_space<vmem_shared>> -> memref<128x32xf32, #tpu.memory_space<vmem_shared>>
      tpu.wait_dma2 semaphore(%run_scoped3A : memref<!tpu.dma_semaphore, #tpu.memory_space<semaphore_mem>>) src(%arg10 : memref<128x32xf32, #tpu.memory_space<vmem>>) dst(%dma_wait3A_449 : memref<128x32xf32, #tpu.memory_space<vmem_shared>>)
      tpu.yield
    }) : () -> ()
    %add3A_254 = arith.constant 128 : i32
    %add3A_255 = arith.addi %multiple_of3A, %add3A_254 : i32
    %multiple_of3A_256 = tpu.assume_multiple %add3A_255, 128 : i32
    "tpu.region"() ({
      %run_scoped3A = tpu.sem_alloc : memref<!tpu.dma_semaphore, #tpu.memory_space<semaphore_mem>>
      %dma_start3A_443 = arith.constant 0 : i32
      %dma_start3A_444 = tpu.memref_slice %arg17[%multiple_of3A_256, %dma_start3A_443] : memref<10240x32xf32, #tpu.memory_space<vmem_shared>> -> memref<128x32xf32, #tpu.memory_space<vmem_shared>>
      %dma_start3A_445 = arith.constant 0 : i32
      %dma_start3A_446 = tpu.memref_slice %arg17[%multiple_of3A_256, %dma_start3A_445] : memref<10240x32xf32, #tpu.memory_space<vmem_shared>> -> memref<128x32xf32, #tpu.memory_space<vmem_shared>>
      tpu.enqueue_dma source(%arg10 : memref<128x32xf32, #tpu.memory_space<vmem>>) target(%dma_start3A_446 : memref<128x32xf32, #tpu.memory_space<vmem_shared>>) target_semaphore(%run_scoped3A : memref<!tpu.dma_semaphore, #tpu.memory_space<semaphore_mem>>)
      %dma_wait3A = arith.constant 0 : i32
      %dma_wait3A_447 = tpu.memref_slice %arg17[%multiple_of3A_256, %dma_wait3A] : memref<10240x32xf32, #tpu.memory_space<vmem_shared>> -> memref<128x32xf32, #tpu.memory_space<vmem_shared>>
      %dma_wait3A_448 = arith.constant 0 : i32
      %dma_wait3A_449 = tpu.memref_slice %arg17[%multiple_of3A_256, %dma_wait3A_448] : memref<10240x32xf32, #tpu.memory_space<vmem_shared>> -> memref<128x32xf32, #tpu.memory_space<vmem_shared>>
      tpu.wait_dma2 semaphore(%run_scoped3A : memref<!tpu.dma_semaphore, #tpu.memory_space<semaphore_mem>>) src(%arg10 : memref<128x32xf32, #tpu.memory_space<vmem>>) dst(%dma_wait3A_449 : memref<128x32xf32, #tpu.memory_space<vmem_shared>>)
      tpu.yield
    }) : () -> ()
    %add3A_257 = arith.constant 256 : i32
    %add3A_258 = arith.addi %multiple_of3A, %add3A_257 : i32
    %multiple_of3A_259 = tpu.assume_multiple %add3A_258, 128 : i32
    "tpu.region"() ({
      %run_scoped3A = tpu.sem_alloc : memref<!tpu.dma_semaphore, #tpu.memory_space<semaphore_mem>>
      %dma_start3A_443 = arith.constant 0 : i32
      %dma_start3A_444 = tpu.memref_slice %arg17[%multiple_of3A_259, %dma_start3A_443] : memref<10240x32xf32, #tpu.memory_space<vmem_shared>> -> memref<128x32xf32, #tpu.memory_space<vmem_shared>>
      %dma_start3A_445 = arith.constant 0 : i32
      %dma_start3A_446 = tpu.memref_slice %arg17[%multiple_of3A_259, %dma_start3A_445] : memref<10240x32xf32, #tpu.memory_space<vmem_shared>> -> memref<128x32xf32, #tpu.memory_space<vmem_shared>>
      tpu.enqueue_dma source(%arg10 : memref<128x32xf32, #tpu.memory_space<vmem>>) target(%dma_start3A_446 : memref<128x32xf32, #tpu.memory_space<vmem_shared>>) target_semaphore(%run_scoped3A : memref<!tpu.dma_semaphore, #tpu.memory_space<semaphore_mem>>)
      %dma_wait3A = arith.constant 0 : i32
      %dma_wait3A_447 = tpu.memref_slice %arg17[%multiple_of3A_259, %dma_wait3A] : memref<10240x32xf32, #tpu.memory_space<vmem_shared>> -> memref<128x32xf32, #tpu.memory_space<vmem_shared>>
      %dma_wait3A_448 = arith.constant 0 : i32
      %dma_wait3A_449 = tpu.memref_slice %arg17[%multiple_of3A_259, %dma_wait3A_448] : memref<10240x32xf32, #tpu.memory_space<vmem_shared>> -> memref<128x32xf32, #tpu.memory_space<vmem_shared>>
      tpu.wait_dma2 semaphore(%run_scoped3A : memref<!tpu.dma_semaphore, #tpu.memory_space<semaphore_mem>>) src(%arg10 : memref<128x32xf32, #tpu.memory_space<vmem>>) dst(%dma_wait3A_449 : memref<128x32xf32, #tpu.memory_space<vmem_shared>>)
      tpu.yield
    }) : () -> ()
    %add3A_260 = arith.constant 384 : i32
    %add3A_261 = arith.addi %multiple_of3A, %add3A_260 : i32
    %multiple_of3A_262 = tpu.assume_multiple %add3A_261, 128 : i32
    "tpu.region"() ({
      %run_scoped3A = tpu.sem_alloc : memref<!tpu.dma_semaphore, #tpu.memory_space<semaphore_mem>>
      %dma_start3A_443 = arith.constant 0 : i32
      %dma_start3A_444 = tpu.memref_slice %arg17[%multiple_of3A_262, %dma_start3A_443] : memref<10240x32xf32, #tpu.memory_space<vmem_shared>> -> memref<128x32xf32, #tpu.memory_space<vmem_shared>>
      %dma_start3A_445 = arith.constant 0 : i32
      %dma_start3A_446 = tpu.memref_slice %arg17[%multiple_of3A_262, %dma_start3A_445] : memref<10240x32xf32, #tpu.memory_space<vmem_shared>> -> memref<128x32xf32, #tpu.memory_space<vmem_shared>>
      tpu.enqueue_dma source(%arg10 : memref<128x32xf32, #tpu.memory_space<vmem>>) target(%dma_start3A_446 : memref<128x32xf32, #tpu.memory_space<vmem_shared>>) target_semaphore(%run_scoped3A : memref<!tpu.dma_semaphore, #tpu.memory_space<semaphore_mem>>)
      %dma_wait3A = arith.constant 0 : i32
      %dma_wait3A_447 = tpu.memref_slice %arg17[%multiple_of3A_262, %dma_wait3A] : memref<10240x32xf32, #tpu.memory_space<vmem_shared>> -> memref<128x32xf32, #tpu.memory_space<vmem_shared>>
      %dma_wait3A_448 = arith.constant 0 : i32
      %dma_wait3A_449 = tpu.memref_slice %arg17[%multiple_of3A_262, %dma_wait3A_448] : memref<10240x32xf32, #tpu.memory_space<vmem_shared>> -> memref<128x32xf32, #tpu.memory_space<vmem_shared>>
      tpu.wait_dma2 semaphore(%run_scoped3A : memref<!tpu.dma_semaphore, #tpu.memory_space<semaphore_mem>>) src(%arg10 : memref<128x32xf32, #tpu.memory_space<vmem>>) dst(%dma_wait3A_449 : memref<128x32xf32, #tpu.memory_space<vmem_shared>>)
      tpu.yield
    }) : () -> ()
    %add3A_263 = arith.constant 512 : i32
    %add3A_264 = arith.addi %multiple_of3A, %add3A_263 : i32
    %multiple_of3A_265 = tpu.assume_multiple %add3A_264, 128 : i32
    "tpu.region"() ({
      %run_scoped3A = tpu.sem_alloc : memref<!tpu.dma_semaphore, #tpu.memory_space<semaphore_mem>>
      %dma_start3A_443 = arith.constant 0 : i32
      %dma_start3A_444 = tpu.memref_slice %arg17[%multiple_of3A_265, %dma_start3A_443] : memref<10240x32xf32, #tpu.memory_space<vmem_shared>> -> memref<128x32xf32, #tpu.memory_space<vmem_shared>>
      %dma_start3A_445 = arith.constant 0 : i32
      %dma_start3A_446 = tpu.memref_slice %arg17[%multiple_of3A_265, %dma_start3A_445] : memref<10240x32xf32, #tpu.memory_space<vmem_shared>> -> memref<128x32xf32, #tpu.memory_space<vmem_shared>>
      tpu.enqueue_dma source(%arg10 : memref<128x32xf32, #tpu.memory_space<vmem>>) target(%dma_start3A_446 : memref<128x32xf32, #tpu.memory_space<vmem_shared>>) target_semaphore(%run_scoped3A : memref<!tpu.dma_semaphore, #tpu.memory_space<semaphore_mem>>)
      %dma_wait3A = arith.constant 0 : i32
      %dma_wait3A_447 = tpu.memref_slice %arg17[%multiple_of3A_265, %dma_wait3A] : memref<10240x32xf32, #tpu.memory_space<vmem_shared>> -> memref<128x32xf32, #tpu.memory_space<vmem_shared>>
      %dma_wait3A_448 = arith.constant 0 : i32
      %dma_wait3A_449 = tpu.memref_slice %arg17[%multiple_of3A_265, %dma_wait3A_448] : memref<10240x32xf32, #tpu.memory_space<vmem_shared>> -> memref<128x32xf32, #tpu.memory_space<vmem_shared>>
      tpu.wait_dma2 semaphore(%run_scoped3A : memref<!tpu.dma_semaphore, #tpu.memory_space<semaphore_mem>>) src(%arg10 : memref<128x32xf32, #tpu.memory_space<vmem>>) dst(%dma_wait3A_449 : memref<128x32xf32, #tpu.memory_space<vmem_shared>>)
      tpu.yield
    }) : () -> ()
    %barrier3A_266 = arith.constant 0 : index
    tpu.barrier barrier_id(%barrier3A_266)
    %dma_start3A_267 = arith.constant 0 : i32
    %dma_start3A_268 = arith.constant 0 : i32
    %dma_start3A_269 = tpu.memref_slice %arg8[%dma_start3A_267, %dma_start3A_268] : memref<160x128xi32, #tpu.memory_space<vmem>> -> memref<1x128xi32, #tpu.memory_space<vmem>>
    %dma_start3A_270 = tpu.memref_squeeze %dma_start3A_269 : memref<1x128xi32, #tpu.memory_space<vmem>> -> memref<128xi32, #tpu.memory_space<vmem>>
    %dma_start3A_271 = arith.constant 0 : i32
    %dma_start3A_272 = arith.constant 0 : i32
    %dma_start3A_273 = tpu.memref_slice %arg18[%dma_start3A_271, %dma_start3A_272] : memref<10240x32xf32, #tpu.memory_space<vmem_shared>> -> memref<10240x32xf32, #tpu.memory_space<vmem_shared>>
    tpu.enqueue_indirect_dma source(%dma_start3A_273 : memref<10240x32xf32, #tpu.memory_space<vmem_shared>>) target(%arg10 : memref<128x32xf32, #tpu.memory_space<vmem>>) offsets(%dma_start3A_270 : memref<128xi32, #tpu.memory_space<vmem>>) semaphore(%arg19 : memref<!tpu.dma_semaphore, #tpu.memory_space<semaphore_mem>>)
    %dma_start3A_274 = arith.constant 1 : i32
    %dma_start3A_275 = arith.constant 0 : i32
    %dma_start3A_276 = tpu.memref_slice %arg8[%dma_start3A_274, %dma_start3A_275] : memref<160x128xi32, #tpu.memory_space<vmem>> -> memref<1x128xi32, #tpu.memory_space<vmem>>
    %dma_start3A_277 = tpu.memref_squeeze %dma_start3A_276 : memref<1x128xi32, #tpu.memory_space<vmem>> -> memref<128xi32, #tpu.memory_space<vmem>>
    %dma_start3A_278 = arith.constant 0 : i32
    %dma_start3A_279 = arith.constant 0 : i32
    %dma_start3A_280 = tpu.memref_slice %arg18[%dma_start3A_278, %dma_start3A_279] : memref<10240x32xf32, #tpu.memory_space<vmem_shared>> -> memref<10240x32xf32, #tpu.memory_space<vmem_shared>>
    tpu.enqueue_indirect_dma source(%dma_start3A_280 : memref<10240x32xf32, #tpu.memory_space<vmem_shared>>) target(%arg11 : memref<128x32xf32, #tpu.memory_space<vmem>>) offsets(%dma_start3A_277 : memref<128xi32, #tpu.memory_space<vmem>>) semaphore(%arg20 : memref<!tpu.dma_semaphore, #tpu.memory_space<semaphore_mem>>)
    %dma_start3A_281 = arith.constant 2 : i32
    %dma_start3A_282 = arith.constant 0 : i32
    %dma_start3A_283 = tpu.memref_slice %arg8[%dma_start3A_281, %dma_start3A_282] : memref<160x128xi32, #tpu.memory_space<vmem>> -> memref<1x128xi32, #tpu.memory_space<vmem>>
    %dma_start3A_284 = tpu.memref_squeeze %dma_start3A_283 : memref<1x128xi32, #tpu.memory_space<vmem>> -> memref<128xi32, #tpu.memory_space<vmem>>
    %dma_start3A_285 = arith.constant 0 : i32
    %dma_start3A_286 = arith.constant 0 : i32
    %dma_start3A_287 = tpu.memref_slice %arg18[%dma_start3A_285, %dma_start3A_286] : memref<10240x32xf32, #tpu.memory_space<vmem_shared>> -> memref<10240x32xf32, #tpu.memory_space<vmem_shared>>
    tpu.enqueue_indirect_dma source(%dma_start3A_287 : memref<10240x32xf32, #tpu.memory_space<vmem_shared>>) target(%arg12 : memref<128x32xf32, #tpu.memory_space<vmem>>) offsets(%dma_start3A_284 : memref<128xi32, #tpu.memory_space<vmem>>) semaphore(%arg21 : memref<!tpu.dma_semaphore, #tpu.memory_space<semaphore_mem>>)
    %dma_start3A_288 = arith.constant 3 : i32
    %dma_start3A_289 = arith.constant 0 : i32
    %dma_start3A_290 = tpu.memref_slice %arg8[%dma_start3A_288, %dma_start3A_289] : memref<160x128xi32, #tpu.memory_space<vmem>> -> memref<1x128xi32, #tpu.memory_space<vmem>>
    %dma_start3A_291 = tpu.memref_squeeze %dma_start3A_290 : memref<1x128xi32, #tpu.memory_space<vmem>> -> memref<128xi32, #tpu.memory_space<vmem>>
    %dma_start3A_292 = arith.constant 0 : i32
    %dma_start3A_293 = arith.constant 0 : i32
    %dma_start3A_294 = tpu.memref_slice %arg18[%dma_start3A_292, %dma_start3A_293] : memref<10240x32xf32, #tpu.memory_space<vmem_shared>> -> memref<10240x32xf32, #tpu.memory_space<vmem_shared>>
    tpu.enqueue_indirect_dma source(%dma_start3A_294 : memref<10240x32xf32, #tpu.memory_space<vmem_shared>>) target(%arg13 : memref<128x32xf32, #tpu.memory_space<vmem>>) offsets(%dma_start3A_291 : memref<128xi32, #tpu.memory_space<vmem>>) semaphore(%arg22 : memref<!tpu.dma_semaphore, #tpu.memory_space<semaphore_mem>>)
    %dma_start3A_295 = arith.constant 4 : i32
    %dma_start3A_296 = arith.constant 0 : i32
    %dma_start3A_297 = tpu.memref_slice %arg8[%dma_start3A_295, %dma_start3A_296] : memref<160x128xi32, #tpu.memory_space<vmem>> -> memref<1x128xi32, #tpu.memory_space<vmem>>
    %dma_start3A_298 = tpu.memref_squeeze %dma_start3A_297 : memref<1x128xi32, #tpu.memory_space<vmem>> -> memref<128xi32, #tpu.memory_space<vmem>>
    %dma_start3A_299 = arith.constant 0 : i32
    %dma_start3A_300 = arith.constant 0 : i32
    %dma_start3A_301 = tpu.memref_slice %arg18[%dma_start3A_299, %dma_start3A_300] : memref<10240x32xf32, #tpu.memory_space<vmem_shared>> -> memref<10240x32xf32, #tpu.memory_space<vmem_shared>>
    tpu.enqueue_indirect_dma source(%dma_start3A_301 : memref<10240x32xf32, #tpu.memory_space<vmem_shared>>) target(%arg14 : memref<128x32xf32, #tpu.memory_space<vmem>>) offsets(%dma_start3A_298 : memref<128xi32, #tpu.memory_space<vmem>>) semaphore(%arg23 : memref<!tpu.dma_semaphore, #tpu.memory_space<semaphore_mem>>)
    %sub3A_302 = arith.constant 160 : i32
    %sub3A_303 = arith.constant 0 : i32
    %sub3A_304 = arith.subi %sub3A_302, %sub3A_303 : i32
    %sub3A_305 = arith.constant 5 : i32
    %sub3A_306 = arith.constant 1 : i32
    %sub3A_307 = arith.subi %sub3A_305, %sub3A_306 : i32
    %add3A_308 = arith.addi %sub3A_304, %sub3A_307 : i32
    %div3A_309 = arith.constant 5 : i32
    %div3A_310 = arith.divsi %add3A_308, %div3A_309 : i32
    %while3A_311 = arith.constant 5 : i32
    %while3A_312 = arith.constant 0 : i32
    %while3A_313 = arith.constant 0 : i32
    %while3A_314 = arith.subi %div3A_310, %while3A_313 : i32
    %while3A_315 = arith.addi %while3A_313, %while3A_314 : i32
    %while3A_316 = arith.constant 1 : i32
    %while3A_317 = arith.divsi %while3A_314, %while3A_316 : i32
    %while3A_318 = arith.muli %while3A_317, %while3A_316 : i32
    %while3A_319 = arith.addi %while3A_313, %while3A_318 : i32
    %while3A_320 = arith.constant 1 : i32
    scf.for %while3A_443 = %while3A_313 to %while3A_319 step %while3A_320  : i32 {
      %mul3A_444 = arith.muli %while3A_443, %while3A_311 : i32
      %add3A_445 = arith.addi %while3A_312, %mul3A_444 : i32
      %add3A_446 = arith.constant 0 : i32
      %add3A_447 = arith.addi %add3A_445, %add3A_446 : i32
      %dma_wait3A = arith.constant 0 : i32
      %dma_wait3A_448 = tpu.memref_slice %arg8[%add3A_447, %dma_wait3A] : memref<160x128xi32, #tpu.memory_space<vmem>> -> memref<1x128xi32, #tpu.memory_space<vmem>>
      %dma_wait3A_449 = tpu.memref_squeeze %dma_wait3A_448 : memref<1x128xi32, #tpu.memory_space<vmem>> -> memref<128xi32, #tpu.memory_space<vmem>>
      %dma_wait3A_450 = arith.constant 0 : i32
      %dma_wait3A_451 = arith.constant 0 : i32
      %dma_wait3A_452 = tpu.memref_slice %arg18[%dma_wait3A_450, %dma_wait3A_451] : memref<10240x32xf32, #tpu.memory_space<vmem_shared>> -> memref<10240x32xf32, #tpu.memory_space<vmem_shared>>
      tpu.wait_indirect_dma semaphore(%arg19 : memref<!tpu.dma_semaphore, #tpu.memory_space<semaphore_mem>>) src(%dma_wait3A_452 : memref<10240x32xf32, #tpu.memory_space<vmem_shared>>) dst(%arg10 : memref<128x32xf32, #tpu.memory_space<vmem>>)
      %dma_start3A_453 = arith.constant 0 : i32
      %dma_start3A_454 = tpu.memref_slice %arg9[%add3A_447, %dma_start3A_453] : memref<160x128xi32, #tpu.memory_space<vmem>> -> memref<1x128xi32, #tpu.memory_space<vmem>>
      %dma_start3A_455 = tpu.memref_squeeze %dma_start3A_454 : memref<1x128xi32, #tpu.memory_space<vmem>> -> memref<128xi32, #tpu.memory_space<vmem>>
      %dma_start3A_456 = arith.constant 0 : i32
      %dma_start3A_457 = arith.constant 0 : i32
      %dma_start3A_458 = tpu.memref_slice %arg17[%dma_start3A_456, %dma_start3A_457] : memref<10240x32xf32, #tpu.memory_space<vmem_shared>> -> memref<10240x32xf32, #tpu.memory_space<vmem_shared>>
      tpu.enqueue_indirect_dma source(%arg10 : memref<128x32xf32, #tpu.memory_space<vmem>>) target(%dma_start3A_458 : memref<10240x32xf32, #tpu.memory_space<vmem_shared>>) offsets(%dma_start3A_455 : memref<128xi32, #tpu.memory_space<vmem>>) semaphore(%arg24 : memref<!tpu.dma_semaphore, #tpu.memory_space<semaphore_mem>>) {add = true}
      %add3A_459 = arith.constant 5 : i32
      %add3A_460 = arith.addi %add3A_447, %add3A_459 : i32
      %lt3A = arith.constant 160 : i32
      %lt3A_461 = arith.cmpi slt, %add3A_460, %lt3A : i32
      %convert_element_type3A = arith.extui %lt3A_461 : i1 to i32
      %cond3A = arith.constant 0 : i32
      %cond3A_462 = arith.cmpi ne, %convert_element_type3A, %cond3A : i32
      scf.if %cond3A_462 {
        %dma_wait3A_553 = arith.constant 0 : i32
        %dma_wait3A_554 = tpu.memref_slice %arg9[%add3A_447, %dma_wait3A_553] : memref<160x128xi32, #tpu.memory_space<vmem>> -> memref<1x128xi32, #tpu.memory_space<vmem>>
        %dma_wait3A_555 = tpu.memref_squeeze %dma_wait3A_554 : memref<1x128xi32, #tpu.memory_space<vmem>> -> memref<128xi32, #tpu.memory_space<vmem>>
        %dma_wait3A_556 = arith.constant 0 : i32
        %dma_wait3A_557 = arith.constant 0 : i32
        %dma_wait3A_558 = tpu.memref_slice %arg17[%dma_wait3A_556, %dma_wait3A_557] : memref<10240x32xf32, #tpu.memory_space<vmem_shared>> -> memref<10240x32xf32, #tpu.memory_space<vmem_shared>>
        tpu.wait_indirect_dma semaphore(%arg24 : memref<!tpu.dma_semaphore, #tpu.memory_space<semaphore_mem>>) src(%arg10 : memref<128x32xf32, #tpu.memory_space<vmem>>) dst(%dma_wait3A_558 : memref<10240x32xf32, #tpu.memory_space<vmem_shared>>)
        %dma_start3A_559 = arith.constant 0 : i32
        %dma_start3A_560 = tpu.memref_slice %arg8[%add3A_460, %dma_start3A_559] : memref<160x128xi32, #tpu.memory_space<vmem>> -> memref<1x128xi32, #tpu.memory_space<vmem>>
        %dma_start3A_561 = tpu.memref_squeeze %dma_start3A_560 : memref<1x128xi32, #tpu.memory_space<vmem>> -> memref<128xi32, #tpu.memory_space<vmem>>
        %dma_start3A_562 = arith.constant 0 : i32
        %dma_start3A_563 = arith.constant 0 : i32
        %dma_start3A_564 = tpu.memref_slice %arg18[%dma_start3A_562, %dma_start3A_563] : memref<10240x32xf32, #tpu.memory_space<vmem_shared>> -> memref<10240x32xf32, #tpu.memory_space<vmem_shared>>
        tpu.enqueue_indirect_dma source(%dma_start3A_564 : memref<10240x32xf32, #tpu.memory_space<vmem_shared>>) target(%arg10 : memref<128x32xf32, #tpu.memory_space<vmem>>) offsets(%dma_start3A_561 : memref<128xi32, #tpu.memory_space<vmem>>) semaphore(%arg19 : memref<!tpu.dma_semaphore, #tpu.memory_space<semaphore_mem>>)
      } else {
      }
      %add3A_463 = arith.constant 1 : i32
      %add3A_464 = arith.addi %add3A_445, %add3A_463 : i32
      %dma_wait3A_465 = arith.constant 0 : i32
      %dma_wait3A_466 = tpu.memref_slice %arg8[%add3A_464, %dma_wait3A_465] : memref<160x128xi32, #tpu.memory_space<vmem>> -> memref<1x128xi32, #tpu.memory_space<vmem>>
      %dma_wait3A_467 = tpu.memref_squeeze %dma_wait3A_466 : memref<1x128xi32, #tpu.memory_space<vmem>> -> memref<128xi32, #tpu.memory_space<vmem>>
      %dma_wait3A_468 = arith.constant 0 : i32
      %dma_wait3A_469 = arith.constant 0 : i32
      %dma_wait3A_470 = tpu.memref_slice %arg18[%dma_wait3A_468, %dma_wait3A_469] : memref<10240x32xf32, #tpu.memory_space<vmem_shared>> -> memref<10240x32xf32, #tpu.memory_space<vmem_shared>>
      tpu.wait_indirect_dma semaphore(%arg20 : memref<!tpu.dma_semaphore, #tpu.memory_space<semaphore_mem>>) src(%dma_wait3A_470 : memref<10240x32xf32, #tpu.memory_space<vmem_shared>>) dst(%arg11 : memref<128x32xf32, #tpu.memory_space<vmem>>)
      %dma_start3A_471 = arith.constant 0 : i32
      %dma_start3A_472 = tpu.memref_slice %arg9[%add3A_464, %dma_start3A_471] : memref<160x128xi32, #tpu.memory_space<vmem>> -> memref<1x128xi32, #tpu.memory_space<vmem>>
      %dma_start3A_473 = tpu.memref_squeeze %dma_start3A_472 : memref<1x128xi32, #tpu.memory_space<vmem>> -> memref<128xi32, #tpu.memory_space<vmem>>
      %dma_start3A_474 = arith.constant 0 : i32
      %dma_start3A_475 = arith.constant 0 : i32
      %dma_start3A_476 = tpu.memref_slice %arg17[%dma_start3A_474, %dma_start3A_475] : memref<10240x32xf32, #tpu.memory_space<vmem_shared>> -> memref<10240x32xf32, #tpu.memory_space<vmem_shared>>
      tpu.enqueue_indirect_dma source(%arg11 : memref<128x32xf32, #tpu.memory_space<vmem>>) target(%dma_start3A_476 : memref<10240x32xf32, #tpu.memory_space<vmem_shared>>) offsets(%dma_start3A_473 : memref<128xi32, #tpu.memory_space<vmem>>) semaphore(%arg25 : memref<!tpu.dma_semaphore, #tpu.memory_space<semaphore_mem>>) {add = true}
      %add3A_477 = arith.constant 5 : i32
      %add3A_478 = arith.addi %add3A_464, %add3A_477 : i32
      %lt3A_479 = arith.constant 160 : i32
      %lt3A_480 = arith.cmpi slt, %add3A_478, %lt3A_479 : i32
      %convert_element_type3A_481 = arith.extui %lt3A_480 : i1 to i32
      %cond3A_482 = arith.constant 0 : i32
      %cond3A_483 = arith.cmpi ne, %convert_element_type3A_481, %cond3A_482 : i32
      scf.if %cond3A_483 {
        %dma_wait3A_553 = arith.constant 0 : i32
        %dma_wait3A_554 = tpu.memref_slice %arg9[%add3A_464, %dma_wait3A_553] : memref<160x128xi32, #tpu.memory_space<vmem>> -> memref<1x128xi32, #tpu.memory_space<vmem>>
        %dma_wait3A_555 = tpu.memref_squeeze %dma_wait3A_554 : memref<1x128xi32, #tpu.memory_space<vmem>> -> memref<128xi32, #tpu.memory_space<vmem>>
        %dma_wait3A_556 = arith.constant 0 : i32
        %dma_wait3A_557 = arith.constant 0 : i32
        %dma_wait3A_558 = tpu.memref_slice %arg17[%dma_wait3A_556, %dma_wait3A_557] : memref<10240x32xf32, #tpu.memory_space<vmem_shared>> -> memref<10240x32xf32, #tpu.memory_space<vmem_shared>>
        tpu.wait_indirect_dma semaphore(%arg25 : memref<!tpu.dma_semaphore, #tpu.memory_space<semaphore_mem>>) src(%arg11 : memref<128x32xf32, #tpu.memory_space<vmem>>) dst(%dma_wait3A_558 : memref<10240x32xf32, #tpu.memory_space<vmem_shared>>)
        %dma_start3A_559 = arith.constant 0 : i32
        %dma_start3A_560 = tpu.memref_slice %arg8[%add3A_478, %dma_start3A_559] : memref<160x128xi32, #tpu.memory_space<vmem>> -> memref<1x128xi32, #tpu.memory_space<vmem>>
        %dma_start3A_561 = tpu.memref_squeeze %dma_start3A_560 : memref<1x128xi32, #tpu.memory_space<vmem>> -> memref<128xi32, #tpu.memory_space<vmem>>
        %dma_start3A_562 = arith.constant 0 : i32
        %dma_start3A_563 = arith.constant 0 : i32
        %dma_start3A_564 = tpu.memref_slice %arg18[%dma_start3A_562, %dma_start3A_563] : memref<10240x32xf32, #tpu.memory_space<vmem_shared>> -> memref<10240x32xf32, #tpu.memory_space<vmem_shared>>
        tpu.enqueue_indirect_dma source(%dma_start3A_564 : memref<10240x32xf32, #tpu.memory_space<vmem_shared>>) target(%arg11 : memref<128x32xf32, #tpu.memory_space<vmem>>) offsets(%dma_start3A_561 : memref<128xi32, #tpu.memory_space<vmem>>) semaphore(%arg20 : memref<!tpu.dma_semaphore, #tpu.memory_space<semaphore_mem>>)
      } else {
      }
      %add3A_484 = arith.constant 2 : i32
      %add3A_485 = arith.addi %add3A_445, %add3A_484 : i32
      %dma_wait3A_486 = arith.constant 0 : i32
      %dma_wait3A_487 = tpu.memref_slice %arg8[%add3A_485, %dma_wait3A_486] : memref<160x128xi32, #tpu.memory_space<vmem>> -> memref<1x128xi32, #tpu.memory_space<vmem>>
      %dma_wait3A_488 = tpu.memref_squeeze %dma_wait3A_487 : memref<1x128xi32, #tpu.memory_space<vmem>> -> memref<128xi32, #tpu.memory_space<vmem>>
      %dma_wait3A_489 = arith.constant 0 : i32
      %dma_wait3A_490 = arith.constant 0 : i32
      %dma_wait3A_491 = tpu.memref_slice %arg18[%dma_wait3A_489, %dma_wait3A_490] : memref<10240x32xf32, #tpu.memory_space<vmem_shared>> -> memref<10240x32xf32, #tpu.memory_space<vmem_shared>>
      tpu.wait_indirect_dma semaphore(%arg21 : memref<!tpu.dma_semaphore, #tpu.memory_space<semaphore_mem>>) src(%dma_wait3A_491 : memref<10240x32xf32, #tpu.memory_space<vmem_shared>>) dst(%arg12 : memref<128x32xf32, #tpu.memory_space<vmem>>)
      %dma_start3A_492 = arith.constant 0 : i32
      %dma_start3A_493 = tpu.memref_slice %arg9[%add3A_485, %dma_start3A_492] : memref<160x128xi32, #tpu.memory_space<vmem>> -> memref<1x128xi32, #tpu.memory_space<vmem>>
      %dma_start3A_494 = tpu.memref_squeeze %dma_start3A_493 : memref<1x128xi32, #tpu.memory_space<vmem>> -> memref<128xi32, #tpu.memory_space<vmem>>
      %dma_start3A_495 = arith.constant 0 : i32
      %dma_start3A_496 = arith.constant 0 : i32
      %dma_start3A_497 = tpu.memref_slice %arg17[%dma_start3A_495, %dma_start3A_496] : memref<10240x32xf32, #tpu.memory_space<vmem_shared>> -> memref<10240x32xf32, #tpu.memory_space<vmem_shared>>
      tpu.enqueue_indirect_dma source(%arg12 : memref<128x32xf32, #tpu.memory_space<vmem>>) target(%dma_start3A_497 : memref<10240x32xf32, #tpu.memory_space<vmem_shared>>) offsets(%dma_start3A_494 : memref<128xi32, #tpu.memory_space<vmem>>) semaphore(%arg26 : memref<!tpu.dma_semaphore, #tpu.memory_space<semaphore_mem>>) {add = true}
      %add3A_498 = arith.constant 5 : i32
      %add3A_499 = arith.addi %add3A_485, %add3A_498 : i32
      %lt3A_500 = arith.constant 160 : i32
      %lt3A_501 = arith.cmpi slt, %add3A_499, %lt3A_500 : i32
      %convert_element_type3A_502 = arith.extui %lt3A_501 : i1 to i32
      %cond3A_503 = arith.constant 0 : i32
      %cond3A_504 = arith.cmpi ne, %convert_element_type3A_502, %cond3A_503 : i32
      scf.if %cond3A_504 {
        %dma_wait3A_553 = arith.constant 0 : i32
        %dma_wait3A_554 = tpu.memref_slice %arg9[%add3A_485, %dma_wait3A_553] : memref<160x128xi32, #tpu.memory_space<vmem>> -> memref<1x128xi32, #tpu.memory_space<vmem>>
        %dma_wait3A_555 = tpu.memref_squeeze %dma_wait3A_554 : memref<1x128xi32, #tpu.memory_space<vmem>> -> memref<128xi32, #tpu.memory_space<vmem>>
        %dma_wait3A_556 = arith.constant 0 : i32
        %dma_wait3A_557 = arith.constant 0 : i32
        %dma_wait3A_558 = tpu.memref_slice %arg17[%dma_wait3A_556, %dma_wait3A_557] : memref<10240x32xf32, #tpu.memory_space<vmem_shared>> -> memref<10240x32xf32, #tpu.memory_space<vmem_shared>>
        tpu.wait_indirect_dma semaphore(%arg26 : memref<!tpu.dma_semaphore, #tpu.memory_space<semaphore_mem>>) src(%arg12 : memref<128x32xf32, #tpu.memory_space<vmem>>) dst(%dma_wait3A_558 : memref<10240x32xf32, #tpu.memory_space<vmem_shared>>)
        %dma_start3A_559 = arith.constant 0 : i32
        %dma_start3A_560 = tpu.memref_slice %arg8[%add3A_499, %dma_start3A_559] : memref<160x128xi32, #tpu.memory_space<vmem>> -> memref<1x128xi32, #tpu.memory_space<vmem>>
        %dma_start3A_561 = tpu.memref_squeeze %dma_start3A_560 : memref<1x128xi32, #tpu.memory_space<vmem>> -> memref<128xi32, #tpu.memory_space<vmem>>
        %dma_start3A_562 = arith.constant 0 : i32
        %dma_start3A_563 = arith.constant 0 : i32
        %dma_start3A_564 = tpu.memref_slice %arg18[%dma_start3A_562, %dma_start3A_563] : memref<10240x32xf32, #tpu.memory_space<vmem_shared>> -> memref<10240x32xf32, #tpu.memory_space<vmem_shared>>
        tpu.enqueue_indirect_dma source(%dma_start3A_564 : memref<10240x32xf32, #tpu.memory_space<vmem_shared>>) target(%arg12 : memref<128x32xf32, #tpu.memory_space<vmem>>) offsets(%dma_start3A_561 : memref<128xi32, #tpu.memory_space<vmem>>) semaphore(%arg21 : memref<!tpu.dma_semaphore, #tpu.memory_space<semaphore_mem>>)
      } else {
      }
      %add3A_505 = arith.constant 3 : i32
      %add3A_506 = arith.addi %add3A_445, %add3A_505 : i32
      %dma_wait3A_507 = arith.constant 0 : i32
      %dma_wait3A_508 = tpu.memref_slice %arg8[%add3A_506, %dma_wait3A_507] : memref<160x128xi32, #tpu.memory_space<vmem>> -> memref<1x128xi32, #tpu.memory_space<vmem>>
      %dma_wait3A_509 = tpu.memref_squeeze %dma_wait3A_508 : memref<1x128xi32, #tpu.memory_space<vmem>> -> memref<128xi32, #tpu.memory_space<vmem>>
      %dma_wait3A_510 = arith.constant 0 : i32
      %dma_wait3A_511 = arith.constant 0 : i32
      %dma_wait3A_512 = tpu.memref_slice %arg18[%dma_wait3A_510, %dma_wait3A_511] : memref<10240x32xf32, #tpu.memory_space<vmem_shared>> -> memref<10240x32xf32, #tpu.memory_space<vmem_shared>>
      tpu.wait_indirect_dma semaphore(%arg22 : memref<!tpu.dma_semaphore, #tpu.memory_space<semaphore_mem>>) src(%dma_wait3A_512 : memref<10240x32xf32, #tpu.memory_space<vmem_shared>>) dst(%arg13 : memref<128x32xf32, #tpu.memory_space<vmem>>)
      %dma_start3A_513 = arith.constant 0 : i32
      %dma_start3A_514 = tpu.memref_slice %arg9[%add3A_506, %dma_start3A_513] : memref<160x128xi32, #tpu.memory_space<vmem>> -> memref<1x128xi32, #tpu.memory_space<vmem>>
      %dma_start3A_515 = tpu.memref_squeeze %dma_start3A_514 : memref<1x128xi32, #tpu.memory_space<vmem>> -> memref<128xi32, #tpu.memory_space<vmem>>
      %dma_start3A_516 = arith.constant 0 : i32
      %dma_start3A_517 = arith.constant 0 : i32
      %dma_start3A_518 = tpu.memref_slice %arg17[%dma_start3A_516, %dma_start3A_517] : memref<10240x32xf32, #tpu.memory_space<vmem_shared>> -> memref<10240x32xf32, #tpu.memory_space<vmem_shared>>
      tpu.enqueue_indirect_dma source(%arg13 : memref<128x32xf32, #tpu.memory_space<vmem>>) target(%dma_start3A_518 : memref<10240x32xf32, #tpu.memory_space<vmem_shared>>) offsets(%dma_start3A_515 : memref<128xi32, #tpu.memory_space<vmem>>) semaphore(%arg27 : memref<!tpu.dma_semaphore, #tpu.memory_space<semaphore_mem>>) {add = true}
      %add3A_519 = arith.constant 5 : i32
      %add3A_520 = arith.addi %add3A_506, %add3A_519 : i32
      %lt3A_521 = arith.constant 160 : i32
      %lt3A_522 = arith.cmpi slt, %add3A_520, %lt3A_521 : i32
      %convert_element_type3A_523 = arith.extui %lt3A_522 : i1 to i32
      %cond3A_524 = arith.constant 0 : i32
      %cond3A_525 = arith.cmpi ne, %convert_element_type3A_523, %cond3A_524 : i32
      scf.if %cond3A_525 {
        %dma_wait3A_553 = arith.constant 0 : i32
        %dma_wait3A_554 = tpu.memref_slice %arg9[%add3A_506, %dma_wait3A_553] : memref<160x128xi32, #tpu.memory_space<vmem>> -> memref<1x128xi32, #tpu.memory_space<vmem>>
        %dma_wait3A_555 = tpu.memref_squeeze %dma_wait3A_554 : memref<1x128xi32, #tpu.memory_space<vmem>> -> memref<128xi32, #tpu.memory_space<vmem>>
        %dma_wait3A_556 = arith.constant 0 : i32
        %dma_wait3A_557 = arith.constant 0 : i32
        %dma_wait3A_558 = tpu.memref_slice %arg17[%dma_wait3A_556, %dma_wait3A_557] : memref<10240x32xf32, #tpu.memory_space<vmem_shared>> -> memref<10240x32xf32, #tpu.memory_space<vmem_shared>>
        tpu.wait_indirect_dma semaphore(%arg27 : memref<!tpu.dma_semaphore, #tpu.memory_space<semaphore_mem>>) src(%arg13 : memref<128x32xf32, #tpu.memory_space<vmem>>) dst(%dma_wait3A_558 : memref<10240x32xf32, #tpu.memory_space<vmem_shared>>)
        %dma_start3A_559 = arith.constant 0 : i32
        %dma_start3A_560 = tpu.memref_slice %arg8[%add3A_520, %dma_start3A_559] : memref<160x128xi32, #tpu.memory_space<vmem>> -> memref<1x128xi32, #tpu.memory_space<vmem>>
        %dma_start3A_561 = tpu.memref_squeeze %dma_start3A_560 : memref<1x128xi32, #tpu.memory_space<vmem>> -> memref<128xi32, #tpu.memory_space<vmem>>
        %dma_start3A_562 = arith.constant 0 : i32
        %dma_start3A_563 = arith.constant 0 : i32
        %dma_start3A_564 = tpu.memref_slice %arg18[%dma_start3A_562, %dma_start3A_563] : memref<10240x32xf32, #tpu.memory_space<vmem_shared>> -> memref<10240x32xf32, #tpu.memory_space<vmem_shared>>
        tpu.enqueue_indirect_dma source(%dma_start3A_564 : memref<10240x32xf32, #tpu.memory_space<vmem_shared>>) target(%arg13 : memref<128x32xf32, #tpu.memory_space<vmem>>) offsets(%dma_start3A_561 : memref<128xi32, #tpu.memory_space<vmem>>) semaphore(%arg22 : memref<!tpu.dma_semaphore, #tpu.memory_space<semaphore_mem>>)
      } else {
      }
      %add3A_526 = arith.constant 4 : i32
      %add3A_527 = arith.addi %add3A_445, %add3A_526 : i32
      %dma_wait3A_528 = arith.constant 0 : i32
      %dma_wait3A_529 = tpu.memref_slice %arg8[%add3A_527, %dma_wait3A_528] : memref<160x128xi32, #tpu.memory_space<vmem>> -> memref<1x128xi32, #tpu.memory_space<vmem>>
      %dma_wait3A_530 = tpu.memref_squeeze %dma_wait3A_529 : memref<1x128xi32, #tpu.memory_space<vmem>> -> memref<128xi32, #tpu.memory_space<vmem>>
      %dma_wait3A_531 = arith.constant 0 : i32
      %dma_wait3A_532 = arith.constant 0 : i32
      %dma_wait3A_533 = tpu.memref_slice %arg18[%dma_wait3A_531, %dma_wait3A_532] : memref<10240x32xf32, #tpu.memory_space<vmem_shared>> -> memref<10240x32xf32, #tpu.memory_space<vmem_shared>>
      tpu.wait_indirect_dma semaphore(%arg23 : memref<!tpu.dma_semaphore, #tpu.memory_space<semaphore_mem>>) src(%dma_wait3A_533 : memref<10240x32xf32, #tpu.memory_space<vmem_shared>>) dst(%arg14 : memref<128x32xf32, #tpu.memory_space<vmem>>)
      %dma_start3A_534 = arith.constant 0 : i32
      %dma_start3A_535 = tpu.memref_slice %arg9[%add3A_527, %dma_start3A_534] : memref<160x128xi32, #tpu.memory_space<vmem>> -> memref<1x128xi32, #tpu.memory_space<vmem>>
      %dma_start3A_536 = tpu.memref_squeeze %dma_start3A_535 : memref<1x128xi32, #tpu.memory_space<vmem>> -> memref<128xi32, #tpu.memory_space<vmem>>
      %dma_start3A_537 = arith.constant 0 : i32
      %dma_start3A_538 = arith.constant 0 : i32
      %dma_start3A_539 = tpu.memref_slice %arg17[%dma_start3A_537, %dma_start3A_538] : memref<10240x32xf32, #tpu.memory_space<vmem_shared>> -> memref<10240x32xf32, #tpu.memory_space<vmem_shared>>
      tpu.enqueue_indirect_dma source(%arg14 : memref<128x32xf32, #tpu.memory_space<vmem>>) target(%dma_start3A_539 : memref<10240x32xf32, #tpu.memory_space<vmem_shared>>) offsets(%dma_start3A_536 : memref<128xi32, #tpu.memory_space<vmem>>) semaphore(%arg28 : memref<!tpu.dma_semaphore, #tpu.memory_space<semaphore_mem>>) {add = true}
      %add3A_540 = arith.constant 5 : i32
      %add3A_541 = arith.addi %add3A_527, %add3A_540 : i32
      %lt3A_542 = arith.constant 160 : i32
      %lt3A_543 = arith.cmpi slt, %add3A_541, %lt3A_542 : i32
      %convert_element_type3A_544 = arith.extui %lt3A_543 : i1 to i32
      %cond3A_545 = arith.constant 0 : i32
      %cond3A_546 = arith.cmpi ne, %convert_element_type3A_544, %cond3A_545 : i32
      scf.if %cond3A_546 {
        %dma_wait3A_553 = arith.constant 0 : i32
        %dma_wait3A_554 = tpu.memref_slice %arg9[%add3A_527, %dma_wait3A_553] : memref<160x128xi32, #tpu.memory_space<vmem>> -> memref<1x128xi32, #tpu.memory_space<vmem>>
        %dma_wait3A_555 = tpu.memref_squeeze %dma_wait3A_554 : memref<1x128xi32, #tpu.memory_space<vmem>> -> memref<128xi32, #tpu.memory_space<vmem>>
        %dma_wait3A_556 = arith.constant 0 : i32
        %dma_wait3A_557 = arith.constant 0 : i32
        %dma_wait3A_558 = tpu.memref_slice %arg17[%dma_wait3A_556, %dma_wait3A_557] : memref<10240x32xf32, #tpu.memory_space<vmem_shared>> -> memref<10240x32xf32, #tpu.memory_space<vmem_shared>>
        tpu.wait_indirect_dma semaphore(%arg28 : memref<!tpu.dma_semaphore, #tpu.memory_space<semaphore_mem>>) src(%arg14 : memref<128x32xf32, #tpu.memory_space<vmem>>) dst(%dma_wait3A_558 : memref<10240x32xf32, #tpu.memory_space<vmem_shared>>)
        %dma_start3A_559 = arith.constant 0 : i32
        %dma_start3A_560 = tpu.memref_slice %arg8[%add3A_541, %dma_start3A_559] : memref<160x128xi32, #tpu.memory_space<vmem>> -> memref<1x128xi32, #tpu.memory_space<vmem>>
        %dma_start3A_561 = tpu.memref_squeeze %dma_start3A_560 : memref<1x128xi32, #tpu.memory_space<vmem>> -> memref<128xi32, #tpu.memory_space<vmem>>
        %dma_start3A_562 = arith.constant 0 : i32
        %dma_start3A_563 = arith.constant 0 : i32
        %dma_start3A_564 = tpu.memref_slice %arg18[%dma_start3A_562, %dma_start3A_563] : memref<10240x32xf32, #tpu.memory_space<vmem_shared>> -> memref<10240x32xf32, #tpu.memory_space<vmem_shared>>
        tpu.enqueue_indirect_dma source(%dma_start3A_564 : memref<10240x32xf32, #tpu.memory_space<vmem_shared>>) target(%arg14 : memref<128x32xf32, #tpu.memory_space<vmem>>) offsets(%dma_start3A_561 : memref<128xi32, #tpu.memory_space<vmem>>) semaphore(%arg23 : memref<!tpu.dma_semaphore, #tpu.memory_space<semaphore_mem>>)
      } else {
      }
      %add3A_547 = arith.constant 5 : i32
      %add3A_548 = arith.addi %add3A_445, %add3A_547 : i32
      %ge3A = arith.constant 160 : i32
      %ge3A_549 = arith.cmpi sge, %add3A_548, %ge3A : i32
      %convert_element_type3A_550 = arith.extui %ge3A_549 : i1 to i32
      %cond3A_551 = arith.constant 0 : i32
      %cond3A_552 = arith.cmpi ne, %convert_element_type3A_550, %cond3A_551 : i32
      scf.if %cond3A_552 {
        %add3A_553 = arith.constant 0 : i32
        %add3A_554 = arith.addi %add3A_445, %add3A_553 : i32
        %dma_wait3A_555 = arith.constant 0 : i32
        %dma_wait3A_556 = tpu.memref_slice %arg9[%add3A_554, %dma_wait3A_555] : memref<160x128xi32, #tpu.memory_space<vmem>> -> memref<1x128xi32, #tpu.memory_space<vmem>>
        %dma_wait3A_557 = tpu.memref_squeeze %dma_wait3A_556 : memref<1x128xi32, #tpu.memory_space<vmem>> -> memref<128xi32, #tpu.memory_space<vmem>>
        %dma_wait3A_558 = arith.constant 0 : i32
        %dma_wait3A_559 = arith.constant 0 : i32
        %dma_wait3A_560 = tpu.memref_slice %arg17[%dma_wait3A_558, %dma_wait3A_559] : memref<10240x32xf32, #tpu.memory_space<vmem_shared>> -> memref<10240x32xf32, #tpu.memory_space<vmem_shared>>
        tpu.wait_indirect_dma semaphore(%arg24 : memref<!tpu.dma_semaphore, #tpu.memory_space<semaphore_mem>>) src(%arg10 : memref<128x32xf32, #tpu.memory_space<vmem>>) dst(%dma_wait3A_560 : memref<10240x32xf32, #tpu.memory_space<vmem_shared>>)
        %add3A_561 = arith.constant 1 : i32
        %add3A_562 = arith.addi %add3A_445, %add3A_561 : i32
        %dma_wait3A_563 = arith.constant 0 : i32
        %dma_wait3A_564 = tpu.memref_slice %arg9[%add3A_562, %dma_wait3A_563] : memref<160x128xi32, #tpu.memory_space<vmem>> -> memref<1x128xi32, #tpu.memory_space<vmem>>
        %dma_wait3A_565 = tpu.memref_squeeze %dma_wait3A_564 : memref<1x128xi32, #tpu.memory_space<vmem>> -> memref<128xi32, #tpu.memory_space<vmem>>
        %dma_wait3A_566 = arith.constant 0 : i32
        %dma_wait3A_567 = arith.constant 0 : i32
        %dma_wait3A_568 = tpu.memref_slice %arg17[%dma_wait3A_566, %dma_wait3A_567] : memref<10240x32xf32, #tpu.memory_space<vmem_shared>> -> memref<10240x32xf32, #tpu.memory_space<vmem_shared>>
        tpu.wait_indirect_dma semaphore(%arg25 : memref<!tpu.dma_semaphore, #tpu.memory_space<semaphore_mem>>) src(%arg11 : memref<128x32xf32, #tpu.memory_space<vmem>>) dst(%dma_wait3A_568 : memref<10240x32xf32, #tpu.memory_space<vmem_shared>>)
        %add3A_569 = arith.constant 2 : i32
        %add3A_570 = arith.addi %add3A_445, %add3A_569 : i32
        %dma_wait3A_571 = arith.constant 0 : i32
        %dma_wait3A_572 = tpu.memref_slice %arg9[%add3A_570, %dma_wait3A_571] : memref<160x128xi32, #tpu.memory_space<vmem>> -> memref<1x128xi32, #tpu.memory_space<vmem>>
        %dma_wait3A_573 = tpu.memref_squeeze %dma_wait3A_572 : memref<1x128xi32, #tpu.memory_space<vmem>> -> memref<128xi32, #tpu.memory_space<vmem>>
        %dma_wait3A_574 = arith.constant 0 : i32
        %dma_wait3A_575 = arith.constant 0 : i32
        %dma_wait3A_576 = tpu.memref_slice %arg17[%dma_wait3A_574, %dma_wait3A_575] : memref<10240x32xf32, #tpu.memory_space<vmem_shared>> -> memref<10240x32xf32, #tpu.memory_space<vmem_shared>>
        tpu.wait_indirect_dma semaphore(%arg26 : memref<!tpu.dma_semaphore, #tpu.memory_space<semaphore_mem>>) src(%arg12 : memref<128x32xf32, #tpu.memory_space<vmem>>) dst(%dma_wait3A_576 : memref<10240x32xf32, #tpu.memory_space<vmem_shared>>)
        %add3A_577 = arith.constant 3 : i32
        %add3A_578 = arith.addi %add3A_445, %add3A_577 : i32
        %dma_wait3A_579 = arith.constant 0 : i32
        %dma_wait3A_580 = tpu.memref_slice %arg9[%add3A_578, %dma_wait3A_579] : memref<160x128xi32, #tpu.memory_space<vmem>> -> memref<1x128xi32, #tpu.memory_space<vmem>>
        %dma_wait3A_581 = tpu.memref_squeeze %dma_wait3A_580 : memref<1x128xi32, #tpu.memory_space<vmem>> -> memref<128xi32, #tpu.memory_space<vmem>>
        %dma_wait3A_582 = arith.constant 0 : i32
        %dma_wait3A_583 = arith.constant 0 : i32
        %dma_wait3A_584 = tpu.memref_slice %arg17[%dma_wait3A_582, %dma_wait3A_583] : memref<10240x32xf32, #tpu.memory_space<vmem_shared>> -> memref<10240x32xf32, #tpu.memory_space<vmem_shared>>
        tpu.wait_indirect_dma semaphore(%arg27 : memref<!tpu.dma_semaphore, #tpu.memory_space<semaphore_mem>>) src(%arg13 : memref<128x32xf32, #tpu.memory_space<vmem>>) dst(%dma_wait3A_584 : memref<10240x32xf32, #tpu.memory_space<vmem_shared>>)
        %add3A_585 = arith.constant 4 : i32
        %add3A_586 = arith.addi %add3A_445, %add3A_585 : i32
        %dma_wait3A_587 = arith.constant 0 : i32
        %dma_wait3A_588 = tpu.memref_slice %arg9[%add3A_586, %dma_wait3A_587] : memref<160x128xi32, #tpu.memory_space<vmem>> -> memref<1x128xi32, #tpu.memory_space<vmem>>
        %dma_wait3A_589 = tpu.memref_squeeze %dma_wait3A_588 : memref<1x128xi32, #tpu.memory_space<vmem>> -> memref<128xi32, #tpu.memory_space<vmem>>
        %dma_wait3A_590 = arith.constant 0 : i32
        %dma_wait3A_591 = arith.constant 0 : i32
        %dma_wait3A_592 = tpu.memref_slice %arg17[%dma_wait3A_590, %dma_wait3A_591] : memref<10240x32xf32, #tpu.memory_space<vmem_shared>> -> memref<10240x32xf32, #tpu.memory_space<vmem_shared>>
        tpu.wait_indirect_dma semaphore(%arg28 : memref<!tpu.dma_semaphore, #tpu.memory_space<semaphore_mem>>) src(%arg14 : memref<128x32xf32, #tpu.memory_space<vmem>>) dst(%dma_wait3A_592 : memref<10240x32xf32, #tpu.memory_space<vmem_shared>>)
      } else {
      }
    }
    %while3A_321 = arith.constant 1 : i32
    scf.for %while3A_443 = %while3A_319 to %while3A_315 step %while3A_321  : i32 {
      %mul3A_444 = arith.muli %while3A_443, %while3A_311 : i32
      %add3A_445 = arith.addi %while3A_312, %mul3A_444 : i32
      %add3A_446 = arith.constant 0 : i32
      %add3A_447 = arith.addi %add3A_445, %add3A_446 : i32
      %dma_wait3A = arith.constant 0 : i32
      %dma_wait3A_448 = tpu.memref_slice %arg8[%add3A_447, %dma_wait3A] : memref<160x128xi32, #tpu.memory_space<vmem>> -> memref<1x128xi32, #tpu.memory_space<vmem>>
      %dma_wait3A_449 = tpu.memref_squeeze %dma_wait3A_448 : memref<1x128xi32, #tpu.memory_space<vmem>> -> memref<128xi32, #tpu.memory_space<vmem>>
      %dma_wait3A_450 = arith.constant 0 : i32
      %dma_wait3A_451 = arith.constant 0 : i32
      %dma_wait3A_452 = tpu.memref_slice %arg18[%dma_wait3A_450, %dma_wait3A_451] : memref<10240x32xf32, #tpu.memory_space<vmem_shared>> -> memref<10240x32xf32, #tpu.memory_space<vmem_shared>>
      tpu.wait_indirect_dma semaphore(%arg19 : memref<!tpu.dma_semaphore, #tpu.memory_space<semaphore_mem>>) src(%dma_wait3A_452 : memref<10240x32xf32, #tpu.memory_space<vmem_shared>>) dst(%arg10 : memref<128x32xf32, #tpu.memory_space<vmem>>)
      %dma_start3A_453 = arith.constant 0 : i32
      %dma_start3A_454 = tpu.memref_slice %arg9[%add3A_447, %dma_start3A_453] : memref<160x128xi32, #tpu.memory_space<vmem>> -> memref<1x128xi32, #tpu.memory_space<vmem>>
      %dma_start3A_455 = tpu.memref_squeeze %dma_start3A_454 : memref<1x128xi32, #tpu.memory_space<vmem>> -> memref<128xi32, #tpu.memory_space<vmem>>
      %dma_start3A_456 = arith.constant 0 : i32
      %dma_start3A_457 = arith.constant 0 : i32
      %dma_start3A_458 = tpu.memref_slice %arg17[%dma_start3A_456, %dma_start3A_457] : memref<10240x32xf32, #tpu.memory_space<vmem_shared>> -> memref<10240x32xf32, #tpu.memory_space<vmem_shared>>
      tpu.enqueue_indirect_dma source(%arg10 : memref<128x32xf32, #tpu.memory_space<vmem>>) target(%dma_start3A_458 : memref<10240x32xf32, #tpu.memory_space<vmem_shared>>) offsets(%dma_start3A_455 : memref<128xi32, #tpu.memory_space<vmem>>) semaphore(%arg24 : memref<!tpu.dma_semaphore, #tpu.memory_space<semaphore_mem>>) {add = true}
      %add3A_459 = arith.constant 5 : i32
      %add3A_460 = arith.addi %add3A_447, %add3A_459 : i32
      %lt3A = arith.constant 160 : i32
      %lt3A_461 = arith.cmpi slt, %add3A_460, %lt3A : i32
      %convert_element_type3A = arith.extui %lt3A_461 : i1 to i32
      %cond3A = arith.constant 0 : i32
      %cond3A_462 = arith.cmpi ne, %convert_element_type3A, %cond3A : i32
      scf.if %cond3A_462 {
        %dma_wait3A_553 = arith.constant 0 : i32
        %dma_wait3A_554 = tpu.memref_slice %arg9[%add3A_447, %dma_wait3A_553] : memref<160x128xi32, #tpu.memory_space<vmem>> -> memref<1x128xi32, #tpu.memory_space<vmem>>
        %dma_wait3A_555 = tpu.memref_squeeze %dma_wait3A_554 : memref<1x128xi32, #tpu.memory_space<vmem>> -> memref<128xi32, #tpu.memory_space<vmem>>
        %dma_wait3A_556 = arith.constant 0 : i32
        %dma_wait3A_557 = arith.constant 0 : i32
        %dma_wait3A_558 = tpu.memref_slice %arg17[%dma_wait3A_556, %dma_wait3A_557] : memref<10240x32xf32, #tpu.memory_space<vmem_shared>> -> memref<10240x32xf32, #tpu.memory_space<vmem_shared>>
        tpu.wait_indirect_dma semaphore(%arg24 : memref<!tpu.dma_semaphore, #tpu.memory_space<semaphore_mem>>) src(%arg10 : memref<128x32xf32, #tpu.memory_space<vmem>>) dst(%dma_wait3A_558 : memref<10240x32xf32, #tpu.memory_space<vmem_shared>>)
        %dma_start3A_559 = arith.constant 0 : i32
        %dma_start3A_560 = tpu.memref_slice %arg8[%add3A_460, %dma_start3A_559] : memref<160x128xi32, #tpu.memory_space<vmem>> -> memref<1x128xi32, #tpu.memory_space<vmem>>
        %dma_start3A_561 = tpu.memref_squeeze %dma_start3A_560 : memref<1x128xi32, #tpu.memory_space<vmem>> -> memref<128xi32, #tpu.memory_space<vmem>>
        %dma_start3A_562 = arith.constant 0 : i32
        %dma_start3A_563 = arith.constant 0 : i32
        %dma_start3A_564 = tpu.memref_slice %arg18[%dma_start3A_562, %dma_start3A_563] : memref<10240x32xf32, #tpu.memory_space<vmem_shared>> -> memref<10240x32xf32, #tpu.memory_space<vmem_shared>>
        tpu.enqueue_indirect_dma source(%dma_start3A_564 : memref<10240x32xf32, #tpu.memory_space<vmem_shared>>) target(%arg10 : memref<128x32xf32, #tpu.memory_space<vmem>>) offsets(%dma_start3A_561 : memref<128xi32, #tpu.memory_space<vmem>>) semaphore(%arg19 : memref<!tpu.dma_semaphore, #tpu.memory_space<semaphore_mem>>)
      } else {
      }
      %add3A_463 = arith.constant 1 : i32
      %add3A_464 = arith.addi %add3A_445, %add3A_463 : i32
      %dma_wait3A_465 = arith.constant 0 : i32
      %dma_wait3A_466 = tpu.memref_slice %arg8[%add3A_464, %dma_wait3A_465] : memref<160x128xi32, #tpu.memory_space<vmem>> -> memref<1x128xi32, #tpu.memory_space<vmem>>
      %dma_wait3A_467 = tpu.memref_squeeze %dma_wait3A_466 : memref<1x128xi32, #tpu.memory_space<vmem>> -> memref<128xi32, #tpu.memory_space<vmem>>
      %dma_wait3A_468 = arith.constant 0 : i32
      %dma_wait3A_469 = arith.constant 0 : i32
      %dma_wait3A_470 = tpu.memref_slice %arg18[%dma_wait3A_468, %dma_wait3A_469] : memref<10240x32xf32, #tpu.memory_space<vmem_shared>> -> memref<10240x32xf32, #tpu.memory_space<vmem_shared>>
      tpu.wait_indirect_dma semaphore(%arg20 : memref<!tpu.dma_semaphore, #tpu.memory_space<semaphore_mem>>) src(%dma_wait3A_470 : memref<10240x32xf32, #tpu.memory_space<vmem_shared>>) dst(%arg11 : memref<128x32xf32, #tpu.memory_space<vmem>>)
      %dma_start3A_471 = arith.constant 0 : i32
      %dma_start3A_472 = tpu.memref_slice %arg9[%add3A_464, %dma_start3A_471] : memref<160x128xi32, #tpu.memory_space<vmem>> -> memref<1x128xi32, #tpu.memory_space<vmem>>
      %dma_start3A_473 = tpu.memref_squeeze %dma_start3A_472 : memref<1x128xi32, #tpu.memory_space<vmem>> -> memref<128xi32, #tpu.memory_space<vmem>>
      %dma_start3A_474 = arith.constant 0 : i32
      %dma_start3A_475 = arith.constant 0 : i32
      %dma_start3A_476 = tpu.memref_slice %arg17[%dma_start3A_474, %dma_start3A_475] : memref<10240x32xf32, #tpu.memory_space<vmem_shared>> -> memref<10240x32xf32, #tpu.memory_space<vmem_shared>>
      tpu.enqueue_indirect_dma source(%arg11 : memref<128x32xf32, #tpu.memory_space<vmem>>) target(%dma_start3A_476 : memref<10240x32xf32, #tpu.memory_space<vmem_shared>>) offsets(%dma_start3A_473 : memref<128xi32, #tpu.memory_space<vmem>>) semaphore(%arg25 : memref<!tpu.dma_semaphore, #tpu.memory_space<semaphore_mem>>) {add = true}
      %add3A_477 = arith.constant 5 : i32
      %add3A_478 = arith.addi %add3A_464, %add3A_477 : i32
      %lt3A_479 = arith.constant 160 : i32
      %lt3A_480 = arith.cmpi slt, %add3A_478, %lt3A_479 : i32
      %convert_element_type3A_481 = arith.extui %lt3A_480 : i1 to i32
      %cond3A_482 = arith.constant 0 : i32
      %cond3A_483 = arith.cmpi ne, %convert_element_type3A_481, %cond3A_482 : i32
      scf.if %cond3A_483 {
        %dma_wait3A_553 = arith.constant 0 : i32
        %dma_wait3A_554 = tpu.memref_slice %arg9[%add3A_464, %dma_wait3A_553] : memref<160x128xi32, #tpu.memory_space<vmem>> -> memref<1x128xi32, #tpu.memory_space<vmem>>
        %dma_wait3A_555 = tpu.memref_squeeze %dma_wait3A_554 : memref<1x128xi32, #tpu.memory_space<vmem>> -> memref<128xi32, #tpu.memory_space<vmem>>
        %dma_wait3A_556 = arith.constant 0 : i32
        %dma_wait3A_557 = arith.constant 0 : i32
        %dma_wait3A_558 = tpu.memref_slice %arg17[%dma_wait3A_556, %dma_wait3A_557] : memref<10240x32xf32, #tpu.memory_space<vmem_shared>> -> memref<10240x32xf32, #tpu.memory_space<vmem_shared>>
        tpu.wait_indirect_dma semaphore(%arg25 : memref<!tpu.dma_semaphore, #tpu.memory_space<semaphore_mem>>) src(%arg11 : memref<128x32xf32, #tpu.memory_space<vmem>>) dst(%dma_wait3A_558 : memref<10240x32xf32, #tpu.memory_space<vmem_shared>>)
        %dma_start3A_559 = arith.constant 0 : i32
        %dma_start3A_560 = tpu.memref_slice %arg8[%add3A_478, %dma_start3A_559] : memref<160x128xi32, #tpu.memory_space<vmem>> -> memref<1x128xi32, #tpu.memory_space<vmem>>
        %dma_start3A_561 = tpu.memref_squeeze %dma_start3A_560 : memref<1x128xi32, #tpu.memory_space<vmem>> -> memref<128xi32, #tpu.memory_space<vmem>>
        %dma_start3A_562 = arith.constant 0 : i32
        %dma_start3A_563 = arith.constant 0 : i32
        %dma_start3A_564 = tpu.memref_slice %arg18[%dma_start3A_562, %dma_start3A_563] : memref<10240x32xf32, #tpu.memory_space<vmem_shared>> -> memref<10240x32xf32, #tpu.memory_space<vmem_shared>>
        tpu.enqueue_indirect_dma source(%dma_start3A_564 : memref<10240x32xf32, #tpu.memory_space<vmem_shared>>) target(%arg11 : memref<128x32xf32, #tpu.memory_space<vmem>>) offsets(%dma_start3A_561 : memref<128xi32, #tpu.memory_space<vmem>>) semaphore(%arg20 : memref<!tpu.dma_semaphore, #tpu.memory_space<semaphore_mem>>)
      } else {
      }
      %add3A_484 = arith.constant 2 : i32
      %add3A_485 = arith.addi %add3A_445, %add3A_484 : i32
      %dma_wait3A_486 = arith.constant 0 : i32
      %dma_wait3A_487 = tpu.memref_slice %arg8[%add3A_485, %dma_wait3A_486] : memref<160x128xi32, #tpu.memory_space<vmem>> -> memref<1x128xi32, #tpu.memory_space<vmem>>
      %dma_wait3A_488 = tpu.memref_squeeze %dma_wait3A_487 : memref<1x128xi32, #tpu.memory_space<vmem>> -> memref<128xi32, #tpu.memory_space<vmem>>
      %dma_wait3A_489 = arith.constant 0 : i32
      %dma_wait3A_490 = arith.constant 0 : i32
      %dma_wait3A_491 = tpu.memref_slice %arg18[%dma_wait3A_489, %dma_wait3A_490] : memref<10240x32xf32, #tpu.memory_space<vmem_shared>> -> memref<10240x32xf32, #tpu.memory_space<vmem_shared>>
      tpu.wait_indirect_dma semaphore(%arg21 : memref<!tpu.dma_semaphore, #tpu.memory_space<semaphore_mem>>) src(%dma_wait3A_491 : memref<10240x32xf32, #tpu.memory_space<vmem_shared>>) dst(%arg12 : memref<128x32xf32, #tpu.memory_space<vmem>>)
      %dma_start3A_492 = arith.constant 0 : i32
      %dma_start3A_493 = tpu.memref_slice %arg9[%add3A_485, %dma_start3A_492] : memref<160x128xi32, #tpu.memory_space<vmem>> -> memref<1x128xi32, #tpu.memory_space<vmem>>
      %dma_start3A_494 = tpu.memref_squeeze %dma_start3A_493 : memref<1x128xi32, #tpu.memory_space<vmem>> -> memref<128xi32, #tpu.memory_space<vmem>>
      %dma_start3A_495 = arith.constant 0 : i32
      %dma_start3A_496 = arith.constant 0 : i32
      %dma_start3A_497 = tpu.memref_slice %arg17[%dma_start3A_495, %dma_start3A_496] : memref<10240x32xf32, #tpu.memory_space<vmem_shared>> -> memref<10240x32xf32, #tpu.memory_space<vmem_shared>>
      tpu.enqueue_indirect_dma source(%arg12 : memref<128x32xf32, #tpu.memory_space<vmem>>) target(%dma_start3A_497 : memref<10240x32xf32, #tpu.memory_space<vmem_shared>>) offsets(%dma_start3A_494 : memref<128xi32, #tpu.memory_space<vmem>>) semaphore(%arg26 : memref<!tpu.dma_semaphore, #tpu.memory_space<semaphore_mem>>) {add = true}
      %add3A_498 = arith.constant 5 : i32
      %add3A_499 = arith.addi %add3A_485, %add3A_498 : i32
      %lt3A_500 = arith.constant 160 : i32
      %lt3A_501 = arith.cmpi slt, %add3A_499, %lt3A_500 : i32
      %convert_element_type3A_502 = arith.extui %lt3A_501 : i1 to i32
      %cond3A_503 = arith.constant 0 : i32
      %cond3A_504 = arith.cmpi ne, %convert_element_type3A_502, %cond3A_503 : i32
      scf.if %cond3A_504 {
        %dma_wait3A_553 = arith.constant 0 : i32
        %dma_wait3A_554 = tpu.memref_slice %arg9[%add3A_485, %dma_wait3A_553] : memref<160x128xi32, #tpu.memory_space<vmem>> -> memref<1x128xi32, #tpu.memory_space<vmem>>
        %dma_wait3A_555 = tpu.memref_squeeze %dma_wait3A_554 : memref<1x128xi32, #tpu.memory_space<vmem>> -> memref<128xi32, #tpu.memory_space<vmem>>
        %dma_wait3A_556 = arith.constant 0 : i32
        %dma_wait3A_557 = arith.constant 0 : i32
        %dma_wait3A_558 = tpu.memref_slice %arg17[%dma_wait3A_556, %dma_wait3A_557] : memref<10240x32xf32, #tpu.memory_space<vmem_shared>> -> memref<10240x32xf32, #tpu.memory_space<vmem_shared>>
        tpu.wait_indirect_dma semaphore(%arg26 : memref<!tpu.dma_semaphore, #tpu.memory_space<semaphore_mem>>) src(%arg12 : memref<128x32xf32, #tpu.memory_space<vmem>>) dst(%dma_wait3A_558 : memref<10240x32xf32, #tpu.memory_space<vmem_shared>>)
        %dma_start3A_559 = arith.constant 0 : i32
        %dma_start3A_560 = tpu.memref_slice %arg8[%add3A_499, %dma_start3A_559] : memref<160x128xi32, #tpu.memory_space<vmem>> -> memref<1x128xi32, #tpu.memory_space<vmem>>
        %dma_start3A_561 = tpu.memref_squeeze %dma_start3A_560 : memref<1x128xi32, #tpu.memory_space<vmem>> -> memref<128xi32, #tpu.memory_space<vmem>>
        %dma_start3A_562 = arith.constant 0 : i32
        %dma_start3A_563 = arith.constant 0 : i32
        %dma_start3A_564 = tpu.memref_slice %arg18[%dma_start3A_562, %dma_start3A_563] : memref<10240x32xf32, #tpu.memory_space<vmem_shared>> -> memref<10240x32xf32, #tpu.memory_space<vmem_shared>>
        tpu.enqueue_indirect_dma source(%dma_start3A_564 : memref<10240x32xf32, #tpu.memory_space<vmem_shared>>) target(%arg12 : memref<128x32xf32, #tpu.memory_space<vmem>>) offsets(%dma_start3A_561 : memref<128xi32, #tpu.memory_space<vmem>>) semaphore(%arg21 : memref<!tpu.dma_semaphore, #tpu.memory_space<semaphore_mem>>)
      } else {
      }
      %add3A_505 = arith.constant 3 : i32
      %add3A_506 = arith.addi %add3A_445, %add3A_505 : i32
      %dma_wait3A_507 = arith.constant 0 : i32
      %dma_wait3A_508 = tpu.memref_slice %arg8[%add3A_506, %dma_wait3A_507] : memref<160x128xi32, #tpu.memory_space<vmem>> -> memref<1x128xi32, #tpu.memory_space<vmem>>
      %dma_wait3A_509 = tpu.memref_squeeze %dma_wait3A_508 : memref<1x128xi32, #tpu.memory_space<vmem>> -> memref<128xi32, #tpu.memory_space<vmem>>
      %dma_wait3A_510 = arith.constant 0 : i32
      %dma_wait3A_511 = arith.constant 0 : i32
      %dma_wait3A_512 = tpu.memref_slice %arg18[%dma_wait3A_510, %dma_wait3A_511] : memref<10240x32xf32, #tpu.memory_space<vmem_shared>> -> memref<10240x32xf32, #tpu.memory_space<vmem_shared>>
      tpu.wait_indirect_dma semaphore(%arg22 : memref<!tpu.dma_semaphore, #tpu.memory_space<semaphore_mem>>) src(%dma_wait3A_512 : memref<10240x32xf32, #tpu.memory_space<vmem_shared>>) dst(%arg13 : memref<128x32xf32, #tpu.memory_space<vmem>>)
      %dma_start3A_513 = arith.constant 0 : i32
      %dma_start3A_514 = tpu.memref_slice %arg9[%add3A_506, %dma_start3A_513] : memref<160x128xi32, #tpu.memory_space<vmem>> -> memref<1x128xi32, #tpu.memory_space<vmem>>
      %dma_start3A_515 = tpu.memref_squeeze %dma_start3A_514 : memref<1x128xi32, #tpu.memory_space<vmem>> -> memref<128xi32, #tpu.memory_space<vmem>>
      %dma_start3A_516 = arith.constant 0 : i32
      %dma_start3A_517 = arith.constant 0 : i32
      %dma_start3A_518 = tpu.memref_slice %arg17[%dma_start3A_516, %dma_start3A_517] : memref<10240x32xf32, #tpu.memory_space<vmem_shared>> -> memref<10240x32xf32, #tpu.memory_space<vmem_shared>>
      tpu.enqueue_indirect_dma source(%arg13 : memref<128x32xf32, #tpu.memory_space<vmem>>) target(%dma_start3A_518 : memref<10240x32xf32, #tpu.memory_space<vmem_shared>>) offsets(%dma_start3A_515 : memref<128xi32, #tpu.memory_space<vmem>>) semaphore(%arg27 : memref<!tpu.dma_semaphore, #tpu.memory_space<semaphore_mem>>) {add = true}
      %add3A_519 = arith.constant 5 : i32
      %add3A_520 = arith.addi %add3A_506, %add3A_519 : i32
      %lt3A_521 = arith.constant 160 : i32
      %lt3A_522 = arith.cmpi slt, %add3A_520, %lt3A_521 : i32
      %convert_element_type3A_523 = arith.extui %lt3A_522 : i1 to i32
      %cond3A_524 = arith.constant 0 : i32
      %cond3A_525 = arith.cmpi ne, %convert_element_type3A_523, %cond3A_524 : i32
      scf.if %cond3A_525 {
        %dma_wait3A_553 = arith.constant 0 : i32
        %dma_wait3A_554 = tpu.memref_slice %arg9[%add3A_506, %dma_wait3A_553] : memref<160x128xi32, #tpu.memory_space<vmem>> -> memref<1x128xi32, #tpu.memory_space<vmem>>
        %dma_wait3A_555 = tpu.memref_squeeze %dma_wait3A_554 : memref<1x128xi32, #tpu.memory_space<vmem>> -> memref<128xi32, #tpu.memory_space<vmem>>
        %dma_wait3A_556 = arith.constant 0 : i32
        %dma_wait3A_557 = arith.constant 0 : i32
        %dma_wait3A_558 = tpu.memref_slice %arg17[%dma_wait3A_556, %dma_wait3A_557] : memref<10240x32xf32, #tpu.memory_space<vmem_shared>> -> memref<10240x32xf32, #tpu.memory_space<vmem_shared>>
        tpu.wait_indirect_dma semaphore(%arg27 : memref<!tpu.dma_semaphore, #tpu.memory_space<semaphore_mem>>) src(%arg13 : memref<128x32xf32, #tpu.memory_space<vmem>>) dst(%dma_wait3A_558 : memref<10240x32xf32, #tpu.memory_space<vmem_shared>>)
        %dma_start3A_559 = arith.constant 0 : i32
        %dma_start3A_560 = tpu.memref_slice %arg8[%add3A_520, %dma_start3A_559] : memref<160x128xi32, #tpu.memory_space<vmem>> -> memref<1x128xi32, #tpu.memory_space<vmem>>
        %dma_start3A_561 = tpu.memref_squeeze %dma_start3A_560 : memref<1x128xi32, #tpu.memory_space<vmem>> -> memref<128xi32, #tpu.memory_space<vmem>>
        %dma_start3A_562 = arith.constant 0 : i32
        %dma_start3A_563 = arith.constant 0 : i32
        %dma_start3A_564 = tpu.memref_slice %arg18[%dma_start3A_562, %dma_start3A_563] : memref<10240x32xf32, #tpu.memory_space<vmem_shared>> -> memref<10240x32xf32, #tpu.memory_space<vmem_shared>>
        tpu.enqueue_indirect_dma source(%dma_start3A_564 : memref<10240x32xf32, #tpu.memory_space<vmem_shared>>) target(%arg13 : memref<128x32xf32, #tpu.memory_space<vmem>>) offsets(%dma_start3A_561 : memref<128xi32, #tpu.memory_space<vmem>>) semaphore(%arg22 : memref<!tpu.dma_semaphore, #tpu.memory_space<semaphore_mem>>)
      } else {
      }
      %add3A_526 = arith.constant 4 : i32
      %add3A_527 = arith.addi %add3A_445, %add3A_526 : i32
      %dma_wait3A_528 = arith.constant 0 : i32
      %dma_wait3A_529 = tpu.memref_slice %arg8[%add3A_527, %dma_wait3A_528] : memref<160x128xi32, #tpu.memory_space<vmem>> -> memref<1x128xi32, #tpu.memory_space<vmem>>
      %dma_wait3A_530 = tpu.memref_squeeze %dma_wait3A_529 : memref<1x128xi32, #tpu.memory_space<vmem>> -> memref<128xi32, #tpu.memory_space<vmem>>
      %dma_wait3A_531 = arith.constant 0 : i32
      %dma_wait3A_532 = arith.constant 0 : i32
      %dma_wait3A_533 = tpu.memref_slice %arg18[%dma_wait3A_531, %dma_wait3A_532] : memref<10240x32xf32, #tpu.memory_space<vmem_shared>> -> memref<10240x32xf32, #tpu.memory_space<vmem_shared>>
      tpu.wait_indirect_dma semaphore(%arg23 : memref<!tpu.dma_semaphore, #tpu.memory_space<semaphore_mem>>) src(%dma_wait3A_533 : memref<10240x32xf32, #tpu.memory_space<vmem_shared>>) dst(%arg14 : memref<128x32xf32, #tpu.memory_space<vmem>>)
      %dma_start3A_534 = arith.constant 0 : i32
      %dma_start3A_535 = tpu.memref_slice %arg9[%add3A_527, %dma_start3A_534] : memref<160x128xi32, #tpu.memory_space<vmem>> -> memref<1x128xi32, #tpu.memory_space<vmem>>
      %dma_start3A_536 = tpu.memref_squeeze %dma_start3A_535 : memref<1x128xi32, #tpu.memory_space<vmem>> -> memref<128xi32, #tpu.memory_space<vmem>>
      %dma_start3A_537 = arith.constant 0 : i32
      %dma_start3A_538 = arith.constant 0 : i32
      %dma_start3A_539 = tpu.memref_slice %arg17[%dma_start3A_537, %dma_start3A_538] : memref<10240x32xf32, #tpu.memory_space<vmem_shared>> -> memref<10240x32xf32, #tpu.memory_space<vmem_shared>>
      tpu.enqueue_indirect_dma source(%arg14 : memref<128x32xf32, #tpu.memory_space<vmem>>) target(%dma_start3A_539 : memref<10240x32xf32, #tpu.memory_space<vmem_shared>>) offsets(%dma_start3A_536 : memref<128xi32, #tpu.memory_space<vmem>>) semaphore(%arg28 : memref<!tpu.dma_semaphore, #tpu.memory_space<semaphore_mem>>) {add = true}
      %add3A_540 = arith.constant 5 : i32
      %add3A_541 = arith.addi %add3A_527, %add3A_540 : i32
      %lt3A_542 = arith.constant 160 : i32
      %lt3A_543 = arith.cmpi slt, %add3A_541, %lt3A_542 : i32
      %convert_element_type3A_544 = arith.extui %lt3A_543 : i1 to i32
      %cond3A_545 = arith.constant 0 : i32
      %cond3A_546 = arith.cmpi ne, %convert_element_type3A_544, %cond3A_545 : i32
      scf.if %cond3A_546 {
        %dma_wait3A_553 = arith.constant 0 : i32
        %dma_wait3A_554 = tpu.memref_slice %arg9[%add3A_527, %dma_wait3A_553] : memref<160x128xi32, #tpu.memory_space<vmem>> -> memref<1x128xi32, #tpu.memory_space<vmem>>
        %dma_wait3A_555 = tpu.memref_squeeze %dma_wait3A_554 : memref<1x128xi32, #tpu.memory_space<vmem>> -> memref<128xi32, #tpu.memory_space<vmem>>
        %dma_wait3A_556 = arith.constant 0 : i32
        %dma_wait3A_557 = arith.constant 0 : i32
        %dma_wait3A_558 = tpu.memref_slice %arg17[%dma_wait3A_556, %dma_wait3A_557] : memref<10240x32xf32, #tpu.memory_space<vmem_shared>> -> memref<10240x32xf32, #tpu.memory_space<vmem_shared>>
        tpu.wait_indirect_dma semaphore(%arg28 : memref<!tpu.dma_semaphore, #tpu.memory_space<semaphore_mem>>) src(%arg14 : memref<128x32xf32, #tpu.memory_space<vmem>>) dst(%dma_wait3A_558 : memref<10240x32xf32, #tpu.memory_space<vmem_shared>>)
        %dma_start3A_559 = arith.constant 0 : i32
        %dma_start3A_560 = tpu.memref_slice %arg8[%add3A_541, %dma_start3A_559] : memref<160x128xi32, #tpu.memory_space<vmem>> -> memref<1x128xi32, #tpu.memory_space<vmem>>
        %dma_start3A_561 = tpu.memref_squeeze %dma_start3A_560 : memref<1x128xi32, #tpu.memory_space<vmem>> -> memref<128xi32, #tpu.memory_space<vmem>>
        %dma_start3A_562 = arith.constant 0 : i32
        %dma_start3A_563 = arith.constant 0 : i32
        %dma_start3A_564 = tpu.memref_slice %arg18[%dma_start3A_562, %dma_start3A_563] : memref<10240x32xf32, #tpu.memory_space<vmem_shared>> -> memref<10240x32xf32, #tpu.memory_space<vmem_shared>>
        tpu.enqueue_indirect_dma source(%dma_start3A_564 : memref<10240x32xf32, #tpu.memory_space<vmem_shared>>) target(%arg14 : memref<128x32xf32, #tpu.memory_space<vmem>>) offsets(%dma_start3A_561 : memref<128xi32, #tpu.memory_space<vmem>>) semaphore(%arg23 : memref<!tpu.dma_semaphore, #tpu.memory_space<semaphore_mem>>)
      } else {
      }
      %add3A_547 = arith.constant 5 : i32
      %add3A_548 = arith.addi %add3A_445, %add3A_547 : i32
      %ge3A = arith.constant 160 : i32
      %ge3A_549 = arith.cmpi sge, %add3A_548, %ge3A : i32
      %convert_element_type3A_550 = arith.extui %ge3A_549 : i1 to i32
      %cond3A_551 = arith.constant 0 : i32
      %cond3A_552 = arith.cmpi ne, %convert_element_type3A_550, %cond3A_551 : i32
      scf.if %cond3A_552 {
        %add3A_553 = arith.constant 0 : i32
        %add3A_554 = arith.addi %add3A_445, %add3A_553 : i32
        %dma_wait3A_555 = arith.constant 0 : i32
        %dma_wait3A_556 = tpu.memref_slice %arg9[%add3A_554, %dma_wait3A_555] : memref<160x128xi32, #tpu.memory_space<vmem>> -> memref<1x128xi32, #tpu.memory_space<vmem>>
        %dma_wait3A_557 = tpu.memref_squeeze %dma_wait3A_556 : memref<1x128xi32, #tpu.memory_space<vmem>> -> memref<128xi32, #tpu.memory_space<vmem>>
        %dma_wait3A_558 = arith.constant 0 : i32
        %dma_wait3A_559 = arith.constant 0 : i32
        %dma_wait3A_560 = tpu.memref_slice %arg17[%dma_wait3A_558, %dma_wait3A_559] : memref<10240x32xf32, #tpu.memory_space<vmem_shared>> -> memref<10240x32xf32, #tpu.memory_space<vmem_shared>>
        tpu.wait_indirect_dma semaphore(%arg24 : memref<!tpu.dma_semaphore, #tpu.memory_space<semaphore_mem>>) src(%arg10 : memref<128x32xf32, #tpu.memory_space<vmem>>) dst(%dma_wait3A_560 : memref<10240x32xf32, #tpu.memory_space<vmem_shared>>)
        %add3A_561 = arith.constant 1 : i32
        %add3A_562 = arith.addi %add3A_445, %add3A_561 : i32
        %dma_wait3A_563 = arith.constant 0 : i32
        %dma_wait3A_564 = tpu.memref_slice %arg9[%add3A_562, %dma_wait3A_563] : memref<160x128xi32, #tpu.memory_space<vmem>> -> memref<1x128xi32, #tpu.memory_space<vmem>>
        %dma_wait3A_565 = tpu.memref_squeeze %dma_wait3A_564 : memref<1x128xi32, #tpu.memory_space<vmem>> -> memref<128xi32, #tpu.memory_space<vmem>>
        %dma_wait3A_566 = arith.constant 0 : i32
        %dma_wait3A_567 = arith.constant 0 : i32
        %dma_wait3A_568 = tpu.memref_slice %arg17[%dma_wait3A_566, %dma_wait3A_567] : memref<10240x32xf32, #tpu.memory_space<vmem_shared>> -> memref<10240x32xf32, #tpu.memory_space<vmem_shared>>
        tpu.wait_indirect_dma semaphore(%arg25 : memref<!tpu.dma_semaphore, #tpu.memory_space<semaphore_mem>>) src(%arg11 : memref<128x32xf32, #tpu.memory_space<vmem>>) dst(%dma_wait3A_568 : memref<10240x32xf32, #tpu.memory_space<vmem_shared>>)
        %add3A_569 = arith.constant 2 : i32
        %add3A_570 = arith.addi %add3A_445, %add3A_569 : i32
        %dma_wait3A_571 = arith.constant 0 : i32
        %dma_wait3A_572 = tpu.memref_slice %arg9[%add3A_570, %dma_wait3A_571] : memref<160x128xi32, #tpu.memory_space<vmem>> -> memref<1x128xi32, #tpu.memory_space<vmem>>
        %dma_wait3A_573 = tpu.memref_squeeze %dma_wait3A_572 : memref<1x128xi32, #tpu.memory_space<vmem>> -> memref<128xi32, #tpu.memory_space<vmem>>
        %dma_wait3A_574 = arith.constant 0 : i32
        %dma_wait3A_575 = arith.constant 0 : i32
        %dma_wait3A_576 = tpu.memref_slice %arg17[%dma_wait3A_574, %dma_wait3A_575] : memref<10240x32xf32, #tpu.memory_space<vmem_shared>> -> memref<10240x32xf32, #tpu.memory_space<vmem_shared>>
        tpu.wait_indirect_dma semaphore(%arg26 : memref<!tpu.dma_semaphore, #tpu.memory_space<semaphore_mem>>) src(%arg12 : memref<128x32xf32, #tpu.memory_space<vmem>>) dst(%dma_wait3A_576 : memref<10240x32xf32, #tpu.memory_space<vmem_shared>>)
        %add3A_577 = arith.constant 3 : i32
        %add3A_578 = arith.addi %add3A_445, %add3A_577 : i32
        %dma_wait3A_579 = arith.constant 0 : i32
        %dma_wait3A_580 = tpu.memref_slice %arg9[%add3A_578, %dma_wait3A_579] : memref<160x128xi32, #tpu.memory_space<vmem>> -> memref<1x128xi32, #tpu.memory_space<vmem>>
        %dma_wait3A_581 = tpu.memref_squeeze %dma_wait3A_580 : memref<1x128xi32, #tpu.memory_space<vmem>> -> memref<128xi32, #tpu.memory_space<vmem>>
        %dma_wait3A_582 = arith.constant 0 : i32
        %dma_wait3A_583 = arith.constant 0 : i32
        %dma_wait3A_584 = tpu.memref_slice %arg17[%dma_wait3A_582, %dma_wait3A_583] : memref<10240x32xf32, #tpu.memory_space<vmem_shared>> -> memref<10240x32xf32, #tpu.memory_space<vmem_shared>>
        tpu.wait_indirect_dma semaphore(%arg27 : memref<!tpu.dma_semaphore, #tpu.memory_space<semaphore_mem>>) src(%arg13 : memref<128x32xf32, #tpu.memory_space<vmem>>) dst(%dma_wait3A_584 : memref<10240x32xf32, #tpu.memory_space<vmem_shared>>)
        %add3A_585 = arith.constant 4 : i32
        %add3A_586 = arith.addi %add3A_445, %add3A_585 : i32
        %dma_wait3A_587 = arith.constant 0 : i32
        %dma_wait3A_588 = tpu.memref_slice %arg9[%add3A_586, %dma_wait3A_587] : memref<160x128xi32, #tpu.memory_space<vmem>> -> memref<1x128xi32, #tpu.memory_space<vmem>>
        %dma_wait3A_589 = tpu.memref_squeeze %dma_wait3A_588 : memref<1x128xi32, #tpu.memory_space<vmem>> -> memref<128xi32, #tpu.memory_space<vmem>>
        %dma_wait3A_590 = arith.constant 0 : i32
        %dma_wait3A_591 = arith.constant 0 : i32
        %dma_wait3A_592 = tpu.memref_slice %arg17[%dma_wait3A_590, %dma_wait3A_591] : memref<10240x32xf32, #tpu.memory_space<vmem_shared>> -> memref<10240x32xf32, #tpu.memory_space<vmem_shared>>
        tpu.wait_indirect_dma semaphore(%arg28 : memref<!tpu.dma_semaphore, #tpu.memory_space<semaphore_mem>>) src(%arg14 : memref<128x32xf32, #tpu.memory_space<vmem>>) dst(%dma_wait3A_592 : memref<10240x32xf32, #tpu.memory_space<vmem_shared>>)
      } else {
      }
    }
    %barrier3A_322 = arith.constant 0 : index
    tpu.barrier barrier_id(%barrier3A_322)
    %add3A_323 = arith.constant 0 : i32
    %add3A_324 = arith.addi %multiple_of3A, %add3A_323 : i32
    "tpu.region"() ({
      %run_scoped3A = tpu.sem_alloc : memref<!tpu.dma_semaphore, #tpu.memory_space<semaphore_mem>>
      %dma_start3A_443 = arith.constant 0 : i32
      %dma_start3A_444 = tpu.memref_slice %arg17[%add3A_324, %dma_start3A_443] : memref<10240x32xf32, #tpu.memory_space<vmem_shared>> -> memref<128x32xf32, #tpu.memory_space<vmem_shared>>
      %dma_start3A_445 = arith.constant 0 : i32
      %dma_start3A_446 = tpu.memref_slice %arg17[%add3A_324, %dma_start3A_445] : memref<10240x32xf32, #tpu.memory_space<vmem_shared>> -> memref<128x32xf32, #tpu.memory_space<vmem_shared>>
      tpu.enqueue_dma source(%dma_start3A_446 : memref<128x32xf32, #tpu.memory_space<vmem_shared>>) target(%arg11 : memref<128x32xf32, #tpu.memory_space<vmem>>) target_semaphore(%run_scoped3A : memref<!tpu.dma_semaphore, #tpu.memory_space<semaphore_mem>>)
      %dma_wait3A = arith.constant 0 : i32
      %dma_wait3A_447 = tpu.memref_slice %arg17[%add3A_324, %dma_wait3A] : memref<10240x32xf32, #tpu.memory_space<vmem_shared>> -> memref<128x32xf32, #tpu.memory_space<vmem_shared>>
      %dma_wait3A_448 = arith.constant 0 : i32
      %dma_wait3A_449 = tpu.memref_slice %arg17[%add3A_324, %dma_wait3A_448] : memref<10240x32xf32, #tpu.memory_space<vmem_shared>> -> memref<128x32xf32, #tpu.memory_space<vmem_shared>>
      tpu.wait_dma2 semaphore(%run_scoped3A : memref<!tpu.dma_semaphore, #tpu.memory_space<semaphore_mem>>) src(%dma_wait3A_449 : memref<128x32xf32, #tpu.memory_space<vmem_shared>>) dst(%arg11 : memref<128x32xf32, #tpu.memory_space<vmem>>)
      tpu.yield
    }) : () -> ()
    "tpu.region"() ({
      %run_scoped3A = tpu.sem_alloc : memref<!tpu.dma_semaphore, #tpu.memory_space<semaphore_mem>>
      %dma_start3A_443 = arith.constant 0 : i32
      %dma_start3A_444 = tpu.memref_slice %arg18[%add3A_324, %dma_start3A_443] : memref<10240x32xf32, #tpu.memory_space<vmem_shared>> -> memref<128x32xf32, #tpu.memory_space<vmem_shared>>
      %dma_start3A_445 = arith.constant 0 : i32
      %dma_start3A_446 = tpu.memref_slice %arg18[%add3A_324, %dma_start3A_445] : memref<10240x32xf32, #tpu.memory_space<vmem_shared>> -> memref<128x32xf32, #tpu.memory_space<vmem_shared>>
      tpu.enqueue_dma source(%dma_start3A_446 : memref<128x32xf32, #tpu.memory_space<vmem_shared>>) target(%arg13 : memref<128x32xf32, #tpu.memory_space<vmem>>) target_semaphore(%run_scoped3A : memref<!tpu.dma_semaphore, #tpu.memory_space<semaphore_mem>>)
      %dma_wait3A = arith.constant 0 : i32
      %dma_wait3A_447 = tpu.memref_slice %arg18[%add3A_324, %dma_wait3A] : memref<10240x32xf32, #tpu.memory_space<vmem_shared>> -> memref<128x32xf32, #tpu.memory_space<vmem_shared>>
      %dma_wait3A_448 = arith.constant 0 : i32
      %dma_wait3A_449 = tpu.memref_slice %arg18[%add3A_324, %dma_wait3A_448] : memref<10240x32xf32, #tpu.memory_space<vmem_shared>> -> memref<128x32xf32, #tpu.memory_space<vmem_shared>>
      tpu.wait_dma2 semaphore(%run_scoped3A : memref<!tpu.dma_semaphore, #tpu.memory_space<semaphore_mem>>) src(%dma_wait3A_449 : memref<128x32xf32, #tpu.memory_space<vmem_shared>>) dst(%arg13 : memref<128x32xf32, #tpu.memory_space<vmem>>)
      tpu.yield
    }) : () -> ()
    %sub3A_325 = arith.constant 128 : i32
    %sub3A_326 = arith.constant 0 : i32
    %sub3A_327 = arith.subi %sub3A_325, %sub3A_326 : i32
    %sub3A_328 = arith.constant 1 : i32
    %sub3A_329 = arith.constant 1 : i32
    %sub3A_330 = arith.subi %sub3A_328, %sub3A_329 : i32
    %add3A_331 = arith.addi %sub3A_327, %sub3A_330 : i32
    %div3A_332 = arith.constant 1 : i32
    %div3A_333 = arith.divsi %add3A_331, %div3A_332 : i32
    %while3A_334 = arith.constant 1 : i32
    %while3A_335 = arith.constant 0 : i32
    %while3A_336 = arith.constant 0 : i32
    %while3A_337 = arith.subi %div3A_333, %while3A_336 : i32
    %while3A_338 = arith.addi %while3A_336, %while3A_337 : i32
    %while3A_339 = arith.constant 1 : i32
    %while3A_340 = arith.divsi %while3A_337, %while3A_339 : i32
    %while3A_341 = arith.muli %while3A_340, %while3A_339 : i32
    %while3A_342 = arith.addi %while3A_336, %while3A_341 : i32
    %while3A_343 = arith.constant 1 : i32
    scf.for %while3A_443 = %while3A_336 to %while3A_342 step %while3A_343  : i32 {
      %mul3A_444 = arith.muli %while3A_443, %while3A_334 : i32
      %add3A_445 = arith.addi %while3A_335, %mul3A_444 : i32
      %add3A_446 = arith.constant 0 : i32
      %add3A_447 = arith.addi %add3A_446, %add3A_445 : i32
      %get3A = arith.index_cast %add3A_445 : i32 to index
      %get3A_448 = arith.constant 0 : index
      %get3A_449 = tpu.vector_load %arg11[%get3A, %get3A_448] {strides = array<i32>} : memref<128x32xf32, #tpu.memory_space<vmem>>, vector<1x16xf32>,
      %get3A_450 = vector.shape_cast %get3A_449 : vector<1x16xf32> to vector<16xf32>
      %get3A_451 = arith.index_cast %add3A_445 : i32 to index
      %get3A_452 = arith.constant 0 : index
      %get3A_453 = tpu.vector_load %arg13[%get3A_451, %get3A_452] {strides = array<i32>} : memref<128x32xf32, #tpu.memory_space<vmem>>, vector<1x16xf32>,
      %get3A_454 = vector.shape_cast %get3A_453 : vector<1x16xf32> to vector<16xf32>
      %get3A_455 = arith.index_cast %add3A_447 : i32 to index
      %get3A_456 = arith.constant 0 : index
      %get3A_457 = tpu.vector_load %arg15[%get3A_455, %get3A_456] {strides = array<i32>} : memref<640x32xf32, #tpu.memory_space<vmem>>, vector<1x16xf32>,
      %get3A_458 = vector.shape_cast %get3A_457 : vector<1x16xf32> to vector<16xf32>
      %get3A_459 = arith.constant 1 : i64
      %get3A_460 = arith.index_cast %get3A_459 : i64 to index
      %get3A_461 = arith.constant 0 : index
      %get3A_462 = tpu.vector_load %arg16[%get3A_460, %get3A_461] {strides = array<i32>} : memref<2x32xf32, #tpu.memory_space<vmem>>, vector<1x16xf32>,
      %get3A_463 = vector.shape_cast %get3A_462 : vector<1x16xf32> to vector<16xf32>
      %add3A_464 = arith.addf %get3A_450, %get3A_454 : vector<16xf32>
      %mul3A_465 = arith.mulf %get3A_458, %add3A_464 : vector<16xf32>
      %add3A_466 = arith.addf %mul3A_465, %get3A_463 : vector<16xf32>
      %swap3A = arith.index_cast %add3A_445 : i32 to index
      %swap3A_467 = arith.constant 0 : index
      %swap3A_468 = tpu.vector_load %arg12[%swap3A, %swap3A_467] {strides = array<i32>} : memref<128x32xf32, #tpu.memory_space<vmem>>, vector<1x16xf32>,
      %swap3A_469 = vector.shape_cast %swap3A_468 : vector<1x16xf32> to vector<16xf32>
      %swap3A_470 = vector.shape_cast %add3A_466 : vector<16xf32> to vector<1x16xf32>
      tpu.vector_store %arg12[%swap3A, %swap3A_467], %swap3A_470 {strides = array<i32>} : memref<128x32xf32, #tpu.memory_space<vmem>>, vector<1x16xf32>,
      %get3A_471 = arith.index_cast %add3A_445 : i32 to index
      %get3A_472 = arith.constant 16 : index
      %get3A_473 = tpu.vector_load %arg11[%get3A_471, %get3A_472] {strides = array<i32>} : memref<128x32xf32, #tpu.memory_space<vmem>>, vector<1x16xf32>,
      %get3A_474 = vector.shape_cast %get3A_473 : vector<1x16xf32> to vector<16xf32>
      %get3A_475 = arith.index_cast %add3A_445 : i32 to index
      %get3A_476 = arith.constant 16 : index
      %get3A_477 = tpu.vector_load %arg13[%get3A_475, %get3A_476] {strides = array<i32>} : memref<128x32xf32, #tpu.memory_space<vmem>>, vector<1x16xf32>,
      %get3A_478 = vector.shape_cast %get3A_477 : vector<1x16xf32> to vector<16xf32>
      %get3A_479 = arith.index_cast %add3A_447 : i32 to index
      %get3A_480 = arith.constant 16 : index
      %get3A_481 = tpu.vector_load %arg15[%get3A_479, %get3A_480] {strides = array<i32>} : memref<640x32xf32, #tpu.memory_space<vmem>>, vector<1x16xf32>,
      %get3A_482 = vector.shape_cast %get3A_481 : vector<1x16xf32> to vector<16xf32>
      %get3A_483 = arith.constant 1 : i64
      %get3A_484 = arith.index_cast %get3A_483 : i64 to index
      %get3A_485 = arith.constant 16 : index
      %get3A_486 = tpu.vector_load %arg16[%get3A_484, %get3A_485] {strides = array<i32>} : memref<2x32xf32, #tpu.memory_space<vmem>>, vector<1x16xf32>,
      %get3A_487 = vector.shape_cast %get3A_486 : vector<1x16xf32> to vector<16xf32>
      %add3A_488 = arith.addf %get3A_474, %get3A_478 : vector<16xf32>
      %mul3A_489 = arith.mulf %get3A_482, %add3A_488 : vector<16xf32>
      %add3A_490 = arith.addf %mul3A_489, %get3A_487 : vector<16xf32>
      %swap3A_491 = arith.index_cast %add3A_445 : i32 to index
      %swap3A_492 = arith.constant 16 : index
      %swap3A_493 = tpu.vector_load %arg12[%swap3A_491, %swap3A_492] {strides = array<i32>} : memref<128x32xf32, #tpu.memory_space<vmem>>, vector<1x16xf32>,
      %swap3A_494 = vector.shape_cast %swap3A_493 : vector<1x16xf32> to vector<16xf32>
      %swap3A_495 = vector.shape_cast %add3A_490 : vector<16xf32> to vector<1x16xf32>
      tpu.vector_store %arg12[%swap3A_491, %swap3A_492], %swap3A_495 {strides = array<i32>} : memref<128x32xf32, #tpu.memory_space<vmem>>, vector<1x16xf32>,
    }
    %while3A_344 = arith.constant 1 : i32
    scf.for %while3A_443 = %while3A_342 to %while3A_338 step %while3A_344  : i32 {
      %mul3A_444 = arith.muli %while3A_443, %while3A_334 : i32
      %add3A_445 = arith.addi %while3A_335, %mul3A_444 : i32
      %add3A_446 = arith.constant 0 : i32
      %add3A_447 = arith.addi %add3A_446, %add3A_445 : i32
      %get3A = arith.index_cast %add3A_445 : i32 to index
      %get3A_448 = arith.constant 0 : index
      %get3A_449 = tpu.vector_load %arg11[%get3A, %get3A_448] {strides = array<i32>} : memref<128x32xf32, #tpu.memory_space<vmem>>, vector<1x16xf32>,
      %get3A_450 = vector.shape_cast %get3A_449 : vector<1x16xf32> to vector<16xf32>
      %get3A_451 = arith.index_cast %add3A_445 : i32 to index
      %get3A_452 = arith.constant 0 : index
      %get3A_453 = tpu.vector_load %arg13[%get3A_451, %get3A_452] {strides = array<i32>} : memref<128x32xf32, #tpu.memory_space<vmem>>, vector<1x16xf32>,
      %get3A_454 = vector.shape_cast %get3A_453 : vector<1x16xf32> to vector<16xf32>
      %get3A_455 = arith.index_cast %add3A_447 : i32 to index
      %get3A_456 = arith.constant 0 : index
      %get3A_457 = tpu.vector_load %arg15[%get3A_455, %get3A_456] {strides = array<i32>} : memref<640x32xf32, #tpu.memory_space<vmem>>, vector<1x16xf32>,
      %get3A_458 = vector.shape_cast %get3A_457 : vector<1x16xf32> to vector<16xf32>
      %get3A_459 = arith.constant 1 : i64
      %get3A_460 = arith.index_cast %get3A_459 : i64 to index
      %get3A_461 = arith.constant 0 : index
      %get3A_462 = tpu.vector_load %arg16[%get3A_460, %get3A_461] {strides = array<i32>} : memref<2x32xf32, #tpu.memory_space<vmem>>, vector<1x16xf32>,
      %get3A_463 = vector.shape_cast %get3A_462 : vector<1x16xf32> to vector<16xf32>
      %add3A_464 = arith.addf %get3A_450, %get3A_454 : vector<16xf32>
      %mul3A_465 = arith.mulf %get3A_458, %add3A_464 : vector<16xf32>
      %add3A_466 = arith.addf %mul3A_465, %get3A_463 : vector<16xf32>
      %swap3A = arith.index_cast %add3A_445 : i32 to index
      %swap3A_467 = arith.constant 0 : index
      %swap3A_468 = tpu.vector_load %arg12[%swap3A, %swap3A_467] {strides = array<i32>} : memref<128x32xf32, #tpu.memory_space<vmem>>, vector<1x16xf32>,
      %swap3A_469 = vector.shape_cast %swap3A_468 : vector<1x16xf32> to vector<16xf32>
      %swap3A_470 = vector.shape_cast %add3A_466 : vector<16xf32> to vector<1x16xf32>
      tpu.vector_store %arg12[%swap3A, %swap3A_467], %swap3A_470 {strides = array<i32>} : memref<128x32xf32, #tpu.memory_space<vmem>>, vector<1x16xf32>,
      %get3A_471 = arith.index_cast %add3A_445 : i32 to index
      %get3A_472 = arith.constant 16 : index
      %get3A_473 = tpu.vector_load %arg11[%get3A_471, %get3A_472] {strides = array<i32>} : memref<128x32xf32, #tpu.memory_space<vmem>>, vector<1x16xf32>,
      %get3A_474 = vector.shape_cast %get3A_473 : vector<1x16xf32> to vector<16xf32>
      %get3A_475 = arith.index_cast %add3A_445 : i32 to index
      %get3A_476 = arith.constant 16 : index
      %get3A_477 = tpu.vector_load %arg13[%get3A_475, %get3A_476] {strides = array<i32>} : memref<128x32xf32, #tpu.memory_space<vmem>>, vector<1x16xf32>,
      %get3A_478 = vector.shape_cast %get3A_477 : vector<1x16xf32> to vector<16xf32>
      %get3A_479 = arith.index_cast %add3A_447 : i32 to index
      %get3A_480 = arith.constant 16 : index
      %get3A_481 = tpu.vector_load %arg15[%get3A_479, %get3A_480] {strides = array<i32>} : memref<640x32xf32, #tpu.memory_space<vmem>>, vector<1x16xf32>,
      %get3A_482 = vector.shape_cast %get3A_481 : vector<1x16xf32> to vector<16xf32>
      %get3A_483 = arith.constant 1 : i64
      %get3A_484 = arith.index_cast %get3A_483 : i64 to index
      %get3A_485 = arith.constant 16 : index
      %get3A_486 = tpu.vector_load %arg16[%get3A_484, %get3A_485] {strides = array<i32>} : memref<2x32xf32, #tpu.memory_space<vmem>>, vector<1x16xf32>,
      %get3A_487 = vector.shape_cast %get3A_486 : vector<1x16xf32> to vector<16xf32>
      %add3A_488 = arith.addf %get3A_474, %get3A_478 : vector<16xf32>
      %mul3A_489 = arith.mulf %get3A_482, %add3A_488 : vector<16xf32>
      %add3A_490 = arith.addf %mul3A_489, %get3A_487 : vector<16xf32>
      %swap3A_491 = arith.index_cast %add3A_445 : i32 to index
      %swap3A_492 = arith.constant 16 : index
      %swap3A_493 = tpu.vector_load %arg12[%swap3A_491, %swap3A_492] {strides = array<i32>} : memref<128x32xf32, #tpu.memory_space<vmem>>, vector<1x16xf32>,
      %swap3A_494 = vector.shape_cast %swap3A_493 : vector<1x16xf32> to vector<16xf32>
      %swap3A_495 = vector.shape_cast %add3A_490 : vector<16xf32> to vector<1x16xf32>
      tpu.vector_store %arg12[%swap3A_491, %swap3A_492], %swap3A_495 {strides = array<i32>} : memref<128x32xf32, #tpu.memory_space<vmem>>, vector<1x16xf32>,
    }
    %add3A_345 = arith.constant 0 : i32
    %add3A_346 = arith.addi %multiple_of3A_250, %add3A_345 : i32
    "tpu.region"() ({
      %run_scoped3A = tpu.sem_alloc : memref<!tpu.dma_semaphore, #tpu.memory_space<semaphore_mem>>
      %dma_start3A_443 = arith.constant 0 : i32
      %dma_start3A_444 = tpu.memref_slice %arg7[%add3A_346, %dma_start3A_443] : memref<40960x32xf32, #tpu.memory_space<hbm>> -> memref<128x32xf32, #tpu.memory_space<hbm>>
      %dma_start3A_445 = arith.constant 0 : i32
      %dma_start3A_446 = tpu.memref_slice %arg7[%add3A_346, %dma_start3A_445] : memref<40960x32xf32, #tpu.memory_space<hbm>> -> memref<128x32xf32, #tpu.memory_space<hbm>>
      tpu.enqueue_dma source(%arg12 : memref<128x32xf32, #tpu.memory_space<vmem>>) target(%dma_start3A_446 : memref<128x32xf32, #tpu.memory_space<hbm>>) target_semaphore(%run_scoped3A : memref<!tpu.dma_semaphore, #tpu.memory_space<semaphore_mem>>)
      %dma_wait3A = arith.constant 0 : i32
      %dma_wait3A_447 = tpu.memref_slice %arg7[%add3A_346, %dma_wait3A] : memref<40960x32xf32, #tpu.memory_space<hbm>> -> memref<128x32xf32, #tpu.memory_space<hbm>>
      %dma_wait3A_448 = arith.constant 0 : i32
      %dma_wait3A_449 = tpu.memref_slice %arg7[%add3A_346, %dma_wait3A_448] : memref<40960x32xf32, #tpu.memory_space<hbm>> -> memref<128x32xf32, #tpu.memory_space<hbm>>
      tpu.wait_dma2 semaphore(%run_scoped3A : memref<!tpu.dma_semaphore, #tpu.memory_space<semaphore_mem>>) src(%arg12 : memref<128x32xf32, #tpu.memory_space<vmem>>) dst(%dma_wait3A_449 : memref<128x32xf32, #tpu.memory_space<hbm>>)
      tpu.yield
    }) : () -> ()
    %add3A_347 = arith.constant 128 : i32
    %add3A_348 = arith.addi %multiple_of3A, %add3A_347 : i32
    "tpu.region"() ({
      %run_scoped3A = tpu.sem_alloc : memref<!tpu.dma_semaphore, #tpu.memory_space<semaphore_mem>>
      %dma_start3A_443 = arith.constant 0 : i32
      %dma_start3A_444 = tpu.memref_slice %arg17[%add3A_348, %dma_start3A_443] : memref<10240x32xf32, #tpu.memory_space<vmem_shared>> -> memref<128x32xf32, #tpu.memory_space<vmem_shared>>
      %dma_start3A_445 = arith.constant 0 : i32
      %dma_start3A_446 = tpu.memref_slice %arg17[%add3A_348, %dma_start3A_445] : memref<10240x32xf32, #tpu.memory_space<vmem_shared>> -> memref<128x32xf32, #tpu.memory_space<vmem_shared>>
      tpu.enqueue_dma source(%dma_start3A_446 : memref<128x32xf32, #tpu.memory_space<vmem_shared>>) target(%arg11 : memref<128x32xf32, #tpu.memory_space<vmem>>) target_semaphore(%run_scoped3A : memref<!tpu.dma_semaphore, #tpu.memory_space<semaphore_mem>>)
      %dma_wait3A = arith.constant 0 : i32
      %dma_wait3A_447 = tpu.memref_slice %arg17[%add3A_348, %dma_wait3A] : memref<10240x32xf32, #tpu.memory_space<vmem_shared>> -> memref<128x32xf32, #tpu.memory_space<vmem_shared>>
      %dma_wait3A_448 = arith.constant 0 : i32
      %dma_wait3A_449 = tpu.memref_slice %arg17[%add3A_348, %dma_wait3A_448] : memref<10240x32xf32, #tpu.memory_space<vmem_shared>> -> memref<128x32xf32, #tpu.memory_space<vmem_shared>>
      tpu.wait_dma2 semaphore(%run_scoped3A : memref<!tpu.dma_semaphore, #tpu.memory_space<semaphore_mem>>) src(%dma_wait3A_449 : memref<128x32xf32, #tpu.memory_space<vmem_shared>>) dst(%arg11 : memref<128x32xf32, #tpu.memory_space<vmem>>)
      tpu.yield
    }) : () -> ()
    "tpu.region"() ({
      %run_scoped3A = tpu.sem_alloc : memref<!tpu.dma_semaphore, #tpu.memory_space<semaphore_mem>>
      %dma_start3A_443 = arith.constant 0 : i32
      %dma_start3A_444 = tpu.memref_slice %arg18[%add3A_348, %dma_start3A_443] : memref<10240x32xf32, #tpu.memory_space<vmem_shared>> -> memref<128x32xf32, #tpu.memory_space<vmem_shared>>
      %dma_start3A_445 = arith.constant 0 : i32
      %dma_start3A_446 = tpu.memref_slice %arg18[%add3A_348, %dma_start3A_445] : memref<10240x32xf32, #tpu.memory_space<vmem_shared>> -> memref<128x32xf32, #tpu.memory_space<vmem_shared>>
      tpu.enqueue_dma source(%dma_start3A_446 : memref<128x32xf32, #tpu.memory_space<vmem_shared>>) target(%arg13 : memref<128x32xf32, #tpu.memory_space<vmem>>) target_semaphore(%run_scoped3A : memref<!tpu.dma_semaphore, #tpu.memory_space<semaphore_mem>>)
      %dma_wait3A = arith.constant 0 : i32
      %dma_wait3A_447 = tpu.memref_slice %arg18[%add3A_348, %dma_wait3A] : memref<10240x32xf32, #tpu.memory_space<vmem_shared>> -> memref<128x32xf32, #tpu.memory_space<vmem_shared>>
      %dma_wait3A_448 = arith.constant 0 : i32
      %dma_wait3A_449 = tpu.memref_slice %arg18[%add3A_348, %dma_wait3A_448] : memref<10240x32xf32, #tpu.memory_space<vmem_shared>> -> memref<128x32xf32, #tpu.memory_space<vmem_shared>>
      tpu.wait_dma2 semaphore(%run_scoped3A : memref<!tpu.dma_semaphore, #tpu.memory_space<semaphore_mem>>) src(%dma_wait3A_449 : memref<128x32xf32, #tpu.memory_space<vmem_shared>>) dst(%arg13 : memref<128x32xf32, #tpu.memory_space<vmem>>)
      tpu.yield
    }) : () -> ()
    %sub3A_349 = arith.constant 128 : i32
    %sub3A_350 = arith.constant 0 : i32
    %sub3A_351 = arith.subi %sub3A_349, %sub3A_350 : i32
    %sub3A_352 = arith.constant 1 : i32
    %sub3A_353 = arith.constant 1 : i32
    %sub3A_354 = arith.subi %sub3A_352, %sub3A_353 : i32
    %add3A_355 = arith.addi %sub3A_351, %sub3A_354 : i32
    %div3A_356 = arith.constant 1 : i32
    %div3A_357 = arith.divsi %add3A_355, %div3A_356 : i32
    %while3A_358 = arith.constant 1 : i32
    %while3A_359 = arith.constant 0 : i32
    %while3A_360 = arith.constant 0 : i32
    %while3A_361 = arith.subi %div3A_357, %while3A_360 : i32
    %while3A_362 = arith.addi %while3A_360, %while3A_361 : i32
    %while3A_363 = arith.constant 1 : i32
    %while3A_364 = arith.divsi %while3A_361, %while3A_363 : i32
    %while3A_365 = arith.muli %while3A_364, %while3A_363 : i32
    %while3A_366 = arith.addi %while3A_360, %while3A_365 : i32
    %while3A_367 = arith.constant 1 : i32
    scf.for %while3A_443 = %while3A_360 to %while3A_366 step %while3A_367  : i32 {
      %mul3A_444 = arith.muli %while3A_443, %while3A_358 : i32
      %add3A_445 = arith.addi %while3A_359, %mul3A_444 : i32
      %add3A_446 = arith.constant 128 : i32
      %add3A_447 = arith.addi %add3A_446, %add3A_445 : i32
      %get3A = arith.index_cast %add3A_445 : i32 to index
      %get3A_448 = arith.constant 0 : index
      %get3A_449 = tpu.vector_load %arg11[%get3A, %get3A_448] {strides = array<i32>} : memref<128x32xf32, #tpu.memory_space<vmem>>, vector<1x16xf32>,
      %get3A_450 = vector.shape_cast %get3A_449 : vector<1x16xf32> to vector<16xf32>
      %get3A_451 = arith.index_cast %add3A_445 : i32 to index
      %get3A_452 = arith.constant 0 : index
      %get3A_453 = tpu.vector_load %arg13[%get3A_451, %get3A_452] {strides = array<i32>} : memref<128x32xf32, #tpu.memory_space<vmem>>, vector<1x16xf32>,
      %get3A_454 = vector.shape_cast %get3A_453 : vector<1x16xf32> to vector<16xf32>
      %get3A_455 = arith.index_cast %add3A_447 : i32 to index
      %get3A_456 = arith.constant 0 : index
      %get3A_457 = tpu.vector_load %arg15[%get3A_455, %get3A_456] {strides = array<i32>} : memref<640x32xf32, #tpu.memory_space<vmem>>, vector<1x16xf32>,
      %get3A_458 = vector.shape_cast %get3A_457 : vector<1x16xf32> to vector<16xf32>
      %get3A_459 = arith.constant 1 : i64
      %get3A_460 = arith.index_cast %get3A_459 : i64 to index
      %get3A_461 = arith.constant 0 : index
      %get3A_462 = tpu.vector_load %arg16[%get3A_460, %get3A_461] {strides = array<i32>} : memref<2x32xf32, #tpu.memory_space<vmem>>, vector<1x16xf32>,
      %get3A_463 = vector.shape_cast %get3A_462 : vector<1x16xf32> to vector<16xf32>
      %add3A_464 = arith.addf %get3A_450, %get3A_454 : vector<16xf32>
      %mul3A_465 = arith.mulf %get3A_458, %add3A_464 : vector<16xf32>
      %add3A_466 = arith.addf %mul3A_465, %get3A_463 : vector<16xf32>
      %swap3A = arith.index_cast %add3A_445 : i32 to index
      %swap3A_467 = arith.constant 0 : index
      %swap3A_468 = tpu.vector_load %arg12[%swap3A, %swap3A_467] {strides = array<i32>} : memref<128x32xf32, #tpu.memory_space<vmem>>, vector<1x16xf32>,
      %swap3A_469 = vector.shape_cast %swap3A_468 : vector<1x16xf32> to vector<16xf32>
      %swap3A_470 = vector.shape_cast %add3A_466 : vector<16xf32> to vector<1x16xf32>
      tpu.vector_store %arg12[%swap3A, %swap3A_467], %swap3A_470 {strides = array<i32>} : memref<128x32xf32, #tpu.memory_space<vmem>>, vector<1x16xf32>,
      %get3A_471 = arith.index_cast %add3A_445 : i32 to index
      %get3A_472 = arith.constant 16 : index
      %get3A_473 = tpu.vector_load %arg11[%get3A_471, %get3A_472] {strides = array<i32>} : memref<128x32xf32, #tpu.memory_space<vmem>>, vector<1x16xf32>,
      %get3A_474 = vector.shape_cast %get3A_473 : vector<1x16xf32> to vector<16xf32>
      %get3A_475 = arith.index_cast %add3A_445 : i32 to index
      %get3A_476 = arith.constant 16 : index
      %get3A_477 = tpu.vector_load %arg13[%get3A_475, %get3A_476] {strides = array<i32>} : memref<128x32xf32, #tpu.memory_space<vmem>>, vector<1x16xf32>,
      %get3A_478 = vector.shape_cast %get3A_477 : vector<1x16xf32> to vector<16xf32>
      %get3A_479 = arith.index_cast %add3A_447 : i32 to index
      %get3A_480 = arith.constant 16 : index
      %get3A_481 = tpu.vector_load %arg15[%get3A_479, %get3A_480] {strides = array<i32>} : memref<640x32xf32, #tpu.memory_space<vmem>>, vector<1x16xf32>,
      %get3A_482 = vector.shape_cast %get3A_481 : vector<1x16xf32> to vector<16xf32>
      %get3A_483 = arith.constant 1 : i64
      %get3A_484 = arith.index_cast %get3A_483 : i64 to index
      %get3A_485 = arith.constant 16 : index
      %get3A_486 = tpu.vector_load %arg16[%get3A_484, %get3A_485] {strides = array<i32>} : memref<2x32xf32, #tpu.memory_space<vmem>>, vector<1x16xf32>,
      %get3A_487 = vector.shape_cast %get3A_486 : vector<1x16xf32> to vector<16xf32>
      %add3A_488 = arith.addf %get3A_474, %get3A_478 : vector<16xf32>
      %mul3A_489 = arith.mulf %get3A_482, %add3A_488 : vector<16xf32>
      %add3A_490 = arith.addf %mul3A_489, %get3A_487 : vector<16xf32>
      %swap3A_491 = arith.index_cast %add3A_445 : i32 to index
      %swap3A_492 = arith.constant 16 : index
      %swap3A_493 = tpu.vector_load %arg12[%swap3A_491, %swap3A_492] {strides = array<i32>} : memref<128x32xf32, #tpu.memory_space<vmem>>, vector<1x16xf32>,
      %swap3A_494 = vector.shape_cast %swap3A_493 : vector<1x16xf32> to vector<16xf32>
      %swap3A_495 = vector.shape_cast %add3A_490 : vector<16xf32> to vector<1x16xf32>
      tpu.vector_store %arg12[%swap3A_491, %swap3A_492], %swap3A_495 {strides = array<i32>} : memref<128x32xf32, #tpu.memory_space<vmem>>, vector<1x16xf32>,
    }
    %while3A_368 = arith.constant 1 : i32
    scf.for %while3A_443 = %while3A_366 to %while3A_362 step %while3A_368  : i32 {
      %mul3A_444 = arith.muli %while3A_443, %while3A_358 : i32
      %add3A_445 = arith.addi %while3A_359, %mul3A_444 : i32
      %add3A_446 = arith.constant 128 : i32
      %add3A_447 = arith.addi %add3A_446, %add3A_445 : i32
      %get3A = arith.index_cast %add3A_445 : i32 to index
      %get3A_448 = arith.constant 0 : index
      %get3A_449 = tpu.vector_load %arg11[%get3A, %get3A_448] {strides = array<i32>} : memref<128x32xf32, #tpu.memory_space<vmem>>, vector<1x16xf32>,
      %get3A_450 = vector.shape_cast %get3A_449 : vector<1x16xf32> to vector<16xf32>
      %get3A_451 = arith.index_cast %add3A_445 : i32 to index
      %get3A_452 = arith.constant 0 : index
      %get3A_453 = tpu.vector_load %arg13[%get3A_451, %get3A_452] {strides = array<i32>} : memref<128x32xf32, #tpu.memory_space<vmem>>, vector<1x16xf32>,
      %get3A_454 = vector.shape_cast %get3A_453 : vector<1x16xf32> to vector<16xf32>
      %get3A_455 = arith.index_cast %add3A_447 : i32 to index
      %get3A_456 = arith.constant 0 : index
      %get3A_457 = tpu.vector_load %arg15[%get3A_455, %get3A_456] {strides = array<i32>} : memref<640x32xf32, #tpu.memory_space<vmem>>, vector<1x16xf32>,
      %get3A_458 = vector.shape_cast %get3A_457 : vector<1x16xf32> to vector<16xf32>
      %get3A_459 = arith.constant 1 : i64
      %get3A_460 = arith.index_cast %get3A_459 : i64 to index
      %get3A_461 = arith.constant 0 : index
      %get3A_462 = tpu.vector_load %arg16[%get3A_460, %get3A_461] {strides = array<i32>} : memref<2x32xf32, #tpu.memory_space<vmem>>, vector<1x16xf32>,
      %get3A_463 = vector.shape_cast %get3A_462 : vector<1x16xf32> to vector<16xf32>
      %add3A_464 = arith.addf %get3A_450, %get3A_454 : vector<16xf32>
      %mul3A_465 = arith.mulf %get3A_458, %add3A_464 : vector<16xf32>
      %add3A_466 = arith.addf %mul3A_465, %get3A_463 : vector<16xf32>
      %swap3A = arith.index_cast %add3A_445 : i32 to index
      %swap3A_467 = arith.constant 0 : index
      %swap3A_468 = tpu.vector_load %arg12[%swap3A, %swap3A_467] {strides = array<i32>} : memref<128x32xf32, #tpu.memory_space<vmem>>, vector<1x16xf32>,
      %swap3A_469 = vector.shape_cast %swap3A_468 : vector<1x16xf32> to vector<16xf32>
      %swap3A_470 = vector.shape_cast %add3A_466 : vector<16xf32> to vector<1x16xf32>
      tpu.vector_store %arg12[%swap3A, %swap3A_467], %swap3A_470 {strides = array<i32>} : memref<128x32xf32, #tpu.memory_space<vmem>>, vector<1x16xf32>,
      %get3A_471 = arith.index_cast %add3A_445 : i32 to index
      %get3A_472 = arith.constant 16 : index
      %get3A_473 = tpu.vector_load %arg11[%get3A_471, %get3A_472] {strides = array<i32>} : memref<128x32xf32, #tpu.memory_space<vmem>>, vector<1x16xf32>,
      %get3A_474 = vector.shape_cast %get3A_473 : vector<1x16xf32> to vector<16xf32>
      %get3A_475 = arith.index_cast %add3A_445 : i32 to index
      %get3A_476 = arith.constant 16 : index
      %get3A_477 = tpu.vector_load %arg13[%get3A_475, %get3A_476] {strides = array<i32>} : memref<128x32xf32, #tpu.memory_space<vmem>>, vector<1x16xf32>,
      %get3A_478 = vector.shape_cast %get3A_477 : vector<1x16xf32> to vector<16xf32>
      %get3A_479 = arith.index_cast %add3A_447 : i32 to index
      %get3A_480 = arith.constant 16 : index
      %get3A_481 = tpu.vector_load %arg15[%get3A_479, %get3A_480] {strides = array<i32>} : memref<640x32xf32, #tpu.memory_space<vmem>>, vector<1x16xf32>,
      %get3A_482 = vector.shape_cast %get3A_481 : vector<1x16xf32> to vector<16xf32>
      %get3A_483 = arith.constant 1 : i64
      %get3A_484 = arith.index_cast %get3A_483 : i64 to index
      %get3A_485 = arith.constant 16 : index
      %get3A_486 = tpu.vector_load %arg16[%get3A_484, %get3A_485] {strides = array<i32>} : memref<2x32xf32, #tpu.memory_space<vmem>>, vector<1x16xf32>,
      %get3A_487 = vector.shape_cast %get3A_486 : vector<1x16xf32> to vector<16xf32>
      %add3A_488 = arith.addf %get3A_474, %get3A_478 : vector<16xf32>
      %mul3A_489 = arith.mulf %get3A_482, %add3A_488 : vector<16xf32>
      %add3A_490 = arith.addf %mul3A_489, %get3A_487 : vector<16xf32>
      %swap3A_491 = arith.index_cast %add3A_445 : i32 to index
      %swap3A_492 = arith.constant 16 : index
      %swap3A_493 = tpu.vector_load %arg12[%swap3A_491, %swap3A_492] {strides = array<i32>} : memref<128x32xf32, #tpu.memory_space<vmem>>, vector<1x16xf32>,
      %swap3A_494 = vector.shape_cast %swap3A_493 : vector<1x16xf32> to vector<16xf32>
      %swap3A_495 = vector.shape_cast %add3A_490 : vector<16xf32> to vector<1x16xf32>
      tpu.vector_store %arg12[%swap3A_491, %swap3A_492], %swap3A_495 {strides = array<i32>} : memref<128x32xf32, #tpu.memory_space<vmem>>, vector<1x16xf32>,
    }
    %add3A_369 = arith.constant 128 : i32
    %add3A_370 = arith.addi %multiple_of3A_250, %add3A_369 : i32
    "tpu.region"() ({
      %run_scoped3A = tpu.sem_alloc : memref<!tpu.dma_semaphore, #tpu.memory_space<semaphore_mem>>
      %dma_start3A_443 = arith.constant 0 : i32
      %dma_start3A_444 = tpu.memref_slice %arg7[%add3A_370, %dma_start3A_443] : memref<40960x32xf32, #tpu.memory_space<hbm>> -> memref<128x32xf32, #tpu.memory_space<hbm>>
      %dma_start3A_445 = arith.constant 0 : i32
      %dma_start3A_446 = tpu.memref_slice %arg7[%add3A_370, %dma_start3A_445] : memref<40960x32xf32, #tpu.memory_space<hbm>> -> memref<128x32xf32, #tpu.memory_space<hbm>>
      tpu.enqueue_dma source(%arg12 : memref<128x32xf32, #tpu.memory_space<vmem>>) target(%dma_start3A_446 : memref<128x32xf32, #tpu.memory_space<hbm>>) target_semaphore(%run_scoped3A : memref<!tpu.dma_semaphore, #tpu.memory_space<semaphore_mem>>)
      %dma_wait3A = arith.constant 0 : i32
      %dma_wait3A_447 = tpu.memref_slice %arg7[%add3A_370, %dma_wait3A] : memref<40960x32xf32, #tpu.memory_space<hbm>> -> memref<128x32xf32, #tpu.memory_space<hbm>>
      %dma_wait3A_448 = arith.constant 0 : i32
      %dma_wait3A_449 = tpu.memref_slice %arg7[%add3A_370, %dma_wait3A_448] : memref<40960x32xf32, #tpu.memory_space<hbm>> -> memref<128x32xf32, #tpu.memory_space<hbm>>
      tpu.wait_dma2 semaphore(%run_scoped3A : memref<!tpu.dma_semaphore, #tpu.memory_space<semaphore_mem>>) src(%arg12 : memref<128x32xf32, #tpu.memory_space<vmem>>) dst(%dma_wait3A_449 : memref<128x32xf32, #tpu.memory_space<hbm>>)
      tpu.yield
    }) : () -> ()
    %add3A_371 = arith.constant 256 : i32
    %add3A_372 = arith.addi %multiple_of3A, %add3A_371 : i32
    "tpu.region"() ({
      %run_scoped3A = tpu.sem_alloc : memref<!tpu.dma_semaphore, #tpu.memory_space<semaphore_mem>>
      %dma_start3A_443 = arith.constant 0 : i32
      %dma_start3A_444 = tpu.memref_slice %arg17[%add3A_372, %dma_start3A_443] : memref<10240x32xf32, #tpu.memory_space<vmem_shared>> -> memref<128x32xf32, #tpu.memory_space<vmem_shared>>
      %dma_start3A_445 = arith.constant 0 : i32
      %dma_start3A_446 = tpu.memref_slice %arg17[%add3A_372, %dma_start3A_445] : memref<10240x32xf32, #tpu.memory_space<vmem_shared>> -> memref<128x32xf32, #tpu.memory_space<vmem_shared>>
      tpu.enqueue_dma source(%dma_start3A_446 : memref<128x32xf32, #tpu.memory_space<vmem_shared>>) target(%arg11 : memref<128x32xf32, #tpu.memory_space<vmem>>) target_semaphore(%run_scoped3A : memref<!tpu.dma_semaphore, #tpu.memory_space<semaphore_mem>>)
      %dma_wait3A = arith.constant 0 : i32
      %dma_wait3A_447 = tpu.memref_slice %arg17[%add3A_372, %dma_wait3A] : memref<10240x32xf32, #tpu.memory_space<vmem_shared>> -> memref<128x32xf32, #tpu.memory_space<vmem_shared>>
      %dma_wait3A_448 = arith.constant 0 : i32
      %dma_wait3A_449 = tpu.memref_slice %arg17[%add3A_372, %dma_wait3A_448] : memref<10240x32xf32, #tpu.memory_space<vmem_shared>> -> memref<128x32xf32, #tpu.memory_space<vmem_shared>>
      tpu.wait_dma2 semaphore(%run_scoped3A : memref<!tpu.dma_semaphore, #tpu.memory_space<semaphore_mem>>) src(%dma_wait3A_449 : memref<128x32xf32, #tpu.memory_space<vmem_shared>>) dst(%arg11 : memref<128x32xf32, #tpu.memory_space<vmem>>)
      tpu.yield
    }) : () -> ()
    "tpu.region"() ({
      %run_scoped3A = tpu.sem_alloc : memref<!tpu.dma_semaphore, #tpu.memory_space<semaphore_mem>>
      %dma_start3A_443 = arith.constant 0 : i32
      %dma_start3A_444 = tpu.memref_slice %arg18[%add3A_372, %dma_start3A_443] : memref<10240x32xf32, #tpu.memory_space<vmem_shared>> -> memref<128x32xf32, #tpu.memory_space<vmem_shared>>
      %dma_start3A_445 = arith.constant 0 : i32
      %dma_start3A_446 = tpu.memref_slice %arg18[%add3A_372, %dma_start3A_445] : memref<10240x32xf32, #tpu.memory_space<vmem_shared>> -> memref<128x32xf32, #tpu.memory_space<vmem_shared>>
      tpu.enqueue_dma source(%dma_start3A_446 : memref<128x32xf32, #tpu.memory_space<vmem_shared>>) target(%arg13 : memref<128x32xf32, #tpu.memory_space<vmem>>) target_semaphore(%run_scoped3A : memref<!tpu.dma_semaphore, #tpu.memory_space<semaphore_mem>>)
      %dma_wait3A = arith.constant 0 : i32
      %dma_wait3A_447 = tpu.memref_slice %arg18[%add3A_372, %dma_wait3A] : memref<10240x32xf32, #tpu.memory_space<vmem_shared>> -> memref<128x32xf32, #tpu.memory_space<vmem_shared>>
      %dma_wait3A_448 = arith.constant 0 : i32
      %dma_wait3A_449 = tpu.memref_slice %arg18[%add3A_372, %dma_wait3A_448] : memref<10240x32xf32, #tpu.memory_space<vmem_shared>> -> memref<128x32xf32, #tpu.memory_space<vmem_shared>>
      tpu.wait_dma2 semaphore(%run_scoped3A : memref<!tpu.dma_semaphore, #tpu.memory_space<semaphore_mem>>) src(%dma_wait3A_449 : memref<128x32xf32, #tpu.memory_space<vmem_shared>>) dst(%arg13 : memref<128x32xf32, #tpu.memory_space<vmem>>)
      tpu.yield
    }) : () -> ()
    %sub3A_373 = arith.constant 128 : i32
    %sub3A_374 = arith.constant 0 : i32
    %sub3A_375 = arith.subi %sub3A_373, %sub3A_374 : i32
    %sub3A_376 = arith.constant 1 : i32
    %sub3A_377 = arith.constant 1 : i32
    %sub3A_378 = arith.subi %sub3A_376, %sub3A_377 : i32
    %add3A_379 = arith.addi %sub3A_375, %sub3A_378 : i32
    %div3A_380 = arith.constant 1 : i32
    %div3A_381 = arith.divsi %add3A_379, %div3A_380 : i32
    %while3A_382 = arith.constant 1 : i32
    %while3A_383 = arith.constant 0 : i32
    %while3A_384 = arith.constant 0 : i32
    %while3A_385 = arith.subi %div3A_381, %while3A_384 : i32
    %while3A_386 = arith.addi %while3A_384, %while3A_385 : i32
    %while3A_387 = arith.constant 1 : i32
    %while3A_388 = arith.divsi %while3A_385, %while3A_387 : i32
    %while3A_389 = arith.muli %while3A_388, %while3A_387 : i32
    %while3A_390 = arith.addi %while3A_384, %while3A_389 : i32
    %while3A_391 = arith.constant 1 : i32
    scf.for %while3A_443 = %while3A_384 to %while3A_390 step %while3A_391  : i32 {
      %mul3A_444 = arith.muli %while3A_443, %while3A_382 : i32
      %add3A_445 = arith.addi %while3A_383, %mul3A_444 : i32
      %add3A_446 = arith.constant 256 : i32
      %add3A_447 = arith.addi %add3A_446, %add3A_445 : i32
      %get3A = arith.index_cast %add3A_445 : i32 to index
      %get3A_448 = arith.constant 0 : index
      %get3A_449 = tpu.vector_load %arg11[%get3A, %get3A_448] {strides = array<i32>} : memref<128x32xf32, #tpu.memory_space<vmem>>, vector<1x16xf32>,
      %get3A_450 = vector.shape_cast %get3A_449 : vector<1x16xf32> to vector<16xf32>
      %get3A_451 = arith.index_cast %add3A_445 : i32 to index
      %get3A_452 = arith.constant 0 : index
      %get3A_453 = tpu.vector_load %arg13[%get3A_451, %get3A_452] {strides = array<i32>} : memref<128x32xf32, #tpu.memory_space<vmem>>, vector<1x16xf32>,
      %get3A_454 = vector.shape_cast %get3A_453 : vector<1x16xf32> to vector<16xf32>
      %get3A_455 = arith.index_cast %add3A_447 : i32 to index
      %get3A_456 = arith.constant 0 : index
      %get3A_457 = tpu.vector_load %arg15[%get3A_455, %get3A_456] {strides = array<i32>} : memref<640x32xf32, #tpu.memory_space<vmem>>, vector<1x16xf32>,
      %get3A_458 = vector.shape_cast %get3A_457 : vector<1x16xf32> to vector<16xf32>
      %get3A_459 = arith.constant 1 : i64
      %get3A_460 = arith.index_cast %get3A_459 : i64 to index
      %get3A_461 = arith.constant 0 : index
      %get3A_462 = tpu.vector_load %arg16[%get3A_460, %get3A_461] {strides = array<i32>} : memref<2x32xf32, #tpu.memory_space<vmem>>, vector<1x16xf32>,
      %get3A_463 = vector.shape_cast %get3A_462 : vector<1x16xf32> to vector<16xf32>
      %add3A_464 = arith.addf %get3A_450, %get3A_454 : vector<16xf32>
      %mul3A_465 = arith.mulf %get3A_458, %add3A_464 : vector<16xf32>
      %add3A_466 = arith.addf %mul3A_465, %get3A_463 : vector<16xf32>
      %swap3A = arith.index_cast %add3A_445 : i32 to index
      %swap3A_467 = arith.constant 0 : index
      %swap3A_468 = tpu.vector_load %arg12[%swap3A, %swap3A_467] {strides = array<i32>} : memref<128x32xf32, #tpu.memory_space<vmem>>, vector<1x16xf32>,
      %swap3A_469 = vector.shape_cast %swap3A_468 : vector<1x16xf32> to vector<16xf32>
      %swap3A_470 = vector.shape_cast %add3A_466 : vector<16xf32> to vector<1x16xf32>
      tpu.vector_store %arg12[%swap3A, %swap3A_467], %swap3A_470 {strides = array<i32>} : memref<128x32xf32, #tpu.memory_space<vmem>>, vector<1x16xf32>,
      %get3A_471 = arith.index_cast %add3A_445 : i32 to index
      %get3A_472 = arith.constant 16 : index
      %get3A_473 = tpu.vector_load %arg11[%get3A_471, %get3A_472] {strides = array<i32>} : memref<128x32xf32, #tpu.memory_space<vmem>>, vector<1x16xf32>,
      %get3A_474 = vector.shape_cast %get3A_473 : vector<1x16xf32> to vector<16xf32>
      %get3A_475 = arith.index_cast %add3A_445 : i32 to index
      %get3A_476 = arith.constant 16 : index
      %get3A_477 = tpu.vector_load %arg13[%get3A_475, %get3A_476] {strides = array<i32>} : memref<128x32xf32, #tpu.memory_space<vmem>>, vector<1x16xf32>,
      %get3A_478 = vector.shape_cast %get3A_477 : vector<1x16xf32> to vector<16xf32>
      %get3A_479 = arith.index_cast %add3A_447 : i32 to index
      %get3A_480 = arith.constant 16 : index
      %get3A_481 = tpu.vector_load %arg15[%get3A_479, %get3A_480] {strides = array<i32>} : memref<640x32xf32, #tpu.memory_space<vmem>>, vector<1x16xf32>,
      %get3A_482 = vector.shape_cast %get3A_481 : vector<1x16xf32> to vector<16xf32>
      %get3A_483 = arith.constant 1 : i64
      %get3A_484 = arith.index_cast %get3A_483 : i64 to index
      %get3A_485 = arith.constant 16 : index
      %get3A_486 = tpu.vector_load %arg16[%get3A_484, %get3A_485] {strides = array<i32>} : memref<2x32xf32, #tpu.memory_space<vmem>>, vector<1x16xf32>,
      %get3A_487 = vector.shape_cast %get3A_486 : vector<1x16xf32> to vector<16xf32>
      %add3A_488 = arith.addf %get3A_474, %get3A_478 : vector<16xf32>
      %mul3A_489 = arith.mulf %get3A_482, %add3A_488 : vector<16xf32>
      %add3A_490 = arith.addf %mul3A_489, %get3A_487 : vector<16xf32>
      %swap3A_491 = arith.index_cast %add3A_445 : i32 to index
      %swap3A_492 = arith.constant 16 : index
      %swap3A_493 = tpu.vector_load %arg12[%swap3A_491, %swap3A_492] {strides = array<i32>} : memref<128x32xf32, #tpu.memory_space<vmem>>, vector<1x16xf32>,
      %swap3A_494 = vector.shape_cast %swap3A_493 : vector<1x16xf32> to vector<16xf32>
      %swap3A_495 = vector.shape_cast %add3A_490 : vector<16xf32> to vector<1x16xf32>
      tpu.vector_store %arg12[%swap3A_491, %swap3A_492], %swap3A_495 {strides = array<i32>} : memref<128x32xf32, #tpu.memory_space<vmem>>, vector<1x16xf32>,
    }
    %while3A_392 = arith.constant 1 : i32
    scf.for %while3A_443 = %while3A_390 to %while3A_386 step %while3A_392  : i32 {
      %mul3A_444 = arith.muli %while3A_443, %while3A_382 : i32
      %add3A_445 = arith.addi %while3A_383, %mul3A_444 : i32
      %add3A_446 = arith.constant 256 : i32
      %add3A_447 = arith.addi %add3A_446, %add3A_445 : i32
      %get3A = arith.index_cast %add3A_445 : i32 to index
      %get3A_448 = arith.constant 0 : index
      %get3A_449 = tpu.vector_load %arg11[%get3A, %get3A_448] {strides = array<i32>} : memref<128x32xf32, #tpu.memory_space<vmem>>, vector<1x16xf32>,
      %get3A_450 = vector.shape_cast %get3A_449 : vector<1x16xf32> to vector<16xf32>
      %get3A_451 = arith.index_cast %add3A_445 : i32 to index
      %get3A_452 = arith.constant 0 : index
      %get3A_453 = tpu.vector_load %arg13[%get3A_451, %get3A_452] {strides = array<i32>} : memref<128x32xf32, #tpu.memory_space<vmem>>, vector<1x16xf32>,
      %get3A_454 = vector.shape_cast %get3A_453 : vector<1x16xf32> to vector<16xf32>
      %get3A_455 = arith.index_cast %add3A_447 : i32 to index
      %get3A_456 = arith.constant 0 : index
      %get3A_457 = tpu.vector_load %arg15[%get3A_455, %get3A_456] {strides = array<i32>} : memref<640x32xf32, #tpu.memory_space<vmem>>, vector<1x16xf32>,
      %get3A_458 = vector.shape_cast %get3A_457 : vector<1x16xf32> to vector<16xf32>
      %get3A_459 = arith.constant 1 : i64
      %get3A_460 = arith.index_cast %get3A_459 : i64 to index
      %get3A_461 = arith.constant 0 : index
      %get3A_462 = tpu.vector_load %arg16[%get3A_460, %get3A_461] {strides = array<i32>} : memref<2x32xf32, #tpu.memory_space<vmem>>, vector<1x16xf32>,
      %get3A_463 = vector.shape_cast %get3A_462 : vector<1x16xf32> to vector<16xf32>
      %add3A_464 = arith.addf %get3A_450, %get3A_454 : vector<16xf32>
      %mul3A_465 = arith.mulf %get3A_458, %add3A_464 : vector<16xf32>
      %add3A_466 = arith.addf %mul3A_465, %get3A_463 : vector<16xf32>
      %swap3A = arith.index_cast %add3A_445 : i32 to index
      %swap3A_467 = arith.constant 0 : index
      %swap3A_468 = tpu.vector_load %arg12[%swap3A, %swap3A_467] {strides = array<i32>} : memref<128x32xf32, #tpu.memory_space<vmem>>, vector<1x16xf32>,
      %swap3A_469 = vector.shape_cast %swap3A_468 : vector<1x16xf32> to vector<16xf32>
      %swap3A_470 = vector.shape_cast %add3A_466 : vector<16xf32> to vector<1x16xf32>
      tpu.vector_store %arg12[%swap3A, %swap3A_467], %swap3A_470 {strides = array<i32>} : memref<128x32xf32, #tpu.memory_space<vmem>>, vector<1x16xf32>,
      %get3A_471 = arith.index_cast %add3A_445 : i32 to index
      %get3A_472 = arith.constant 16 : index
      %get3A_473 = tpu.vector_load %arg11[%get3A_471, %get3A_472] {strides = array<i32>} : memref<128x32xf32, #tpu.memory_space<vmem>>, vector<1x16xf32>,
      %get3A_474 = vector.shape_cast %get3A_473 : vector<1x16xf32> to vector<16xf32>
      %get3A_475 = arith.index_cast %add3A_445 : i32 to index
      %get3A_476 = arith.constant 16 : index
      %get3A_477 = tpu.vector_load %arg13[%get3A_475, %get3A_476] {strides = array<i32>} : memref<128x32xf32, #tpu.memory_space<vmem>>, vector<1x16xf32>,
      %get3A_478 = vector.shape_cast %get3A_477 : vector<1x16xf32> to vector<16xf32>
      %get3A_479 = arith.index_cast %add3A_447 : i32 to index
      %get3A_480 = arith.constant 16 : index
      %get3A_481 = tpu.vector_load %arg15[%get3A_479, %get3A_480] {strides = array<i32>} : memref<640x32xf32, #tpu.memory_space<vmem>>, vector<1x16xf32>,
      %get3A_482 = vector.shape_cast %get3A_481 : vector<1x16xf32> to vector<16xf32>
      %get3A_483 = arith.constant 1 : i64
      %get3A_484 = arith.index_cast %get3A_483 : i64 to index
      %get3A_485 = arith.constant 16 : index
      %get3A_486 = tpu.vector_load %arg16[%get3A_484, %get3A_485] {strides = array<i32>} : memref<2x32xf32, #tpu.memory_space<vmem>>, vector<1x16xf32>,
      %get3A_487 = vector.shape_cast %get3A_486 : vector<1x16xf32> to vector<16xf32>
      %add3A_488 = arith.addf %get3A_474, %get3A_478 : vector<16xf32>
      %mul3A_489 = arith.mulf %get3A_482, %add3A_488 : vector<16xf32>
      %add3A_490 = arith.addf %mul3A_489, %get3A_487 : vector<16xf32>
      %swap3A_491 = arith.index_cast %add3A_445 : i32 to index
      %swap3A_492 = arith.constant 16 : index
      %swap3A_493 = tpu.vector_load %arg12[%swap3A_491, %swap3A_492] {strides = array<i32>} : memref<128x32xf32, #tpu.memory_space<vmem>>, vector<1x16xf32>,
      %swap3A_494 = vector.shape_cast %swap3A_493 : vector<1x16xf32> to vector<16xf32>
      %swap3A_495 = vector.shape_cast %add3A_490 : vector<16xf32> to vector<1x16xf32>
      tpu.vector_store %arg12[%swap3A_491, %swap3A_492], %swap3A_495 {strides = array<i32>} : memref<128x32xf32, #tpu.memory_space<vmem>>, vector<1x16xf32>,
    }
    %add3A_393 = arith.constant 256 : i32
    %add3A_394 = arith.addi %multiple_of3A_250, %add3A_393 : i32
    "tpu.region"() ({
      %run_scoped3A = tpu.sem_alloc : memref<!tpu.dma_semaphore, #tpu.memory_space<semaphore_mem>>
      %dma_start3A_443 = arith.constant 0 : i32
      %dma_start3A_444 = tpu.memref_slice %arg7[%add3A_394, %dma_start3A_443] : memref<40960x32xf32, #tpu.memory_space<hbm>> -> memref<128x32xf32, #tpu.memory_space<hbm>>
      %dma_start3A_445 = arith.constant 0 : i32
      %dma_start3A_446 = tpu.memref_slice %arg7[%add3A_394, %dma_start3A_445] : memref<40960x32xf32, #tpu.memory_space<hbm>> -> memref<128x32xf32, #tpu.memory_space<hbm>>
      tpu.enqueue_dma source(%arg12 : memref<128x32xf32, #tpu.memory_space<vmem>>) target(%dma_start3A_446 : memref<128x32xf32, #tpu.memory_space<hbm>>) target_semaphore(%run_scoped3A : memref<!tpu.dma_semaphore, #tpu.memory_space<semaphore_mem>>)
      %dma_wait3A = arith.constant 0 : i32
      %dma_wait3A_447 = tpu.memref_slice %arg7[%add3A_394, %dma_wait3A] : memref<40960x32xf32, #tpu.memory_space<hbm>> -> memref<128x32xf32, #tpu.memory_space<hbm>>
      %dma_wait3A_448 = arith.constant 0 : i32
      %dma_wait3A_449 = tpu.memref_slice %arg7[%add3A_394, %dma_wait3A_448] : memref<40960x32xf32, #tpu.memory_space<hbm>> -> memref<128x32xf32, #tpu.memory_space<hbm>>
      tpu.wait_dma2 semaphore(%run_scoped3A : memref<!tpu.dma_semaphore, #tpu.memory_space<semaphore_mem>>) src(%arg12 : memref<128x32xf32, #tpu.memory_space<vmem>>) dst(%dma_wait3A_449 : memref<128x32xf32, #tpu.memory_space<hbm>>)
      tpu.yield
    }) : () -> ()
    %add3A_395 = arith.constant 384 : i32
    %add3A_396 = arith.addi %multiple_of3A, %add3A_395 : i32
    "tpu.region"() ({
      %run_scoped3A = tpu.sem_alloc : memref<!tpu.dma_semaphore, #tpu.memory_space<semaphore_mem>>
      %dma_start3A_443 = arith.constant 0 : i32
      %dma_start3A_444 = tpu.memref_slice %arg17[%add3A_396, %dma_start3A_443] : memref<10240x32xf32, #tpu.memory_space<vmem_shared>> -> memref<128x32xf32, #tpu.memory_space<vmem_shared>>
      %dma_start3A_445 = arith.constant 0 : i32
      %dma_start3A_446 = tpu.memref_slice %arg17[%add3A_396, %dma_start3A_445] : memref<10240x32xf32, #tpu.memory_space<vmem_shared>> -> memref<128x32xf32, #tpu.memory_space<vmem_shared>>
      tpu.enqueue_dma source(%dma_start3A_446 : memref<128x32xf32, #tpu.memory_space<vmem_shared>>) target(%arg11 : memref<128x32xf32, #tpu.memory_space<vmem>>) target_semaphore(%run_scoped3A : memref<!tpu.dma_semaphore, #tpu.memory_space<semaphore_mem>>)
      %dma_wait3A = arith.constant 0 : i32
      %dma_wait3A_447 = tpu.memref_slice %arg17[%add3A_396, %dma_wait3A] : memref<10240x32xf32, #tpu.memory_space<vmem_shared>> -> memref<128x32xf32, #tpu.memory_space<vmem_shared>>
      %dma_wait3A_448 = arith.constant 0 : i32
      %dma_wait3A_449 = tpu.memref_slice %arg17[%add3A_396, %dma_wait3A_448] : memref<10240x32xf32, #tpu.memory_space<vmem_shared>> -> memref<128x32xf32, #tpu.memory_space<vmem_shared>>
      tpu.wait_dma2 semaphore(%run_scoped3A : memref<!tpu.dma_semaphore, #tpu.memory_space<semaphore_mem>>) src(%dma_wait3A_449 : memref<128x32xf32, #tpu.memory_space<vmem_shared>>) dst(%arg11 : memref<128x32xf32, #tpu.memory_space<vmem>>)
      tpu.yield
    }) : () -> ()
    "tpu.region"() ({
      %run_scoped3A = tpu.sem_alloc : memref<!tpu.dma_semaphore, #tpu.memory_space<semaphore_mem>>
      %dma_start3A_443 = arith.constant 0 : i32
      %dma_start3A_444 = tpu.memref_slice %arg18[%add3A_396, %dma_start3A_443] : memref<10240x32xf32, #tpu.memory_space<vmem_shared>> -> memref<128x32xf32, #tpu.memory_space<vmem_shared>>
      %dma_start3A_445 = arith.constant 0 : i32
      %dma_start3A_446 = tpu.memref_slice %arg18[%add3A_396, %dma_start3A_445] : memref<10240x32xf32, #tpu.memory_space<vmem_shared>> -> memref<128x32xf32, #tpu.memory_space<vmem_shared>>
      tpu.enqueue_dma source(%dma_start3A_446 : memref<128x32xf32, #tpu.memory_space<vmem_shared>>) target(%arg13 : memref<128x32xf32, #tpu.memory_space<vmem>>) target_semaphore(%run_scoped3A : memref<!tpu.dma_semaphore, #tpu.memory_space<semaphore_mem>>)
      %dma_wait3A = arith.constant 0 : i32
      %dma_wait3A_447 = tpu.memref_slice %arg18[%add3A_396, %dma_wait3A] : memref<10240x32xf32, #tpu.memory_space<vmem_shared>> -> memref<128x32xf32, #tpu.memory_space<vmem_shared>>
      %dma_wait3A_448 = arith.constant 0 : i32
      %dma_wait3A_449 = tpu.memref_slice %arg18[%add3A_396, %dma_wait3A_448] : memref<10240x32xf32, #tpu.memory_space<vmem_shared>> -> memref<128x32xf32, #tpu.memory_space<vmem_shared>>
      tpu.wait_dma2 semaphore(%run_scoped3A : memref<!tpu.dma_semaphore, #tpu.memory_space<semaphore_mem>>) src(%dma_wait3A_449 : memref<128x32xf32, #tpu.memory_space<vmem_shared>>) dst(%arg13 : memref<128x32xf32, #tpu.memory_space<vmem>>)
      tpu.yield
    }) : () -> ()
    %sub3A_397 = arith.constant 128 : i32
    %sub3A_398 = arith.constant 0 : i32
    %sub3A_399 = arith.subi %sub3A_397, %sub3A_398 : i32
    %sub3A_400 = arith.constant 1 : i32
    %sub3A_401 = arith.constant 1 : i32
    %sub3A_402 = arith.subi %sub3A_400, %sub3A_401 : i32
    %add3A_403 = arith.addi %sub3A_399, %sub3A_402 : i32
    %div3A_404 = arith.constant 1 : i32
    %div3A_405 = arith.divsi %add3A_403, %div3A_404 : i32
    %while3A_406 = arith.constant 1 : i32
    %while3A_407 = arith.constant 0 : i32
    %while3A_408 = arith.constant 0 : i32
    %while3A_409 = arith.subi %div3A_405, %while3A_408 : i32
    %while3A_410 = arith.addi %while3A_408, %while3A_409 : i32
    %while3A_411 = arith.constant 1 : i32
    %while3A_412 = arith.divsi %while3A_409, %while3A_411 : i32
    %while3A_413 = arith.muli %while3A_412, %while3A_411 : i32
    %while3A_414 = arith.addi %while3A_408, %while3A_413 : i32
    %while3A_415 = arith.constant 1 : i32
    scf.for %while3A_443 = %while3A_408 to %while3A_414 step %while3A_415  : i32 {
      %mul3A_444 = arith.muli %while3A_443, %while3A_406 : i32
      %add3A_445 = arith.addi %while3A_407, %mul3A_444 : i32
      %add3A_446 = arith.constant 384 : i32
      %add3A_447 = arith.addi %add3A_446, %add3A_445 : i32
      %get3A = arith.index_cast %add3A_445 : i32 to index
      %get3A_448 = arith.constant 0 : index
      %get3A_449 = tpu.vector_load %arg11[%get3A, %get3A_448] {strides = array<i32>} : memref<128x32xf32, #tpu.memory_space<vmem>>, vector<1x16xf32>,
      %get3A_450 = vector.shape_cast %get3A_449 : vector<1x16xf32> to vector<16xf32>
      %get3A_451 = arith.index_cast %add3A_445 : i32 to index
      %get3A_452 = arith.constant 0 : index
      %get3A_453 = tpu.vector_load %arg13[%get3A_451, %get3A_452] {strides = array<i32>} : memref<128x32xf32, #tpu.memory_space<vmem>>, vector<1x16xf32>,
      %get3A_454 = vector.shape_cast %get3A_453 : vector<1x16xf32> to vector<16xf32>
      %get3A_455 = arith.index_cast %add3A_447 : i32 to index
      %get3A_456 = arith.constant 0 : index
      %get3A_457 = tpu.vector_load %arg15[%get3A_455, %get3A_456] {strides = array<i32>} : memref<640x32xf32, #tpu.memory_space<vmem>>, vector<1x16xf32>,
      %get3A_458 = vector.shape_cast %get3A_457 : vector<1x16xf32> to vector<16xf32>
      %get3A_459 = arith.constant 1 : i64
      %get3A_460 = arith.index_cast %get3A_459 : i64 to index
      %get3A_461 = arith.constant 0 : index
      %get3A_462 = tpu.vector_load %arg16[%get3A_460, %get3A_461] {strides = array<i32>} : memref<2x32xf32, #tpu.memory_space<vmem>>, vector<1x16xf32>,
      %get3A_463 = vector.shape_cast %get3A_462 : vector<1x16xf32> to vector<16xf32>
      %add3A_464 = arith.addf %get3A_450, %get3A_454 : vector<16xf32>
      %mul3A_465 = arith.mulf %get3A_458, %add3A_464 : vector<16xf32>
      %add3A_466 = arith.addf %mul3A_465, %get3A_463 : vector<16xf32>
      %swap3A = arith.index_cast %add3A_445 : i32 to index
      %swap3A_467 = arith.constant 0 : index
      %swap3A_468 = tpu.vector_load %arg12[%swap3A, %swap3A_467] {strides = array<i32>} : memref<128x32xf32, #tpu.memory_space<vmem>>, vector<1x16xf32>,
      %swap3A_469 = vector.shape_cast %swap3A_468 : vector<1x16xf32> to vector<16xf32>
      %swap3A_470 = vector.shape_cast %add3A_466 : vector<16xf32> to vector<1x16xf32>
      tpu.vector_store %arg12[%swap3A, %swap3A_467], %swap3A_470 {strides = array<i32>} : memref<128x32xf32, #tpu.memory_space<vmem>>, vector<1x16xf32>,
      %get3A_471 = arith.index_cast %add3A_445 : i32 to index
      %get3A_472 = arith.constant 16 : index
      %get3A_473 = tpu.vector_load %arg11[%get3A_471, %get3A_472] {strides = array<i32>} : memref<128x32xf32, #tpu.memory_space<vmem>>, vector<1x16xf32>,
      %get3A_474 = vector.shape_cast %get3A_473 : vector<1x16xf32> to vector<16xf32>
      %get3A_475 = arith.index_cast %add3A_445 : i32 to index
      %get3A_476 = arith.constant 16 : index
      %get3A_477 = tpu.vector_load %arg13[%get3A_475, %get3A_476] {strides = array<i32>} : memref<128x32xf32, #tpu.memory_space<vmem>>, vector<1x16xf32>,
      %get3A_478 = vector.shape_cast %get3A_477 : vector<1x16xf32> to vector<16xf32>
      %get3A_479 = arith.index_cast %add3A_447 : i32 to index
      %get3A_480 = arith.constant 16 : index
      %get3A_481 = tpu.vector_load %arg15[%get3A_479, %get3A_480] {strides = array<i32>} : memref<640x32xf32, #tpu.memory_space<vmem>>, vector<1x16xf32>,
      %get3A_482 = vector.shape_cast %get3A_481 : vector<1x16xf32> to vector<16xf32>
      %get3A_483 = arith.constant 1 : i64
      %get3A_484 = arith.index_cast %get3A_483 : i64 to index
      %get3A_485 = arith.constant 16 : index
      %get3A_486 = tpu.vector_load %arg16[%get3A_484, %get3A_485] {strides = array<i32>} : memref<2x32xf32, #tpu.memory_space<vmem>>, vector<1x16xf32>,
      %get3A_487 = vector.shape_cast %get3A_486 : vector<1x16xf32> to vector<16xf32>
      %add3A_488 = arith.addf %get3A_474, %get3A_478 : vector<16xf32>
      %mul3A_489 = arith.mulf %get3A_482, %add3A_488 : vector<16xf32>
      %add3A_490 = arith.addf %mul3A_489, %get3A_487 : vector<16xf32>
      %swap3A_491 = arith.index_cast %add3A_445 : i32 to index
      %swap3A_492 = arith.constant 16 : index
      %swap3A_493 = tpu.vector_load %arg12[%swap3A_491, %swap3A_492] {strides = array<i32>} : memref<128x32xf32, #tpu.memory_space<vmem>>, vector<1x16xf32>,
      %swap3A_494 = vector.shape_cast %swap3A_493 : vector<1x16xf32> to vector<16xf32>
      %swap3A_495 = vector.shape_cast %add3A_490 : vector<16xf32> to vector<1x16xf32>
      tpu.vector_store %arg12[%swap3A_491, %swap3A_492], %swap3A_495 {strides = array<i32>} : memref<128x32xf32, #tpu.memory_space<vmem>>, vector<1x16xf32>,
    }
    %while3A_416 = arith.constant 1 : i32
    scf.for %while3A_443 = %while3A_414 to %while3A_410 step %while3A_416  : i32 {
      %mul3A_444 = arith.muli %while3A_443, %while3A_406 : i32
      %add3A_445 = arith.addi %while3A_407, %mul3A_444 : i32
      %add3A_446 = arith.constant 384 : i32
      %add3A_447 = arith.addi %add3A_446, %add3A_445 : i32
      %get3A = arith.index_cast %add3A_445 : i32 to index
      %get3A_448 = arith.constant 0 : index
      %get3A_449 = tpu.vector_load %arg11[%get3A, %get3A_448] {strides = array<i32>} : memref<128x32xf32, #tpu.memory_space<vmem>>, vector<1x16xf32>,
      %get3A_450 = vector.shape_cast %get3A_449 : vector<1x16xf32> to vector<16xf32>
      %get3A_451 = arith.index_cast %add3A_445 : i32 to index
      %get3A_452 = arith.constant 0 : index
      %get3A_453 = tpu.vector_load %arg13[%get3A_451, %get3A_452] {strides = array<i32>} : memref<128x32xf32, #tpu.memory_space<vmem>>, vector<1x16xf32>,
      %get3A_454 = vector.shape_cast %get3A_453 : vector<1x16xf32> to vector<16xf32>
      %get3A_455 = arith.index_cast %add3A_447 : i32 to index
      %get3A_456 = arith.constant 0 : index
      %get3A_457 = tpu.vector_load %arg15[%get3A_455, %get3A_456] {strides = array<i32>} : memref<640x32xf32, #tpu.memory_space<vmem>>, vector<1x16xf32>,
      %get3A_458 = vector.shape_cast %get3A_457 : vector<1x16xf32> to vector<16xf32>
      %get3A_459 = arith.constant 1 : i64
      %get3A_460 = arith.index_cast %get3A_459 : i64 to index
      %get3A_461 = arith.constant 0 : index
      %get3A_462 = tpu.vector_load %arg16[%get3A_460, %get3A_461] {strides = array<i32>} : memref<2x32xf32, #tpu.memory_space<vmem>>, vector<1x16xf32>,
      %get3A_463 = vector.shape_cast %get3A_462 : vector<1x16xf32> to vector<16xf32>
      %add3A_464 = arith.addf %get3A_450, %get3A_454 : vector<16xf32>
      %mul3A_465 = arith.mulf %get3A_458, %add3A_464 : vector<16xf32>
      %add3A_466 = arith.addf %mul3A_465, %get3A_463 : vector<16xf32>
      %swap3A = arith.index_cast %add3A_445 : i32 to index
      %swap3A_467 = arith.constant 0 : index
      %swap3A_468 = tpu.vector_load %arg12[%swap3A, %swap3A_467] {strides = array<i32>} : memref<128x32xf32, #tpu.memory_space<vmem>>, vector<1x16xf32>,
      %swap3A_469 = vector.shape_cast %swap3A_468 : vector<1x16xf32> to vector<16xf32>
      %swap3A_470 = vector.shape_cast %add3A_466 : vector<16xf32> to vector<1x16xf32>
      tpu.vector_store %arg12[%swap3A, %swap3A_467], %swap3A_470 {strides = array<i32>} : memref<128x32xf32, #tpu.memory_space<vmem>>, vector<1x16xf32>,
      %get3A_471 = arith.index_cast %add3A_445 : i32 to index
      %get3A_472 = arith.constant 16 : index
      %get3A_473 = tpu.vector_load %arg11[%get3A_471, %get3A_472] {strides = array<i32>} : memref<128x32xf32, #tpu.memory_space<vmem>>, vector<1x16xf32>,
      %get3A_474 = vector.shape_cast %get3A_473 : vector<1x16xf32> to vector<16xf32>
      %get3A_475 = arith.index_cast %add3A_445 : i32 to index
      %get3A_476 = arith.constant 16 : index
      %get3A_477 = tpu.vector_load %arg13[%get3A_475, %get3A_476] {strides = array<i32>} : memref<128x32xf32, #tpu.memory_space<vmem>>, vector<1x16xf32>,
      %get3A_478 = vector.shape_cast %get3A_477 : vector<1x16xf32> to vector<16xf32>
      %get3A_479 = arith.index_cast %add3A_447 : i32 to index
      %get3A_480 = arith.constant 16 : index
      %get3A_481 = tpu.vector_load %arg15[%get3A_479, %get3A_480] {strides = array<i32>} : memref<640x32xf32, #tpu.memory_space<vmem>>, vector<1x16xf32>,
      %get3A_482 = vector.shape_cast %get3A_481 : vector<1x16xf32> to vector<16xf32>
      %get3A_483 = arith.constant 1 : i64
      %get3A_484 = arith.index_cast %get3A_483 : i64 to index
      %get3A_485 = arith.constant 16 : index
      %get3A_486 = tpu.vector_load %arg16[%get3A_484, %get3A_485] {strides = array<i32>} : memref<2x32xf32, #tpu.memory_space<vmem>>, vector<1x16xf32>,
      %get3A_487 = vector.shape_cast %get3A_486 : vector<1x16xf32> to vector<16xf32>
      %add3A_488 = arith.addf %get3A_474, %get3A_478 : vector<16xf32>
      %mul3A_489 = arith.mulf %get3A_482, %add3A_488 : vector<16xf32>
      %add3A_490 = arith.addf %mul3A_489, %get3A_487 : vector<16xf32>
      %swap3A_491 = arith.index_cast %add3A_445 : i32 to index
      %swap3A_492 = arith.constant 16 : index
      %swap3A_493 = tpu.vector_load %arg12[%swap3A_491, %swap3A_492] {strides = array<i32>} : memref<128x32xf32, #tpu.memory_space<vmem>>, vector<1x16xf32>,
      %swap3A_494 = vector.shape_cast %swap3A_493 : vector<1x16xf32> to vector<16xf32>
      %swap3A_495 = vector.shape_cast %add3A_490 : vector<16xf32> to vector<1x16xf32>
      tpu.vector_store %arg12[%swap3A_491, %swap3A_492], %swap3A_495 {strides = array<i32>} : memref<128x32xf32, #tpu.memory_space<vmem>>, vector<1x16xf32>,
    }
    %add3A_417 = arith.constant 384 : i32
    %add3A_418 = arith.addi %multiple_of3A_250, %add3A_417 : i32
    "tpu.region"() ({
      %run_scoped3A = tpu.sem_alloc : memref<!tpu.dma_semaphore, #tpu.memory_space<semaphore_mem>>
      %dma_start3A_443 = arith.constant 0 : i32
      %dma_start3A_444 = tpu.memref_slice %arg7[%add3A_418, %dma_start3A_443] : memref<40960x32xf32, #tpu.memory_space<hbm>> -> memref<128x32xf32, #tpu.memory_space<hbm>>
      %dma_start3A_445 = arith.constant 0 : i32
      %dma_start3A_446 = tpu.memref_slice %arg7[%add3A_418, %dma_start3A_445] : memref<40960x32xf32, #tpu.memory_space<hbm>> -> memref<128x32xf32, #tpu.memory_space<hbm>>
      tpu.enqueue_dma source(%arg12 : memref<128x32xf32, #tpu.memory_space<vmem>>) target(%dma_start3A_446 : memref<128x32xf32, #tpu.memory_space<hbm>>) target_semaphore(%run_scoped3A : memref<!tpu.dma_semaphore, #tpu.memory_space<semaphore_mem>>)
      %dma_wait3A = arith.constant 0 : i32
      %dma_wait3A_447 = tpu.memref_slice %arg7[%add3A_418, %dma_wait3A] : memref<40960x32xf32, #tpu.memory_space<hbm>> -> memref<128x32xf32, #tpu.memory_space<hbm>>
      %dma_wait3A_448 = arith.constant 0 : i32
      %dma_wait3A_449 = tpu.memref_slice %arg7[%add3A_418, %dma_wait3A_448] : memref<40960x32xf32, #tpu.memory_space<hbm>> -> memref<128x32xf32, #tpu.memory_space<hbm>>
      tpu.wait_dma2 semaphore(%run_scoped3A : memref<!tpu.dma_semaphore, #tpu.memory_space<semaphore_mem>>) src(%arg12 : memref<128x32xf32, #tpu.memory_space<vmem>>) dst(%dma_wait3A_449 : memref<128x32xf32, #tpu.memory_space<hbm>>)
      tpu.yield
    }) : () -> ()
    %add3A_419 = arith.constant 512 : i32
    %add3A_420 = arith.addi %multiple_of3A, %add3A_419 : i32
    "tpu.region"() ({
      %run_scoped3A = tpu.sem_alloc : memref<!tpu.dma_semaphore, #tpu.memory_space<semaphore_mem>>
      %dma_start3A_443 = arith.constant 0 : i32
      %dma_start3A_444 = tpu.memref_slice %arg17[%add3A_420, %dma_start3A_443] : memref<10240x32xf32, #tpu.memory_space<vmem_shared>> -> memref<128x32xf32, #tpu.memory_space<vmem_shared>>
      %dma_start3A_445 = arith.constant 0 : i32
      %dma_start3A_446 = tpu.memref_slice %arg17[%add3A_420, %dma_start3A_445] : memref<10240x32xf32, #tpu.memory_space<vmem_shared>> -> memref<128x32xf32, #tpu.memory_space<vmem_shared>>
      tpu.enqueue_dma source(%dma_start3A_446 : memref<128x32xf32, #tpu.memory_space<vmem_shared>>) target(%arg11 : memref<128x32xf32, #tpu.memory_space<vmem>>) target_semaphore(%run_scoped3A : memref<!tpu.dma_semaphore, #tpu.memory_space<semaphore_mem>>)
      %dma_wait3A = arith.constant 0 : i32
      %dma_wait3A_447 = tpu.memref_slice %arg17[%add3A_420, %dma_wait3A] : memref<10240x32xf32, #tpu.memory_space<vmem_shared>> -> memref<128x32xf32, #tpu.memory_space<vmem_shared>>
      %dma_wait3A_448 = arith.constant 0 : i32
      %dma_wait3A_449 = tpu.memref_slice %arg17[%add3A_420, %dma_wait3A_448] : memref<10240x32xf32, #tpu.memory_space<vmem_shared>> -> memref<128x32xf32, #tpu.memory_space<vmem_shared>>
      tpu.wait_dma2 semaphore(%run_scoped3A : memref<!tpu.dma_semaphore, #tpu.memory_space<semaphore_mem>>) src(%dma_wait3A_449 : memref<128x32xf32, #tpu.memory_space<vmem_shared>>) dst(%arg11 : memref<128x32xf32, #tpu.memory_space<vmem>>)
      tpu.yield
    }) : () -> ()
    "tpu.region"() ({
      %run_scoped3A = tpu.sem_alloc : memref<!tpu.dma_semaphore, #tpu.memory_space<semaphore_mem>>
      %dma_start3A_443 = arith.constant 0 : i32
      %dma_start3A_444 = tpu.memref_slice %arg18[%add3A_420, %dma_start3A_443] : memref<10240x32xf32, #tpu.memory_space<vmem_shared>> -> memref<128x32xf32, #tpu.memory_space<vmem_shared>>
      %dma_start3A_445 = arith.constant 0 : i32
      %dma_start3A_446 = tpu.memref_slice %arg18[%add3A_420, %dma_start3A_445] : memref<10240x32xf32, #tpu.memory_space<vmem_shared>> -> memref<128x32xf32, #tpu.memory_space<vmem_shared>>
      tpu.enqueue_dma source(%dma_start3A_446 : memref<128x32xf32, #tpu.memory_space<vmem_shared>>) target(%arg13 : memref<128x32xf32, #tpu.memory_space<vmem>>) target_semaphore(%run_scoped3A : memref<!tpu.dma_semaphore, #tpu.memory_space<semaphore_mem>>)
      %dma_wait3A = arith.constant 0 : i32
      %dma_wait3A_447 = tpu.memref_slice %arg18[%add3A_420, %dma_wait3A] : memref<10240x32xf32, #tpu.memory_space<vmem_shared>> -> memref<128x32xf32, #tpu.memory_space<vmem_shared>>
      %dma_wait3A_448 = arith.constant 0 : i32
      %dma_wait3A_449 = tpu.memref_slice %arg18[%add3A_420, %dma_wait3A_448] : memref<10240x32xf32, #tpu.memory_space<vmem_shared>> -> memref<128x32xf32, #tpu.memory_space<vmem_shared>>
      tpu.wait_dma2 semaphore(%run_scoped3A : memref<!tpu.dma_semaphore, #tpu.memory_space<semaphore_mem>>) src(%dma_wait3A_449 : memref<128x32xf32, #tpu.memory_space<vmem_shared>>) dst(%arg13 : memref<128x32xf32, #tpu.memory_space<vmem>>)
      tpu.yield
    }) : () -> ()
    %sub3A_421 = arith.constant 128 : i32
    %sub3A_422 = arith.constant 0 : i32
    %sub3A_423 = arith.subi %sub3A_421, %sub3A_422 : i32
    %sub3A_424 = arith.constant 1 : i32
    %sub3A_425 = arith.constant 1 : i32
    %sub3A_426 = arith.subi %sub3A_424, %sub3A_425 : i32
    %add3A_427 = arith.addi %sub3A_423, %sub3A_426 : i32
    %div3A_428 = arith.constant 1 : i32
    %div3A_429 = arith.divsi %add3A_427, %div3A_428 : i32
    %while3A_430 = arith.constant 1 : i32
    %while3A_431 = arith.constant 0 : i32
    %while3A_432 = arith.constant 0 : i32
    %while3A_433 = arith.subi %div3A_429, %while3A_432 : i32
    %while3A_434 = arith.addi %while3A_432, %while3A_433 : i32
    %while3A_435 = arith.constant 1 : i32
    %while3A_436 = arith.divsi %while3A_433, %while3A_435 : i32
    %while3A_437 = arith.muli %while3A_436, %while3A_435 : i32
    %while3A_438 = arith.addi %while3A_432, %while3A_437 : i32
    %while3A_439 = arith.constant 1 : i32
    scf.for %while3A_443 = %while3A_432 to %while3A_438 step %while3A_439  : i32 {
      %mul3A_444 = arith.muli %while3A_443, %while3A_430 : i32
      %add3A_445 = arith.addi %while3A_431, %mul3A_444 : i32
      %add3A_446 = arith.constant 512 : i32
      %add3A_447 = arith.addi %add3A_446, %add3A_445 : i32
      %get3A = arith.index_cast %add3A_445 : i32 to index
      %get3A_448 = arith.constant 0 : index
      %get3A_449 = tpu.vector_load %arg11[%get3A, %get3A_448] {strides = array<i32>} : memref<128x32xf32, #tpu.memory_space<vmem>>, vector<1x16xf32>,
      %get3A_450 = vector.shape_cast %get3A_449 : vector<1x16xf32> to vector<16xf32>
      %get3A_451 = arith.index_cast %add3A_445 : i32 to index
      %get3A_452 = arith.constant 0 : index
      %get3A_453 = tpu.vector_load %arg13[%get3A_451, %get3A_452] {strides = array<i32>} : memref<128x32xf32, #tpu.memory_space<vmem>>, vector<1x16xf32>,
      %get3A_454 = vector.shape_cast %get3A_453 : vector<1x16xf32> to vector<16xf32>
      %get3A_455 = arith.index_cast %add3A_447 : i32 to index
      %get3A_456 = arith.constant 0 : index
      %get3A_457 = tpu.vector_load %arg15[%get3A_455, %get3A_456] {strides = array<i32>} : memref<640x32xf32, #tpu.memory_space<vmem>>, vector<1x16xf32>,
      %get3A_458 = vector.shape_cast %get3A_457 : vector<1x16xf32> to vector<16xf32>
      %get3A_459 = arith.constant 1 : i64
      %get3A_460 = arith.index_cast %get3A_459 : i64 to index
      %get3A_461 = arith.constant 0 : index
      %get3A_462 = tpu.vector_load %arg16[%get3A_460, %get3A_461] {strides = array<i32>} : memref<2x32xf32, #tpu.memory_space<vmem>>, vector<1x16xf32>,
      %get3A_463 = vector.shape_cast %get3A_462 : vector<1x16xf32> to vector<16xf32>
      %add3A_464 = arith.addf %get3A_450, %get3A_454 : vector<16xf32>
      %mul3A_465 = arith.mulf %get3A_458, %add3A_464 : vector<16xf32>
      %add3A_466 = arith.addf %mul3A_465, %get3A_463 : vector<16xf32>
      %swap3A = arith.index_cast %add3A_445 : i32 to index
      %swap3A_467 = arith.constant 0 : index
      %swap3A_468 = tpu.vector_load %arg12[%swap3A, %swap3A_467] {strides = array<i32>} : memref<128x32xf32, #tpu.memory_space<vmem>>, vector<1x16xf32>,
      %swap3A_469 = vector.shape_cast %swap3A_468 : vector<1x16xf32> to vector<16xf32>
      %swap3A_470 = vector.shape_cast %add3A_466 : vector<16xf32> to vector<1x16xf32>
      tpu.vector_store %arg12[%swap3A, %swap3A_467], %swap3A_470 {strides = array<i32>} : memref<128x32xf32, #tpu.memory_space<vmem>>, vector<1x16xf32>,
      %get3A_471 = arith.index_cast %add3A_445 : i32 to index
      %get3A_472 = arith.constant 16 : index
      %get3A_473 = tpu.vector_load %arg11[%get3A_471, %get3A_472] {strides = array<i32>} : memref<128x32xf32, #tpu.memory_space<vmem>>, vector<1x16xf32>,
      %get3A_474 = vector.shape_cast %get3A_473 : vector<1x16xf32> to vector<16xf32>
      %get3A_475 = arith.index_cast %add3A_445 : i32 to index
      %get3A_476 = arith.constant 16 : index
      %get3A_477 = tpu.vector_load %arg13[%get3A_475, %get3A_476] {strides = array<i32>} : memref<128x32xf32, #tpu.memory_space<vmem>>, vector<1x16xf32>,
      %get3A_478 = vector.shape_cast %get3A_477 : vector<1x16xf32> to vector<16xf32>
      %get3A_479 = arith.index_cast %add3A_447 : i32 to index
      %get3A_480 = arith.constant 16 : index
      %get3A_481 = tpu.vector_load %arg15[%get3A_479, %get3A_480] {strides = array<i32>} : memref<640x32xf32, #tpu.memory_space<vmem>>, vector<1x16xf32>,
      %get3A_482 = vector.shape_cast %get3A_481 : vector<1x16xf32> to vector<16xf32>
      %get3A_483 = arith.constant 1 : i64
      %get3A_484 = arith.index_cast %get3A_483 : i64 to index
      %get3A_485 = arith.constant 16 : index
      %get3A_486 = tpu.vector_load %arg16[%get3A_484, %get3A_485] {strides = array<i32>} : memref<2x32xf32, #tpu.memory_space<vmem>>, vector<1x16xf32>,
      %get3A_487 = vector.shape_cast %get3A_486 : vector<1x16xf32> to vector<16xf32>
      %add3A_488 = arith.addf %get3A_474, %get3A_478 : vector<16xf32>
      %mul3A_489 = arith.mulf %get3A_482, %add3A_488 : vector<16xf32>
      %add3A_490 = arith.addf %mul3A_489, %get3A_487 : vector<16xf32>
      %swap3A_491 = arith.index_cast %add3A_445 : i32 to index
      %swap3A_492 = arith.constant 16 : index
      %swap3A_493 = tpu.vector_load %arg12[%swap3A_491, %swap3A_492] {strides = array<i32>} : memref<128x32xf32, #tpu.memory_space<vmem>>, vector<1x16xf32>,
      %swap3A_494 = vector.shape_cast %swap3A_493 : vector<1x16xf32> to vector<16xf32>
      %swap3A_495 = vector.shape_cast %add3A_490 : vector<16xf32> to vector<1x16xf32>
      tpu.vector_store %arg12[%swap3A_491, %swap3A_492], %swap3A_495 {strides = array<i32>} : memref<128x32xf32, #tpu.memory_space<vmem>>, vector<1x16xf32>,
    }
    %while3A_440 = arith.constant 1 : i32
    scf.for %while3A_443 = %while3A_438 to %while3A_434 step %while3A_440  : i32 {
      %mul3A_444 = arith.muli %while3A_443, %while3A_430 : i32
      %add3A_445 = arith.addi %while3A_431, %mul3A_444 : i32
      %add3A_446 = arith.constant 512 : i32
      %add3A_447 = arith.addi %add3A_446, %add3A_445 : i32
      %get3A = arith.index_cast %add3A_445 : i32 to index
      %get3A_448 = arith.constant 0 : index
      %get3A_449 = tpu.vector_load %arg11[%get3A, %get3A_448] {strides = array<i32>} : memref<128x32xf32, #tpu.memory_space<vmem>>, vector<1x16xf32>,
      %get3A_450 = vector.shape_cast %get3A_449 : vector<1x16xf32> to vector<16xf32>
      %get3A_451 = arith.index_cast %add3A_445 : i32 to index
      %get3A_452 = arith.constant 0 : index
      %get3A_453 = tpu.vector_load %arg13[%get3A_451, %get3A_452] {strides = array<i32>} : memref<128x32xf32, #tpu.memory_space<vmem>>, vector<1x16xf32>,
      %get3A_454 = vector.shape_cast %get3A_453 : vector<1x16xf32> to vector<16xf32>
      %get3A_455 = arith.index_cast %add3A_447 : i32 to index
      %get3A_456 = arith.constant 0 : index
      %get3A_457 = tpu.vector_load %arg15[%get3A_455, %get3A_456] {strides = array<i32>} : memref<640x32xf32, #tpu.memory_space<vmem>>, vector<1x16xf32>,
      %get3A_458 = vector.shape_cast %get3A_457 : vector<1x16xf32> to vector<16xf32>
      %get3A_459 = arith.constant 1 : i64
      %get3A_460 = arith.index_cast %get3A_459 : i64 to index
      %get3A_461 = arith.constant 0 : index
      %get3A_462 = tpu.vector_load %arg16[%get3A_460, %get3A_461] {strides = array<i32>} : memref<2x32xf32, #tpu.memory_space<vmem>>, vector<1x16xf32>,
      %get3A_463 = vector.shape_cast %get3A_462 : vector<1x16xf32> to vector<16xf32>
      %add3A_464 = arith.addf %get3A_450, %get3A_454 : vector<16xf32>
      %mul3A_465 = arith.mulf %get3A_458, %add3A_464 : vector<16xf32>
      %add3A_466 = arith.addf %mul3A_465, %get3A_463 : vector<16xf32>
      %swap3A = arith.index_cast %add3A_445 : i32 to index
      %swap3A_467 = arith.constant 0 : index
      %swap3A_468 = tpu.vector_load %arg12[%swap3A, %swap3A_467] {strides = array<i32>} : memref<128x32xf32, #tpu.memory_space<vmem>>, vector<1x16xf32>,
      %swap3A_469 = vector.shape_cast %swap3A_468 : vector<1x16xf32> to vector<16xf32>
      %swap3A_470 = vector.shape_cast %add3A_466 : vector<16xf32> to vector<1x16xf32>
      tpu.vector_store %arg12[%swap3A, %swap3A_467], %swap3A_470 {strides = array<i32>} : memref<128x32xf32, #tpu.memory_space<vmem>>, vector<1x16xf32>,
      %get3A_471 = arith.index_cast %add3A_445 : i32 to index
      %get3A_472 = arith.constant 16 : index
      %get3A_473 = tpu.vector_load %arg11[%get3A_471, %get3A_472] {strides = array<i32>} : memref<128x32xf32, #tpu.memory_space<vmem>>, vector<1x16xf32>,
      %get3A_474 = vector.shape_cast %get3A_473 : vector<1x16xf32> to vector<16xf32>
      %get3A_475 = arith.index_cast %add3A_445 : i32 to index
      %get3A_476 = arith.constant 16 : index
      %get3A_477 = tpu.vector_load %arg13[%get3A_475, %get3A_476] {strides = array<i32>} : memref<128x32xf32, #tpu.memory_space<vmem>>, vector<1x16xf32>,
      %get3A_478 = vector.shape_cast %get3A_477 : vector<1x16xf32> to vector<16xf32>
      %get3A_479 = arith.index_cast %add3A_447 : i32 to index
      %get3A_480 = arith.constant 16 : index
      %get3A_481 = tpu.vector_load %arg15[%get3A_479, %get3A_480] {strides = array<i32>} : memref<640x32xf32, #tpu.memory_space<vmem>>, vector<1x16xf32>,
      %get3A_482 = vector.shape_cast %get3A_481 : vector<1x16xf32> to vector<16xf32>
      %get3A_483 = arith.constant 1 : i64
      %get3A_484 = arith.index_cast %get3A_483 : i64 to index
      %get3A_485 = arith.constant 16 : index
      %get3A_486 = tpu.vector_load %arg16[%get3A_484, %get3A_485] {strides = array<i32>} : memref<2x32xf32, #tpu.memory_space<vmem>>, vector<1x16xf32>,
      %get3A_487 = vector.shape_cast %get3A_486 : vector<1x16xf32> to vector<16xf32>
      %add3A_488 = arith.addf %get3A_474, %get3A_478 : vector<16xf32>
      %mul3A_489 = arith.mulf %get3A_482, %add3A_488 : vector<16xf32>
      %add3A_490 = arith.addf %mul3A_489, %get3A_487 : vector<16xf32>
      %swap3A_491 = arith.index_cast %add3A_445 : i32 to index
      %swap3A_492 = arith.constant 16 : index
      %swap3A_493 = tpu.vector_load %arg12[%swap3A_491, %swap3A_492] {strides = array<i32>} : memref<128x32xf32, #tpu.memory_space<vmem>>, vector<1x16xf32>,
      %swap3A_494 = vector.shape_cast %swap3A_493 : vector<1x16xf32> to vector<16xf32>
      %swap3A_495 = vector.shape_cast %add3A_490 : vector<16xf32> to vector<1x16xf32>
      tpu.vector_store %arg12[%swap3A_491, %swap3A_492], %swap3A_495 {strides = array<i32>} : memref<128x32xf32, #tpu.memory_space<vmem>>, vector<1x16xf32>,
    }
    %add3A_441 = arith.constant 512 : i32
    %add3A_442 = arith.addi %multiple_of3A_250, %add3A_441 : i32
    "tpu.region"() ({
      %run_scoped3A = tpu.sem_alloc : memref<!tpu.dma_semaphore, #tpu.memory_space<semaphore_mem>>
      %dma_start3A_443 = arith.constant 0 : i32
      %dma_start3A_444 = tpu.memref_slice %arg7[%add3A_442, %dma_start3A_443] : memref<40960x32xf32, #tpu.memory_space<hbm>> -> memref<128x32xf32, #tpu.memory_space<hbm>>
      %dma_start3A_445 = arith.constant 0 : i32
      %dma_start3A_446 = tpu.memref_slice %arg7[%add3A_442, %dma_start3A_445] : memref<40960x32xf32, #tpu.memory_space<hbm>> -> memref<128x32xf32, #tpu.memory_space<hbm>>
      tpu.enqueue_dma source(%arg12 : memref<128x32xf32, #tpu.memory_space<vmem>>) target(%dma_start3A_446 : memref<128x32xf32, #tpu.memory_space<hbm>>) target_semaphore(%run_scoped3A : memref<!tpu.dma_semaphore, #tpu.memory_space<semaphore_mem>>)
      %dma_wait3A = arith.constant 0 : i32
      %dma_wait3A_447 = tpu.memref_slice %arg7[%add3A_442, %dma_wait3A] : memref<40960x32xf32, #tpu.memory_space<hbm>> -> memref<128x32xf32, #tpu.memory_space<hbm>>
      %dma_wait3A_448 = arith.constant 0 : i32
      %dma_wait3A_449 = tpu.memref_slice %arg7[%add3A_442, %dma_wait3A_448] : memref<40960x32xf32, #tpu.memory_space<hbm>> -> memref<128x32xf32, #tpu.memory_space<hbm>>
      tpu.wait_dma2 semaphore(%run_scoped3A : memref<!tpu.dma_semaphore, #tpu.memory_space<semaphore_mem>>) src(%arg12 : memref<128x32xf32, #tpu.memory_space<vmem>>) dst(%dma_wait3A_449 : memref<128x32xf32, #tpu.memory_space<hbm>>)
      tpu.yield
    }) : () -> ()
    return
  }
}

module attributes {stable_mosaic.version = 14 : i64} {
  func.func @_tc1a_body(%arg0: memref<10240x128xf32, #tpu.memory_space<vmem>>, %arg1: memref<128x64xf32, #tpu.memory_space<vmem>>, %arg2: memref<10240x64xf32, #tpu.memory_space<vmem>>) attributes {dimension_semantics = [], scalar_prefetch = 0 : i64, scratch_operands = 0 : i64, tpu.core_type = #tpu.core_type<tc>} {
    %get3A = arith.constant 0 : index
    %get3A_0 = arith.constant 0 : index
    %get3A_1 = vector.load %arg0[%get3A, %get3A_0] : memref<10240x128xf32, #tpu.memory_space<vmem>>, vector<10240x128xf32>
    %get3A_2 = arith.constant 0 : index
    %get3A_3 = arith.constant 0 : index
    %get3A_4 = vector.load %arg1[%get3A_2, %get3A_3] : memref<128x64xf32, #tpu.memory_space<vmem>>, vector<128x64xf32>
    %dot_general3A = arith.constant dense<0.000000e+00> : vector<10240x64xf32>
    %dot_general3A_5 = tpu.matmul %get3A_1, %get3A_4, %dot_general3A {dimension_numbers = #tpu.dot_dimension_numbers<[1], [0], [0], [1], [0, 0, 1, 1], [], []>, transpose_lhs_hint = false} : vector<10240x128xf32>, vector<128x64xf32>, vector<10240x64xf32> -> vector<10240x64xf32>
    %swap3A = arith.constant 0 : index
    %swap3A_6 = arith.constant 0 : index
    %swap3A_7 = vector.load %arg2[%swap3A, %swap3A_6] : memref<10240x64xf32, #tpu.memory_space<vmem>>, vector<10240x64xf32>
    tpu.vector_store %arg2[%swap3A, %swap3A_6], %dot_general3A_5 {strides = array<i32>} : memref<10240x64xf32, #tpu.memory_space<vmem>>, vector<10240x64xf32>,
    return
  }
}

module attributes {stable_mosaic.version = 14 : i64} {
  func.func @_tc1b_body(%arg0: memref<10240x64xf32, #tpu.memory_space<vmem>>, %arg1: memref<32x10240xf32, #tpu.memory_space<vmem>>, %arg2: memref<40960x32xf32, #tpu.memory_space<vmem>>, %arg3: memref<20480x32xf32, #tpu.memory_space<vmem>>) attributes {dimension_semantics = [], scalar_prefetch = 0 : i64, scratch_operands = 0 : i64, tpu.core_type = #tpu.core_type<tc>} {
    %get3A = arith.constant 0 : index
    %get3A_0 = arith.constant 0 : index
    %get3A_1 = vector.load %arg0[%get3A, %get3A_0] : memref<10240x64xf32, #tpu.memory_space<vmem>>, vector<10240x64xf32>
    %get3A_2 = arith.constant 0 : index
    %get3A_3 = arith.constant 0 : index
    %get3A_4 = vector.load %arg1[%get3A_2, %get3A_3] : memref<32x10240xf32, #tpu.memory_space<vmem>>, vector<32x10240xf32>
    %reshape3A = vector.shape_cast %get3A_4 : vector<32x10240xf32> to vector<2x16x10240xf32>
    %reduce_sum3A = arith.constant dense<0.000000e+00> : vector<2x10240xf32>
    %reduce_sum3A_5 = vector.multi_reduction <add>, %reshape3A, %reduce_sum3A [1] : vector<2x16x10240xf32> to vector<2x10240xf32>
    %add3A = arith.constant 1.000000e+00 : f32
    %add3A_6 = vector.broadcast %add3A : f32 to vector<2x10240xf32>
    %add3A_7 = arith.addf %reduce_sum3A_5, %add3A_6 : vector<2x10240xf32>
    %iota3A = tpu.iota {dimensions = array<i32: 1>} : vector<2x10240xi32>
    %lt3A = arith.constant 10000 : i32
    %lt3A_8 = vector.broadcast %lt3A : i32 to vector<2x10240xi32>
    %lt3A_9 = arith.cmpi slt, %iota3A, %lt3A_8 : vector<2x10240xi32>
    %rsqrt3A = math.rsqrt %add3A_7 : vector<2x10240xf32>
    %jit3A = arith.constant 0.000000e+00 : f64
    %convert_element_type3A = arith.truncf %jit3A : f64 to f32
    %broadcast_in_dim3A = vector.broadcast %convert_element_type3A : f32 to vector<2x10240xf32>
    %select_n3A = arith.select %lt3A_9, %rsqrt3A, %broadcast_in_dim3A : vector<2x10240xi1>, vector<2x10240xf32>
    %slice3A = vector.extract_strided_slice %select_n3A {offsets = [0, 0], sizes = [1, 10240], strides = [1, 1]} : vector<2x10240xf32> to vector<1x10240xf32>
    %squeeze3A = vector.shape_cast %slice3A : vector<1x10240xf32> to vector<10240xf32>
    %broadcast_in_dim3A_10 = vector.shape_cast %squeeze3A : vector<10240xf32> to vector<10240x1xf32>
    %broadcast_in_dim3A_11 = vector.shape_cast %broadcast_in_dim3A_10 : vector<10240x1xf32> to vector<10240x1xf32>
    %broadcast_in_dim3A_12 = vector.broadcast %broadcast_in_dim3A_11 : vector<10240x1xf32> to vector<10240x32xf32>
    %swap3A = arith.constant 0 : index
    %swap3A_13 = arith.constant 0 : index
    %swap3A_14 = vector.load %arg3[%swap3A, %swap3A_13] : memref<20480x32xf32, #tpu.memory_space<vmem>>, vector<10240x32xf32>
    tpu.vector_store %arg3[%swap3A, %swap3A_13], %broadcast_in_dim3A_12 {strides = array<i32>} : memref<20480x32xf32, #tpu.memory_space<vmem>>, vector<10240x32xf32>,
    %slice3A_15 = vector.extract_strided_slice %select_n3A {offsets = [0, 0], sizes = [1, 10240], strides = [1, 1]} : vector<2x10240xf32> to vector<1x10240xf32>
    %squeeze3A_16 = vector.shape_cast %slice3A_15 : vector<1x10240xf32> to vector<10240xf32>
    %broadcast_in_dim3A_17 = vector.shape_cast %squeeze3A_16 : vector<10240xf32> to vector<10240x1xf32>
    %mul3A = vector.broadcast %broadcast_in_dim3A_17 : vector<10240x1xf32> to vector<10240x64xf32>
    %mul3A_18 = arith.mulf %get3A_1, %mul3A : vector<10240x64xf32>
    %slice3A_19 = vector.extract_strided_slice %mul3A_18 {offsets = [0, 0], sizes = [10240, 32], strides = [1, 1]} : vector<10240x64xf32> to vector<10240x32xf32>
    %swap3A_20 = arith.constant 0 : index
    %swap3A_21 = arith.constant 0 : index
    %swap3A_22 = vector.load %arg2[%swap3A_20, %swap3A_21] : memref<40960x32xf32, #tpu.memory_space<vmem>>, vector<10240x32xf32>
    tpu.vector_store %arg2[%swap3A_20, %swap3A_21], %slice3A_19 {strides = array<i32>} : memref<40960x32xf32, #tpu.memory_space<vmem>>, vector<10240x32xf32>,
    %slice3A_23 = vector.extract_strided_slice %mul3A_18 {offsets = [0, 32], sizes = [10240, 32], strides = [1, 1]} : vector<10240x64xf32> to vector<10240x32xf32>
    %swap3A_24 = arith.constant 10240 : index
    %swap3A_25 = arith.constant 0 : index
    %swap3A_26 = vector.load %arg2[%swap3A_24, %swap3A_25] : memref<40960x32xf32, #tpu.memory_space<vmem>>, vector<10240x32xf32>
    tpu.vector_store %arg2[%swap3A_24, %swap3A_25], %slice3A_23 {strides = array<i32>} : memref<40960x32xf32, #tpu.memory_space<vmem>>, vector<10240x32xf32>,
    %slice3A_27 = vector.extract_strided_slice %select_n3A {offsets = [1, 0], sizes = [1, 10240], strides = [1, 1]} : vector<2x10240xf32> to vector<1x10240xf32>
    %squeeze3A_28 = vector.shape_cast %slice3A_27 : vector<1x10240xf32> to vector<10240xf32>
    %broadcast_in_dim3A_29 = vector.shape_cast %squeeze3A_28 : vector<10240xf32> to vector<10240x1xf32>
    %broadcast_in_dim3A_30 = vector.shape_cast %broadcast_in_dim3A_29 : vector<10240x1xf32> to vector<10240x1xf32>
    %broadcast_in_dim3A_31 = vector.broadcast %broadcast_in_dim3A_30 : vector<10240x1xf32> to vector<10240x32xf32>
    %swap3A_32 = arith.constant 10240 : index
    %swap3A_33 = arith.constant 0 : index
    %swap3A_34 = vector.load %arg3[%swap3A_32, %swap3A_33] : memref<20480x32xf32, #tpu.memory_space<vmem>>, vector<10240x32xf32>
    tpu.vector_store %arg3[%swap3A_32, %swap3A_33], %broadcast_in_dim3A_31 {strides = array<i32>} : memref<20480x32xf32, #tpu.memory_space<vmem>>, vector<10240x32xf32>,
    %slice3A_35 = vector.extract_strided_slice %select_n3A {offsets = [1, 0], sizes = [1, 10240], strides = [1, 1]} : vector<2x10240xf32> to vector<1x10240xf32>
    %squeeze3A_36 = vector.shape_cast %slice3A_35 : vector<1x10240xf32> to vector<10240xf32>
    %broadcast_in_dim3A_37 = vector.shape_cast %squeeze3A_36 : vector<10240xf32> to vector<10240x1xf32>
    %mul3A_38 = vector.broadcast %broadcast_in_dim3A_37 : vector<10240x1xf32> to vector<10240x64xf32>
    %mul3A_39 = arith.mulf %get3A_1, %mul3A_38 : vector<10240x64xf32>
    %slice3A_40 = vector.extract_strided_slice %mul3A_39 {offsets = [0, 0], sizes = [10240, 32], strides = [1, 1]} : vector<10240x64xf32> to vector<10240x32xf32>
    %swap3A_41 = arith.constant 20480 : index
    %swap3A_42 = arith.constant 0 : index
    %swap3A_43 = vector.load %arg2[%swap3A_41, %swap3A_42] : memref<40960x32xf32, #tpu.memory_space<vmem>>, vector<10240x32xf32>
    tpu.vector_store %arg2[%swap3A_41, %swap3A_42], %slice3A_40 {strides = array<i32>} : memref<40960x32xf32, #tpu.memory_space<vmem>>, vector<10240x32xf32>,
    %slice3A_44 = vector.extract_strided_slice %mul3A_39 {offsets = [0, 32], sizes = [10240, 32], strides = [1, 1]} : vector<10240x64xf32> to vector<10240x32xf32>
    %swap3A_45 = arith.constant 30720 : index
    %swap3A_46 = arith.constant 0 : index
    %swap3A_47 = vector.load %arg2[%swap3A_45, %swap3A_46] : memref<40960x32xf32, #tpu.memory_space<vmem>>, vector<10240x32xf32>
    tpu.vector_store %arg2[%swap3A_45, %swap3A_46], %slice3A_44 {strides = array<i32>} : memref<40960x32xf32, #tpu.memory_space<vmem>>, vector<10240x32xf32>,
    return
  }
}

</mosaic_0001>

<sc_bundles>
// kernel: kernel.6.cloned.1.call-start
scs
__scs_entry_jumppad:
0x0: {  	(pc) =	sbr.rel $0x88, $3  }
0x1: {  	(tag) =	ssettag $0x0;
	lr =	simm.s32 $0x1  }
0x2: {  	[smem:$0x3F9D] =	sst lr;
	_ =	strace $0xD0000000  }
0x3: {  	_ = 	snop  }
0x4: {  	_ = 	snop  }
0x5: {  	_ = 	snop  }
0x6: {  	_ = 	snop  }
0x7: {  	_ = 	snop  }
__scs_overlays_trampoline_lowered:
0x8: {  	[smem:$0x3FAC] =	sst s0  }
0x9: {  	[smem:$0x3FAD] =	sst s1  }
0xa: {  	[smem:$0x3FAE] =	sst s2  }
0xb: {  	[smem:$0x3FAF] =	sst s3  }
0xc: {  	[smem:$0x3FB0] =	sst s4  }
0xd: {  	[smem:$0x3FB1] =	sst s5  }
0xe: {  	[smem:$0x3FB2] =	sst s6  }
0xf: {  	[smem:$0x3FB3] =	sst s7  }
0x10: {  	[smem:$0x3FB4] =	sst s8  }
0x11: {  	[smem:$0x3FB5] =	sst s9;
	s0 =	simm.s32 @!p0 $0x0  }
0x12: {  	s1 =	sld [smem:$0x3F9B];
	s0 =	simm.s32 @p0 $0x1  }
0x13: {  	[smem:$0x3FB6] =	sst s0;
	s0 =	simm.s32 @!p1 $0x0  }
0x14: {  	s2 =	sld [smem:$0x3F9A];
	s0 =	simm.s32 @p1 $0x1  }
0x15: {  	[smem:$0x3FB7] =	sst s0;
	s0 =	simm.s32 @!p2 $0x0  }
0x16: {  	s3 =	sld [smem:$0x3FDB];
	s0 =	simm.s32 @p2 $0x1  }
0x17: {  	s4 =	simm.s32 $0x1BF5;
	[smem:$0x3FB9] =	sst s0  }
0x18: {  	s0 =	sld [smem:$0x3F9C];
	_ =	swait.ge [sflag:s4], $0x0  }
0x19: {  	s7 =	sld [smem:$0x3F9D]  }
0x1a: {  	s8 =	sadd.s32 $0xFFFFE003, lr  }
0x1b: {  	s9 =	sadd.s32 $0xFFFFFEF7, lr;
	s5 =	simm.s32 $0xFFFFFFFF;
	p2 =	slt.u32 s8, $0xFFFFF086  }
0x1c: {  	p1 =	slt.u32 s9, $0xF7A;
	s5 =	simm.s32 @!p2 $0x0  }
0x1d: {  	s5 =	simm.s32 @p1 $0x1;
	p0 =	seq.s32 s7, s2  }
0x1e: {  	s7 =	smul.u32 @!p0 $0xF7A, s2;
	p2 =	seq.s32 @!p0 s5, $0x0  }
0x1f: {  	s9 =	smul.u32 $0xF7A, s1;
	s8 =	simm.s32 @!p0 $0x1BF5;
	p2 =	por !p2, p0  }
0x20: {  	[sflag:s8] =	ssyncset.s32 @!p0 $0xFFFFF086;
	s6 =	sadd.s32 @!p0 s3, s7;
	s7 =	simm.s32 @!p0 $0x108  }
0x21: {  	s3 =	sadd.s32 s3, s9;
	s6 =	sadd.s32 @!p0 $0x88, s6;
	s7 =	simm.s32 @p2 $0x1082  }
0x22: {  	[simem:s7], [sflag:s8] =	dma.local @!p0 [hbm:s6], $0xF7A  }
0x23: {  	s9 =	sor.u32 $0xD0000000, s2;
	s6 =	simm.s32 $0x108;
	_ =	swait.ge @!p0 [sflag:s8], $0x0  }
0x24: {  	s3 =	sadd.s32 $0x88, s3;
	s6 =	simm.s32 @!p1 $0x1082;
	[sflag:s4] =	ssyncset.s32 $0xFFFFF086  }
0x25: {  	[simem:s6], [sflag:s4] =	dma.local [hbm:s3], $0xF7A  }
0x26: {  	[smem:$0x3F9D] =	sst s1;
	(tag) =	ssettag s2;
	_ =	strace s9  }
0x27: {  	s1 =	sld [smem:$0x3FAD]  }
0x28: {  	s2 =	sld [smem:$0x3FAE]  }
0x29: {  	s4 =	sld [smem:$0x3FB0]  }
0x2a: {  	p0 =	seq.s32 s5, $0x0;
	s5 =	sld [smem:$0x3FB1]  }
0x2b: {  	s6 =	sld [smem:$0x3FB2]  }
0x2c: {  	s7 =	sld [smem:$0x3FB3]  }
0x2d: {  	s3 =	simm.s32 $0x108;
	s8 =	sld [smem:$0x3FB4]  }
0x2e: {  	s3 =	simm.s32 @!p0 $0x1082;
	s9 =	sld [smem:$0x3FB5]  }
0x2f: {  	lr =	sadd.s32 s0, s3;
	s0 =	sld [smem:$0x3FAC]  }
0x30: {  	s3 =	sld [smem:$0x3FAF]  }
0x31: {  	[smem:$0x3FB8] =	sst s10  }
0x32: {  	s10 =	sld [smem:$0x3FB6];
	_ =	sdelay $0x3  }
0x33: {  	p0 =	seq.s32 s10, $0x1;
	s10 =	sld [smem:$0x3FB8];
	_ =	sdelay $0x3  }
0x34: {  	[smem:$0x3FB8] =	sst s10  }
0x35: {  	s10 =	sld [smem:$0x3FB7];
	_ =	sdelay $0x3  }
0x36: {  	p1 =	seq.s32 s10, $0x1;
	s10 =	sld [smem:$0x3FB8];
	_ =	sdelay $0x3  }
0x37: {  	[smem:$0x3FB8] =	sst s10  }
0x38: {  	s10 =	sld [smem:$0x3FB9]  }
0x39: {  	_ = 	snop;
	(pc) =	sbr.ind lr, $3  }
0x3a: {  	_ = 	snop  }
0x3b: {  	_ = 	snop  }
0x3c: {  	p2 =	seq.s32 s10, $0x1;
	s10 =	sld [smem:$0x3FB8]  }
0x3d: {  	_ =	shalt  }
0x3e: {  	_ =	shalt  }
0x3f: {  	_ =	shalt  }
0x40: {  	_ =	shalt  }
0x41: {  	_ =	shalt  }
0x42: {  	_ =	shalt  }
0x43: {  	_ =	shalt  }
0x44: {  	_ =	shalt  }
0x45: {  	_ =	shalt  }
0x46: {  	_ =	shalt  }
0x47: {  	_ =	shalt  }
0x48: {  	_ =	shalt  }
0x49: {  	_ =	shalt  }
0x4a: {  	_ =	shalt  }
0x4b: {  	_ =	shalt  }
0x4c: {  	_ =	shalt  }
0x4d: {  	_ =	shalt  }
0x4e: {  	_ =	shalt  }
0x4f: {  	_ =	shalt  }
0x50: {  	_ =	shalt  }
0x51: {  	_ =	shalt  }
0x52: {  	_ =	shalt  }
0x53: {  	_ =	shalt  }
0x54: {  	_ =	shalt  }
0x55: {  	_ =	shalt  }
0x56: {  	_ =	shalt  }
0x57: {  	_ =	shalt  }
0x58: {  	_ =	shalt  }
0x59: {  	_ =	shalt  }
0x5a: {  	_ =	shalt  }
0x5b: {  	_ =	shalt  }
0x5c: {  	_ =	shalt  }
0x5d: {  	_ =	shalt  }
0x5e: {  	_ =	shalt  }
0x5f: {  	_ =	shalt  }
0x60: {  	_ =	shalt  }
0x61: {  	_ =	shalt  }
0x62: {  	_ =	shalt  }
0x63: {  	_ =	shalt  }
0x64: {  	_ =	shalt  }
0x65: {  	_ =	shalt  }
0x66: {  	_ =	shalt  }
0x67: {  	_ =	shalt  }
0x68: {  	_ =	shalt  }
0x69: {  	_ =	shalt  }
0x6a: {  	_ =	shalt  }
0x6b: {  	_ =	shalt  }
0x6c: {  	_ =	shalt  }
0x6d: {  	_ =	shalt  }
0x6e: {  	_ =	shalt  }
0x6f: {  	_ =	shalt  }
0x70: {  	_ =	shalt  }
0x71: {  	_ =	shalt  }
0x72: {  	_ =	shalt  }
0x73: {  	_ =	shalt  }
0x74: {  	_ =	shalt  }
0x75: {  	_ =	shalt  }
0x76: {  	_ =	shalt  }
0x77: {  	_ =	shalt  }
0x78: {  	_ =	shalt  }
0x79: {  	_ =	shalt  }
0x7a: {  	_ =	shalt  }
0x7b: {  	_ =	shalt  }
0x7c: {  	_ =	shalt  }
0x7d: {  	_ =	shalt  }
0x7e: {  	_ =	shalt  }
0x7f: {  	_ =	shalt  }
0x80: {  	_ =	shalt  }
0x81: {  	_ =	shalt  }
0x82: {  	_ =	shalt  }
0x83: {  	_ =	shalt  }
0x84: {  	_ =	shalt  }
0x85: {  	_ =	shalt  }
0x86: {  	_ =	shalt  }
0x87: {  	_ =	shalt  }
.Lfunc_end0:
.L_simem_size_0:
called_computation_lowered:
.L_overlay_start_0:
0x88: {  	s2 =	sld [smem:$0x3FD9]  }
0x89: {  	s3 =	sld [smem:$0x3FFE];
	_ =	sdelay $0x1  }
0x8a: {  	s1 =	srdreg.scid  }
0x8b: {  	s0 =	sand.u32 $0x1, s1  }
0x8c: {  	s17 =	sshll.u32 s0, $0xA;
	s2 =	sadd.s32 s3, s2  }
0x8d: {  	s2 =	sadd.s32 s2, s17  }
0x8e: {  	[smem:$0x3FC4] =	sst s2  }
0x8f: {  	_ = 	snop  }
0x90: {  	s2 =	sld [smem:$0x3FD0];
	(tm) =	ssettm $0x1  }
0x91: {  	s18 =	sld [smem:$0x3FFB];
	_ =	sdelay $0x3  }
0x92: {  	_ =	strace s18  }
0x93: {  	s3 =	sld [smem:$0x3FFC];
	_ =	sdelay $0x3  }
0x94: {  	_ =	strace s3  }
0x95: {  	s3 =	sld [smem:$0x3FFD];
	_ =	sdelay $0x3  }
0x96: {  	_ =	strace s3  }
0x97: {  	_ =	strace $0x8FFFFFFF  }
0x98: {  	s19 =	sld [smem:$0x3FDB];
	_ =	sdelay $0x1  }
0x99: {  	s4 =	simm.s32 $_scs_section_size  }
0x9a: {  	s5 =	simm.s32 $_size__tile_overlayer_lowered;
	s6 =	simm.s32 $_tile_overlayer_lowered  }
0x9b: {  	s22 =	simm.s32 $0x1BFF;
	s21 =	sshll.u32 s6, $0x1;
	s3 =	sadd.s32 s4, s19  }
0x9c: {  	s7 =	simm.s32 $0x0;
	s20 =	sshll.u32 s5, $0x1;
	s5 =	sadd.s32 s21, s3  }
0x9d: {  	[timem:s7], [sflag:s22] =	dma.local [hbm:s5], s20  }
0x9e: {  	_ =	swait.ge [sflag:s22], s20  }
0x9f: {  	s4 =	ssub.s32 $0x0, s20;
	[sflag:s22] =	ssyncset.done $0x0  }
0xa0: {  	[sflag:s22] =	ssyncadd.s32 s4;
	_ =	sdelay $0x1  }
0xa1: {  	s23 =	simm.s32 $0x1B8B  }
0xa2: {  	_ =	swait.ge [sflag:s23], $0x1  }
0xa3: {  	[sflag:s23] =	ssyncset.done $0x0  }
0xa4: {  	s25 =	simm.s32 $0x1B8E;
	s24 =	sld [smem:$0x3FFE];
	[sflag:s23] =	ssyncadd.s32 $0xFFFFFFFF  }
0xa5: {  	s26 =	simm.s32 $execute0_lowered;
	[smem:$0x3FD2] =	sst s25  }
0xa6: {  	s5 =	sshll.u32 s26, $0x1;
	_ =	strace $0x80000046;
	[dreg:$0x1] =	wrdreg $0xFFFFFFFF  }
0xa7: {  	s28 =	simm.s32 $_size_execute0_lowered;
	s3 =	sadd.s32 s3, s5;
	[dreg:$0x0] =	wrdreg $0x0  }
0xa8: {  	s5 =	sshll.u32 s28, $0x1;
	[dreg:$0x2] =	wrdreg s3  }
0xa9: {  	[dreg:$0x3] =	wrdreg s5  }
0xaa: {  	[dreg:$0x4] =	wrdreg $0xC0  }
0xab: {  	_ =	task [dreg:s7], $0x5FFFF  }
0xac: {  	[dreg:$0x1] =	wrdreg $0xFFFFFFFF  }
0xad: {  	[dreg:$0x0] =	wrdreg $0x60  }
0xae: {  	[dreg:$0x2] =	wrdreg s2  }
0xaf: {  	[dreg:$0x3] =	wrdreg s24  }
0xb0: {  	[dreg:$0x4] =	wrdreg $0x9  }
0xb1: {  	_ =	task.clear_ibuf [dreg:s7], $0x5FFFF;
	_ =	strace $0x90000046  }
0xb2: {  	s29 =	simm.s32 $0x9;
	_ =	strace $0x80000048  }
0xb3: {  	_ =	swait.ge [sflag:s29], $0x1  }
0xb4: {  	[sflag:s29] =	ssyncadd.s32 $0xFFFFFFFF  }
0xb5: {  	_ =	strace $0x90000048  }
0xb6: {  	_ =	sfence  }
0xb7: {  	s30 =	sld [smem:$0x0];
	_ =	sdelay $0x2  }
0xb8: {  	s31 =	sshll.u32 s1, $0xD;
	s1 =	sshrl.u32 s1, $0x2  }
0xb9: {  	s3 =	sand.u32 $0x4000, s31;
	s1 =	sadd.s32 s1, s30  }
0xba: {  	s0 =	sor.u32 s3, s0;
	s1 =	sshll.u32 s1, $0x11  }
0xbb: {  	s0 =	sor.u32 s1, s0  }
0xbc: {  	s0 =	sadd.s32 $0x8F2B, s0  }
0xbd: {  	[sflag:s0] =	ssyncadd.remote.s32 $0x1  }
0xbe: {  	_ =	sfence.sel $0xFFFF  }
0xbf: {  	[dreg:$0x0] =	wrdreg $0xFFFFFFFF;
	(pc) =	sbr.abs _section_cstart, $3  }
0xc0: {  	[dreg:$0x1] =	wrdreg $0xFFFFFFFF  }
0xc1: {  	_ =	task.clear_ibuf [dreg:s7], $0x2FFFF;
	_ =	strace $0x9FFFFFFF  }
0xc2: {  	(tm) =	ssettm $0x7FFFFFFF  }
0xc3: {  	_ =	shalt  }
tec
execute0_lowered:
.L_overlay_start_1:
0x0: {  	(tag) =	ssettag $0x1  }
0x1: {  	s0 =	srdreg.scid  }
0x2: {  	s3 =	sand.u32 $0x1, s0  }
0x3: {  	s4 =	rddreg [dreg:$0x0];
	s0 =	stileid.u32;
	s1 =	sshll.u32 s3, $0x4  }
0x4: {  	s5 =	rddreg [dreg:$0x1];
	s9 =	simm.s32 $0x5000;
	s2 =	sor.u32 s0, s1  }
0x5: {  	s10 =	simm.s32 $0x0;
	s7 =	sshll.u32 s0, $0x7;
	s6 =	sshrl.u32 s2, $0x3  }
0x6: {  	s3 =	ssub.s32 $0x2, s3;
	s1 =	rddreg [dreg:$0x2];
	s8 =	smul.u32 $0x14000, s6  }
0x7: {  	s7 =	sand.u32 $0x380, s7;
	s2 =	simm.s32 $0x0;
	s6 =	smul.u32 $0x28000, s6  }
0x8: {  	s31 =	sshrl.u32 s3, $0x1;
	[smem:$0x7FF] =	sst s2;
	s8 =	sor.u32 s7, s8  }
0x9: {  	_ =	strace $0x80000047;
	s6 =	sor.u32 s7, s6;
	s8 =	sshrl.u32 s8, $0x3  }
0xa: {  	s7 =	ssub.s32 s3, s31;
	s6 =	sshrl.u32 s6, $0x3;
	s5 =	sadd.s32 s8, s5  }
0xb: {  	s3 =	sadd.s32 s4, s6;
	s6 =	simm.s32 $0x80;
	s8 =	simm.s32 $0x1  }
0xc: {  	v0 =	vimm.f32 $0.0e+00;
	v1 =	vimm.f32 $1.000000000e+00;
	s4 =	sadd.s32 $0x2600, s5;
	s5 =	smax.u32 s7, $0x1;
	s7 =	simm.s32 $0x400  }
.LBB2_1:
0xd: {  	[tilespmem:s2], [sflag:$0x1] =	stream.strided.gather [hbm4b:s3+s6], $0x5000, s7, s6, $0x38;
	[tilespmem:$0x7800] =	vst v63  }
0xe: {  	_ =	swait.ge [sflag:s8], $0x5000  }
0xf: {  	[sflag:s8] =	ssyncset.done $0x0  }
0x10: {  	s11 =	simm.s32 $0x0;
	[sflag:s8] =	ssyncadd.s32 $0xFFFFB000  }
.LBB2_2:
0x11: {  	p0 =	sne.s32 s11, $0x9FC0  }
.Ltmp0:
0x12: {  	_ = 	snop;
	(pc) =	sbr.rel @p0 .LBB2_2-.Ltmp0, $3  }
0x13: {  	_ =	sdelay $0x1  }
0x14: {  	s12 =	sshra.s32 s11, $0x2  }
0x15: {  	s11 =	sadd.s32 $0x40, s11;
	[tilespmem:s12+$0x5000] =	vst v0  }
0x16: {  	s11 =	simm.s32 $0x0  }
.LBB2_4:
0x17: {  	s12 =	sshra.s32 s11, $0x2  }
0x18: {  	v2 =	vld [tilespmem:s12+$0x0];
	_ =	sdelay $0x7  }
0x19: {  	[tilespmem:v2+s9+$0x0] =	vst.idx.add.f32.msk $0xffff, v1  }
0x1a: {  	v2 =	vld [tilespmem:s12+$0x10];
	_ =	sdelay $0x7  }
0x1b: {  	[tilespmem:v2+s9+$0x0] =	vst.idx.add.f32.msk $0xffff, v1  }
0x1c: {  	v2 =	vld [tilespmem:s12+$0x20];
	_ =	sdelay $0x7  }
0x1d: {  	[tilespmem:v2+s9+$0x0] =	vst.idx.add.f32.msk $0xffff, v1  }
0x1e: {  	v2 =	vld [tilespmem:s12+$0x30];
	_ =	sdelay $0x2  }
0x1f: {  	p0 =	sne.s32 s11, $0x13F00  }
.Ltmp1:
0x20: {  	_ = 	snop;
	(pc) =	sbr.rel @p0 .LBB2_4-.Ltmp1, $2  }
0x21: {  	_ =	sdelay $0x2  }
0x22: {  	s11 =	sadd.s32 $0x100, s11;
	[tilespmem:v2+s9+$0x0] =	vst.idx.add.f32.msk $0xffff, v1  }
0x23: {  	s10 =	sadd.s32 $0x1, s10  }
0x24: {  	p0 =	sne.s32 s10, s5  }
.Ltmp2:
0x25: {  	_ = 	snop;
	(pc) =	sbr.rel @p0 .LBB2_1-.Ltmp2, $4  }
0x26: {  	[hbm4b:s4+s6] =	stream.strided.scatter [tilespmem:s9], [sflag:$0x1], $0x2800, s7, s6, $0x38;
	[tilespmem:$0x7800] =	vst v63  }
0x27: {  	_ =	swait.ge [sflag:s8], $0x2800  }
0x28: {  	[sflag:s8] =	ssyncset.done $0x0  }
0x29: {  	[sflag:s8] =	ssyncadd.s32 $0xFFFFD800  }
0x2a: {  	_ =	sfence.sel $0x180000  }
0x2b: {  	[bflag:$0x0] =	sbarrier.arrive $0xFFFF  }
0x2c: {  	p0 =	sne.s32 s0, $0x0;
	_ =	strace $0x90000047  }
0x2d: {  	s0 =	sadd.s32 @!p0 $0x100000, s1;
	[bflag:$0x2] =	sbarrier.arrive $0xFFFF  }
0x2e: {  	[sflag:s0] =	ssyncadd.tile.s32 @!p0 $0x1;
	_ =	shalt  }
.Lfunc_end2:
_tile_overlayer_lowered:
.L_overlay_start_2:
0x2f: {  	(tag) =	ssettag $0x2  }
0x30: {  	s0 =	rddreg [dreg:$0x0];
	s2 =	stileid.u32  }
0x31: {  	s1 =	rddreg [dreg:$0x1];
	p0 =	sne.s32 s2, $0x0  }
0x32: {  	s3 =	rddreg [dreg:$0x2];
	[bflag:$0x3] =	sbarrier.arrive $0xFFFF;
	s2 =	simm.s32 @!p0 $0x1C01  }
0x33: {  	[timem:s3], [sflag:s2] =	dma.local @!p0 [hbm:s0], s1  }
0x34: {  	s0 =	simm.s32 @!p0 $0x1  }
0x35: {  	_ =	swait.ge @!p0 [sflag:s0], s1  }
0x36: {  	s1 =	ssub.s32 @!p0 $0x0, s1;
	[sflag:s0] =	ssyncset.done @!p0 $0x0  }
0x37: {  	[sflag:s0] =	ssyncadd.s32 @!p0 s1  }
0x38: {  	[bflag:$0x3] =	sbarrier.arrive $0xFFFF  }
0x39: {  	_ =	shalt  }

// kernel: kernel.9.cloned.1.call-start
scs
__scs_entry_jumppad:
0x0: {  	(pc) =	sbr.rel $0x88, $3  }
0x1: {  	(tag) =	ssettag $0x0;
	lr =	simm.s32 $0x1  }
0x2: {  	[smem:$0x3F9D] =	sst lr;
	_ =	strace $0xD0000000  }
0x3: {  	_ = 	snop  }
0x4: {  	_ = 	snop  }
0x5: {  	_ = 	snop  }
0x6: {  	_ = 	snop  }
0x7: {  	_ = 	snop  }
__scs_overlays_trampoline_lowered:
0x8: {  	[smem:$0x3FAC] =	sst s0  }
0x9: {  	[smem:$0x3FAD] =	sst s1  }
0xa: {  	[smem:$0x3FAE] =	sst s2  }
0xb: {  	[smem:$0x3FAF] =	sst s3  }
0xc: {  	[smem:$0x3FB0] =	sst s4  }
0xd: {  	[smem:$0x3FB1] =	sst s5  }
0xe: {  	[smem:$0x3FB2] =	sst s6  }
0xf: {  	[smem:$0x3FB3] =	sst s7  }
0x10: {  	[smem:$0x3FB4] =	sst s8  }
0x11: {  	[smem:$0x3FB5] =	sst s9;
	s0 =	simm.s32 @!p0 $0x0  }
0x12: {  	s1 =	sld [smem:$0x3F9B];
	s0 =	simm.s32 @p0 $0x1  }
0x13: {  	[smem:$0x3FB6] =	sst s0;
	s0 =	simm.s32 @!p1 $0x0  }
0x14: {  	s2 =	sld [smem:$0x3F9A];
	s0 =	simm.s32 @p1 $0x1  }
0x15: {  	[smem:$0x3FB7] =	sst s0;
	s0 =	simm.s32 @!p2 $0x0  }
0x16: {  	s3 =	sld [smem:$0x3FDB];
	s0 =	simm.s32 @p2 $0x1  }
0x17: {  	s4 =	simm.s32 $0x1BF5;
	[smem:$0x3FB9] =	sst s0  }
0x18: {  	s0 =	sld [smem:$0x3F9C];
	_ =	swait.ge [sflag:s4], $0x0  }
0x19: {  	s7 =	sld [smem:$0x3F9D]  }
0x1a: {  	s8 =	sadd.s32 $0xFFFFE003, lr  }
0x1b: {  	s9 =	sadd.s32 $0xFFFFFEF7, lr;
	s5 =	simm.s32 $0xFFFFFFFF;
	p2 =	slt.u32 s8, $0xFFFFF086  }
0x1c: {  	p1 =	slt.u32 s9, $0xF7A;
	s5 =	simm.s32 @!p2 $0x0  }
0x1d: {  	s5 =	simm.s32 @p1 $0x1;
	p0 =	seq.s32 s7, s2  }
0x1e: {  	s7 =	smul.u32 @!p0 $0xF7A, s2;
	p2 =	seq.s32 @!p0 s5, $0x0  }
0x1f: {  	s9 =	smul.u32 $0xF7A, s1;
	s8 =	simm.s32 @!p0 $0x1BF5;
	p2 =	por !p2, p0  }
0x20: {  	[sflag:s8] =	ssyncset.s32 @!p0 $0xFFFFF086;
	s6 =	sadd.s32 @!p0 s3, s7;
	s7 =	simm.s32 @!p0 $0x108  }
0x21: {  	s3 =	sadd.s32 s3, s9;
	s6 =	sadd.s32 @!p0 $0x88, s6;
	s7 =	simm.s32 @p2 $0x1082  }
0x22: {  	[simem:s7], [sflag:s8] =	dma.local @!p0 [hbm:s6], $0xF7A  }
0x23: {  	s9 =	sor.u32 $0xD0000000, s2;
	s6 =	simm.s32 $0x108;
	_ =	swait.ge @!p0 [sflag:s8], $0x0  }
0x24: {  	s3 =	sadd.s32 $0x88, s3;
	s6 =	simm.s32 @!p1 $0x1082;
	[sflag:s4] =	ssyncset.s32 $0xFFFFF086  }
0x25: {  	[simem:s6], [sflag:s4] =	dma.local [hbm:s3], $0xF7A  }
0x26: {  	[smem:$0x3F9D] =	sst s1;
	(tag) =	ssettag s2;
	_ =	strace s9  }
0x27: {  	s1 =	sld [smem:$0x3FAD]  }
0x28: {  	s2 =	sld [smem:$0x3FAE]  }
0x29: {  	s4 =	sld [smem:$0x3FB0]  }
0x2a: {  	p0 =	seq.s32 s5, $0x0;
	s5 =	sld [smem:$0x3FB1]  }
0x2b: {  	s6 =	sld [smem:$0x3FB2]  }
0x2c: {  	s7 =	sld [smem:$0x3FB3]  }
0x2d: {  	s3 =	simm.s32 $0x108;
	s8 =	sld [smem:$0x3FB4]  }
0x2e: {  	s3 =	simm.s32 @!p0 $0x1082;
	s9 =	sld [smem:$0x3FB5]  }
0x2f: {  	lr =	sadd.s32 s0, s3;
	s0 =	sld [smem:$0x3FAC]  }
0x30: {  	s3 =	sld [smem:$0x3FAF]  }
0x31: {  	[smem:$0x3FB8] =	sst s10  }
0x32: {  	s10 =	sld [smem:$0x3FB6];
	_ =	sdelay $0x3  }
0x33: {  	p0 =	seq.s32 s10, $0x1;
	s10 =	sld [smem:$0x3FB8];
	_ =	sdelay $0x3  }
0x34: {  	[smem:$0x3FB8] =	sst s10  }
0x35: {  	s10 =	sld [smem:$0x3FB7];
	_ =	sdelay $0x3  }
0x36: {  	p1 =	seq.s32 s10, $0x1;
	s10 =	sld [smem:$0x3FB8];
	_ =	sdelay $0x3  }
0x37: {  	[smem:$0x3FB8] =	sst s10  }
0x38: {  	s10 =	sld [smem:$0x3FB9]  }
0x39: {  	_ = 	snop;
	(pc) =	sbr.ind lr, $3  }
0x3a: {  	_ = 	snop  }
0x3b: {  	_ = 	snop  }
0x3c: {  	p2 =	seq.s32 s10, $0x1;
	s10 =	sld [smem:$0x3FB8]  }
0x3d: {  	_ =	shalt  }
0x3e: {  	_ =	shalt  }
0x3f: {  	_ =	shalt  }
0x40: {  	_ =	shalt  }
0x41: {  	_ =	shalt  }
0x42: {  	_ =	shalt  }
0x43: {  	_ =	shalt  }
0x44: {  	_ =	shalt  }
0x45: {  	_ =	shalt  }
0x46: {  	_ =	shalt  }
0x47: {  	_ =	shalt  }
0x48: {  	_ =	shalt  }
0x49: {  	_ =	shalt  }
0x4a: {  	_ =	shalt  }
0x4b: {  	_ =	shalt  }
0x4c: {  	_ =	shalt  }
0x4d: {  	_ =	shalt  }
0x4e: {  	_ =	shalt  }
0x4f: {  	_ =	shalt  }
0x50: {  	_ =	shalt  }
0x51: {  	_ =	shalt  }
0x52: {  	_ =	shalt  }
0x53: {  	_ =	shalt  }
0x54: {  	_ =	shalt  }
0x55: {  	_ =	shalt  }
0x56: {  	_ =	shalt  }
0x57: {  	_ =	shalt  }
0x58: {  	_ =	shalt  }
0x59: {  	_ =	shalt  }
0x5a: {  	_ =	shalt  }
0x5b: {  	_ =	shalt  }
0x5c: {  	_ =	shalt  }
0x5d: {  	_ =	shalt  }
0x5e: {  	_ =	shalt  }
0x5f: {  	_ =	shalt  }
0x60: {  	_ =	shalt  }
0x61: {  	_ =	shalt  }
0x62: {  	_ =	shalt  }
0x63: {  	_ =	shalt  }
0x64: {  	_ =	shalt  }
0x65: {  	_ =	shalt  }
0x66: {  	_ =	shalt  }
0x67: {  	_ =	shalt  }
0x68: {  	_ =	shalt  }
0x69: {  	_ =	shalt  }
0x6a: {  	_ =	shalt  }
0x6b: {  	_ =	shalt  }
0x6c: {  	_ =	shalt  }
0x6d: {  	_ =	shalt  }
0x6e: {  	_ =	shalt  }
0x6f: {  	_ =	shalt  }
0x70: {  	_ =	shalt  }
0x71: {  	_ =	shalt  }
0x72: {  	_ =	shalt  }
0x73: {  	_ =	shalt  }
0x74: {  	_ =	shalt  }
0x75: {  	_ =	shalt  }
0x76: {  	_ =	shalt  }
0x77: {  	_ =	shalt  }
0x78: {  	_ =	shalt  }
0x79: {  	_ =	shalt  }
0x7a: {  	_ =	shalt  }
0x7b: {  	_ =	shalt  }
0x7c: {  	_ =	shalt  }
0x7d: {  	_ =	shalt  }
0x7e: {  	_ =	shalt  }
0x7f: {  	_ =	shalt  }
0x80: {  	_ =	shalt  }
0x81: {  	_ =	shalt  }
0x82: {  	_ =	shalt  }
0x83: {  	_ =	shalt  }
0x84: {  	_ =	shalt  }
0x85: {  	_ =	shalt  }
0x86: {  	_ =	shalt  }
0x87: {  	_ =	shalt  }
.Lfunc_end0:
.L_simem_size_0:
called_computation.1_lowered:
.L_overlay_start_0:
0x88: {  	s2 =	sld [smem:$0x3FD9]  }
0x89: {  	s3 =	sld [smem:$0x3FFE];
	_ =	sdelay $0x1  }
0x8a: {  	s1 =	srdreg.scid  }
0x8b: {  	s0 =	sand.u32 $0x1, s1  }
0x8c: {  	s17 =	sshll.u32 s0, $0xA;
	s2 =	sadd.s32 s3, s2  }
0x8d: {  	s2 =	sadd.s32 s2, s17  }
0x8e: {  	[smem:$0x3FC4] =	sst s2  }
0x8f: {  	_ = 	snop  }
0x90: {  	s2 =	sld [smem:$0x3FC6]  }
0x91: {  	s18 =	sld [smem:$0x3FD0];
	(tm) =	ssettm $0x1  }
0x92: {  	s4 =	sld [smem:$0x3FFB];
	_ =	sdelay $0x3  }
0x93: {  	_ =	strace s4  }
0x94: {  	s4 =	sld [smem:$0x3FFC];
	_ =	sdelay $0x3  }
0x95: {  	_ =	strace s4  }
0x96: {  	s4 =	sld [smem:$0x3FFD];
	_ =	sdelay $0x3  }
0x97: {  	_ =	strace s4  }
0x98: {  	_ =	strace $0x8FFFFFFF  }
0x99: {  	s19 =	sld [smem:$0x3FDB];
	_ =	sdelay $0x1  }
0x9a: {  	s5 =	simm.s32 $_scs_section_size  }
0x9b: {  	s6 =	simm.s32 $_size__tile_overlayer_lowered;
	s7 =	simm.s32 $_tile_overlayer_lowered  }
0x9c: {  	s22 =	simm.s32 $0x1BFF;
	s21 =	sshll.u32 s7, $0x1;
	s4 =	sadd.s32 s5, s19  }
0x9d: {  	s8 =	simm.s32 $0x0;
	s20 =	sshll.u32 s6, $0x1;
	s6 =	sadd.s32 s21, s4  }
0x9e: {  	[timem:s8], [sflag:s22] =	dma.local [hbm:s6], s20  }
0x9f: {  	_ =	swait.ge [sflag:s22], s20  }
0xa0: {  	s5 =	ssub.s32 $0x0, s20;
	[sflag:s22] =	ssyncset.done $0x0  }
0xa1: {  	[sflag:s22] =	ssyncadd.s32 s5;
	_ =	sdelay $0x1  }
0xa2: {  	s23 =	simm.s32 $0x1B8B  }
0xa3: {  	_ =	swait.ge [sflag:s23], $0x1  }
0xa4: {  	[sflag:s23] =	ssyncset.done $0x0  }
0xa5: {  	s25 =	simm.s32 $0x1B8E;
	s24 =	sld [smem:$0x3FFE];
	[sflag:s23] =	ssyncadd.s32 $0xFFFFFFFF  }
0xa6: {  	s26 =	simm.s32 $execute0_lowered;
	[smem:$0x3FD2] =	sst s25  }
0xa7: {  	s6 =	sshll.u32 s26, $0x1;
	_ =	strace $0x80000049;
	[dreg:$0x1] =	wrdreg $0xFFFFFFFF  }
0xa8: {  	s28 =	simm.s32 $_size_execute0_lowered;
	s4 =	sadd.s32 s4, s6;
	[dreg:$0x0] =	wrdreg $0x0  }
0xa9: {  	s6 =	sshll.u32 s28, $0x1;
	[dreg:$0x2] =	wrdreg s4  }
0xaa: {  	[dreg:$0x3] =	wrdreg s6  }
0xab: {  	[dreg:$0x4] =	wrdreg $0xC0  }
0xac: {  	_ =	task [dreg:s8], $0x5FFFF  }
0xad: {  	[dreg:$0x1] =	wrdreg $0xFFFFFFFF  }
0xae: {  	[dreg:$0x0] =	wrdreg $0x60  }
0xaf: {  	[dreg:$0x2] =	wrdreg s24  }
0xb0: {  	[dreg:$0x3] =	wrdreg s18  }
0xb1: {  	[dreg:$0x4] =	wrdreg s2  }
0xb2: {  	[dreg:$0x5] =	wrdreg $0x190400  }
0xb3: {  	[dreg:$0x6] =	wrdreg $0x140400  }
0xb4: {  	[dreg:$0x7] =	wrdreg $0x9  }
0xb5: {  	_ =	task.clear_ibuf [dreg:s8], $0x8FFFF;
	_ =	strace $0x90000049  }
0xb6: {  	s29 =	simm.s32 $0x9;
	_ =	strace $0x8000004B  }
0xb7: {  	_ =	swait.ge [sflag:s29], $0x1  }
0xb8: {  	[sflag:s29] =	ssyncadd.s32 $0xFFFFFFFF  }
0xb9: {  	_ =	strace $0x9000004B  }
0xba: {  	_ =	sfence  }
0xbb: {  	s30 =	sld [smem:$0x0];
	_ =	sdelay $0x2  }
0xbc: {  	s31 =	sshll.u32 s1, $0xD;
	s1 =	sshrl.u32 s1, $0x2  }
0xbd: {  	s3 =	sand.u32 $0x4000, s31;
	s1 =	sadd.s32 s1, s30  }
0xbe: {  	s0 =	sor.u32 s3, s0;
	s1 =	sshll.u32 s1, $0x11  }
0xbf: {  	s0 =	sor.u32 s1, s0  }
0xc0: {  	s0 =	sadd.s32 $0x8F2B, s0  }
0xc1: {  	[sflag:s0] =	ssyncadd.remote.s32 $0x1  }
0xc2: {  	_ =	sfence.sel $0xFFFF  }
0xc3: {  	[dreg:$0x0] =	wrdreg $0xFFFFFFFF;
	(pc) =	sbr.abs _section_cstart, $3  }
0xc4: {  	[dreg:$0x1] =	wrdreg $0xFFFFFFFF  }
0xc5: {  	_ =	task.clear_ibuf [dreg:s8], $0x2FFFF;
	_ =	strace $0x9FFFFFFF  }
0xc6: {  	(tm) =	ssettm $0x7FFFFFFF  }
0xc7: {  	_ =	shalt  }
tec
execute0_lowered:
.L_overlay_start_1:
0x0: {  	(tag) =	ssettag $0x1  }
0x1: {  	s0 =	rddreg [dreg:$0x0]  }
0x2: {  	s1 =	rddreg [dreg:$0x1]  }
0x3: {  	s3 =	rddreg [dreg:$0x3]  }
0x4: {  	s2 =	srdreg.scid;
	s4 =	rddreg [dreg:$0x4]  }
0x5: {  	s5 =	stileid.u32;
	s17 =	simm.s32 $0x0;
	s31 =	simm.s32 $0xA  }
0x6: {  	s2 =	sand.u32 $0x1, s2;
	[smem:$0x7FF] =	sst s17;
	s7 =	smul.u32 $0x280, s5  }
0x7: {  	s8 =	sadd.s32 $0xD4600, s0;
	s18 =	smul.u32 $0x5000, s5;
	s6 =	sshll.u32 s2, $0x4  }
0x8: {  	_ =	strace $0x8000004A;
	s9 =	ssub.s32 $0x2, s2;
	s10 =	smul.u32 $0x2800, s2  }
0x9: {  	s2 =	smul.u32 $0x5000, s2;
	s6 =	sor.u32 s5, s6;
	s11 =	sshrl.u32 s9, $0x1  }
0xa: {  	s26 =	sadd.s32 s18, s3;
	s21 =	sadd.s32 $0x1000, s18;
	s24 =	sadd.s32 $0x2000, s18  }
0xb: {  	s25 =	sadd.s32 $0x3000, s18;
	s6 =	smul.u32 $0xA00, s6;
	s16 =	ssub.s32 s9, s11  }
0xc: {  	s14 =	sadd.s32 s7, s10;
	s20 =	sadd.s32 s7, s2;
	s23 =	sadd.s32 s21, s4  }
0xd: {  	s10 =	sadd.s32 $0x4000, s18;
	s11 =	sadd.s32 s24, s4;
	s12 =	sadd.s32 s25, s4  }
0xe: {  	s28 =	sadd.s32 s21, s3;
	s29 =	sadd.s32 s24, s3;
	[dreg:$0xc] =	wrdreg s23  }
0xf: {  	s30 =	sadd.s32 s25, s3;
	s9 =	sshll.u32 s14, $0x2;
	[dreg:$0x10] =	wrdreg s11  }
0x10: {  	[dreg:$0x11] =	wrdreg s12;
	s6 =	sadd.s32 s6, s0;
	s1 =	sadd.s32 s1, s9  }
0x11: {  	s2 =	simm.s32 $0xA000;
	s15 =	sadd.s32 $0x20600, s6;
	[dreg:$0x8] =	wrdreg s1  }
0x12: {  	s7 =	simm.s32 $0xB000;
	s19 =	sadd.s32 $0xC600, s6;
	[dreg:$0x6] =	wrdreg s15  }
0x13: {  	s1 =	sshll.u32 s20, $0x2;
	s20 =	smax.u32 s16, $0x1;
	[dreg:$0x7] =	wrdreg s19  }
0x14: {  	s0 =	sadd.s32 $0x34600, s0;
	s22 =	sadd.s32 s8, s1;
	[dreg:$0x12] =	wrdreg s20  }
0x15: {  	s9 =	sadd.s32 s18, s4;
	s13 =	sadd.s32 s0, s1;
	[dreg:$0x9] =	wrdreg s22  }
0x16: {  	s1 =	sadd.s32 $0xA000, s1;
	s14 =	sadd.s32 $0x200, s13;
	[dreg:$0xa] =	wrdreg s13  }
0x17: {  	s6 =	simm.s32 $0x80;
	s18 =	sadd.s32 s8, s1;
	[dreg:$0xb] =	wrdreg s14  }
0x18: {  	s15 =	sadd.s32 s10, s4;
	s19 =	sadd.s32 $0x400, s13;
	[dreg:$0xd] =	wrdreg s18  }
0x19: {  	s20 =	simm.s32 $0x3;
	s21 =	sadd.s32 $0x600, s13;
	[dreg:$0xf] =	wrdreg s19  }
0x1a: {  	s0 =	sadd.s32 s0, s1;
	s22 =	sadd.s32 $0x800, s13;
	[dreg:$0x13] =	wrdreg s21  }
0x1b: {  	s8 =	simm.s32 $0xD000;
	s1 =	simm.s32 $0x0;
	[dreg:$0x14] =	wrdreg s22  }
0x1c: {  	s14 =	sadd.s32 s10, s3;
	s23 =	sadd.s32 $0x200, s0;
	[dreg:$0xe] =	wrdreg s0  }
0x1d: {  	s24 =	sadd.s32 $0x400, s0;
	s25 =	sadd.s32 $0x600, s0;
	[dreg:$0x15] =	wrdreg s23  }
0x1e: {  	s0 =	sadd.s32 $0x800, s0;
	s10 =	simm.s32 $0xC000;
	[dreg:$0x16] =	wrdreg s24  }
0x1f: {  	s18 =	simm.s32 $0xE000;
	s22 =	simm.s32 $0x1;
	[dreg:$0x17] =	wrdreg s25  }
0x20: {  	v0 =	vimm.f32 $0.0e+00;
	[dreg:$0x18] =	wrdreg s0;
	s0 =	simm.s32 $0xB;
	s25 =	simm.s32 $0x5  }
.LBB2_1:
0x21: {  	s5 =	rddreg [dreg:$0x6]  }
0x22: {  	[tilespmem:s17], [sflag:$0xB] =	stream.linear.gather [hbm4b:s5+s17], $0x5000, $0x38;
	[tilespmem:$0x1E040] =	vst v63  }
0x23: {  	_ =	swait.ge [sflag:s0], $0x5000  }
0x24: {  	[sflag:s0] =	ssyncset.done $0x0  }
0x25: {  	s12 =	simm.s32 $0x5000;
	s21 =	rddreg [dreg:$0x7];
	[sflag:s0] =	ssyncadd.s32 $0xFFFFB000  }
0x26: {  	[tilespmem:s12], [sflag:$0xB] =	stream.linear.gather [hbm4b:s21+s17], $0x5000, $0x38;
	[tilespmem:$0x1E040] =	vst v63  }
0x27: {  	_ =	swait.ge [sflag:s0], $0x5000  }
0x28: {  	[sflag:s0] =	ssyncset.done $0x0  }
0x29: {  	s24 =	simm.s32 $0xF000;
	s23 =	rddreg [dreg:$0x8];
	[sflag:s0] =	ssyncadd.s32 $0xFFFFB000  }
0x2a: {  	[tilespmem:s24], [sflag:$0xB] =	stream.linear.gather [hbm4b:s23+s17], $0x5000, $0x38;
	[tilespmem:$0x1E040] =	vst v63  }
0x2b: {  	_ =	swait.ge [sflag:s0], $0x5000  }
0x2c: {  	[sflag:s0] =	ssyncset.done $0x0  }
0x2d: {  	s13 =	smov.u32 s30;
	[sflag:s0] =	ssyncadd.s32 $0xFFFFB000  }
0x2e: {  	s11 =	smov.u32 s29;
	s30 =	simm.s32 $0x14000;
	s29 =	rddreg [dreg:$0x2]  }
0x2f: {  	[tilespmem:s30], [sflag:$0xB] =	stream.linear.gather [hbm4b:s29+s17], $0x40, $0x38;
	[tilespmem:$0x1E040] =	vst v63  }
0x30: {  	_ =	swait.ge [sflag:s0], $0x40  }
0x31: {  	[sflag:s0] =	ssyncset.done $0x0  }
0x32: {  	s16 =	simm.s32 $0x80;
	s17 =	simm.s32 $0x0;
	[sflag:s0] =	ssyncadd.s32 $0xFFFFFFC0  }
.LBB2_2:
0x33: {  	p0 =	sne.s32 s16, $0x3F80;
	[tilespmem:s17+$0xA000] =	vst v0;
	s19 =	smov.u32 s16;
	s16 =	sadd.s32 $0x80, s16  }
.Ltmp0:
0x34: {  	[tilespmem:s17+$0xA010] =	vst v0;
	(pc) =	sbr.rel @p0 .LBB2_2-.Ltmp0, $2  }
0x35: {  	_ =	sdelay $0x2  }
0x36: {  	s17 =	sshra.s32 s19, $0x2  }
0x37: {  	s5 =	stileid.u32  }
0x38: {  	[tilespmem:s17+$0xA000] =	vst v0;
	s16 =	sshll.u32 s5, $0x6  }
0x39: {  	[tilespmem:s17+$0xA010] =	vst v0;
	s21 =	sshrl.u32 s26, $0x3;
	s12 =	rddreg [dreg:$0x9];
	s16 =	sor.u32 $0x1C0B, s16  }
0x3a: {  	[spmem:s21], [sflag:s16] =	dma.local [hbm:s12], $0xA00  }
0x3b: {  	_ =	swait.ge [sflag:s0], $0xA00  }
0x3c: {  	[sflag:s0] =	ssyncset.done $0x0  }
0x3d: {  	[sflag:s0] =	ssyncadd.s32 $0xFFFFF600  }
0x3e: {  	[spmem:s9] =	stream.linear.scatter [tilespmem:s2], [sflag:$0xB], $0x1000, $0x38;
	[tilespmem:$0x1E040] =	vst v63  }
0x3f: {  	_ =	swait.ge [sflag:s0], $0x1000  }
0x40: {  	[sflag:s0] =	ssyncset.done $0x0  }
0x41: {  	s17 =	rddreg [dreg:$0xc];
	[sflag:s0] =	ssyncadd.s32 $0xFFFFF000  }
0x42: {  	[spmem:s17] =	stream.linear.scatter [tilespmem:s2], [sflag:$0xB], $0x1000, $0x38;
	[tilespmem:$0x1E040] =	vst v63  }
0x43: {  	_ =	swait.ge [sflag:s0], $0x1000  }
0x44: {  	[sflag:s0] =	ssyncset.done $0x0  }
0x45: {  	s19 =	rddreg [dreg:$0x10];
	[sflag:s0] =	ssyncadd.s32 $0xFFFFF000  }
0x46: {  	[spmem:s19] =	stream.linear.scatter [tilespmem:s2], [sflag:$0xB], $0x1000, $0x38;
	[tilespmem:$0x1E040] =	vst v63  }
0x47: {  	_ =	swait.ge [sflag:s0], $0x1000  }
0x48: {  	[sflag:s0] =	ssyncset.done $0x0  }
0x49: {  	s23 =	rddreg [dreg:$0x11];
	[sflag:s0] =	ssyncadd.s32 $0xFFFFF000  }
0x4a: {  	[spmem:s23] =	stream.linear.scatter [tilespmem:s2], [sflag:$0xB], $0x1000, $0x38;
	[tilespmem:$0x1E040] =	vst v63  }
0x4b: {  	_ =	swait.ge [sflag:s0], $0x1000  }
0x4c: {  	[sflag:s0] =	ssyncset.done $0x0  }
0x4d: {  	[sflag:s0] =	ssyncadd.s32 $0xFFFFF000  }
0x4e: {  	[spmem:s15] =	stream.linear.scatter [tilespmem:s2], [sflag:$0xB], $0x1000, $0x38;
	[tilespmem:$0x1E040] =	vst v63  }
0x4f: {  	_ =	swait.ge [sflag:s0], $0x1000  }
0x50: {  	[sflag:s0] =	ssyncset.done $0x0  }
0x51: {  	[sflag:s0] =	ssyncadd.s32 $0xFFFFF000  }
0x52: {  	s17 =	simm.s32 $0x0;
	[bflag:$0x0] =	sbarrier.arrive $0xFFFF  }
0x53: {  	[tilespmem:s2], [sflag:$0x1] =	stream.indirect.gather [spmem:s3], $0x20, s17, s6, $0xb8;
	[tilespmem:$0x1E040] =	vst v63  }
0x54: {  	_ = 	snop  }
0x55: {  	[tilespmem:s7], [sflag:$0x2] =	stream.indirect.gather [spmem:s3], $0x20, s6, s6, $0xb8;
	[tilespmem:$0x1E040] =	vst v63  }
0x56: {  	s24 =	simm.s32 $0x100  }
0x57: {  	[tilespmem:s10], [sflag:$0x3] =	stream.indirect.gather [spmem:s3], $0x20, s24, s6, $0xb8;
	[tilespmem:$0x1E040] =	vst v63  }
0x58: {  	s29 =	smov.u32 s26;
	s26 =	simm.s32 $0x180  }
0x59: {  	[tilespmem:s8], [sflag:$0x4] =	stream.indirect.gather [spmem:s3], $0x20, s26, s6, $0xb8;
	[tilespmem:$0x1E040] =	vst v63  }
0x5a: {  	s30 =	smov.u32 s28;
	s28 =	simm.s32 $0x200;
	s12 =	smov.u32 s9  }
0x5b: {  	[tilespmem:s18], [sflag:$0x5] =	stream.indirect.gather [spmem:s3], $0x20, s28, s6, $0xb8;
	[tilespmem:$0x1E040] =	vst v63  }
.LBB2_4:
0x5c: {  	_ =	swait.ge [sflag:s22], $0x1000  }
0x5d: {  	s19 =	sshra.s32 s17, $0x2;
	[sflag:s22] =	ssyncset.done $0x0  }
0x5e: {  	p0 =	seq.s32 s17, $0x13600;
	s23 =	sadd.s32 $0x5000, s19;
	[sflag:s22] =	ssyncadd.s32 $0xFFFFF000  }
0x5f: {  	[spmem:s4] =	stream.indirect.scatter.add.f32 [tilespmem:s2], [sflag:$0x6], $0x20, s23, s6, $0xb8;
	[tilespmem:$0x1E040] =	vst v63  }
0x60: {  	s23 =	simm.s32 @p0 $0x2  }
0x61: {  	_ =	swait.ge @p0 [sflag:s23], $0x1000  }
0x62: {  	[sflag:s23] =	ssyncset.done @p0 $0x0  }
0x63: {  	[sflag:s23] =	ssyncadd.s32 @p0 $0xFFFFF000;
	s23 =	sshra.s32 @p0 s17, $0x2  }
0x64: {  	s5 =	simm.s32 @p0 $0x80;
	s9 =	simm.s32 @p0 $0xB000;
	s24 =	sadd.s32 @p0 $0x5080, s23  }
0x65: {  	[spmem:s4] =	stream.indirect.scatter.add.f32 @p0 [tilespmem:s9], [sflag:$0x7], $0x20, s24, s5, $0xb8;
	[tilespmem:$0x1E040] =	vst v63  }
0x66: {  	s9 =	simm.s32 @!p0 $0x6  }
0x67: {  	_ =	swait.ge @!p0 [sflag:s9], $0x1000  }
0x68: {  	[sflag:s9] =	ssyncset.done @!p0 $0x0  }
0x69: {  	[sflag:s9] =	ssyncadd.s32 @!p0 $0xFFFFF000;
	s9 =	sshra.s32 @!p0 s17, $0x2  }
0x6a: {  	s26 =	simm.s32 @!p0 $0x80;
	s28 =	simm.s32 @!p0 $0xA000;
	s24 =	sadd.s32 @!p0 $0x280, s9  }
0x6b: {  	[tilespmem:s28], [sflag:$0x1] =	stream.indirect.gather @!p0 [spmem:s3], $0x20, s24, s26, $0xb8;
	[tilespmem:$0x1E040] =	vst v63  }
0x6c: {  	s24 =	simm.s32 @!p0 $0x2  }
0x6d: {  	_ =	swait.ge @!p0 [sflag:s24], $0x1000  }
0x6e: {  	[sflag:s24] =	ssyncset.done @!p0 $0x0  }
0x6f: {  	s28 =	simm.s32 @!p0 $0xB000;
	[sflag:s24] =	ssyncadd.s32 @!p0 $0xFFFFF000;
	s24 =	sadd.s32 @!p0 $0x5080, s9  }
0x70: {  	[spmem:s4] =	stream.indirect.scatter.add.f32 @!p0 [tilespmem:s28], [sflag:$0x7], $0x20, s24, s26, $0xb8;
	[tilespmem:$0x1E040] =	vst v63  }
0x71: {  	s24 =	simm.s32 @!p0 $0x7  }
0x72: {  	_ =	swait.ge @!p0 [sflag:s24], $0x1000  }
0x73: {  	[sflag:s24] =	ssyncset.done @!p0 $0x0  }
0x74: {  	[sflag:s24] =	ssyncadd.s32 @!p0 $0xFFFFF000;
	s24 =	sadd.s32 @!p0 $0x300, s9  }
0x75: {  	[tilespmem:s28], [sflag:$0x2] =	stream.indirect.gather @!p0 [spmem:s3], $0x20, s24, s26, $0xb8;
	[tilespmem:$0x1E040] =	vst v63  }
0x76: {  	_ =	swait.ge [sflag:s20], $0x1000  }
0x77: {  	[sflag:s20] =	ssyncset.done $0x0  }
0x78: {  	s28 =	sadd.s32 $0x5100, s19;
	s24 =	simm.s32 @p0 $0x4;
	[sflag:s20] =	ssyncadd.s32 $0xFFFFF000  }
0x79: {  	[spmem:s4] =	stream.indirect.scatter.add.f32 [tilespmem:s10], [sflag:$0x8], $0x20, s28, s6, $0xb8;
	[tilespmem:$0x1E040] =	vst v63  }
0x7a: {  	_ =	swait.ge @p0 [sflag:s24], $0x1000  }
0x7b: {  	[sflag:s24] =	ssyncset.done @p0 $0x0  }
0x7c: {  	s23 =	sadd.s32 @p0 $0x5180, s23;
	[sflag:s24] =	ssyncadd.s32 @p0 $0xFFFFF000;
	s24 =	simm.s32 @p0 $0xD000  }
0x7d: {  	[spmem:s4] =	stream.indirect.scatter.add.f32 @p0 [tilespmem:s24], [sflag:$0x9], $0x20, s23, s5, $0xb8;
	[tilespmem:$0x1E040] =	vst v63  }
0x7e: {  	s5 =	simm.s32 @!p0 $0x8  }
0x7f: {  	_ =	swait.ge @!p0 [sflag:s5], $0x1000  }
0x80: {  	[sflag:s5] =	ssyncset.done @!p0 $0x0  }
0x81: {  	s23 =	simm.s32 @!p0 $0xC000;
	[sflag:s5] =	ssyncadd.s32 @!p0 $0xFFFFF000;
	s5 =	sadd.s32 @!p0 $0x380, s9  }
0x82: {  	[tilespmem:s23], [sflag:$0x3] =	stream.indirect.gather @!p0 [spmem:s3], $0x20, s5, s26, $0xb8;
	[tilespmem:$0x1E040] =	vst v63  }
0x83: {  	s5 =	simm.s32 @!p0 $0x4  }
0x84: {  	_ =	swait.ge @!p0 [sflag:s5], $0x1000  }
0x85: {  	[sflag:s5] =	ssyncset.done @!p0 $0x0  }
0x86: {  	s23 =	simm.s32 @!p0 $0xD000;
	[sflag:s5] =	ssyncadd.s32 @!p0 $0xFFFFF000;
	s5 =	sadd.s32 @!p0 $0x5180, s9  }
0x87: {  	[spmem:s4] =	stream.indirect.scatter.add.f32 @!p0 [tilespmem:s23], [sflag:$0x9], $0x20, s5, s26, $0xb8;
	[tilespmem:$0x1E040] =	vst v63  }
0x88: {  	s5 =	simm.s32 @!p0 $0x9  }
0x89: {  	_ =	swait.ge @!p0 [sflag:s5], $0x1000  }
0x8a: {  	[sflag:s5] =	ssyncset.done @!p0 $0x0  }
0x8b: {  	[sflag:s5] =	ssyncadd.s32 @!p0 $0xFFFFF000;
	s5 =	sadd.s32 @!p0 $0x400, s9  }
0x8c: {  	[tilespmem:s23], [sflag:$0x4] =	stream.indirect.gather @!p0 [spmem:s3], $0x20, s5, s26, $0xb8;
	[tilespmem:$0x1E040] =	vst v63  }
.Ltmp1:
0x8d: {  	_ = 	snop;
	(pc) =	sbr.rel @p0 .LBB2_6-.Ltmp1, $4  }
0x8e: {  	_ =	swait.ge [sflag:s25], $0x1000  }
0x8f: {  	[sflag:s25] =	ssyncset.done $0x0  }
0x90: {  	s28 =	sadd.s32 $0x5200, s19;
	[sflag:s25] =	ssyncadd.s32 $0xFFFFF000  }
0x91: {  	[spmem:s4] =	stream.indirect.scatter.add.f32 [tilespmem:s18], [sflag:$0xA], $0x20, s28, s6, $0xb8;
	[tilespmem:$0x1E040] =	vst v63  }
.Ltmp2:
0x92: {  	(pc) =	sbr.rel .LBB2_4-.Ltmp2, $4  }
0x93: {  	_ =	swait.ge [sflag:s31], $0x1000  }
0x94: {  	[sflag:s31] =	ssyncset.done $0x0  }
0x95: {  	s5 =	sadd.s32 $0x480, s19;
	s17 =	sadd.s32 $0xA00, s17;
	[sflag:s31] =	ssyncadd.s32 $0xFFFFF000  }
0x96: {  	[tilespmem:s18], [sflag:$0x5] =	stream.indirect.gather [spmem:s3], $0x20, s5, s6, $0xb8;
	[tilespmem:$0x1E040] =	vst v63  }
.LBB2_6:
0x97: {  	s5 =	simm.s32 $0x6  }
0x98: {  	_ =	swait.ge [sflag:s5], $0x1000  }
0x99: {  	[sflag:s5] =	ssyncset.done $0x0  }
0x9a: {  	s24 =	simm.s32 $0x7;
	[sflag:s5] =	ssyncadd.s32 $0xFFFFF000  }
0x9b: {  	_ =	swait.ge [sflag:s24], $0x1000  }
0x9c: {  	[sflag:s24] =	ssyncset.done $0x0  }
0x9d: {  	s26 =	simm.s32 $0x8;
	[sflag:s24] =	ssyncadd.s32 $0xFFFFF000  }
0x9e: {  	_ =	swait.ge [sflag:s26], $0x1000  }
0x9f: {  	[sflag:s26] =	ssyncset.done $0x0  }
0xa0: {  	s28 =	simm.s32 $0x9;
	[sflag:s26] =	ssyncadd.s32 $0xFFFFF000  }
0xa1: {  	_ =	swait.ge [sflag:s28], $0x1000  }
0xa2: {  	[sflag:s28] =	ssyncset.done $0x0  }
0xa3: {  	[sflag:s28] =	ssyncadd.s32 $0xFFFFF000  }
0xa4: {  	_ =	swait.ge [sflag:s31], $0x1000  }
0xa5: {  	[sflag:s31] =	ssyncset.done $0x0  }
0xa6: {  	[sflag:s31] =	ssyncadd.s32 $0xFFFFF000  }
0xa7: {  	[bflag:$0x0] =	sbarrier.arrive $0xFFFF  }
0xa8: {  	[tilespmem:s7], [sflag:$0xB] =	stream.linear.gather [spmem:s12], $0x1000, $0x38;
	[tilespmem:$0x1E040] =	vst v63  }
0xa9: {  	_ =	swait.ge [sflag:s0], $0x1000  }
0xaa: {  	[sflag:s0] =	ssyncset.done $0x0  }
0xab: {  	[sflag:s0] =	ssyncadd.s32 $0xFFFFF000  }
0xac: {  	[tilespmem:s8], [sflag:$0xB] =	stream.linear.gather [spmem:s29], $0x1000, $0x38;
	[tilespmem:$0x1E040] =	vst v63  }
0xad: {  	_ =	swait.ge [sflag:s0], $0x1000  }
0xae: {  	[sflag:s0] =	ssyncset.done $0x0  }
0xaf: {  	s17 =	simm.s32 $0x0;
	[sflag:s0] =	ssyncadd.s32 $0xFFFFF000  }
0xb0: {  	v1 =	vld [tilespmem:s17+$0xB000]  }
0xb1: {  	v2 =	vld [tilespmem:s17+$0xD000];
	_ =	sdelay $0x1  }
0xb2: {  	v3 =	vld [tilespmem:s17+$0xF000];
	_ =	sdelay $0x1  }
0xb3: {  	v4 =	vld [tilespmem:$0x14000]  }
0xb4: {  	v1 =	vadd.f32 v2, v1  }
0xb5: {  	v5 =	vld [tilespmem:s17+$0xD010]  }
0xb6: {  	v2 =	vld [tilespmem:s17+$0xB010];
	v1 =	vmul.f32 v1, v3;
	_ =	sdelay $0x1  }
0xb7: {  	v1 =	vadd.f32 v4, v1  }
0xb8: {  	v3 =	vld [tilespmem:s17+$0xF010]  }
0xb9: {  	[tilespmem:s17+$0xC000] =	vst v1  }
0xba: {  	v4 =	vadd.f32 v5, v2;
	v2 =	vld [tilespmem:$0x14010];
	_ =	sdelay $0x1  }
0xbb: {  	s23 =	simm.s32 $0x20  }
0xbc: {  	s19 =	simm.s32 $0x100;
	s24 =	smov.u32 s12;
	s26 =	smov.u32 s29;
	v1 =	vld [tilespmem:s23+$0xB000];
	v3 =	vmul.f32 v4, v3  }
.LBB2_7:
0xbd: {  	p0 =	sne.s32 s19, $0x3F80;
	v4 =	vld [tilespmem:s23+$0xD000]  }
0xbe: {  	v2 =	vadd.f32 v2, v3  }
0xbf: {  	v3 =	vld [tilespmem:s23+$0xF000]  }
0xc0: {  	[tilespmem:s17+$0xC010] =	vst v2;
	s17 =	smov.u32 s23  }
0xc1: {  	v2 =	vld [tilespmem:$0x14000]  }
0xc2: {  	v1 =	vadd.f32 v4, v1;
	_ =	sdelay $0x1  }
0xc3: {  	v1 =	vmul.f32 v1, v3;
	v3 =	vld [tilespmem:s17+$0xB010]  }
0xc4: {  	v4 =	vld [tilespmem:s17+$0xD010]  }
0xc5: {  	v1 =	vadd.f32 v2, v1  }
0xc6: {  	v5 =	vld [tilespmem:s17+$0xF010]  }
.Ltmp3:
0xc7: {  	[tilespmem:s17+$0xC000] =	vst v1;
	(pc) =	sbr.rel @p0 .LBB2_7-.Ltmp3, $4  }
0xc8: {  	v2 =	vld [tilespmem:$0x14010]  }
0xc9: {  	v3 =	vadd.f32 v4, v3  }
0xca: {  	s23 =	sshra.s32 s19, $0x2  }
0xcb: {  	s19 =	sadd.s32 $0x80, s19;
	v1 =	vld [tilespmem:s23+$0xB000];
	v3 =	vmul.f32 v3, v5  }
0xcc: {  	v4 =	vld [tilespmem:s23+$0xD000]  }
0xcd: {  	v2 =	vadd.f32 v2, v3  }
0xce: {  	v3 =	vld [tilespmem:s23+$0xF000]  }
0xcf: {  	[tilespmem:s17+$0xC010] =	vst v2  }
0xd0: {  	v2 =	vld [tilespmem:$0x14000]  }
0xd1: {  	v1 =	vadd.f32 v4, v1;
	_ =	sdelay $0x1  }
0xd2: {  	v4 =	vld [tilespmem:s23+$0xD010];
	v1 =	vmul.f32 v1, v3  }
0xd3: {  	v3 =	vld [tilespmem:s23+$0xB010]  }
0xd4: {  	v1 =	vadd.f32 v2, v1  }
0xd5: {  	v2 =	vld [tilespmem:s23+$0xF010]  }
0xd6: {  	[tilespmem:s23+$0xC000] =	vst v1  }
0xd7: {  	v1 =	vld [tilespmem:$0x14010]  }
0xd8: {  	v3 =	vadd.f32 v4, v3;
	_ =	sdelay $0x1  }
0xd9: {  	v2 =	vmul.f32 v3, v2;
	_ =	sdelay $0x1  }
0xda: {  	v1 =	vadd.f32 v1, v2;
	_ =	sdelay $0x1  }
0xdb: {  	s5 =	simm.s32 $0x0;
	s9 =	rddreg [dreg:$0xa];
	[tilespmem:s23+$0xC010] =	vst v1  }
0xdc: {  	[hbm4b:s9+s5] =	stream.linear.scatter [tilespmem:s10], [sflag:$0xB], $0x1000, $0x38;
	[tilespmem:$0x1E040] =	vst v63  }
0xdd: {  	_ =	swait.ge [sflag:s0], $0x1000  }
0xde: {  	[sflag:s0] =	ssyncset.done $0x0  }
0xdf: {  	s23 =	rddreg [dreg:$0xc];
	[sflag:s0] =	ssyncadd.s32 $0xFFFFF000  }
0xe0: {  	[tilespmem:s7], [sflag:$0xB] =	stream.linear.gather [spmem:s23], $0x1000, $0x38;
	[tilespmem:$0x1E040] =	vst v63  }
0xe1: {  	_ =	swait.ge [sflag:s0], $0x1000  }
0xe2: {  	[sflag:s0] =	ssyncset.done $0x0  }
0xe3: {  	[sflag:s0] =	ssyncadd.s32 $0xFFFFF000  }
0xe4: {  	[tilespmem:s8], [sflag:$0xB] =	stream.linear.gather [spmem:s30], $0x1000, $0x38;
	[tilespmem:$0x1E040] =	vst v63  }
0xe5: {  	_ =	swait.ge [sflag:s0], $0x1000  }
0xe6: {  	[sflag:s0] =	ssyncset.done $0x0  }
0xe7: {  	s17 =	simm.s32 $0x0;
	[sflag:s0] =	ssyncadd.s32 $0xFFFFF000  }
0xe8: {  	v1 =	vld [tilespmem:s17+$0xB000]  }
0xe9: {  	v2 =	vld [tilespmem:s17+$0xD000];
	_ =	sdelay $0x1  }
0xea: {  	v3 =	vld [tilespmem:s17+$0x10000];
	_ =	sdelay $0x1  }
0xeb: {  	v4 =	vld [tilespmem:$0x14000]  }
0xec: {  	v1 =	vadd.f32 v2, v1  }
0xed: {  	v5 =	vld [tilespmem:s17+$0xD010]  }
0xee: {  	v2 =	vld [tilespmem:s17+$0xB010];
	v1 =	vmul.f32 v1, v3;
	_ =	sdelay $0x1  }
0xef: {  	v1 =	vadd.f32 v4, v1  }
0xf0: {  	v3 =	vld [tilespmem:s17+$0x10010]  }
0xf1: {  	[tilespmem:s17+$0xC000] =	vst v1  }
0xf2: {  	v4 =	vadd.f32 v5, v2;
	v2 =	vld [tilespmem:$0x14010];
	_ =	sdelay $0x1  }
0xf3: {  	s23 =	simm.s32 $0x20  }
0xf4: {  	s28 =	smov.u32 s30;
	s19 =	simm.s32 $0x100;
	s29 =	smov.u32 s11;
	v1 =	vld [tilespmem:s23+$0xB000];
	v3 =	vmul.f32 v4, v3  }
.LBB2_9:
0xf5: {  	p0 =	sne.s32 s19, $0x3F80;
	v4 =	vld [tilespmem:s23+$0xD000]  }
0xf6: {  	v2 =	vadd.f32 v2, v3  }
0xf7: {  	v3 =	vld [tilespmem:s23+$0x10000]  }
0xf8: {  	[tilespmem:s17+$0xC010] =	vst v2;
	s17 =	smov.u32 s23  }
0xf9: {  	v2 =	vld [tilespmem:$0x14000]  }
0xfa: {  	v1 =	vadd.f32 v4, v1;
	_ =	sdelay $0x1  }
0xfb: {  	v1 =	vmul.f32 v1, v3;
	v3 =	vld [tilespmem:s17+$0xB010]  }
0xfc: {  	v4 =	vld [tilespmem:s17+$0xD010]  }
0xfd: {  	v1 =	vadd.f32 v2, v1  }
0xfe: {  	v5 =	vld [tilespmem:s17+$0x10010]  }
.Ltmp4:
0xff: {  	[tilespmem:s17+$0xC000] =	vst v1;
	(pc) =	sbr.rel @p0 .LBB2_9-.Ltmp4, $4  }
0x100: {  	v2 =	vld [tilespmem:$0x14010]  }
0x101: {  	v3 =	vadd.f32 v4, v3  }
0x102: {  	s23 =	sshra.s32 s19, $0x2  }
0x103: {  	s19 =	sadd.s32 $0x80, s19;
	v1 =	vld [tilespmem:s23+$0xB000];
	v3 =	vmul.f32 v3, v5  }
0x104: {  	v4 =	vld [tilespmem:s23+$0xD000]  }
0x105: {  	v2 =	vadd.f32 v2, v3  }
0x106: {  	v3 =	vld [tilespmem:s23+$0x10000]  }
0x107: {  	[tilespmem:s17+$0xC010] =	vst v2  }
0x108: {  	v2 =	vld [tilespmem:$0x14000]  }
0x109: {  	v1 =	vadd.f32 v4, v1;
	_ =	sdelay $0x1  }
0x10a: {  	v4 =	vld [tilespmem:s23+$0xD010];
	v1 =	vmul.f32 v1, v3  }
0x10b: {  	v3 =	vld [tilespmem:s23+$0xB010]  }
0x10c: {  	v1 =	vadd.f32 v2, v1  }
0x10d: {  	v2 =	vld [tilespmem:s23+$0x10010]  }
0x10e: {  	[tilespmem:s23+$0xC000] =	vst v1  }
0x10f: {  	v1 =	vld [tilespmem:$0x14010]  }
0x110: {  	v3 =	vadd.f32 v4, v3;
	_ =	sdelay $0x1  }
0x111: {  	v2 =	vmul.f32 v3, v2;
	_ =	sdelay $0x1  }
0x112: {  	v1 =	vadd.f32 v1, v2;
	_ =	sdelay $0x1  }
0x113: {  	s5 =	simm.s32 $0x0;
	s9 =	rddreg [dreg:$0xb];
	[tilespmem:s23+$0xC010] =	vst v1  }
0x114: {  	[hbm4b:s9+s5] =	stream.linear.scatter [tilespmem:s10], [sflag:$0xB], $0x1000, $0x38;
	[tilespmem:$0x1E040] =	vst v63  }
0x115: {  	_ =	swait.ge [sflag:s0], $0x1000  }
0x116: {  	[sflag:s0] =	ssyncset.done $0x0  }
0x117: {  	s23 =	rddreg [dreg:$0x10];
	[sflag:s0] =	ssyncadd.s32 $0xFFFFF000  }
0x118: {  	[tilespmem:s7], [sflag:$0xB] =	stream.linear.gather [spmem:s23], $0x1000, $0x38;
	[tilespmem:$0x1E040] =	vst v63  }
0x119: {  	_ =	swait.ge [sflag:s0], $0x1000  }
0x11a: {  	[sflag:s0] =	ssyncset.done $0x0  }
0x11b: {  	[sflag:s0] =	ssyncadd.s32 $0xFFFFF000  }
0x11c: {  	[tilespmem:s8], [sflag:$0xB] =	stream.linear.gather [spmem:s29], $0x1000, $0x38;
	[tilespmem:$0x1E040] =	vst v63  }
0x11d: {  	_ =	swait.ge [sflag:s0], $0x1000  }
0x11e: {  	[sflag:s0] =	ssyncset.done $0x0  }
0x11f: {  	s17 =	simm.s32 $0x0;
	[sflag:s0] =	ssyncadd.s32 $0xFFFFF000  }
0x120: {  	v1 =	vld [tilespmem:s17+$0xB000]  }
0x121: {  	v2 =	vld [tilespmem:s17+$0xD000];
	_ =	sdelay $0x1  }
0x122: {  	v3 =	vld [tilespmem:s17+$0x11000];
	_ =	sdelay $0x1  }
0x123: {  	v4 =	vld [tilespmem:$0x14000]  }
0x124: {  	v1 =	vadd.f32 v2, v1  }
0x125: {  	v5 =	vld [tilespmem:s17+$0xD010]  }
0x126: {  	v2 =	vld [tilespmem:s17+$0xB010];
	v1 =	vmul.f32 v1, v3;
	_ =	sdelay $0x1  }
0x127: {  	v1 =	vadd.f32 v4, v1  }
0x128: {  	v3 =	vld [tilespmem:s17+$0x11010]  }
0x129: {  	[tilespmem:s17+$0xC000] =	vst v1  }
0x12a: {  	v4 =	vadd.f32 v5, v2;
	v2 =	vld [tilespmem:$0x14010];
	_ =	sdelay $0x1  }
0x12b: {  	s23 =	simm.s32 $0x20  }
0x12c: {  	s19 =	simm.s32 $0x100;
	s30 =	smov.u32 s13;
	v1 =	vld [tilespmem:s23+$0xB000];
	v3 =	vmul.f32 v4, v3  }
.LBB2_11:
0x12d: {  	p0 =	sne.s32 s19, $0x3F80;
	v4 =	vld [tilespmem:s23+$0xD000]  }
0x12e: {  	v2 =	vadd.f32 v2, v3  }
0x12f: {  	v3 =	vld [tilespmem:s23+$0x11000]  }
0x130: {  	[tilespmem:s17+$0xC010] =	vst v2;
	s17 =	smov.u32 s23  }
0x131: {  	v2 =	vld [tilespmem:$0x14000]  }
0x132: {  	v1 =	vadd.f32 v4, v1;
	_ =	sdelay $0x1  }
0x133: {  	v1 =	vmul.f32 v1, v3;
	v3 =	vld [tilespmem:s17+$0xB010]  }
0x134: {  	v4 =	vld [tilespmem:s17+$0xD010]  }
0x135: {  	v1 =	vadd.f32 v2, v1  }
0x136: {  	v5 =	vld [tilespmem:s17+$0x11010]  }
.Ltmp5:
0x137: {  	[tilespmem:s17+$0xC000] =	vst v1;
	(pc) =	sbr.rel @p0 .LBB2_11-.Ltmp5, $4  }
0x138: {  	v2 =	vld [tilespmem:$0x14010]  }
0x139: {  	v3 =	vadd.f32 v4, v3  }
0x13a: {  	s23 =	sshra.s32 s19, $0x2  }
0x13b: {  	s19 =	sadd.s32 $0x80, s19;
	v1 =	vld [tilespmem:s23+$0xB000];
	v3 =	vmul.f32 v3, v5  }
0x13c: {  	v4 =	vld [tilespmem:s23+$0xD000]  }
0x13d: {  	v2 =	vadd.f32 v2, v3  }
0x13e: {  	v3 =	vld [tilespmem:s23+$0x11000]  }
0x13f: {  	[tilespmem:s17+$0xC010] =	vst v2  }
0x140: {  	v2 =	vld [tilespmem:$0x14000]  }
0x141: {  	v1 =	vadd.f32 v4, v1;
	_ =	sdelay $0x1  }
0x142: {  	v4 =	vld [tilespmem:s23+$0xD010];
	v1 =	vmul.f32 v1, v3  }
0x143: {  	v3 =	vld [tilespmem:s23+$0xB010]  }
0x144: {  	v1 =	vadd.f32 v2, v1  }
0x145: {  	v2 =	vld [tilespmem:s23+$0x11010]  }
0x146: {  	[tilespmem:s23+$0xC000] =	vst v1  }
0x147: {  	v1 =	vld [tilespmem:$0x14010]  }
0x148: {  	v3 =	vadd.f32 v4, v3;
	_ =	sdelay $0x1  }
0x149: {  	v2 =	vmul.f32 v3, v2;
	_ =	sdelay $0x1  }
0x14a: {  	v1 =	vadd.f32 v1, v2;
	_ =	sdelay $0x1  }
0x14b: {  	s5 =	simm.s32 $0x0;
	s9 =	rddreg [dreg:$0xf];
	[tilespmem:s23+$0xC010] =	vst v1  }
0x14c: {  	[hbm4b:s9+s5] =	stream.linear.scatter [tilespmem:s10], [sflag:$0xB], $0x1000, $0x38;
	[tilespmem:$0x1E040] =	vst v63  }
0x14d: {  	_ =	swait.ge [sflag:s0], $0x1000  }
0x14e: {  	[sflag:s0] =	ssyncset.done $0x0  }
0x14f: {  	s23 =	rddreg [dreg:$0x11];
	[sflag:s0] =	ssyncadd.s32 $0xFFFFF000  }
0x150: {  	[tilespmem:s7], [sflag:$0xB] =	stream.linear.gather [spmem:s23], $0x1000, $0x38;
	[tilespmem:$0x1E040] =	vst v63  }
0x151: {  	_ =	swait.ge [sflag:s0], $0x1000  }
0x152: {  	[sflag:s0] =	ssyncset.done $0x0  }
0x153: {  	[sflag:s0] =	ssyncadd.s32 $0xFFFFF000  }
0x154: {  	[tilespmem:s8], [sflag:$0xB] =	stream.linear.gather [spmem:s30], $0x1000, $0x38;
	[tilespmem:$0x1E040] =	vst v63  }
0x155: {  	_ =	swait.ge [sflag:s0], $0x1000  }
0x156: {  	[sflag:s0] =	ssyncset.done $0x0  }
0x157: {  	s17 =	simm.s32 $0x0;
	[sflag:s0] =	ssyncadd.s32 $0xFFFFF000  }
0x158: {  	v1 =	vld [tilespmem:s17+$0xB000]  }
0x159: {  	v2 =	vld [tilespmem:s17+$0xD000];
	_ =	sdelay $0x1  }
0x15a: {  	v3 =	vld [tilespmem:s17+$0x12000];
	_ =	sdelay $0x1  }
0x15b: {  	v4 =	vld [tilespmem:$0x14000]  }
0x15c: {  	v1 =	vadd.f32 v2, v1  }
0x15d: {  	v5 =	vld [tilespmem:s17+$0xD010]  }
0x15e: {  	v2 =	vld [tilespmem:s17+$0xB010];
	v1 =	vmul.f32 v1, v3;
	_ =	sdelay $0x1  }
0x15f: {  	v1 =	vadd.f32 v4, v1  }
0x160: {  	v3 =	vld [tilespmem:s17+$0x12010]  }
0x161: {  	[tilespmem:s17+$0xC000] =	vst v1  }
0x162: {  	v4 =	vadd.f32 v5, v2;
	v2 =	vld [tilespmem:$0x14010];
	_ =	sdelay $0x1  }
0x163: {  	s23 =	simm.s32 $0x20  }
0x164: {  	s19 =	simm.s32 $0x100;
	v1 =	vld [tilespmem:s23+$0xB000];
	v3 =	vmul.f32 v4, v3  }
.LBB2_13:
0x165: {  	p0 =	sne.s32 s19, $0x3F80;
	v4 =	vld [tilespmem:s23+$0xD000]  }
0x166: {  	v2 =	vadd.f32 v2, v3  }
0x167: {  	v3 =	vld [tilespmem:s23+$0x12000]  }
0x168: {  	[tilespmem:s17+$0xC010] =	vst v2;
	s17 =	smov.u32 s23  }
0x169: {  	v2 =	vld [tilespmem:$0x14000]  }
0x16a: {  	v1 =	vadd.f32 v4, v1;
	_ =	sdelay $0x1  }
0x16b: {  	v1 =	vmul.f32 v1, v3;
	v3 =	vld [tilespmem:s17+$0xB010]  }
0x16c: {  	v4 =	vld [tilespmem:s17+$0xD010]  }
0x16d: {  	v1 =	vadd.f32 v2, v1  }
0x16e: {  	v5 =	vld [tilespmem:s17+$0x12010]  }
.Ltmp6:
0x16f: {  	[tilespmem:s17+$0xC000] =	vst v1;
	(pc) =	sbr.rel @p0 .LBB2_13-.Ltmp6, $4  }
0x170: {  	v2 =	vld [tilespmem:$0x14010]  }
0x171: {  	v3 =	vadd.f32 v4, v3  }
0x172: {  	s23 =	sshra.s32 s19, $0x2  }
0x173: {  	s19 =	sadd.s32 $0x80, s19;
	v1 =	vld [tilespmem:s23+$0xB000];
	v3 =	vmul.f32 v3, v5  }
0x174: {  	v4 =	vld [tilespmem:s23+$0xD000]  }
0x175: {  	v2 =	vadd.f32 v2, v3  }
0x176: {  	v3 =	vld [tilespmem:s23+$0x12000]  }
0x177: {  	[tilespmem:s17+$0xC010] =	vst v2  }
0x178: {  	v2 =	vld [tilespmem:$0x14000]  }
0x179: {  	v1 =	vadd.f32 v4, v1;
	_ =	sdelay $0x1  }
0x17a: {  	v4 =	vld [tilespmem:s23+$0xD010];
	v1 =	vmul.f32 v1, v3  }
0x17b: {  	v3 =	vld [tilespmem:s23+$0xB010]  }
0x17c: {  	v1 =	vadd.f32 v2, v1  }
0x17d: {  	v2 =	vld [tilespmem:s23+$0x12010]  }
0x17e: {  	[tilespmem:s23+$0xC000] =	vst v1  }
0x17f: {  	v1 =	vld [tilespmem:$0x14010]  }
0x180: {  	v3 =	vadd.f32 v4, v3;
	_ =	sdelay $0x1  }
0x181: {  	v2 =	vmul.f32 v3, v2;
	_ =	sdelay $0x1  }
0x182: {  	v1 =	vadd.f32 v1, v2;
	_ =	sdelay $0x1  }
0x183: {  	s5 =	simm.s32 $0x0;
	s9 =	rddreg [dreg:$0x13];
	[tilespmem:s23+$0xC010] =	vst v1  }
0x184: {  	[hbm4b:s9+s5] =	stream.linear.scatter [tilespmem:s10], [sflag:$0xB], $0x1000, $0x38;
	[tilespmem:$0x1E040] =	vst v63  }
0x185: {  	_ =	swait.ge [sflag:s0], $0x1000  }
0x186: {  	[sflag:s0] =	ssyncset.done $0x0  }
0x187: {  	[sflag:s0] =	ssyncadd.s32 $0xFFFFF000  }
0x188: {  	[tilespmem:s7], [sflag:$0xB] =	stream.linear.gather [spmem:s15], $0x1000, $0x38;
	[tilespmem:$0x1E040] =	vst v63  }
0x189: {  	_ =	swait.ge [sflag:s0], $0x1000  }
0x18a: {  	[sflag:s0] =	ssyncset.done $0x0  }
0x18b: {  	[sflag:s0] =	ssyncadd.s32 $0xFFFFF000  }
0x18c: {  	[tilespmem:s8], [sflag:$0xB] =	stream.linear.gather [spmem:s14], $0x1000, $0x38;
	[tilespmem:$0x1E040] =	vst v63  }
0x18d: {  	_ =	swait.ge [sflag:s0], $0x1000  }
0x18e: {  	[sflag:s0] =	ssyncset.done $0x0  }
0x18f: {  	s17 =	simm.s32 $0x0;
	[sflag:s0] =	ssyncadd.s32 $0xFFFFF000  }
0x190: {  	v1 =	vld [tilespmem:s17+$0xB000]  }
0x191: {  	v2 =	vld [tilespmem:s17+$0xD000];
	_ =	sdelay $0x1  }
0x192: {  	v3 =	vld [tilespmem:s17+$0x13000];
	_ =	sdelay $0x1  }
0x193: {  	v4 =	vld [tilespmem:$0x14000]  }
0x194: {  	v1 =	vadd.f32 v2, v1  }
0x195: {  	v5 =	vld [tilespmem:s17+$0xD010]  }
0x196: {  	v2 =	vld [tilespmem:s17+$0xB010];
	v1 =	vmul.f32 v1, v3;
	_ =	sdelay $0x1  }
0x197: {  	v1 =	vadd.f32 v4, v1  }
0x198: {  	v3 =	vld [tilespmem:s17+$0x13010]  }
0x199: {  	[tilespmem:s17+$0xC000] =	vst v1  }
0x19a: {  	v4 =	vadd.f32 v5, v2;
	v2 =	vld [tilespmem:$0x14010];
	_ =	sdelay $0x1  }
0x19b: {  	s23 =	simm.s32 $0x20  }
0x19c: {  	s19 =	simm.s32 $0x100;
	v1 =	vld [tilespmem:s23+$0xB000];
	v3 =	vmul.f32 v4, v3  }
.LBB2_15:
0x19d: {  	p0 =	sne.s32 s19, $0x3F80;
	v4 =	vld [tilespmem:s23+$0xD000]  }
0x19e: {  	v2 =	vadd.f32 v2, v3  }
0x19f: {  	v3 =	vld [tilespmem:s23+$0x13000]  }
0x1a0: {  	[tilespmem:s17+$0xC010] =	vst v2;
	s17 =	smov.u32 s23  }
0x1a1: {  	v2 =	vld [tilespmem:$0x14000]  }
0x1a2: {  	v1 =	vadd.f32 v4, v1;
	_ =	sdelay $0x1  }
0x1a3: {  	v1 =	vmul.f32 v1, v3;
	v3 =	vld [tilespmem:s17+$0xB010]  }
0x1a4: {  	v4 =	vld [tilespmem:s17+$0xD010]  }
0x1a5: {  	v1 =	vadd.f32 v2, v1  }
0x1a6: {  	v5 =	vld [tilespmem:s17+$0x13010]  }
.Ltmp7:
0x1a7: {  	[tilespmem:s17+$0xC000] =	vst v1;
	(pc) =	sbr.rel @p0 .LBB2_15-.Ltmp7, $4  }
0x1a8: {  	v2 =	vld [tilespmem:$0x14010]  }
0x1a9: {  	v3 =	vadd.f32 v4, v3  }
0x1aa: {  	s23 =	sshra.s32 s19, $0x2  }
0x1ab: {  	s19 =	sadd.s32 $0x80, s19;
	v1 =	vld [tilespmem:s23+$0xB000];
	v3 =	vmul.f32 v3, v5  }
0x1ac: {  	v4 =	vld [tilespmem:s23+$0xD000]  }
0x1ad: {  	v2 =	vadd.f32 v2, v3  }
0x1ae: {  	v3 =	vld [tilespmem:s23+$0x13000]  }
0x1af: {  	[tilespmem:s17+$0xC010] =	vst v2  }
0x1b0: {  	v2 =	vld [tilespmem:$0x14000]  }
0x1b1: {  	v1 =	vadd.f32 v4, v1;
	_ =	sdelay $0x1  }
0x1b2: {  	v63 =	vld [tilespmem:s23+$0xD010];
	v1 =	vmul.f32 v1, v3  }
0x1b3: {  	v3 =	vld [tilespmem:s23+$0xB010]  }
0x1b4: {  	v1 =	vadd.f32 v2, v1  }
0x1b5: {  	v2 =	vld [tilespmem:s23+$0x13010]  }
0x1b6: {  	[tilespmem:s23+$0xC000] =	vst v1  }
0x1b7: {  	v1 =	vld [tilespmem:$0x14010]  }
0x1b8: {  	v3 =	vadd.f32 v63, v3;
	_ =	sdelay $0x1  }
0x1b9: {  	v2 =	vmul.f32 v3, v2;
	_ =	sdelay $0x1  }
0x1ba: {  	v1 =	vadd.f32 v1, v2;
	_ =	sdelay $0x1  }
0x1bb: {  	s5 =	simm.s32 $0x0;
	s9 =	rddreg [dreg:$0x14];
	[tilespmem:s23+$0xC010] =	vst v1  }
0x1bc: {  	[hbm4b:s9+s5] =	stream.linear.scatter [tilespmem:s10], [sflag:$0xB], $0x1000, $0x38;
	[tilespmem:$0x1E040] =	vst v63  }
0x1bd: {  	_ =	swait.ge [sflag:s0], $0x1000  }
0x1be: {  	[sflag:s0] =	ssyncset.done $0x0  }
0x1bf: {  	[sflag:s0] =	ssyncadd.s32 $0xFFFFF000  }
0x1c0: {  	s19 =	simm.s32 $0x0;
	s17 =	simm.s32 $0x80;
	[bflag:$0x0] =	sbarrier.arrive $0xFFFF  }
.LBB2_17:
0x1c1: {  	p0 =	sne.s32 s17, $0x3F80;
	[tilespmem:s19+$0xA000] =	vst v0;
	s5 =	smov.u32 s17;
	s17 =	sadd.s32 $0x80, s17  }
.Ltmp8:
0x1c2: {  	[tilespmem:s19+$0xA010] =	vst v0;
	(pc) =	sbr.rel @p0 .LBB2_17-.Ltmp8, $2  }
0x1c3: {  	_ =	sdelay $0x2  }
0x1c4: {  	s19 =	sshra.s32 s5, $0x2  }
0x1c5: {  	[tilespmem:s19+$0xA000] =	vst v0  }
0x1c6: {  	[tilespmem:s19+$0xA010] =	vst v0;
	s5 =	rddreg [dreg:$0xd]  }
0x1c7: {  	[spmem:s21], [sflag:s16] =	dma.local [hbm:s5], $0xA00  }
0x1c8: {  	_ =	swait.ge [sflag:s0], $0xA00  }
0x1c9: {  	[sflag:s0] =	ssyncset.done $0x0  }
0x1ca: {  	[sflag:s0] =	ssyncadd.s32 $0xFFFFF600  }
0x1cb: {  	[spmem:s24] =	stream.linear.scatter [tilespmem:s2], [sflag:$0xB], $0x1000, $0x38;
	[tilespmem:$0x1E040] =	vst v63  }
0x1cc: {  	_ =	swait.ge [sflag:s0], $0x1000  }
0x1cd: {  	[sflag:s0] =	ssyncset.done $0x0  }
0x1ce: {  	s16 =	rddreg [dreg:$0xc];
	[sflag:s0] =	ssyncadd.s32 $0xFFFFF000  }
0x1cf: {  	[spmem:s16] =	stream.linear.scatter [tilespmem:s2], [sflag:$0xB], $0x1000, $0x38;
	[tilespmem:$0x1E040] =	vst v63  }
0x1d0: {  	_ =	swait.ge [sflag:s0], $0x1000  }
0x1d1: {  	[sflag:s0] =	ssyncset.done $0x0  }
0x1d2: {  	s17 =	rddreg [dreg:$0x10];
	[sflag:s0] =	ssyncadd.s32 $0xFFFFF000  }
0x1d3: {  	[spmem:s17] =	stream.linear.scatter [tilespmem:s2], [sflag:$0xB], $0x1000, $0x38;
	[tilespmem:$0x1E040] =	vst v63  }
0x1d4: {  	_ =	swait.ge [sflag:s0], $0x1000  }
0x1d5: {  	[sflag:s0] =	ssyncset.done $0x0  }
0x1d6: {  	s19 =	rddreg [dreg:$0x11];
	[sflag:s0] =	ssyncadd.s32 $0xFFFFF000  }
0x1d7: {  	[spmem:s19] =	stream.linear.scatter [tilespmem:s2], [sflag:$0xB], $0x1000, $0x38;
	[tilespmem:$0x1E040] =	vst v63  }
0x1d8: {  	_ =	swait.ge [sflag:s0], $0x1000  }
0x1d9: {  	[sflag:s0] =	ssyncset.done $0x0  }
0x1da: {  	[sflag:s0] =	ssyncadd.s32 $0xFFFFF000  }
0x1db: {  	[spmem:s15] =	stream.linear.scatter [tilespmem:s2], [sflag:$0xB], $0x1000, $0x38;
	[tilespmem:$0x1E040] =	vst v63  }
0x1dc: {  	_ =	swait.ge [sflag:s0], $0x1000  }
0x1dd: {  	[sflag:s0] =	ssyncset.done $0x0  }
0x1de: {  	[sflag:s0] =	ssyncadd.s32 $0xFFFFF000  }
0x1df: {  	s16 =	simm.s32 $0x0;
	[bflag:$0x0] =	sbarrier.arrive $0xFFFF  }
0x1e0: {  	[tilespmem:s2], [sflag:$0x1] =	stream.indirect.gather [spmem:s3], $0x20, s16, s6, $0xb8;
	[tilespmem:$0x1E040] =	vst v63  }
0x1e1: {  	_ = 	snop  }
0x1e2: {  	[tilespmem:s7], [sflag:$0x2] =	stream.indirect.gather [spmem:s3], $0x20, s6, s6, $0xb8;
	[tilespmem:$0x1E040] =	vst v63  }
0x1e3: {  	s21 =	simm.s32 $0x100  }
0x1e4: {  	[tilespmem:s10], [sflag:$0x3] =	stream.indirect.gather [spmem:s3], $0x20, s21, s6, $0xb8;
	[tilespmem:$0x1E040] =	vst v63  }
0x1e5: {  	s23 =	simm.s32 $0x180  }
0x1e6: {  	[tilespmem:s8], [sflag:$0x4] =	stream.indirect.gather [spmem:s3], $0x20, s23, s6, $0xb8;
	[tilespmem:$0x1E040] =	vst v63  }
0x1e7: {  	s24 =	simm.s32 $0x200  }
0x1e8: {  	[tilespmem:s18], [sflag:$0x5] =	stream.indirect.gather [spmem:s3], $0x20, s24, s6, $0xb8;
	[tilespmem:$0x1E040] =	vst v63  }
.LBB2_19:
0x1e9: {  	_ =	swait.ge [sflag:s22], $0x1000  }
0x1ea: {  	s17 =	sshra.s32 s16, $0x2;
	[sflag:s22] =	ssyncset.done $0x0  }
0x1eb: {  	p0 =	seq.s32 s16, $0x13600;
	s5 =	sadd.s32 $0x5000, s17;
	[sflag:s22] =	ssyncadd.s32 $0xFFFFF000  }
0x1ec: {  	[spmem:s4] =	stream.indirect.scatter.add.f32 [tilespmem:s2], [sflag:$0x6], $0x20, s5, s6, $0xb8;
	[tilespmem:$0x1E040] =	vst v63  }
0x1ed: {  	s5 =	simm.s32 @p0 $0x2  }
0x1ee: {  	_ =	swait.ge @p0 [sflag:s5], $0x1000  }
0x1ef: {  	[sflag:s5] =	ssyncset.done @p0 $0x0  }
0x1f0: {  	[sflag:s5] =	ssyncadd.s32 @p0 $0xFFFFF000;
	s5 =	sshra.s32 @p0 s16, $0x2  }
0x1f1: {  	s19 =	simm.s32 @p0 $0x80;
	s21 =	simm.s32 @p0 $0xB000;
	s9 =	sadd.s32 @p0 $0x5080, s5  }
0x1f2: {  	[spmem:s4] =	stream.indirect.scatter.add.f32 @p0 [tilespmem:s21], [sflag:$0x7], $0x20, s9, s19, $0xb8;
	[tilespmem:$0x1E040] =	vst v63  }
0x1f3: {  	s9 =	simm.s32 @!p0 $0x6  }
0x1f4: {  	_ =	swait.ge @!p0 [sflag:s9], $0x1000  }
0x1f5: {  	[sflag:s9] =	ssyncset.done @!p0 $0x0  }
0x1f6: {  	[sflag:s9] =	ssyncadd.s32 @!p0 $0xFFFFF000;
	s9 =	sshra.s32 @!p0 s16, $0x2  }
0x1f7: {  	s23 =	simm.s32 @!p0 $0x80;
	s24 =	simm.s32 @!p0 $0xA000;
	s21 =	sadd.s32 @!p0 $0x280, s9  }
0x1f8: {  	[tilespmem:s24], [sflag:$0x1] =	stream.indirect.gather @!p0 [spmem:s3], $0x20, s21, s23, $0xb8;
	[tilespmem:$0x1E040] =	vst v63  }
0x1f9: {  	s21 =	simm.s32 @!p0 $0x2  }
0x1fa: {  	_ =	swait.ge @!p0 [sflag:s21], $0x1000  }
0x1fb: {  	[sflag:s21] =	ssyncset.done @!p0 $0x0  }
0x1fc: {  	s24 =	simm.s32 @!p0 $0xB000;
	[sflag:s21] =	ssyncadd.s32 @!p0 $0xFFFFF000;
	s21 =	sadd.s32 @!p0 $0x5080, s9  }
0x1fd: {  	[spmem:s4] =	stream.indirect.scatter.add.f32 @!p0 [tilespmem:s24], [sflag:$0x7], $0x20, s21, s23, $0xb8;
	[tilespmem:$0x1E040] =	vst v63  }
0x1fe: {  	s21 =	simm.s32 @!p0 $0x7  }
0x1ff: {  	_ =	swait.ge @!p0 [sflag:s21], $0x1000  }
0x200: {  	[sflag:s21] =	ssyncset.done @!p0 $0x0  }
0x201: {  	[sflag:s21] =	ssyncadd.s32 @!p0 $0xFFFFF000;
	s21 =	sadd.s32 @!p0 $0x300, s9  }
0x202: {  	[tilespmem:s24], [sflag:$0x2] =	stream.indirect.gather @!p0 [spmem:s3], $0x20, s21, s23, $0xb8;
	[tilespmem:$0x1E040] =	vst v63  }
0x203: {  	_ =	swait.ge [sflag:s20], $0x1000  }
0x204: {  	[sflag:s20] =	ssyncset.done $0x0  }
0x205: {  	s13 =	sadd.s32 $0x5100, s17;
	s21 =	simm.s32 @p0 $0x4;
	[sflag:s20] =	ssyncadd.s32 $0xFFFFF000  }
0x206: {  	[spmem:s4] =	stream.indirect.scatter.add.f32 [tilespmem:s10], [sflag:$0x8], $0x20, s13, s6, $0xb8;
	[tilespmem:$0x1E040] =	vst v63  }
0x207: {  	_ =	swait.ge @p0 [sflag:s21], $0x1000  }
0x208: {  	[sflag:s21] =	ssyncset.done @p0 $0x0  }
0x209: {  	s5 =	sadd.s32 @p0 $0x5180, s5;
	[sflag:s21] =	ssyncadd.s32 @p0 $0xFFFFF000;
	s21 =	simm.s32 @p0 $0xD000  }
0x20a: {  	[spmem:s4] =	stream.indirect.scatter.add.f32 @p0 [tilespmem:s21], [sflag:$0x9], $0x20, s5, s19, $0xb8;
	[tilespmem:$0x1E040] =	vst v63  }
0x20b: {  	s5 =	simm.s32 @!p0 $0x8  }
0x20c: {  	_ =	swait.ge @!p0 [sflag:s5], $0x1000  }
0x20d: {  	[sflag:s5] =	ssyncset.done @!p0 $0x0  }
0x20e: {  	s19 =	simm.s32 @!p0 $0xC000;
	[sflag:s5] =	ssyncadd.s32 @!p0 $0xFFFFF000;
	s5 =	sadd.s32 @!p0 $0x380, s9  }
0x20f: {  	[tilespmem:s19], [sflag:$0x3] =	stream.indirect.gather @!p0 [spmem:s3], $0x20, s5, s23, $0xb8;
	[tilespmem:$0x1E040] =	vst v63  }
0x210: {  	s5 =	simm.s32 @!p0 $0x4  }
0x211: {  	_ =	swait.ge @!p0 [sflag:s5], $0x1000  }
0x212: {  	[sflag:s5] =	ssyncset.done @!p0 $0x0  }
0x213: {  	s19 =	simm.s32 @!p0 $0xD000;
	[sflag:s5] =	ssyncadd.s32 @!p0 $0xFFFFF000;
	s5 =	sadd.s32 @!p0 $0x5180, s9  }
0x214: {  	[spmem:s4] =	stream.indirect.scatter.add.f32 @!p0 [tilespmem:s19], [sflag:$0x9], $0x20, s5, s23, $0xb8;
	[tilespmem:$0x1E040] =	vst v63  }
0x215: {  	s5 =	simm.s32 @!p0 $0x9  }
0x216: {  	_ =	swait.ge @!p0 [sflag:s5], $0x1000  }
0x217: {  	[sflag:s5] =	ssyncset.done @!p0 $0x0  }
0x218: {  	[sflag:s5] =	ssyncadd.s32 @!p0 $0xFFFFF000;
	s5 =	sadd.s32 @!p0 $0x400, s9  }
0x219: {  	[tilespmem:s19], [sflag:$0x4] =	stream.indirect.gather @!p0 [spmem:s3], $0x20, s5, s23, $0xb8;
	[tilespmem:$0x1E040] =	vst v63  }
.Ltmp9:
0x21a: {  	_ = 	snop;
	(pc) =	sbr.rel @p0 .LBB2_21-.Ltmp9, $4  }
0x21b: {  	_ =	swait.ge [sflag:s25], $0x1000  }
0x21c: {  	[sflag:s25] =	ssyncset.done $0x0  }
0x21d: {  	s24 =	sadd.s32 $0x5200, s17;
	[sflag:s25] =	ssyncadd.s32 $0xFFFFF000  }
0x21e: {  	[spmem:s4] =	stream.indirect.scatter.add.f32 [tilespmem:s18], [sflag:$0xA], $0x20, s24, s6, $0xb8;
	[tilespmem:$0x1E040] =	vst v63  }
.Ltmp10:
0x21f: {  	(pc) =	sbr.rel .LBB2_19-.Ltmp10, $4  }
0x220: {  	_ =	swait.ge [sflag:s31], $0x1000  }
0x221: {  	[sflag:s31] =	ssyncset.done $0x0  }
0x222: {  	s5 =	sadd.s32 $0x480, s17;
	s16 =	sadd.s32 $0xA00, s16;
	[sflag:s31] =	ssyncadd.s32 $0xFFFFF000  }
0x223: {  	[tilespmem:s18], [sflag:$0x5] =	stream.indirect.gather [spmem:s3], $0x20, s5, s6, $0xb8;
	[tilespmem:$0x1E040] =	vst v63  }
.LBB2_21:
0x224: {  	s5 =	simm.s32 $0x6  }
0x225: {  	_ =	swait.ge [sflag:s5], $0x1000  }
0x226: {  	[sflag:s5] =	ssyncset.done $0x0  }
0x227: {  	s21 =	simm.s32 $0x7;
	[sflag:s5] =	ssyncadd.s32 $0xFFFFF000  }
0x228: {  	_ =	swait.ge [sflag:s21], $0x1000  }
0x229: {  	[sflag:s21] =	ssyncset.done $0x0  }
0x22a: {  	s23 =	simm.s32 $0x8;
	[sflag:s21] =	ssyncadd.s32 $0xFFFFF000  }
0x22b: {  	_ =	swait.ge [sflag:s23], $0x1000  }
0x22c: {  	[sflag:s23] =	ssyncset.done $0x0  }
0x22d: {  	s24 =	simm.s32 $0x9;
	[sflag:s23] =	ssyncadd.s32 $0xFFFFF000  }
0x22e: {  	_ =	swait.ge [sflag:s24], $0x1000  }
0x22f: {  	[sflag:s24] =	ssyncset.done $0x0  }
0x230: {  	[sflag:s24] =	ssyncadd.s32 $0xFFFFF000  }
0x231: {  	_ =	swait.ge [sflag:s31], $0x1000  }
0x232: {  	[sflag:s31] =	ssyncset.done $0x0  }
0x233: {  	[sflag:s31] =	ssyncadd.s32 $0xFFFFF000  }
0x234: {  	[bflag:$0x0] =	sbarrier.arrive $0xFFFF  }
0x235: {  	[tilespmem:s7], [sflag:$0xB] =	stream.linear.gather [spmem:s12], $0x1000, $0x38;
	[tilespmem:$0x1E040] =	vst v63  }
0x236: {  	_ =	swait.ge [sflag:s0], $0x1000  }
0x237: {  	[sflag:s0] =	ssyncset.done $0x0  }
0x238: {  	[sflag:s0] =	ssyncadd.s32 $0xFFFFF000  }
0x239: {  	[tilespmem:s8], [sflag:$0xB] =	stream.linear.gather [spmem:s26], $0x1000, $0x38;
	[tilespmem:$0x1E040] =	vst v63  }
0x23a: {  	_ =	swait.ge [sflag:s0], $0x1000  }
0x23b: {  	[sflag:s0] =	ssyncset.done $0x0  }
0x23c: {  	s16 =	simm.s32 $0x0;
	[sflag:s0] =	ssyncadd.s32 $0xFFFFF000  }
0x23d: {  	v1 =	vld [tilespmem:s16+$0xB000]  }
0x23e: {  	v2 =	vld [tilespmem:s16+$0xD000];
	_ =	sdelay $0x1  }
0x23f: {  	v3 =	vld [tilespmem:s16+$0xF000];
	_ =	sdelay $0x1  }
0x240: {  	v4 =	vld [tilespmem:$0x14020]  }
0x241: {  	v1 =	vadd.f32 v2, v1  }
0x242: {  	v5 =	vld [tilespmem:s16+$0xD010]  }
0x243: {  	v2 =	vld [tilespmem:s16+$0xB010];
	v1 =	vmul.f32 v1, v3;
	_ =	sdelay $0x1  }
0x244: {  	v1 =	vadd.f32 v4, v1  }
0x245: {  	v3 =	vld [tilespmem:s16+$0xF010]  }
0x246: {  	[tilespmem:s16+$0xC000] =	vst v1  }
0x247: {  	v4 =	vadd.f32 v5, v2;
	v2 =	vld [tilespmem:$0x14030];
	_ =	sdelay $0x1  }
0x248: {  	s19 =	simm.s32 $0x20  }
0x249: {  	s9 =	smov.u32 s12;
	s17 =	simm.s32 $0x100;
	v1 =	vld [tilespmem:s19+$0xB000];
	v3 =	vmul.f32 v4, v3  }
.LBB2_22:
0x24a: {  	p0 =	sne.s32 s17, $0x3F80;
	v4 =	vld [tilespmem:s19+$0xD000]  }
0x24b: {  	v2 =	vadd.f32 v2, v3  }
0x24c: {  	v3 =	vld [tilespmem:s19+$0xF000]  }
0x24d: {  	[tilespmem:s16+$0xC010] =	vst v2;
	s16 =	smov.u32 s19  }
0x24e: {  	v2 =	vld [tilespmem:$0x14020]  }
0x24f: {  	v1 =	vadd.f32 v4, v1;
	_ =	sdelay $0x1  }
0x250: {  	v1 =	vmul.f32 v1, v3;
	v3 =	vld [tilespmem:s16+$0xB010]  }
0x251: {  	v4 =	vld [tilespmem:s16+$0xD010]  }
0x252: {  	v1 =	vadd.f32 v2, v1  }
0x253: {  	v5 =	vld [tilespmem:s16+$0xF010]  }
.Ltmp11:
0x254: {  	[tilespmem:s16+$0xC000] =	vst v1;
	(pc) =	sbr.rel @p0 .LBB2_22-.Ltmp11, $4  }
0x255: {  	v2 =	vld [tilespmem:$0x14030]  }
0x256: {  	v3 =	vadd.f32 v4, v3  }
0x257: {  	s19 =	sshra.s32 s17, $0x2  }
0x258: {  	s17 =	sadd.s32 $0x80, s17;
	v1 =	vld [tilespmem:s19+$0xB000];
	v3 =	vmul.f32 v3, v5  }
0x259: {  	v4 =	vld [tilespmem:s19+$0xD000]  }
0x25a: {  	v2 =	vadd.f32 v2, v3  }
0x25b: {  	v3 =	vld [tilespmem:s19+$0xF000]  }
0x25c: {  	[tilespmem:s16+$0xC010] =	vst v2  }
0x25d: {  	v2 =	vld [tilespmem:$0x14020]  }
0x25e: {  	v1 =	vadd.f32 v4, v1;
	_ =	sdelay $0x1  }
0x25f: {  	v4 =	vld [tilespmem:s19+$0xD010];
	v1 =	vmul.f32 v1, v3  }
0x260: {  	v3 =	vld [tilespmem:s19+$0xB010]  }
0x261: {  	v1 =	vadd.f32 v2, v1  }
0x262: {  	v2 =	vld [tilespmem:s19+$0xF010]  }
0x263: {  	[tilespmem:s19+$0xC000] =	vst v1  }
0x264: {  	v1 =	vld [tilespmem:$0x14030]  }
0x265: {  	v3 =	vadd.f32 v4, v3;
	_ =	sdelay $0x1  }
0x266: {  	v2 =	vmul.f32 v3, v2;
	_ =	sdelay $0x1  }
0x267: {  	v1 =	vadd.f32 v1, v2;
	_ =	sdelay $0x1  }
0x268: {  	s5 =	simm.s32 $0x0;
	s11 =	rddreg [dreg:$0xe];
	[tilespmem:s19+$0xC010] =	vst v1  }
0x269: {  	[hbm4b:s11+s5] =	stream.linear.scatter [tilespmem:s10], [sflag:$0xB], $0x1000, $0x38;
	[tilespmem:$0x1E040] =	vst v63  }
0x26a: {  	_ =	swait.ge [sflag:s0], $0x1000  }
0x26b: {  	[sflag:s0] =	ssyncset.done $0x0  }
0x26c: {  	s24 =	rddreg [dreg:$0xc];
	[sflag:s0] =	ssyncadd.s32 $0xFFFFF000  }
0x26d: {  	[tilespmem:s7], [sflag:$0xB] =	stream.linear.gather [spmem:s24], $0x1000, $0x38;
	[tilespmem:$0x1E040] =	vst v63  }
0x26e: {  	_ =	swait.ge [sflag:s0], $0x1000  }
0x26f: {  	[sflag:s0] =	ssyncset.done $0x0  }
0x270: {  	[sflag:s0] =	ssyncadd.s32 $0xFFFFF000  }
0x271: {  	[tilespmem:s8], [sflag:$0xB] =	stream.linear.gather [spmem:s28], $0x1000, $0x38;
	[tilespmem:$0x1E040] =	vst v63  }
0x272: {  	_ =	swait.ge [sflag:s0], $0x1000  }
0x273: {  	[sflag:s0] =	ssyncset.done $0x0  }
0x274: {  	s16 =	simm.s32 $0x0;
	[sflag:s0] =	ssyncadd.s32 $0xFFFFF000  }
0x275: {  	v1 =	vld [tilespmem:s16+$0xB000]  }
0x276: {  	v2 =	vld [tilespmem:s16+$0xD000];
	_ =	sdelay $0x1  }
0x277: {  	v3 =	vld [tilespmem:s16+$0x10000];
	_ =	sdelay $0x1  }
0x278: {  	v4 =	vld [tilespmem:$0x14020]  }
0x279: {  	v1 =	vadd.f32 v2, v1  }
0x27a: {  	v5 =	vld [tilespmem:s16+$0xD010]  }
0x27b: {  	v2 =	vld [tilespmem:s16+$0xB010];
	v1 =	vmul.f32 v1, v3;
	_ =	sdelay $0x1  }
0x27c: {  	v1 =	vadd.f32 v4, v1  }
0x27d: {  	v3 =	vld [tilespmem:s16+$0x10010]  }
0x27e: {  	[tilespmem:s16+$0xC000] =	vst v1  }
0x27f: {  	v4 =	vadd.f32 v5, v2;
	v2 =	vld [tilespmem:$0x14030];
	_ =	sdelay $0x1  }
0x280: {  	s19 =	simm.s32 $0x20  }
0x281: {  	s17 =	simm.s32 $0x100;
	v1 =	vld [tilespmem:s19+$0xB000];
	v3 =	vmul.f32 v4, v3  }
.LBB2_24:
0x282: {  	p0 =	sne.s32 s17, $0x3F80;
	v4 =	vld [tilespmem:s19+$0xD000]  }
0x283: {  	v2 =	vadd.f32 v2, v3  }
0x284: {  	v3 =	vld [tilespmem:s19+$0x10000]  }
0x285: {  	[tilespmem:s16+$0xC010] =	vst v2;
	s16 =	smov.u32 s19  }
0x286: {  	v2 =	vld [tilespmem:$0x14020]  }
0x287: {  	v1 =	vadd.f32 v4, v1;
	_ =	sdelay $0x1  }
0x288: {  	v1 =	vmul.f32 v1, v3;
	v3 =	vld [tilespmem:s16+$0xB010]  }
0x289: {  	v4 =	vld [tilespmem:s16+$0xD010]  }
0x28a: {  	v1 =	vadd.f32 v2, v1  }
0x28b: {  	v5 =	vld [tilespmem:s16+$0x10010]  }
.Ltmp12:
0x28c: {  	[tilespmem:s16+$0xC000] =	vst v1;
	(pc) =	sbr.rel @p0 .LBB2_24-.Ltmp12, $4  }
0x28d: {  	v2 =	vld [tilespmem:$0x14030]  }
0x28e: {  	v3 =	vadd.f32 v4, v3  }
0x28f: {  	s19 =	sshra.s32 s17, $0x2  }
0x290: {  	s17 =	sadd.s32 $0x80, s17;
	v1 =	vld [tilespmem:s19+$0xB000];
	v3 =	vmul.f32 v3, v5  }
0x291: {  	v4 =	vld [tilespmem:s19+$0xD000]  }
0x292: {  	v2 =	vadd.f32 v2, v3  }
0x293: {  	v3 =	vld [tilespmem:s19+$0x10000]  }
0x294: {  	[tilespmem:s16+$0xC010] =	vst v2  }
0x295: {  	v2 =	vld [tilespmem:$0x14020]  }
0x296: {  	v1 =	vadd.f32 v4, v1;
	_ =	sdelay $0x1  }
0x297: {  	v4 =	vld [tilespmem:s19+$0xD010];
	v1 =	vmul.f32 v1, v3  }
0x298: {  	v3 =	vld [tilespmem:s19+$0xB010]  }
0x299: {  	v1 =	vadd.f32 v2, v1  }
0x29a: {  	v2 =	vld [tilespmem:s19+$0x10010]  }
0x29b: {  	[tilespmem:s19+$0xC000] =	vst v1  }
0x29c: {  	v1 =	vld [tilespmem:$0x14030]  }
0x29d: {  	v3 =	vadd.f32 v4, v3;
	_ =	sdelay $0x1  }
0x29e: {  	v2 =	vmul.f32 v3, v2;
	_ =	sdelay $0x1  }
0x29f: {  	v1 =	vadd.f32 v1, v2;
	_ =	sdelay $0x1  }
0x2a0: {  	s5 =	simm.s32 $0x0;
	s11 =	rddreg [dreg:$0x15];
	[tilespmem:s19+$0xC010] =	vst v1  }
0x2a1: {  	[hbm4b:s11+s5] =	stream.linear.scatter [tilespmem:s10], [sflag:$0xB], $0x1000, $0x38;
	[tilespmem:$0x1E040] =	vst v63  }
0x2a2: {  	_ =	swait.ge [sflag:s0], $0x1000  }
0x2a3: {  	[sflag:s0] =	ssyncset.done $0x0  }
0x2a4: {  	s24 =	rddreg [dreg:$0x10];
	[sflag:s0] =	ssyncadd.s32 $0xFFFFF000  }
0x2a5: {  	[tilespmem:s7], [sflag:$0xB] =	stream.linear.gather [spmem:s24], $0x1000, $0x38;
	[tilespmem:$0x1E040] =	vst v63  }
0x2a6: {  	_ =	swait.ge [sflag:s0], $0x1000  }
0x2a7: {  	[sflag:s0] =	ssyncset.done $0x0  }
0x2a8: {  	[sflag:s0] =	ssyncadd.s32 $0xFFFFF000  }
0x2a9: {  	[tilespmem:s8], [sflag:$0xB] =	stream.linear.gather [spmem:s29], $0x1000, $0x38;
	[tilespmem:$0x1E040] =	vst v63  }
0x2aa: {  	_ =	swait.ge [sflag:s0], $0x1000  }
0x2ab: {  	[sflag:s0] =	ssyncset.done $0x0  }
0x2ac: {  	s16 =	simm.s32 $0x0;
	[sflag:s0] =	ssyncadd.s32 $0xFFFFF000  }
0x2ad: {  	v1 =	vld [tilespmem:s16+$0xB000]  }
0x2ae: {  	v2 =	vld [tilespmem:s16+$0xD000];
	_ =	sdelay $0x1  }
0x2af: {  	v3 =	vld [tilespmem:s16+$0x11000];
	_ =	sdelay $0x1  }
0x2b0: {  	v4 =	vld [tilespmem:$0x14020]  }
0x2b1: {  	v1 =	vadd.f32 v2, v1  }
0x2b2: {  	v5 =	vld [tilespmem:s16+$0xD010]  }
0x2b3: {  	v2 =	vld [tilespmem:s16+$0xB010];
	v1 =	vmul.f32 v1, v3;
	_ =	sdelay $0x1  }
0x2b4: {  	v1 =	vadd.f32 v4, v1  }
0x2b5: {  	v3 =	vld [tilespmem:s16+$0x11010]  }
0x2b6: {  	[tilespmem:s16+$0xC000] =	vst v1  }
0x2b7: {  	v4 =	vadd.f32 v5, v2;
	v2 =	vld [tilespmem:$0x14030];
	_ =	sdelay $0x1  }
0x2b8: {  	s19 =	simm.s32 $0x20  }
0x2b9: {  	s17 =	simm.s32 $0x100;
	v1 =	vld [tilespmem:s19+$0xB000];
	v3 =	vmul.f32 v4, v3  }
.LBB2_26:
0x2ba: {  	p0 =	sne.s32 s17, $0x3F80;
	v4 =	vld [tilespmem:s19+$0xD000]  }
0x2bb: {  	v2 =	vadd.f32 v2, v3  }
0x2bc: {  	v3 =	vld [tilespmem:s19+$0x11000]  }
0x2bd: {  	[tilespmem:s16+$0xC010] =	vst v2;
	s16 =	smov.u32 s19  }
0x2be: {  	v2 =	vld [tilespmem:$0x14020]  }
0x2bf: {  	v1 =	vadd.f32 v4, v1;
	_ =	sdelay $0x1  }
0x2c0: {  	v1 =	vmul.f32 v1, v3;
	v3 =	vld [tilespmem:s16+$0xB010]  }
0x2c1: {  	v4 =	vld [tilespmem:s16+$0xD010]  }
0x2c2: {  	v1 =	vadd.f32 v2, v1  }
0x2c3: {  	v5 =	vld [tilespmem:s16+$0x11010]  }
.Ltmp13:
0x2c4: {  	[tilespmem:s16+$0xC000] =	vst v1;
	(pc) =	sbr.rel @p0 .LBB2_26-.Ltmp13, $4  }
0x2c5: {  	v2 =	vld [tilespmem:$0x14030]  }
0x2c6: {  	v3 =	vadd.f32 v4, v3  }
0x2c7: {  	s19 =	sshra.s32 s17, $0x2  }
0x2c8: {  	s17 =	sadd.s32 $0x80, s17;
	v1 =	vld [tilespmem:s19+$0xB000];
	v3 =	vmul.f32 v3, v5  }
0x2c9: {  	v4 =	vld [tilespmem:s19+$0xD000]  }
0x2ca: {  	v2 =	vadd.f32 v2, v3  }
0x2cb: {  	v3 =	vld [tilespmem:s19+$0x11000]  }
0x2cc: {  	[tilespmem:s16+$0xC010] =	vst v2  }
0x2cd: {  	v2 =	vld [tilespmem:$0x14020]  }
0x2ce: {  	v1 =	vadd.f32 v4, v1;
	_ =	sdelay $0x1  }
0x2cf: {  	v4 =	vld [tilespmem:s19+$0xD010];
	v1 =	vmul.f32 v1, v3  }
0x2d0: {  	v3 =	vld [tilespmem:s19+$0xB010]  }
0x2d1: {  	v1 =	vadd.f32 v2, v1  }
0x2d2: {  	v2 =	vld [tilespmem:s19+$0x11010]  }
0x2d3: {  	[tilespmem:s19+$0xC000] =	vst v1  }
0x2d4: {  	v1 =	vld [tilespmem:$0x14030]  }
0x2d5: {  	v3 =	vadd.f32 v4, v3;
	_ =	sdelay $0x1  }
0x2d6: {  	v2 =	vmul.f32 v3, v2;
	_ =	sdelay $0x1  }
0x2d7: {  	v1 =	vadd.f32 v1, v2;
	_ =	sdelay $0x1  }
0x2d8: {  	s5 =	simm.s32 $0x0;
	s11 =	rddreg [dreg:$0x16];
	[tilespmem:s19+$0xC010] =	vst v1  }
0x2d9: {  	[hbm4b:s11+s5] =	stream.linear.scatter [tilespmem:s10], [sflag:$0xB], $0x1000, $0x38;
	[tilespmem:$0x1E040] =	vst v63  }
0x2da: {  	_ =	swait.ge [sflag:s0], $0x1000  }
0x2db: {  	[sflag:s0] =	ssyncset.done $0x0  }
0x2dc: {  	s24 =	rddreg [dreg:$0x11];
	[sflag:s0] =	ssyncadd.s32 $0xFFFFF000  }
0x2dd: {  	[tilespmem:s7], [sflag:$0xB] =	stream.linear.gather [spmem:s24], $0x1000, $0x38;
	[tilespmem:$0x1E040] =	vst v63  }
0x2de: {  	_ =	swait.ge [sflag:s0], $0x1000  }
0x2df: {  	[sflag:s0] =	ssyncset.done $0x0  }
0x2e0: {  	[sflag:s0] =	ssyncadd.s32 $0xFFFFF000  }
0x2e1: {  	[tilespmem:s8], [sflag:$0xB] =	stream.linear.gather [spmem:s30], $0x1000, $0x38;
	[tilespmem:$0x1E040] =	vst v63  }
0x2e2: {  	_ =	swait.ge [sflag:s0], $0x1000  }
0x2e3: {  	[sflag:s0] =	ssyncset.done $0x0  }
0x2e4: {  	s16 =	simm.s32 $0x0;
	[sflag:s0] =	ssyncadd.s32 $0xFFFFF000  }
0x2e5: {  	v1 =	vld [tilespmem:s16+$0xB000]  }
0x2e6: {  	v2 =	vld [tilespmem:s16+$0xD000];
	_ =	sdelay $0x1  }
0x2e7: {  	v3 =	vld [tilespmem:s16+$0x12000];
	_ =	sdelay $0x1  }
0x2e8: {  	v4 =	vld [tilespmem:$0x14020]  }
0x2e9: {  	v1 =	vadd.f32 v2, v1  }
0x2ea: {  	v5 =	vld [tilespmem:s16+$0xD010]  }
0x2eb: {  	v2 =	vld [tilespmem:s16+$0xB010];
	v1 =	vmul.f32 v1, v3;
	_ =	sdelay $0x1  }
0x2ec: {  	v1 =	vadd.f32 v4, v1  }
0x2ed: {  	v3 =	vld [tilespmem:s16+$0x12010]  }
0x2ee: {  	[tilespmem:s16+$0xC000] =	vst v1  }
0x2ef: {  	v4 =	vadd.f32 v5, v2;
	v2 =	vld [tilespmem:$0x14030];
	_ =	sdelay $0x1  }
0x2f0: {  	s19 =	simm.s32 $0x20  }
0x2f1: {  	s17 =	simm.s32 $0x100;
	v1 =	vld [tilespmem:s19+$0xB000];
	v3 =	vmul.f32 v4, v3  }
.LBB2_28:
0x2f2: {  	p0 =	sne.s32 s17, $0x3F80;
	v4 =	vld [tilespmem:s19+$0xD000]  }
0x2f3: {  	v2 =	vadd.f32 v2, v3  }
0x2f4: {  	v3 =	vld [tilespmem:s19+$0x12000]  }
0x2f5: {  	[tilespmem:s16+$0xC010] =	vst v2;
	s16 =	smov.u32 s19  }
0x2f6: {  	v2 =	vld [tilespmem:$0x14020]  }
0x2f7: {  	v1 =	vadd.f32 v4, v1;
	_ =	sdelay $0x1  }
0x2f8: {  	v1 =	vmul.f32 v1, v3;
	v3 =	vld [tilespmem:s16+$0xB010]  }
0x2f9: {  	v4 =	vld [tilespmem:s16+$0xD010]  }
0x2fa: {  	v1 =	vadd.f32 v2, v1  }
0x2fb: {  	v5 =	vld [tilespmem:s16+$0x12010]  }
.Ltmp14:
0x2fc: {  	[tilespmem:s16+$0xC000] =	vst v1;
	(pc) =	sbr.rel @p0 .LBB2_28-.Ltmp14, $4  }
0x2fd: {  	v2 =	vld [tilespmem:$0x14030]  }
0x2fe: {  	v3 =	vadd.f32 v4, v3  }
0x2ff: {  	s19 =	sshra.s32 s17, $0x2  }
0x300: {  	s17 =	sadd.s32 $0x80, s17;
	v1 =	vld [tilespmem:s19+$0xB000];
	v3 =	vmul.f32 v3, v5  }
0x301: {  	v4 =	vld [tilespmem:s19+$0xD000]  }
0x302: {  	v2 =	vadd.f32 v2, v3  }
0x303: {  	v3 =	vld [tilespmem:s19+$0x12000]  }
0x304: {  	[tilespmem:s16+$0xC010] =	vst v2  }
0x305: {  	v2 =	vld [tilespmem:$0x14020]  }
0x306: {  	v1 =	vadd.f32 v4, v1;
	_ =	sdelay $0x1  }
0x307: {  	v4 =	vld [tilespmem:s19+$0xD010];
	v1 =	vmul.f32 v1, v3  }
0x308: {  	v3 =	vld [tilespmem:s19+$0xB010]  }
0x309: {  	v1 =	vadd.f32 v2, v1  }
0x30a: {  	v2 =	vld [tilespmem:s19+$0x12010]  }
0x30b: {  	[tilespmem:s19+$0xC000] =	vst v1  }
0x30c: {  	v1 =	vld [tilespmem:$0x14030]  }
0x30d: {  	v3 =	vadd.f32 v4, v3;
	_ =	sdelay $0x1  }
0x30e: {  	v2 =	vmul.f32 v3, v2;
	_ =	sdelay $0x1  }
0x30f: {  	v1 =	vadd.f32 v1, v2;
	_ =	sdelay $0x1  }
0x310: {  	s5 =	simm.s32 $0x0;
	s11 =	rddreg [dreg:$0x17];
	[tilespmem:s19+$0xC010] =	vst v1  }
0x311: {  	[hbm4b:s11+s5] =	stream.linear.scatter [tilespmem:s10], [sflag:$0xB], $0x1000, $0x38;
	[tilespmem:$0x1E040] =	vst v63  }
0x312: {  	_ =	swait.ge [sflag:s0], $0x1000  }
0x313: {  	[sflag:s0] =	ssyncset.done $0x0  }
0x314: {  	[sflag:s0] =	ssyncadd.s32 $0xFFFFF000  }
0x315: {  	[tilespmem:s7], [sflag:$0xB] =	stream.linear.gather [spmem:s15], $0x1000, $0x38;
	[tilespmem:$0x1E040] =	vst v63  }
0x316: {  	_ =	swait.ge [sflag:s0], $0x1000  }
0x317: {  	[sflag:s0] =	ssyncset.done $0x0  }
0x318: {  	[sflag:s0] =	ssyncadd.s32 $0xFFFFF000  }
0x319: {  	[tilespmem:s8], [sflag:$0xB] =	stream.linear.gather [spmem:s14], $0x1000, $0x38;
	[tilespmem:$0x1E040] =	vst v63  }
0x31a: {  	_ =	swait.ge [sflag:s0], $0x1000  }
0x31b: {  	[sflag:s0] =	ssyncset.done $0x0  }
0x31c: {  	s16 =	simm.s32 $0x0;
	[sflag:s0] =	ssyncadd.s32 $0xFFFFF000  }
0x31d: {  	v1 =	vld [tilespmem:s16+$0xB000]  }
0x31e: {  	v2 =	vld [tilespmem:s16+$0xD000];
	_ =	sdelay $0x1  }
0x31f: {  	v3 =	vld [tilespmem:s16+$0x13000];
	_ =	sdelay $0x1  }
0x320: {  	v4 =	vld [tilespmem:$0x14020]  }
0x321: {  	v1 =	vadd.f32 v2, v1  }
0x322: {  	v5 =	vld [tilespmem:s16+$0xD010]  }
0x323: {  	v2 =	vld [tilespmem:s16+$0xB010];
	v1 =	vmul.f32 v1, v3;
	_ =	sdelay $0x1  }
0x324: {  	v1 =	vadd.f32 v4, v1  }
0x325: {  	v3 =	vld [tilespmem:s16+$0x13010]  }
0x326: {  	[tilespmem:s16+$0xC000] =	vst v1  }
0x327: {  	v4 =	vadd.f32 v5, v2;
	v2 =	vld [tilespmem:$0x14030];
	_ =	sdelay $0x1  }
0x328: {  	s19 =	simm.s32 $0x20  }
0x329: {  	s17 =	simm.s32 $0x100;
	v1 =	vld [tilespmem:s19+$0xB000];
	v3 =	vmul.f32 v4, v3  }
.LBB2_30:
0x32a: {  	p0 =	sne.s32 s17, $0x3F80;
	v4 =	vld [tilespmem:s19+$0xD000]  }
0x32b: {  	v2 =	vadd.f32 v2, v3  }
0x32c: {  	v3 =	vld [tilespmem:s19+$0x13000]  }
0x32d: {  	[tilespmem:s16+$0xC010] =	vst v2;
	s16 =	smov.u32 s19  }
0x32e: {  	v2 =	vld [tilespmem:$0x14020]  }
0x32f: {  	v1 =	vadd.f32 v4, v1;
	_ =	sdelay $0x1  }
0x330: {  	v1 =	vmul.f32 v1, v3;
	v3 =	vld [tilespmem:s16+$0xB010]  }
0x331: {  	v4 =	vld [tilespmem:s16+$0xD010]  }
0x332: {  	v1 =	vadd.f32 v2, v1  }
0x333: {  	v5 =	vld [tilespmem:s16+$0x13010]  }
.Ltmp15:
0x334: {  	[tilespmem:s16+$0xC000] =	vst v1;
	(pc) =	sbr.rel @p0 .LBB2_30-.Ltmp15, $4  }
0x335: {  	v2 =	vld [tilespmem:$0x14030]  }
0x336: {  	v3 =	vadd.f32 v4, v3  }
0x337: {  	s19 =	sshra.s32 s17, $0x2  }
0x338: {  	s17 =	sadd.s32 $0x80, s17;
	v1 =	vld [tilespmem:s19+$0xB000];
	v3 =	vmul.f32 v3, v5  }
0x339: {  	v4 =	vld [tilespmem:s19+$0xD000]  }
0x33a: {  	v2 =	vadd.f32 v2, v3  }
0x33b: {  	v3 =	vld [tilespmem:s19+$0x13000]  }
0x33c: {  	[tilespmem:s16+$0xC010] =	vst v2  }
0x33d: {  	v2 =	vld [tilespmem:$0x14020]  }
0x33e: {  	v1 =	vadd.f32 v4, v1;
	_ =	sdelay $0x1  }
0x33f: {  	v63 =	vld [tilespmem:s19+$0xD010];
	v1 =	vmul.f32 v1, v3  }
0x340: {  	v3 =	vld [tilespmem:s19+$0xB010]  }
0x341: {  	v1 =	vadd.f32 v2, v1  }
0x342: {  	v2 =	vld [tilespmem:s19+$0x13010]  }
0x343: {  	[tilespmem:s19+$0xC000] =	vst v1  }
0x344: {  	v1 =	vld [tilespmem:$0x14030]  }
0x345: {  	v3 =	vadd.f32 v63, v3;
	_ =	sdelay $0x1  }
0x346: {  	v2 =	vmul.f32 v3, v2;
	_ =	sdelay $0x1  }
0x347: {  	v1 =	vadd.f32 v1, v2;
	_ =	sdelay $0x1  }
0x348: {  	s17 =	simm.s32 $0x0;
	s5 =	rddreg [dreg:$0x18];
	[tilespmem:s19+$0xC010] =	vst v1  }
0x349: {  	[hbm4b:s5+s17] =	stream.linear.scatter [tilespmem:s10], [sflag:$0xB], $0x1000, $0x38;
	[tilespmem:$0x1E040] =	vst v63  }
0x34a: {  	_ =	swait.ge [sflag:s0], $0x1000  }
0x34b: {  	s1 =	sadd.s32 $0x1, s1;
	s24 =	rddreg [dreg:$0x12]  }
0x34c: {  	p0 =	sne.s32 s1, s24  }
.Ltmp16:
0x34d: {  	_ = 	snop;
	(pc) =	sbr.rel @p0 .LBB2_1-.Ltmp16, $3  }
0x34e: {  	_ =	sdelay $0x1  }
0x34f: {  	[sflag:s0] =	ssyncset.done $0x0  }
0x350: {  	[sflag:s0] =	ssyncadd.s32 $0xFFFFF000  }
0x351: {  	_ =	sfence.sel $0x180000  }
0x352: {  	[bflag:$0x0] =	sbarrier.arrive $0xFFFF  }
0x353: {  	_ =	strace $0x9000004A  }
0x354: {  	s0 =	stileid.u32;
	[bflag:$0x2] =	sbarrier.arrive $0xFFFF  }
0x355: {  	p0 =	sne.s32 s0, $0x0;
	s0 =	rddreg [dreg:$0x5]  }
0x356: {  	s0 =	sadd.s32 @!p0 $0x100000, s0  }
0x357: {  	[sflag:s0] =	ssyncadd.tile.s32 @!p0 $0x1;
	_ =	shalt  }
.Lfunc_end2:
_tile_overlayer_lowered:
.L_overlay_start_2:
0x358: {  	(tag) =	ssettag $0x2  }
0x359: {  	s0 =	rddreg [dreg:$0x0];
	s2 =	stileid.u32  }
0x35a: {  	s1 =	rddreg [dreg:$0x1];
	p0 =	sne.s32 s2, $0x0  }
0x35b: {  	s3 =	rddreg [dreg:$0x2];
	[bflag:$0x3] =	sbarrier.arrive $0xFFFF;
	s2 =	simm.s32 @!p0 $0x1C0B  }
0x35c: {  	[timem:s3], [sflag:s2] =	dma.local @!p0 [hbm:s0], s1  }
0x35d: {  	s0 =	simm.s32 @!p0 $0xB  }
0x35e: {  	_ =	swait.ge @!p0 [sflag:s0], s1  }
0x35f: {  	s1 =	ssub.s32 @!p0 $0x0, s1;
	[sflag:s0] =	ssyncset.done @!p0 $0x0  }
0x360: {  	[sflag:s0] =	ssyncadd.s32 @!p0 s1  }
0x361: {  	[bflag:$0x3] =	sbarrier.arrive $0xFFFF  }
0x362: {  	_ =	shalt  }

</sc_bundles>
